<compile_context>
chip_gen: v7x
topology: tpu7x:2x2x1
jax: 0.10.2.dev20260603
libtpu: 0.0.44.dev20260713+nightly
codegen_flags: <defaults>
</compile_context>

<pallas_src>
import functools

import jax
import jax.numpy as jnp
from jax import lax
from jax.experimental import pallas as pl
from jax.experimental.pallas import tpu as pltpu
from jax.experimental.pallas import tpu_sc as plsc

_LANES = 16


@functools.lru_cache(maxsize=None)
def _make_kernel(B, S, V, D, P):
    info = plsc.get_sparse_core_info()
    NC, NS = info.num_cores, info.num_subcores
    NW = NC * NS
    N = B * S
    n_per_w = N // NW
    CHUNK = 16
    NB = 4
    NPOS = 16
    nch = n_per_w // CHUNK
    assert N % NW == 0
    assert n_per_w % CHUNK == 0
    assert nch % NB == 0
    assert B % CHUNK == 0
    assert D % _LANES == 0

    mesh = plsc.VectorSubcoreMesh(core_axis_name="c", subcore_axis_name="s")

    @functools.partial(
        pl.kernel,
        mesh=mesh,
        out_type=jax.ShapeDtypeStruct((S, B, D), jnp.float32),
        scratch_types=(
            [
                pltpu.VMEM((n_per_w,), jnp.int32),
                pltpu.VMEM((NPOS, D), jnp.float32),
            ]
            + [pltpu.VMEM((CHUNK, D), jnp.float32) for _ in range(2 * NB)]
            + [pltpu.SemaphoreType.DMA for _ in range(2 * NB)]
        ),
    )
    def emb_kernel(ids_hbm, table_hbm, pos_hbm, out_hbm, idx_v, pos_v, *rest):
        ibufs = rest[:NB]
        obufs = rest[NB : 2 * NB]
        gsems = rest[2 * NB : 3 * NB]
        ssems = rest[3 * NB : 4 * NB]

        wid = lax.axis_index("s") * NC + lax.axis_index("c")
        base = wid * n_per_w
        p_lo = (base // B) // 8 * 8

        pltpu.sync_copy(ids_hbm.at[pl.ds(base, n_per_w)], idx_v)
        pltpu.sync_copy(pos_hbm.at[pl.ds(p_lo, NPOS)], pos_v)

        def start_gather(c, b):
            pltpu.async_copy(
                table_hbm.at[idx_v.at[pl.ds(c * CHUNK, CHUNK)]], ibufs[b], gsems[b]
            )

        def wait_gather(b):
            pltpu.make_async_copy(
                table_hbm.at[pl.ds(0, CHUNK)], ibufs[b], gsems[b]
            ).wait()

        def start_scatter(c, b):
            row0 = base + c * CHUNK
            pltpu.async_copy(
                obufs[b],
                out_hbm.at[row0 // B, pl.ds(lax.rem(row0, B), CHUNK)],
                ssems[b],
            )

        def wait_scatter(b):
            pltpu.make_async_copy(
                obufs[b], out_hbm.at[0, pl.ds(0, CHUNK)], ssems[b]
            ).wait()

        def add_pos(c, b):
            src = ibufs[b]
            dst = obufs[b]
            p = (base + c * CHUNK) // B - p_lo

            @plsc.parallel_loop(0, D, _LANES, unroll=16)
            def _(off):
                sl = pl.ds(off, _LANES)
                pv = pos_v[p, sl]
                for r in range(CHUNK):
                    dst[r, sl] = src[r, sl] + pv

        for b in range(NB):
            start_gather(b, b)

        def slot(c, b):
            wait_gather(b)

            @pl.when(c >= NB)
            def _():
                wait_scatter(b)

            add_pos(c, b)

            @pl.when(c + NB < nch)
            def _():
                start_gather(c + NB, b)

            start_scatter(c, b)

        def round_body(i, carry):
            for b in range(NB):
                slot(i * NB + b, b)
            return carry

        lax.fori_loop(0, nch // NB, round_body, 0)
        for b in range(NB):
            wait_scatter(b)

    return emb_kernel


def kernel(input_ids, token_table, pos_table):
    B, S = input_ids.shape
    V, D = token_table.shape
    P = pos_table.shape[0]
    ids_smajor = input_ids.T.reshape(B * S).astype(jnp.int32)
    P_pad = ((S - 1) // 8 * 8) + 16
    pos_padded = jnp.zeros((P_pad, D), jnp.float32).at[:P].set(pos_table)
    out = _make_kernel(B, S, V, D, P)(ids_smajor, token_table, pos_padded)
    return out.transpose(1, 0, 2)

# --- scband reference (transcript-rebuilt; emitter-appended) ---
"""Pipeline reference for scband-cliptext-embeddings-51977694216621 (READ-ONLY COPY).

The authoritative reference and input builder live on the scoring server;
editing this copy changes nothing except your own understanding.
"""

import jax, jax.numpy as jnp
import numpy as np

VOCAB = 49408
EMBED = 768
MAXPOS = 77
BATCH = 4096
SEQ = 77


def setup_inputs(seed: int = 0) -> dict:
    key = jax.random.key(seed)
    k1, k2, k3 = jax.random.split(key, 3)
    input_ids = jax.random.randint(k1, (BATCH, SEQ), 0, VOCAB, dtype=jnp.int64 if jax.config.jax_enable_x64 else jnp.int32)
    token_table = jax.random.normal(k2, (VOCAB, EMBED), dtype=jnp.float32) * 0.02
    pos_table = jax.random.normal(k3, (MAXPOS, EMBED), dtype=jnp.float32) * 0.02
    return {"input_ids": input_ids, "token_table": token_table, "pos_table": pos_table}


def reference(input_ids, token_table, pos_table):
    seq_length = input_ids.shape[-1]
    position_ids = jnp.arange(seq_length)[None, :]
    inputs_embeds = jnp.take(token_table, input_ids, axis=0)
    position_embeddings = jnp.take(pos_table, position_ids, axis=0)
    embeddings = inputs_embeds + position_embeddings
    return embeddings

if __name__ == "__main__":
    import jax
    _d = setup_inputs()
    print(jax.jit(kernel)(*tuple(_d.values())))

</pallas_src>

<mosaic_0001>
#map = affine_map<(d0, d1) -> (0)>
#map1 = affine_map<(d0, d1) -> (0, 0)>
#map2 = affine_map<(d0, d1) -> (0, 0, 0)>
module attributes {stable_mosaic.version = 14 : i64} {
  func.func @emb_kernel(%arg0: i32, %arg1: i32, %arg2: memref<315392xi32, #tpu.memory_space<hbm>>, %arg3: memref<49408x768xf32, #tpu.memory_space<hbm>>, %arg4: memref<88x768xf32, #tpu.memory_space<hbm>>, %arg5: memref<77x4096x768xf32, #tpu.memory_space<hbm>>, %arg6: memref<9856xi32, #tpu.memory_space<vmem>>, %arg7: memref<16x768xf32, #tpu.memory_space<vmem>>, %arg8: memref<16x768xf32, #tpu.memory_space<vmem>>, %arg9: memref<16x768xf32, #tpu.memory_space<vmem>>, %arg10: memref<16x768xf32, #tpu.memory_space<vmem>>, %arg11: memref<16x768xf32, #tpu.memory_space<vmem>>, %arg12: memref<16x768xf32, #tpu.memory_space<vmem>>, %arg13: memref<16x768xf32, #tpu.memory_space<vmem>>, %arg14: memref<16x768xf32, #tpu.memory_space<vmem>>, %arg15: memref<16x768xf32, #tpu.memory_space<vmem>>, %arg16: memref<!tpu.dma_semaphore, #tpu.memory_space<semaphore_mem>>, %arg17: memref<!tpu.dma_semaphore, #tpu.memory_space<semaphore_mem>>, %arg18: memref<!tpu.dma_semaphore, #tpu.memory_space<semaphore_mem>>, %arg19: memref<!tpu.dma_semaphore, #tpu.memory_space<semaphore_mem>>, %arg20: memref<!tpu.dma_semaphore, #tpu.memory_space<semaphore_mem>>, %arg21: memref<!tpu.dma_semaphore, #tpu.memory_space<semaphore_mem>>, %arg22: memref<!tpu.dma_semaphore, #tpu.memory_space<semaphore_mem>>, %arg23: memref<!tpu.dma_semaphore, #tpu.memory_space<semaphore_mem>>) attributes {dimension_semantics = [#tpu.dimension_semantics<core_parallel>, #tpu.dimension_semantics<subcore_parallel>], iteration_bounds = array<i64: 2, 16>, scalar_prefetch = 0 : i64, scratch_operands = 18 : i64, tpu.core_type = #tpu.core_type<sc_vector_subcore>, window_params = [{transform_indices = #map}, {transform_indices = #map1}, {transform_indices = #map1}, {transform_indices = #map2}]} {
    %mul3A = arith.constant 2 : i32
    %mul3A_0 = arith.muli %arg1, %mul3A : i32
    %add3A = arith.addi %mul3A_0, %arg0 : i32
    %mul3A_1 = arith.constant 9856 : i32
    %mul3A_2 = arith.muli %add3A, %mul3A_1 : i32
    %jit3A = arith.constant 4096 : i32
    %div3A = arith.divsi %mul3A_2, %jit3A : i32
    %sign3A = arith.constant 0 : i32
    %sign3A_3 = arith.cmpi sgt, %mul3A_2, %sign3A : i32
    %sign3A_4 = arith.extui %sign3A_3 : i1 to i32
    %sign3A_5 = arith.constant 0 : i32
    %sign3A_6 = arith.cmpi slt, %mul3A_2, %sign3A_5 : i32
    %sign3A_7 = arith.extui %sign3A_6 : i1 to i32
    %sign3A_8 = arith.subi %sign3A_4, %sign3A_7 : i32
    %sign3A_9 = arith.constant 0 : i32
    %sign3A_10 = arith.cmpi sgt, %jit3A, %sign3A_9 : i32
    %sign3A_11 = arith.extui %sign3A_10 : i1 to i32
    %sign3A_12 = arith.constant 0 : i32
    %sign3A_13 = arith.cmpi slt, %jit3A, %sign3A_12 : i32
    %sign3A_14 = arith.extui %sign3A_13 : i1 to i32
    %sign3A_15 = arith.subi %sign3A_11, %sign3A_14 : i32
    %ne3A = arith.cmpi ne, %sign3A_8, %sign3A_15 : i32
    %rem3A = arith.remsi %mul3A_2, %jit3A : i32
    %ne3A_16 = arith.constant 0 : i32
    %ne3A_17 = arith.cmpi ne, %rem3A, %ne3A_16 : i32
    %and3A = arith.andi %ne3A, %ne3A_17 : i1
    %sub3A = arith.constant 1 : i32
    %sub3A_18 = arith.subi %div3A, %sub3A : i32
    %select_n3A = arith.select %and3A, %sub3A_18, %div3A : i32
    %jit3A_19 = arith.constant 8 : i32
    %div3A_20 = arith.divsi %select_n3A, %jit3A_19 : i32
    %sign3A_21 = arith.constant 0 : i32
    %sign3A_22 = arith.cmpi sgt, %select_n3A, %sign3A_21 : i32
    %sign3A_23 = arith.extui %sign3A_22 : i1 to i32
    %sign3A_24 = arith.constant 0 : i32
    %sign3A_25 = arith.cmpi slt, %select_n3A, %sign3A_24 : i32
    %sign3A_26 = arith.extui %sign3A_25 : i1 to i32
    %sign3A_27 = arith.subi %sign3A_23, %sign3A_26 : i32
    %sign3A_28 = arith.constant 0 : i32
    %sign3A_29 = arith.cmpi sgt, %jit3A_19, %sign3A_28 : i32
    %sign3A_30 = arith.extui %sign3A_29 : i1 to i32
    %sign3A_31 = arith.constant 0 : i32
    %sign3A_32 = arith.cmpi slt, %jit3A_19, %sign3A_31 : i32
    %sign3A_33 = arith.extui %sign3A_32 : i1 to i32
    %sign3A_34 = arith.subi %sign3A_30, %sign3A_33 : i32
    %ne3A_35 = arith.cmpi ne, %sign3A_27, %sign3A_34 : i32
    %rem3A_36 = arith.remsi %select_n3A, %jit3A_19 : i32
    %ne3A_37 = arith.constant 0 : i32
    %ne3A_38 = arith.cmpi ne, %rem3A_36, %ne3A_37 : i32
    %and3A_39 = arith.andi %ne3A_35, %ne3A_38 : i1
    %sub3A_40 = arith.constant 1 : i32
    %sub3A_41 = arith.subi %div3A_20, %sub3A_40 : i32
    %select_n3A_42 = arith.select %and3A_39, %sub3A_41, %div3A_20 : i32
    %mul3A_43 = arith.constant 8 : i32
    %mul3A_44 = arith.muli %select_n3A_42, %mul3A_43 : i32
    "tpu.region"() ({
      %run_scoped3A = tpu.sem_alloc : memref<!tpu.dma_semaphore, #tpu.memory_space<semaphore_mem>>
      %dma_start3A_104 = tpu.memref_slice %arg2[%mul3A_2] : memref<315392xi32, #tpu.memory_space<hbm>> -> memref<9856xi32, #tpu.memory_space<hbm>>
      %dma_start3A_105 = tpu.memref_slice %arg2[%mul3A_2] : memref<315392xi32, #tpu.memory_space<hbm>> -> memref<9856xi32, #tpu.memory_space<hbm>>
      tpu.enqueue_dma source(%dma_start3A_105 : memref<9856xi32, #tpu.memory_space<hbm>>) target(%arg6 : memref<9856xi32, #tpu.memory_space<vmem>>) target_semaphore(%run_scoped3A : memref<!tpu.dma_semaphore, #tpu.memory_space<semaphore_mem>>)
      %dma_wait3A_106 = tpu.memref_slice %arg2[%mul3A_2] : memref<315392xi32, #tpu.memory_space<hbm>> -> memref<9856xi32, #tpu.memory_space<hbm>>
      %dma_wait3A_107 = tpu.memref_slice %arg2[%mul3A_2] : memref<315392xi32, #tpu.memory_space<hbm>> -> memref<9856xi32, #tpu.memory_space<hbm>>
      tpu.wait_dma2 semaphore(%run_scoped3A : memref<!tpu.dma_semaphore, #tpu.memory_space<semaphore_mem>>) src(%dma_wait3A_107 : memref<9856xi32, #tpu.memory_space<hbm>>) dst(%arg6 : memref<9856xi32, #tpu.memory_space<vmem>>)
      tpu.yield
    }) : () -> ()
    "tpu.region"() ({
      %run_scoped3A = tpu.sem_alloc : memref<!tpu.dma_semaphore, #tpu.memory_space<semaphore_mem>>
      %dma_start3A_104 = arith.constant 0 : i32
      %dma_start3A_105 = tpu.memref_slice %arg4[%mul3A_44, %dma_start3A_104] : memref<88x768xf32, #tpu.memory_space<hbm>> -> memref<16x768xf32, #tpu.memory_space<hbm>>
      %dma_start3A_106 = arith.constant 0 : i32
      %dma_start3A_107 = tpu.memref_slice %arg4[%mul3A_44, %dma_start3A_106] : memref<88x768xf32, #tpu.memory_space<hbm>> -> memref<16x768xf32, #tpu.memory_space<hbm>>
      tpu.enqueue_dma source(%dma_start3A_107 : memref<16x768xf32, #tpu.memory_space<hbm>>) target(%arg7 : memref<16x768xf32, #tpu.memory_space<vmem>>) target_semaphore(%run_scoped3A : memref<!tpu.dma_semaphore, #tpu.memory_space<semaphore_mem>>)
      %dma_wait3A_108 = arith.constant 0 : i32
      %dma_wait3A_109 = tpu.memref_slice %arg4[%mul3A_44, %dma_wait3A_108] : memref<88x768xf32, #tpu.memory_space<hbm>> -> memref<16x768xf32, #tpu.memory_space<hbm>>
      %dma_wait3A_110 = arith.constant 0 : i32
      %dma_wait3A_111 = tpu.memref_slice %arg4[%mul3A_44, %dma_wait3A_110] : memref<88x768xf32, #tpu.memory_space<hbm>> -> memref<16x768xf32, #tpu.memory_space<hbm>>
      tpu.wait_dma2 semaphore(%run_scoped3A : memref<!tpu.dma_semaphore, #tpu.memory_space<semaphore_mem>>) src(%dma_wait3A_111 : memref<16x768xf32, #tpu.memory_space<hbm>>) dst(%arg7 : memref<16x768xf32, #tpu.memory_space<vmem>>)
      tpu.yield
    }) : () -> ()
    %dma_start3A = arith.constant 0 : i32
    %dma_start3A_45 = tpu.memref_slice %arg6[%dma_start3A] : memref<9856xi32, #tpu.memory_space<vmem>> -> memref<16xi32, #tpu.memory_space<vmem>>
    %dma_start3A_46 = arith.constant 0 : i32
    %dma_start3A_47 = arith.constant 0 : i32
    %dma_start3A_48 = tpu.memref_slice %arg3[%dma_start3A_46, %dma_start3A_47] : memref<49408x768xf32, #tpu.memory_space<hbm>> -> memref<49408x768xf32, #tpu.memory_space<hbm>>
    tpu.enqueue_indirect_dma source(%dma_start3A_48 : memref<49408x768xf32, #tpu.memory_space<hbm>>) target(%arg8 : memref<16x768xf32, #tpu.memory_space<vmem>>) offsets(%dma_start3A_45 : memref<16xi32, #tpu.memory_space<vmem>>) semaphore(%arg16 : memref<!tpu.dma_semaphore, #tpu.memory_space<semaphore_mem>>)
    %dma_start3A_49 = arith.constant 16 : i32
    %dma_start3A_50 = tpu.memref_slice %arg6[%dma_start3A_49] : memref<9856xi32, #tpu.memory_space<vmem>> -> memref<16xi32, #tpu.memory_space<vmem>>
    %dma_start3A_51 = arith.constant 0 : i32
    %dma_start3A_52 = arith.constant 0 : i32
    %dma_start3A_53 = tpu.memref_slice %arg3[%dma_start3A_51, %dma_start3A_52] : memref<49408x768xf32, #tpu.memory_space<hbm>> -> memref<49408x768xf32, #tpu.memory_space<hbm>>
    tpu.enqueue_indirect_dma source(%dma_start3A_53 : memref<49408x768xf32, #tpu.memory_space<hbm>>) target(%arg9 : memref<16x768xf32, #tpu.memory_space<vmem>>) offsets(%dma_start3A_50 : memref<16xi32, #tpu.memory_space<vmem>>) semaphore(%arg17 : memref<!tpu.dma_semaphore, #tpu.memory_space<semaphore_mem>>)
    %dma_start3A_54 = arith.constant 32 : i32
    %dma_start3A_55 = tpu.memref_slice %arg6[%dma_start3A_54] : memref<9856xi32, #tpu.memory_space<vmem>> -> memref<16xi32, #tpu.memory_space<vmem>>
    %dma_start3A_56 = arith.constant 0 : i32
    %dma_start3A_57 = arith.constant 0 : i32
    %dma_start3A_58 = tpu.memref_slice %arg3[%dma_start3A_56, %dma_start3A_57] : memref<49408x768xf32, #tpu.memory_space<hbm>> -> memref<49408x768xf32, #tpu.memory_space<hbm>>
    tpu.enqueue_indirect_dma source(%dma_start3A_58 : memref<49408x768xf32, #tpu.memory_space<hbm>>) target(%arg10 : memref<16x768xf32, #tpu.memory_space<vmem>>) offsets(%dma_start3A_55 : memref<16xi32, #tpu.memory_space<vmem>>) semaphore(%arg18 : memref<!tpu.dma_semaphore, #tpu.memory_space<semaphore_mem>>)
    %dma_start3A_59 = arith.constant 48 : i32
    %dma_start3A_60 = tpu.memref_slice %arg6[%dma_start3A_59] : memref<9856xi32, #tpu.memory_space<vmem>> -> memref<16xi32, #tpu.memory_space<vmem>>
    %dma_start3A_61 = arith.constant 0 : i32
    %dma_start3A_62 = arith.constant 0 : i32
    %dma_start3A_63 = tpu.memref_slice %arg3[%dma_start3A_61, %dma_start3A_62] : memref<49408x768xf32, #tpu.memory_space<hbm>> -> memref<49408x768xf32, #tpu.memory_space<hbm>>
    tpu.enqueue_indirect_dma source(%dma_start3A_63 : memref<49408x768xf32, #tpu.memory_space<hbm>>) target(%arg11 : memref<16x768xf32, #tpu.memory_space<vmem>>) offsets(%dma_start3A_60 : memref<16xi32, #tpu.memory_space<vmem>>) semaphore(%arg19 : memref<!tpu.dma_semaphore, #tpu.memory_space<semaphore_mem>>)
    %scan3A = arith.constant 0 : i32
    %scan3A_64 = arith.constant 0 : i32
    %scan3A_65 = arith.constant 154 : i32
    %scan3A_66 = arith.addi %scan3A_64, %scan3A_65 : i32
    %scan3A_67 = arith.constant 1 : i32
    scf.for %scan3A_104 = %scan3A_64 to %scan3A_66 step %scan3A_67  : i32 {
      %mul3A_105 = arith.constant 4 : i32
      %mul3A_106 = arith.muli %scan3A_104, %mul3A_105 : i32
      %add3A_107 = arith.constant 0 : i32
      %add3A_108 = arith.addi %mul3A_106, %add3A_107 : i32
      %dma_wait3A_109 = arith.constant 0 : i32
      %dma_wait3A_110 = arith.constant 0 : i32
      %dma_wait3A_111 = tpu.memref_slice %arg3[%dma_wait3A_109, %dma_wait3A_110] : memref<49408x768xf32, #tpu.memory_space<hbm>> -> memref<16x768xf32, #tpu.memory_space<hbm>>
      %dma_wait3A_112 = arith.constant 0 : i32
      %dma_wait3A_113 = arith.constant 0 : i32
      %dma_wait3A_114 = tpu.memref_slice %arg3[%dma_wait3A_112, %dma_wait3A_113] : memref<49408x768xf32, #tpu.memory_space<hbm>> -> memref<16x768xf32, #tpu.memory_space<hbm>>
      tpu.wait_dma2 semaphore(%arg16 : memref<!tpu.dma_semaphore, #tpu.memory_space<semaphore_mem>>) src(%dma_wait3A_114 : memref<16x768xf32, #tpu.memory_space<hbm>>) dst(%arg8 : memref<16x768xf32, #tpu.memory_space<vmem>>)
      %ge3A = arith.constant 4 : i32
      %ge3A_115 = arith.cmpi sge, %add3A_108, %ge3A : i32
      %convert_element_type3A = arith.extui %ge3A_115 : i1 to i32
      %cond3A = arith.constant 0 : i32
      %cond3A_116 = arith.cmpi ne, %convert_element_type3A, %cond3A : i32
      scf.if %cond3A_116 {
        %dma_wait3A_452 = arith.constant 0 : i32
        %dma_wait3A_453 = arith.constant 0 : i32
        %dma_wait3A_454 = arith.constant 0 : i32
        %dma_wait3A_455 = tpu.memref_slice %arg5[%dma_wait3A_452, %dma_wait3A_453, %dma_wait3A_454] : memref<77x4096x768xf32, #tpu.memory_space<hbm>> -> memref<1x16x768xf32, #tpu.memory_space<hbm>>
        %dma_wait3A_456 = tpu.memref_squeeze %dma_wait3A_455 : memref<1x16x768xf32, #tpu.memory_space<hbm>> -> memref<16x768xf32, #tpu.memory_space<hbm>>
        %dma_wait3A_457 = arith.constant 0 : i32
        %dma_wait3A_458 = arith.constant 0 : i32
        %dma_wait3A_459 = tpu.memref_slice %arg5[%dma_wait3A_452, %dma_wait3A_457, %dma_wait3A_458] : memref<77x4096x768xf32, #tpu.memory_space<hbm>> -> memref<1x16x768xf32, #tpu.memory_space<hbm>>
        %dma_wait3A_460 = tpu.memref_squeeze %dma_wait3A_459 : memref<1x16x768xf32, #tpu.memory_space<hbm>> -> memref<16x768xf32, #tpu.memory_space<hbm>>
        tpu.wait_dma2 semaphore(%arg20 : memref<!tpu.dma_semaphore, #tpu.memory_space<semaphore_mem>>) src(%arg12 : memref<16x768xf32, #tpu.memory_space<vmem>>) dst(%dma_wait3A_460 : memref<16x768xf32, #tpu.memory_space<hbm>>)
      } else {
      }
      %mul3A_117 = arith.constant 16 : i32
      %mul3A_118 = arith.muli %add3A_108, %mul3A_117 : i32
      %add3A_119 = arith.addi %mul3A_2, %mul3A_118 : i32
      %jit3A_120 = arith.constant 4096 : i32
      %div3A_121 = arith.divsi %add3A_119, %jit3A_120 : i32
      %sign3A_122 = arith.constant 0 : i32
      %sign3A_123 = arith.cmpi sgt, %add3A_119, %sign3A_122 : i32
      %sign3A_124 = arith.extui %sign3A_123 : i1 to i32
      %sign3A_125 = arith.constant 0 : i32
      %sign3A_126 = arith.cmpi slt, %add3A_119, %sign3A_125 : i32
      %sign3A_127 = arith.extui %sign3A_126 : i1 to i32
      %sign3A_128 = arith.subi %sign3A_124, %sign3A_127 : i32
      %sign3A_129 = arith.constant 0 : i32
      %sign3A_130 = arith.cmpi sgt, %jit3A_120, %sign3A_129 : i32
      %sign3A_131 = arith.extui %sign3A_130 : i1 to i32
      %sign3A_132 = arith.constant 0 : i32
      %sign3A_133 = arith.cmpi slt, %jit3A_120, %sign3A_132 : i32
      %sign3A_134 = arith.extui %sign3A_133 : i1 to i32
      %sign3A_135 = arith.subi %sign3A_131, %sign3A_134 : i32
      %ne3A_136 = arith.cmpi ne, %sign3A_128, %sign3A_135 : i32
      %rem3A_137 = arith.remsi %add3A_119, %jit3A_120 : i32
      %ne3A_138 = arith.constant 0 : i32
      %ne3A_139 = arith.cmpi ne, %rem3A_137, %ne3A_138 : i32
      %and3A_140 = arith.andi %ne3A_136, %ne3A_139 : i1
      %sub3A_141 = arith.constant 1 : i32
      %sub3A_142 = arith.subi %div3A_121, %sub3A_141 : i32
      %select_n3A_143 = arith.select %and3A_140, %sub3A_142, %div3A_121 : i32
      %sub3A_144 = arith.subi %select_n3A_143, %mul3A_44 : i32
      %parallel_loop3A = arith.constant 0 : i32
      %parallel_loop3A_145 = arith.constant 768 : i32
      %parallel_loop3A_146 = arith.constant 16 : i32
      scf.for %parallel_loop3A_452 = %parallel_loop3A to %parallel_loop3A_145 step %parallel_loop3A_146  : i32 {
        %parallel_loop3A_453 = arith.index_cast %sub3A_144 : i32 to index
        %parallel_loop3A_454 = arith.index_cast %parallel_loop3A_452 : i32 to index
        %parallel_loop3A_455 = tpu.vector_load %arg7[%parallel_loop3A_453, %parallel_loop3A_454] {strides = array<i32>} : memref<16x768xf32, #tpu.memory_space<vmem>>, vector<1x16xf32>,
        %parallel_loop3A_456 = vector.shape_cast %parallel_loop3A_455 : vector<1x16xf32> to vector<16xf32>
        %parallel_loop3A_457 = arith.constant 0 : i32
        %parallel_loop3A_458 = arith.index_cast %parallel_loop3A_457 : i32 to index
        %parallel_loop3A_459 = arith.index_cast %parallel_loop3A_452 : i32 to index
        %parallel_loop3A_460 = tpu.vector_load %arg8[%parallel_loop3A_458, %parallel_loop3A_459] {strides = array<i32>} : memref<16x768xf32, #tpu.memory_space<vmem>>, vector<1x16xf32>,
        %parallel_loop3A_461 = vector.shape_cast %parallel_loop3A_460 : vector<1x16xf32> to vector<16xf32>
        %parallel_loop3A_462 = arith.addf %parallel_loop3A_461, %parallel_loop3A_456 : vector<16xf32>
        %parallel_loop3A_463 = arith.constant 0 : i32
        %parallel_loop3A_464 = arith.index_cast %parallel_loop3A_463 : i32 to index
        %parallel_loop3A_465 = arith.index_cast %parallel_loop3A_452 : i32 to index
        %parallel_loop3A_466 = tpu.vector_load %arg12[%parallel_loop3A_464, %parallel_loop3A_465] {strides = array<i32>} : memref<16x768xf32, #tpu.memory_space<vmem>>, vector<1x16xf32>,
        %parallel_loop3A_467 = vector.shape_cast %parallel_loop3A_466 : vector<1x16xf32> to vector<16xf32>
        %parallel_loop3A_468 = vector.shape_cast %parallel_loop3A_462 : vector<16xf32> to vector<1x16xf32>
        tpu.vector_store %arg12[%parallel_loop3A_464, %parallel_loop3A_465], %parallel_loop3A_468 {strides = array<i32>} : memref<16x768xf32, #tpu.memory_space<vmem>>, vector<1x16xf32>,
        %parallel_loop3A_469 = arith.constant 1 : i32
        %parallel_loop3A_470 = arith.index_cast %parallel_loop3A_469 : i32 to index
        %parallel_loop3A_471 = arith.index_cast %parallel_loop3A_452 : i32 to index
        %parallel_loop3A_472 = tpu.vector_load %arg8[%parallel_loop3A_470, %parallel_loop3A_471] {strides = array<i32>} : memref<16x768xf32, #tpu.memory_space<vmem>>, vector<1x16xf32>,
        %parallel_loop3A_473 = vector.shape_cast %parallel_loop3A_472 : vector<1x16xf32> to vector<16xf32>
        %parallel_loop3A_474 = arith.addf %parallel_loop3A_473, %parallel_loop3A_456 : vector<16xf32>
        %parallel_loop3A_475 = arith.constant 1 : i32
        %parallel_loop3A_476 = arith.index_cast %parallel_loop3A_475 : i32 to index
        %parallel_loop3A_477 = arith.index_cast %parallel_loop3A_452 : i32 to index
        %parallel_loop3A_478 = tpu.vector_load %arg12[%parallel_loop3A_476, %parallel_loop3A_477] {strides = array<i32>} : memref<16x768xf32, #tpu.memory_space<vmem>>, vector<1x16xf32>,
        %parallel_loop3A_479 = vector.shape_cast %parallel_loop3A_478 : vector<1x16xf32> to vector<16xf32>
        %parallel_loop3A_480 = vector.shape_cast %parallel_loop3A_474 : vector<16xf32> to vector<1x16xf32>
        tpu.vector_store %arg12[%parallel_loop3A_476, %parallel_loop3A_477], %parallel_loop3A_480 {strides = array<i32>} : memref<16x768xf32, #tpu.memory_space<vmem>>, vector<1x16xf32>,
        %parallel_loop3A_481 = arith.constant 2 : i32
        %parallel_loop3A_482 = arith.index_cast %parallel_loop3A_481 : i32 to index
        %parallel_loop3A_483 = arith.index_cast %parallel_loop3A_452 : i32 to index
        %parallel_loop3A_484 = tpu.vector_load %arg8[%parallel_loop3A_482, %parallel_loop3A_483] {strides = array<i32>} : memref<16x768xf32, #tpu.memory_space<vmem>>, vector<1x16xf32>,
        %parallel_loop3A_485 = vector.shape_cast %parallel_loop3A_484 : vector<1x16xf32> to vector<16xf32>
        %parallel_loop3A_486 = arith.addf %parallel_loop3A_485, %parallel_loop3A_456 : vector<16xf32>
        %parallel_loop3A_487 = arith.constant 2 : i32
        %parallel_loop3A_488 = arith.index_cast %parallel_loop3A_487 : i32 to index
        %parallel_loop3A_489 = arith.index_cast %parallel_loop3A_452 : i32 to index
        %parallel_loop3A_490 = tpu.vector_load %arg12[%parallel_loop3A_488, %parallel_loop3A_489] {strides = array<i32>} : memref<16x768xf32, #tpu.memory_space<vmem>>, vector<1x16xf32>,
        %parallel_loop3A_491 = vector.shape_cast %parallel_loop3A_490 : vector<1x16xf32> to vector<16xf32>
        %parallel_loop3A_492 = vector.shape_cast %parallel_loop3A_486 : vector<16xf32> to vector<1x16xf32>
        tpu.vector_store %arg12[%parallel_loop3A_488, %parallel_loop3A_489], %parallel_loop3A_492 {strides = array<i32>} : memref<16x768xf32, #tpu.memory_space<vmem>>, vector<1x16xf32>,
        %parallel_loop3A_493 = arith.constant 3 : i32
        %parallel_loop3A_494 = arith.index_cast %parallel_loop3A_493 : i32 to index
        %parallel_loop3A_495 = arith.index_cast %parallel_loop3A_452 : i32 to index
        %parallel_loop3A_496 = tpu.vector_load %arg8[%parallel_loop3A_494, %parallel_loop3A_495] {strides = array<i32>} : memref<16x768xf32, #tpu.memory_space<vmem>>, vector<1x16xf32>,
        %parallel_loop3A_497 = vector.shape_cast %parallel_loop3A_496 : vector<1x16xf32> to vector<16xf32>
        %parallel_loop3A_498 = arith.addf %parallel_loop3A_497, %parallel_loop3A_456 : vector<16xf32>
        %parallel_loop3A_499 = arith.constant 3 : i32
        %parallel_loop3A_500 = arith.index_cast %parallel_loop3A_499 : i32 to index
        %parallel_loop3A_501 = arith.index_cast %parallel_loop3A_452 : i32 to index
        %parallel_loop3A_502 = tpu.vector_load %arg12[%parallel_loop3A_500, %parallel_loop3A_501] {strides = array<i32>} : memref<16x768xf32, #tpu.memory_space<vmem>>, vector<1x16xf32>,
        %parallel_loop3A_503 = vector.shape_cast %parallel_loop3A_502 : vector<1x16xf32> to vector<16xf32>
        %parallel_loop3A_504 = vector.shape_cast %parallel_loop3A_498 : vector<16xf32> to vector<1x16xf32>
        tpu.vector_store %arg12[%parallel_loop3A_500, %parallel_loop3A_501], %parallel_loop3A_504 {strides = array<i32>} : memref<16x768xf32, #tpu.memory_space<vmem>>, vector<1x16xf32>,
        %parallel_loop3A_505 = arith.constant 4 : i32
        %parallel_loop3A_506 = arith.index_cast %parallel_loop3A_505 : i32 to index
        %parallel_loop3A_507 = arith.index_cast %parallel_loop3A_452 : i32 to index
        %parallel_loop3A_508 = tpu.vector_load %arg8[%parallel_loop3A_506, %parallel_loop3A_507] {strides = array<i32>} : memref<16x768xf32, #tpu.memory_space<vmem>>, vector<1x16xf32>,
        %parallel_loop3A_509 = vector.shape_cast %parallel_loop3A_508 : vector<1x16xf32> to vector<16xf32>
        %parallel_loop3A_510 = arith.addf %parallel_loop3A_509, %parallel_loop3A_456 : vector<16xf32>
        %parallel_loop3A_511 = arith.constant 4 : i32
        %parallel_loop3A_512 = arith.index_cast %parallel_loop3A_511 : i32 to index
        %parallel_loop3A_513 = arith.index_cast %parallel_loop3A_452 : i32 to index
        %parallel_loop3A_514 = tpu.vector_load %arg12[%parallel_loop3A_512, %parallel_loop3A_513] {strides = array<i32>} : memref<16x768xf32, #tpu.memory_space<vmem>>, vector<1x16xf32>,
        %parallel_loop3A_515 = vector.shape_cast %parallel_loop3A_514 : vector<1x16xf32> to vector<16xf32>
        %parallel_loop3A_516 = vector.shape_cast %parallel_loop3A_510 : vector<16xf32> to vector<1x16xf32>
        tpu.vector_store %arg12[%parallel_loop3A_512, %parallel_loop3A_513], %parallel_loop3A_516 {strides = array<i32>} : memref<16x768xf32, #tpu.memory_space<vmem>>, vector<1x16xf32>,
        %parallel_loop3A_517 = arith.constant 5 : i32
        %parallel_loop3A_518 = arith.index_cast %parallel_loop3A_517 : i32 to index
        %parallel_loop3A_519 = arith.index_cast %parallel_loop3A_452 : i32 to index
        %parallel_loop3A_520 = tpu.vector_load %arg8[%parallel_loop3A_518, %parallel_loop3A_519] {strides = array<i32>} : memref<16x768xf32, #tpu.memory_space<vmem>>, vector<1x16xf32>,
        %parallel_loop3A_521 = vector.shape_cast %parallel_loop3A_520 : vector<1x16xf32> to vector<16xf32>
        %parallel_loop3A_522 = arith.addf %parallel_loop3A_521, %parallel_loop3A_456 : vector<16xf32>
        %parallel_loop3A_523 = arith.constant 5 : i32
        %parallel_loop3A_524 = arith.index_cast %parallel_loop3A_523 : i32 to index
        %parallel_loop3A_525 = arith.index_cast %parallel_loop3A_452 : i32 to index
        %parallel_loop3A_526 = tpu.vector_load %arg12[%parallel_loop3A_524, %parallel_loop3A_525] {strides = array<i32>} : memref<16x768xf32, #tpu.memory_space<vmem>>, vector<1x16xf32>,
        %parallel_loop3A_527 = vector.shape_cast %parallel_loop3A_526 : vector<1x16xf32> to vector<16xf32>
        %parallel_loop3A_528 = vector.shape_cast %parallel_loop3A_522 : vector<16xf32> to vector<1x16xf32>
        tpu.vector_store %arg12[%parallel_loop3A_524, %parallel_loop3A_525], %parallel_loop3A_528 {strides = array<i32>} : memref<16x768xf32, #tpu.memory_space<vmem>>, vector<1x16xf32>,
        %parallel_loop3A_529 = arith.constant 6 : i32
        %parallel_loop3A_530 = arith.index_cast %parallel_loop3A_529 : i32 to index
        %parallel_loop3A_531 = arith.index_cast %parallel_loop3A_452 : i32 to index
        %parallel_loop3A_532 = tpu.vector_load %arg8[%parallel_loop3A_530, %parallel_loop3A_531] {strides = array<i32>} : memref<16x768xf32, #tpu.memory_space<vmem>>, vector<1x16xf32>,
        %parallel_loop3A_533 = vector.shape_cast %parallel_loop3A_532 : vector<1x16xf32> to vector<16xf32>
        %parallel_loop3A_534 = arith.addf %parallel_loop3A_533, %parallel_loop3A_456 : vector<16xf32>
        %parallel_loop3A_535 = arith.constant 6 : i32
        %parallel_loop3A_536 = arith.index_cast %parallel_loop3A_535 : i32 to index
        %parallel_loop3A_537 = arith.index_cast %parallel_loop3A_452 : i32 to index
        %parallel_loop3A_538 = tpu.vector_load %arg12[%parallel_loop3A_536, %parallel_loop3A_537] {strides = array<i32>} : memref<16x768xf32, #tpu.memory_space<vmem>>, vector<1x16xf32>,
        %parallel_loop3A_539 = vector.shape_cast %parallel_loop3A_538 : vector<1x16xf32> to vector<16xf32>
        %parallel_loop3A_540 = vector.shape_cast %parallel_loop3A_534 : vector<16xf32> to vector<1x16xf32>
        tpu.vector_store %arg12[%parallel_loop3A_536, %parallel_loop3A_537], %parallel_loop3A_540 {strides = array<i32>} : memref<16x768xf32, #tpu.memory_space<vmem>>, vector<1x16xf32>,
        %parallel_loop3A_541 = arith.constant 7 : i32
        %parallel_loop3A_542 = arith.index_cast %parallel_loop3A_541 : i32 to index
        %parallel_loop3A_543 = arith.index_cast %parallel_loop3A_452 : i32 to index
        %parallel_loop3A_544 = tpu.vector_load %arg8[%parallel_loop3A_542, %parallel_loop3A_543] {strides = array<i32>} : memref<16x768xf32, #tpu.memory_space<vmem>>, vector<1x16xf32>,
        %parallel_loop3A_545 = vector.shape_cast %parallel_loop3A_544 : vector<1x16xf32> to vector<16xf32>
        %parallel_loop3A_546 = arith.addf %parallel_loop3A_545, %parallel_loop3A_456 : vector<16xf32>
        %parallel_loop3A_547 = arith.constant 7 : i32
        %parallel_loop3A_548 = arith.index_cast %parallel_loop3A_547 : i32 to index
        %parallel_loop3A_549 = arith.index_cast %parallel_loop3A_452 : i32 to index
        %parallel_loop3A_550 = tpu.vector_load %arg12[%parallel_loop3A_548, %parallel_loop3A_549] {strides = array<i32>} : memref<16x768xf32, #tpu.memory_space<vmem>>, vector<1x16xf32>,
        %parallel_loop3A_551 = vector.shape_cast %parallel_loop3A_550 : vector<1x16xf32> to vector<16xf32>
        %parallel_loop3A_552 = vector.shape_cast %parallel_loop3A_546 : vector<16xf32> to vector<1x16xf32>
        tpu.vector_store %arg12[%parallel_loop3A_548, %parallel_loop3A_549], %parallel_loop3A_552 {strides = array<i32>} : memref<16x768xf32, #tpu.memory_space<vmem>>, vector<1x16xf32>,
        %parallel_loop3A_553 = arith.constant 8 : i32
        %parallel_loop3A_554 = arith.index_cast %parallel_loop3A_553 : i32 to index
        %parallel_loop3A_555 = arith.index_cast %parallel_loop3A_452 : i32 to index
        %parallel_loop3A_556 = tpu.vector_load %arg8[%parallel_loop3A_554, %parallel_loop3A_555] {strides = array<i32>} : memref<16x768xf32, #tpu.memory_space<vmem>>, vector<1x16xf32>,
        %parallel_loop3A_557 = vector.shape_cast %parallel_loop3A_556 : vector<1x16xf32> to vector<16xf32>
        %parallel_loop3A_558 = arith.addf %parallel_loop3A_557, %parallel_loop3A_456 : vector<16xf32>
        %parallel_loop3A_559 = arith.constant 8 : i32
        %parallel_loop3A_560 = arith.index_cast %parallel_loop3A_559 : i32 to index
        %parallel_loop3A_561 = arith.index_cast %parallel_loop3A_452 : i32 to index
        %parallel_loop3A_562 = tpu.vector_load %arg12[%parallel_loop3A_560, %parallel_loop3A_561] {strides = array<i32>} : memref<16x768xf32, #tpu.memory_space<vmem>>, vector<1x16xf32>,
        %parallel_loop3A_563 = vector.shape_cast %parallel_loop3A_562 : vector<1x16xf32> to vector<16xf32>
        %parallel_loop3A_564 = vector.shape_cast %parallel_loop3A_558 : vector<16xf32> to vector<1x16xf32>
        tpu.vector_store %arg12[%parallel_loop3A_560, %parallel_loop3A_561], %parallel_loop3A_564 {strides = array<i32>} : memref<16x768xf32, #tpu.memory_space<vmem>>, vector<1x16xf32>,
        %parallel_loop3A_565 = arith.constant 9 : i32
        %parallel_loop3A_566 = arith.index_cast %parallel_loop3A_565 : i32 to index
        %parallel_loop3A_567 = arith.index_cast %parallel_loop3A_452 : i32 to index
        %parallel_loop3A_568 = tpu.vector_load %arg8[%parallel_loop3A_566, %parallel_loop3A_567] {strides = array<i32>} : memref<16x768xf32, #tpu.memory_space<vmem>>, vector<1x16xf32>,
        %parallel_loop3A_569 = vector.shape_cast %parallel_loop3A_568 : vector<1x16xf32> to vector<16xf32>
        %parallel_loop3A_570 = arith.addf %parallel_loop3A_569, %parallel_loop3A_456 : vector<16xf32>
        %parallel_loop3A_571 = arith.constant 9 : i32
        %parallel_loop3A_572 = arith.index_cast %parallel_loop3A_571 : i32 to index
        %parallel_loop3A_573 = arith.index_cast %parallel_loop3A_452 : i32 to index
        %parallel_loop3A_574 = tpu.vector_load %arg12[%parallel_loop3A_572, %parallel_loop3A_573] {strides = array<i32>} : memref<16x768xf32, #tpu.memory_space<vmem>>, vector<1x16xf32>,
        %parallel_loop3A_575 = vector.shape_cast %parallel_loop3A_574 : vector<1x16xf32> to vector<16xf32>
        %parallel_loop3A_576 = vector.shape_cast %parallel_loop3A_570 : vector<16xf32> to vector<1x16xf32>
        tpu.vector_store %arg12[%parallel_loop3A_572, %parallel_loop3A_573], %parallel_loop3A_576 {strides = array<i32>} : memref<16x768xf32, #tpu.memory_space<vmem>>, vector<1x16xf32>,
        %parallel_loop3A_577 = arith.constant 10 : i32
        %parallel_loop3A_578 = arith.index_cast %parallel_loop3A_577 : i32 to index
        %parallel_loop3A_579 = arith.index_cast %parallel_loop3A_452 : i32 to index
        %parallel_loop3A_580 = tpu.vector_load %arg8[%parallel_loop3A_578, %parallel_loop3A_579] {strides = array<i32>} : memref<16x768xf32, #tpu.memory_space<vmem>>, vector<1x16xf32>,
        %parallel_loop3A_581 = vector.shape_cast %parallel_loop3A_580 : vector<1x16xf32> to vector<16xf32>
        %parallel_loop3A_582 = arith.addf %parallel_loop3A_581, %parallel_loop3A_456 : vector<16xf32>
        %parallel_loop3A_583 = arith.constant 10 : i32
        %parallel_loop3A_584 = arith.index_cast %parallel_loop3A_583 : i32 to index
        %parallel_loop3A_585 = arith.index_cast %parallel_loop3A_452 : i32 to index
        %parallel_loop3A_586 = tpu.vector_load %arg12[%parallel_loop3A_584, %parallel_loop3A_585] {strides = array<i32>} : memref<16x768xf32, #tpu.memory_space<vmem>>, vector<1x16xf32>,
        %parallel_loop3A_587 = vector.shape_cast %parallel_loop3A_586 : vector<1x16xf32> to vector<16xf32>
        %parallel_loop3A_588 = vector.shape_cast %parallel_loop3A_582 : vector<16xf32> to vector<1x16xf32>
        tpu.vector_store %arg12[%parallel_loop3A_584, %parallel_loop3A_585], %parallel_loop3A_588 {strides = array<i32>} : memref<16x768xf32, #tpu.memory_space<vmem>>, vector<1x16xf32>,
        %parallel_loop3A_589 = arith.constant 11 : i32
        %parallel_loop3A_590 = arith.index_cast %parallel_loop3A_589 : i32 to index
        %parallel_loop3A_591 = arith.index_cast %parallel_loop3A_452 : i32 to index
        %parallel_loop3A_592 = tpu.vector_load %arg8[%parallel_loop3A_590, %parallel_loop3A_591] {strides = array<i32>} : memref<16x768xf32, #tpu.memory_space<vmem>>, vector<1x16xf32>,
        %parallel_loop3A_593 = vector.shape_cast %parallel_loop3A_592 : vector<1x16xf32> to vector<16xf32>
        %parallel_loop3A_594 = arith.addf %parallel_loop3A_593, %parallel_loop3A_456 : vector<16xf32>
        %parallel_loop3A_595 = arith.constant 11 : i32
        %parallel_loop3A_596 = arith.index_cast %parallel_loop3A_595 : i32 to index
        %parallel_loop3A_597 = arith.index_cast %parallel_loop3A_452 : i32 to index
        %parallel_loop3A_598 = tpu.vector_load %arg12[%parallel_loop3A_596, %parallel_loop3A_597] {strides = array<i32>} : memref<16x768xf32, #tpu.memory_space<vmem>>, vector<1x16xf32>,
        %parallel_loop3A_599 = vector.shape_cast %parallel_loop3A_598 : vector<1x16xf32> to vector<16xf32>
        %parallel_loop3A_600 = vector.shape_cast %parallel_loop3A_594 : vector<16xf32> to vector<1x16xf32>
        tpu.vector_store %arg12[%parallel_loop3A_596, %parallel_loop3A_597], %parallel_loop3A_600 {strides = array<i32>} : memref<16x768xf32, #tpu.memory_space<vmem>>, vector<1x16xf32>,
        %parallel_loop3A_601 = arith.constant 12 : i32
        %parallel_loop3A_602 = arith.index_cast %parallel_loop3A_601 : i32 to index
        %parallel_loop3A_603 = arith.index_cast %parallel_loop3A_452 : i32 to index
        %parallel_loop3A_604 = tpu.vector_load %arg8[%parallel_loop3A_602, %parallel_loop3A_603] {strides = array<i32>} : memref<16x768xf32, #tpu.memory_space<vmem>>, vector<1x16xf32>,
        %parallel_loop3A_605 = vector.shape_cast %parallel_loop3A_604 : vector<1x16xf32> to vector<16xf32>
        %parallel_loop3A_606 = arith.addf %parallel_loop3A_605, %parallel_loop3A_456 : vector<16xf32>
        %parallel_loop3A_607 = arith.constant 12 : i32
        %parallel_loop3A_608 = arith.index_cast %parallel_loop3A_607 : i32 to index
        %parallel_loop3A_609 = arith.index_cast %parallel_loop3A_452 : i32 to index
        %parallel_loop3A_610 = tpu.vector_load %arg12[%parallel_loop3A_608, %parallel_loop3A_609] {strides = array<i32>} : memref<16x768xf32, #tpu.memory_space<vmem>>, vector<1x16xf32>,
        %parallel_loop3A_611 = vector.shape_cast %parallel_loop3A_610 : vector<1x16xf32> to vector<16xf32>
        %parallel_loop3A_612 = vector.shape_cast %parallel_loop3A_606 : vector<16xf32> to vector<1x16xf32>
        tpu.vector_store %arg12[%parallel_loop3A_608, %parallel_loop3A_609], %parallel_loop3A_612 {strides = array<i32>} : memref<16x768xf32, #tpu.memory_space<vmem>>, vector<1x16xf32>,
        %parallel_loop3A_613 = arith.constant 13 : i32
        %parallel_loop3A_614 = arith.index_cast %parallel_loop3A_613 : i32 to index
        %parallel_loop3A_615 = arith.index_cast %parallel_loop3A_452 : i32 to index
        %parallel_loop3A_616 = tpu.vector_load %arg8[%parallel_loop3A_614, %parallel_loop3A_615] {strides = array<i32>} : memref<16x768xf32, #tpu.memory_space<vmem>>, vector<1x16xf32>,
        %parallel_loop3A_617 = vector.shape_cast %parallel_loop3A_616 : vector<1x16xf32> to vector<16xf32>
        %parallel_loop3A_618 = arith.addf %parallel_loop3A_617, %parallel_loop3A_456 : vector<16xf32>
        %parallel_loop3A_619 = arith.constant 13 : i32
        %parallel_loop3A_620 = arith.index_cast %parallel_loop3A_619 : i32 to index
        %parallel_loop3A_621 = arith.index_cast %parallel_loop3A_452 : i32 to index
        %parallel_loop3A_622 = tpu.vector_load %arg12[%parallel_loop3A_620, %parallel_loop3A_621] {strides = array<i32>} : memref<16x768xf32, #tpu.memory_space<vmem>>, vector<1x16xf32>,
        %parallel_loop3A_623 = vector.shape_cast %parallel_loop3A_622 : vector<1x16xf32> to vector<16xf32>
        %parallel_loop3A_624 = vector.shape_cast %parallel_loop3A_618 : vector<16xf32> to vector<1x16xf32>
        tpu.vector_store %arg12[%parallel_loop3A_620, %parallel_loop3A_621], %parallel_loop3A_624 {strides = array<i32>} : memref<16x768xf32, #tpu.memory_space<vmem>>, vector<1x16xf32>,
        %parallel_loop3A_625 = arith.constant 14 : i32
        %parallel_loop3A_626 = arith.index_cast %parallel_loop3A_625 : i32 to index
        %parallel_loop3A_627 = arith.index_cast %parallel_loop3A_452 : i32 to index
        %parallel_loop3A_628 = tpu.vector_load %arg8[%parallel_loop3A_626, %parallel_loop3A_627] {strides = array<i32>} : memref<16x768xf32, #tpu.memory_space<vmem>>, vector<1x16xf32>,
        %parallel_loop3A_629 = vector.shape_cast %parallel_loop3A_628 : vector<1x16xf32> to vector<16xf32>
        %parallel_loop3A_630 = arith.addf %parallel_loop3A_629, %parallel_loop3A_456 : vector<16xf32>
        %parallel_loop3A_631 = arith.constant 14 : i32
        %parallel_loop3A_632 = arith.index_cast %parallel_loop3A_631 : i32 to index
        %parallel_loop3A_633 = arith.index_cast %parallel_loop3A_452 : i32 to index
        %parallel_loop3A_634 = tpu.vector_load %arg12[%parallel_loop3A_632, %parallel_loop3A_633] {strides = array<i32>} : memref<16x768xf32, #tpu.memory_space<vmem>>, vector<1x16xf32>,
        %parallel_loop3A_635 = vector.shape_cast %parallel_loop3A_634 : vector<1x16xf32> to vector<16xf32>
        %parallel_loop3A_636 = vector.shape_cast %parallel_loop3A_630 : vector<16xf32> to vector<1x16xf32>
        tpu.vector_store %arg12[%parallel_loop3A_632, %parallel_loop3A_633], %parallel_loop3A_636 {strides = array<i32>} : memref<16x768xf32, #tpu.memory_space<vmem>>, vector<1x16xf32>,
        %parallel_loop3A_637 = arith.constant 15 : i32
        %parallel_loop3A_638 = arith.index_cast %parallel_loop3A_637 : i32 to index
        %parallel_loop3A_639 = arith.index_cast %parallel_loop3A_452 : i32 to index
        %parallel_loop3A_640 = tpu.vector_load %arg8[%parallel_loop3A_638, %parallel_loop3A_639] {strides = array<i32>} : memref<16x768xf32, #tpu.memory_space<vmem>>, vector<1x16xf32>,
        %parallel_loop3A_641 = vector.shape_cast %parallel_loop3A_640 : vector<1x16xf32> to vector<16xf32>
        %parallel_loop3A_642 = arith.addf %parallel_loop3A_641, %parallel_loop3A_456 : vector<16xf32>
        %parallel_loop3A_643 = arith.constant 15 : i32
        %parallel_loop3A_644 = arith.index_cast %parallel_loop3A_643 : i32 to index
        %parallel_loop3A_645 = arith.index_cast %parallel_loop3A_452 : i32 to index
        %parallel_loop3A_646 = tpu.vector_load %arg12[%parallel_loop3A_644, %parallel_loop3A_645] {strides = array<i32>} : memref<16x768xf32, #tpu.memory_space<vmem>>, vector<1x16xf32>,
        %parallel_loop3A_647 = vector.shape_cast %parallel_loop3A_646 : vector<1x16xf32> to vector<16xf32>
        %parallel_loop3A_648 = vector.shape_cast %parallel_loop3A_642 : vector<16xf32> to vector<1x16xf32>
        tpu.vector_store %arg12[%parallel_loop3A_644, %parallel_loop3A_645], %parallel_loop3A_648 {strides = array<i32>} : memref<16x768xf32, #tpu.memory_space<vmem>>, vector<1x16xf32>,
      } {sc.loop_unroll_factor = 16 : i64, sc.parallel_access}
      %add3A_147 = arith.constant 4 : i32
      %add3A_148 = arith.addi %add3A_108, %add3A_147 : i32
      %lt3A = arith.constant 616 : i32
      %lt3A_149 = arith.cmpi slt, %add3A_148, %lt3A : i32
      %convert_element_type3A_150 = arith.extui %lt3A_149 : i1 to i32
      %cond3A_151 = arith.constant 0 : i32
      %cond3A_152 = arith.cmpi ne, %convert_element_type3A_150, %cond3A_151 : i32
      scf.if %cond3A_152 {
        %add3A_452 = arith.constant 4 : i32
        %add3A_453 = arith.addi %add3A_108, %add3A_452 : i32
        %mul3A_454 = arith.constant 16 : i32
        %mul3A_455 = arith.muli %add3A_453, %mul3A_454 : i32
        %dma_start3A_456 = tpu.memref_slice %arg6[%mul3A_455] : memref<9856xi32, #tpu.memory_space<vmem>> -> memref<16xi32, #tpu.memory_space<vmem>>
        %dma_start3A_457 = arith.constant 0 : i32
        %dma_start3A_458 = arith.constant 0 : i32
        %dma_start3A_459 = tpu.memref_slice %arg3[%dma_start3A_457, %dma_start3A_458] : memref<49408x768xf32, #tpu.memory_space<hbm>> -> memref<49408x768xf32, #tpu.memory_space<hbm>>
        tpu.enqueue_indirect_dma source(%dma_start3A_459 : memref<49408x768xf32, #tpu.memory_space<hbm>>) target(%arg8 : memref<16x768xf32, #tpu.memory_space<vmem>>) offsets(%dma_start3A_456 : memref<16xi32, #tpu.memory_space<vmem>>) semaphore(%arg16 : memref<!tpu.dma_semaphore, #tpu.memory_space<semaphore_mem>>)
      } else {
      }
      %mul3A_153 = arith.constant 16 : i32
      %mul3A_154 = arith.muli %add3A_108, %mul3A_153 : i32
      %add3A_155 = arith.addi %mul3A_2, %mul3A_154 : i32
      %jit3A_156 = arith.constant 4096 : i32
      %div3A_157 = arith.divsi %add3A_155, %jit3A_156 : i32
      %sign3A_158 = arith.constant 0 : i32
      %sign3A_159 = arith.cmpi sgt, %add3A_155, %sign3A_158 : i32
      %sign3A_160 = arith.extui %sign3A_159 : i1 to i32
      %sign3A_161 = arith.constant 0 : i32
      %sign3A_162 = arith.cmpi slt, %add3A_155, %sign3A_161 : i32
      %sign3A_163 = arith.extui %sign3A_162 : i1 to i32
      %sign3A_164 = arith.subi %sign3A_160, %sign3A_163 : i32
      %sign3A_165 = arith.constant 0 : i32
      %sign3A_166 = arith.cmpi sgt, %jit3A_156, %sign3A_165 : i32
      %sign3A_167 = arith.extui %sign3A_166 : i1 to i32
      %sign3A_168 = arith.constant 0 : i32
      %sign3A_169 = arith.cmpi slt, %jit3A_156, %sign3A_168 : i32
      %sign3A_170 = arith.extui %sign3A_169 : i1 to i32
      %sign3A_171 = arith.subi %sign3A_167, %sign3A_170 : i32
      %ne3A_172 = arith.cmpi ne, %sign3A_164, %sign3A_171 : i32
      %rem3A_173 = arith.remsi %add3A_155, %jit3A_156 : i32
      %ne3A_174 = arith.constant 0 : i32
      %ne3A_175 = arith.cmpi ne, %rem3A_173, %ne3A_174 : i32
      %and3A_176 = arith.andi %ne3A_172, %ne3A_175 : i1
      %sub3A_177 = arith.constant 1 : i32
      %sub3A_178 = arith.subi %div3A_157, %sub3A_177 : i32
      %select_n3A_179 = arith.select %and3A_176, %sub3A_178, %div3A_157 : i32
      %rem3A_180 = arith.constant 4096 : i32
      %rem3A_181 = arith.remsi %add3A_155, %rem3A_180 : i32
      %dma_start3A_182 = arith.constant 0 : i32
      %dma_start3A_183 = tpu.memref_slice %arg5[%select_n3A_179, %rem3A_181, %dma_start3A_182] : memref<77x4096x768xf32, #tpu.memory_space<hbm>> -> memref<1x16x768xf32, #tpu.memory_space<hbm>>
      %dma_start3A_184 = tpu.memref_squeeze %dma_start3A_183 : memref<1x16x768xf32, #tpu.memory_space<hbm>> -> memref<16x768xf32, #tpu.memory_space<hbm>>
      %dma_start3A_185 = arith.constant 0 : i32
      %dma_start3A_186 = tpu.memref_slice %arg5[%select_n3A_179, %rem3A_181, %dma_start3A_185] : memref<77x4096x768xf32, #tpu.memory_space<hbm>> -> memref<1x16x768xf32, #tpu.memory_space<hbm>>
      %dma_start3A_187 = tpu.memref_squeeze %dma_start3A_186 : memref<1x16x768xf32, #tpu.memory_space<hbm>> -> memref<16x768xf32, #tpu.memory_space<hbm>>
      tpu.enqueue_dma source(%arg12 : memref<16x768xf32, #tpu.memory_space<vmem>>) target(%dma_start3A_187 : memref<16x768xf32, #tpu.memory_space<hbm>>) target_semaphore(%arg20 : memref<!tpu.dma_semaphore, #tpu.memory_space<semaphore_mem>>)
      %mul3A_188 = arith.constant 4 : i32
      %mul3A_189 = arith.muli %scan3A_104, %mul3A_188 : i32
      %add3A_190 = arith.constant 1 : i32
      %add3A_191 = arith.addi %mul3A_189, %add3A_190 : i32
      %dma_wait3A_192 = arith.constant 0 : i32
      %dma_wait3A_193 = arith.constant 0 : i32
      %dma_wait3A_194 = tpu.memref_slice %arg3[%dma_wait3A_192, %dma_wait3A_193] : memref<49408x768xf32, #tpu.memory_space<hbm>> -> memref<16x768xf32, #tpu.memory_space<hbm>>
      %dma_wait3A_195 = arith.constant 0 : i32
      %dma_wait3A_196 = arith.constant 0 : i32
      %dma_wait3A_197 = tpu.memref_slice %arg3[%dma_wait3A_195, %dma_wait3A_196] : memref<49408x768xf32, #tpu.memory_space<hbm>> -> memref<16x768xf32, #tpu.memory_space<hbm>>
      tpu.wait_dma2 semaphore(%arg17 : memref<!tpu.dma_semaphore, #tpu.memory_space<semaphore_mem>>) src(%dma_wait3A_197 : memref<16x768xf32, #tpu.memory_space<hbm>>) dst(%arg9 : memref<16x768xf32, #tpu.memory_space<vmem>>)
      %ge3A_198 = arith.constant 4 : i32
      %ge3A_199 = arith.cmpi sge, %add3A_191, %ge3A_198 : i32
      %convert_element_type3A_200 = arith.extui %ge3A_199 : i1 to i32
      %cond3A_201 = arith.constant 0 : i32
      %cond3A_202 = arith.cmpi ne, %convert_element_type3A_200, %cond3A_201 : i32
      scf.if %cond3A_202 {
        %dma_wait3A_452 = arith.constant 0 : i32
        %dma_wait3A_453 = arith.constant 0 : i32
        %dma_wait3A_454 = arith.constant 0 : i32
        %dma_wait3A_455 = tpu.memref_slice %arg5[%dma_wait3A_452, %dma_wait3A_453, %dma_wait3A_454] : memref<77x4096x768xf32, #tpu.memory_space<hbm>> -> memref<1x16x768xf32, #tpu.memory_space<hbm>>
        %dma_wait3A_456 = tpu.memref_squeeze %dma_wait3A_455 : memref<1x16x768xf32, #tpu.memory_space<hbm>> -> memref<16x768xf32, #tpu.memory_space<hbm>>
        %dma_wait3A_457 = arith.constant 0 : i32
        %dma_wait3A_458 = arith.constant 0 : i32
        %dma_wait3A_459 = tpu.memref_slice %arg5[%dma_wait3A_452, %dma_wait3A_457, %dma_wait3A_458] : memref<77x4096x768xf32, #tpu.memory_space<hbm>> -> memref<1x16x768xf32, #tpu.memory_space<hbm>>
        %dma_wait3A_460 = tpu.memref_squeeze %dma_wait3A_459 : memref<1x16x768xf32, #tpu.memory_space<hbm>> -> memref<16x768xf32, #tpu.memory_space<hbm>>
        tpu.wait_dma2 semaphore(%arg21 : memref<!tpu.dma_semaphore, #tpu.memory_space<semaphore_mem>>) src(%arg13 : memref<16x768xf32, #tpu.memory_space<vmem>>) dst(%dma_wait3A_460 : memref<16x768xf32, #tpu.memory_space<hbm>>)
      } else {
      }
      %mul3A_203 = arith.constant 16 : i32
      %mul3A_204 = arith.muli %add3A_191, %mul3A_203 : i32
      %add3A_205 = arith.addi %mul3A_2, %mul3A_204 : i32
      %jit3A_206 = arith.constant 4096 : i32
      %div3A_207 = arith.divsi %add3A_205, %jit3A_206 : i32
      %sign3A_208 = arith.constant 0 : i32
      %sign3A_209 = arith.cmpi sgt, %add3A_205, %sign3A_208 : i32
      %sign3A_210 = arith.extui %sign3A_209 : i1 to i32
      %sign3A_211 = arith.constant 0 : i32
      %sign3A_212 = arith.cmpi slt, %add3A_205, %sign3A_211 : i32
      %sign3A_213 = arith.extui %sign3A_212 : i1 to i32
      %sign3A_214 = arith.subi %sign3A_210, %sign3A_213 : i32
      %sign3A_215 = arith.constant 0 : i32
      %sign3A_216 = arith.cmpi sgt, %jit3A_206, %sign3A_215 : i32
      %sign3A_217 = arith.extui %sign3A_216 : i1 to i32
      %sign3A_218 = arith.constant 0 : i32
      %sign3A_219 = arith.cmpi slt, %jit3A_206, %sign3A_218 : i32
      %sign3A_220 = arith.extui %sign3A_219 : i1 to i32
      %sign3A_221 = arith.subi %sign3A_217, %sign3A_220 : i32
      %ne3A_222 = arith.cmpi ne, %sign3A_214, %sign3A_221 : i32
      %rem3A_223 = arith.remsi %add3A_205, %jit3A_206 : i32
      %ne3A_224 = arith.constant 0 : i32
      %ne3A_225 = arith.cmpi ne, %rem3A_223, %ne3A_224 : i32
      %and3A_226 = arith.andi %ne3A_222, %ne3A_225 : i1
      %sub3A_227 = arith.constant 1 : i32
      %sub3A_228 = arith.subi %div3A_207, %sub3A_227 : i32
      %select_n3A_229 = arith.select %and3A_226, %sub3A_228, %div3A_207 : i32
      %sub3A_230 = arith.subi %select_n3A_229, %mul3A_44 : i32
      %parallel_loop3A_231 = arith.constant 0 : i32
      %parallel_loop3A_232 = arith.constant 768 : i32
      %parallel_loop3A_233 = arith.constant 16 : i32
      scf.for %parallel_loop3A_452 = %parallel_loop3A_231 to %parallel_loop3A_232 step %parallel_loop3A_233  : i32 {
        %parallel_loop3A_453 = arith.index_cast %sub3A_230 : i32 to index
        %parallel_loop3A_454 = arith.index_cast %parallel_loop3A_452 : i32 to index
        %parallel_loop3A_455 = tpu.vector_load %arg7[%parallel_loop3A_453, %parallel_loop3A_454] {strides = array<i32>} : memref<16x768xf32, #tpu.memory_space<vmem>>, vector<1x16xf32>,
        %parallel_loop3A_456 = vector.shape_cast %parallel_loop3A_455 : vector<1x16xf32> to vector<16xf32>
        %parallel_loop3A_457 = arith.constant 0 : i32
        %parallel_loop3A_458 = arith.index_cast %parallel_loop3A_457 : i32 to index
        %parallel_loop3A_459 = arith.index_cast %parallel_loop3A_452 : i32 to index
        %parallel_loop3A_460 = tpu.vector_load %arg9[%parallel_loop3A_458, %parallel_loop3A_459] {strides = array<i32>} : memref<16x768xf32, #tpu.memory_space<vmem>>, vector<1x16xf32>,
        %parallel_loop3A_461 = vector.shape_cast %parallel_loop3A_460 : vector<1x16xf32> to vector<16xf32>
        %parallel_loop3A_462 = arith.addf %parallel_loop3A_461, %parallel_loop3A_456 : vector<16xf32>
        %parallel_loop3A_463 = arith.constant 0 : i32
        %parallel_loop3A_464 = arith.index_cast %parallel_loop3A_463 : i32 to index
        %parallel_loop3A_465 = arith.index_cast %parallel_loop3A_452 : i32 to index
        %parallel_loop3A_466 = tpu.vector_load %arg13[%parallel_loop3A_464, %parallel_loop3A_465] {strides = array<i32>} : memref<16x768xf32, #tpu.memory_space<vmem>>, vector<1x16xf32>,
        %parallel_loop3A_467 = vector.shape_cast %parallel_loop3A_466 : vector<1x16xf32> to vector<16xf32>
        %parallel_loop3A_468 = vector.shape_cast %parallel_loop3A_462 : vector<16xf32> to vector<1x16xf32>
        tpu.vector_store %arg13[%parallel_loop3A_464, %parallel_loop3A_465], %parallel_loop3A_468 {strides = array<i32>} : memref<16x768xf32, #tpu.memory_space<vmem>>, vector<1x16xf32>,
        %parallel_loop3A_469 = arith.constant 1 : i32
        %parallel_loop3A_470 = arith.index_cast %parallel_loop3A_469 : i32 to index
        %parallel_loop3A_471 = arith.index_cast %parallel_loop3A_452 : i32 to index
        %parallel_loop3A_472 = tpu.vector_load %arg9[%parallel_loop3A_470, %parallel_loop3A_471] {strides = array<i32>} : memref<16x768xf32, #tpu.memory_space<vmem>>, vector<1x16xf32>,
        %parallel_loop3A_473 = vector.shape_cast %parallel_loop3A_472 : vector<1x16xf32> to vector<16xf32>
        %parallel_loop3A_474 = arith.addf %parallel_loop3A_473, %parallel_loop3A_456 : vector<16xf32>
        %parallel_loop3A_475 = arith.constant 1 : i32
        %parallel_loop3A_476 = arith.index_cast %parallel_loop3A_475 : i32 to index
        %parallel_loop3A_477 = arith.index_cast %parallel_loop3A_452 : i32 to index
        %parallel_loop3A_478 = tpu.vector_load %arg13[%parallel_loop3A_476, %parallel_loop3A_477] {strides = array<i32>} : memref<16x768xf32, #tpu.memory_space<vmem>>, vector<1x16xf32>,
        %parallel_loop3A_479 = vector.shape_cast %parallel_loop3A_478 : vector<1x16xf32> to vector<16xf32>
        %parallel_loop3A_480 = vector.shape_cast %parallel_loop3A_474 : vector<16xf32> to vector<1x16xf32>
        tpu.vector_store %arg13[%parallel_loop3A_476, %parallel_loop3A_477], %parallel_loop3A_480 {strides = array<i32>} : memref<16x768xf32, #tpu.memory_space<vmem>>, vector<1x16xf32>,
        %parallel_loop3A_481 = arith.constant 2 : i32
        %parallel_loop3A_482 = arith.index_cast %parallel_loop3A_481 : i32 to index
        %parallel_loop3A_483 = arith.index_cast %parallel_loop3A_452 : i32 to index
        %parallel_loop3A_484 = tpu.vector_load %arg9[%parallel_loop3A_482, %parallel_loop3A_483] {strides = array<i32>} : memref<16x768xf32, #tpu.memory_space<vmem>>, vector<1x16xf32>,
        %parallel_loop3A_485 = vector.shape_cast %parallel_loop3A_484 : vector<1x16xf32> to vector<16xf32>
        %parallel_loop3A_486 = arith.addf %parallel_loop3A_485, %parallel_loop3A_456 : vector<16xf32>
        %parallel_loop3A_487 = arith.constant 2 : i32
        %parallel_loop3A_488 = arith.index_cast %parallel_loop3A_487 : i32 to index
        %parallel_loop3A_489 = arith.index_cast %parallel_loop3A_452 : i32 to index
        %parallel_loop3A_490 = tpu.vector_load %arg13[%parallel_loop3A_488, %parallel_loop3A_489] {strides = array<i32>} : memref<16x768xf32, #tpu.memory_space<vmem>>, vector<1x16xf32>,
        %parallel_loop3A_491 = vector.shape_cast %parallel_loop3A_490 : vector<1x16xf32> to vector<16xf32>
        %parallel_loop3A_492 = vector.shape_cast %parallel_loop3A_486 : vector<16xf32> to vector<1x16xf32>
        tpu.vector_store %arg13[%parallel_loop3A_488, %parallel_loop3A_489], %parallel_loop3A_492 {strides = array<i32>} : memref<16x768xf32, #tpu.memory_space<vmem>>, vector<1x16xf32>,
        %parallel_loop3A_493 = arith.constant 3 : i32
        %parallel_loop3A_494 = arith.index_cast %parallel_loop3A_493 : i32 to index
        %parallel_loop3A_495 = arith.index_cast %parallel_loop3A_452 : i32 to index
        %parallel_loop3A_496 = tpu.vector_load %arg9[%parallel_loop3A_494, %parallel_loop3A_495] {strides = array<i32>} : memref<16x768xf32, #tpu.memory_space<vmem>>, vector<1x16xf32>,
        %parallel_loop3A_497 = vector.shape_cast %parallel_loop3A_496 : vector<1x16xf32> to vector<16xf32>
        %parallel_loop3A_498 = arith.addf %parallel_loop3A_497, %parallel_loop3A_456 : vector<16xf32>
        %parallel_loop3A_499 = arith.constant 3 : i32
        %parallel_loop3A_500 = arith.index_cast %parallel_loop3A_499 : i32 to index
        %parallel_loop3A_501 = arith.index_cast %parallel_loop3A_452 : i32 to index
        %parallel_loop3A_502 = tpu.vector_load %arg13[%parallel_loop3A_500, %parallel_loop3A_501] {strides = array<i32>} : memref<16x768xf32, #tpu.memory_space<vmem>>, vector<1x16xf32>,
        %parallel_loop3A_503 = vector.shape_cast %parallel_loop3A_502 : vector<1x16xf32> to vector<16xf32>
        %parallel_loop3A_504 = vector.shape_cast %parallel_loop3A_498 : vector<16xf32> to vector<1x16xf32>
        tpu.vector_store %arg13[%parallel_loop3A_500, %parallel_loop3A_501], %parallel_loop3A_504 {strides = array<i32>} : memref<16x768xf32, #tpu.memory_space<vmem>>, vector<1x16xf32>,
        %parallel_loop3A_505 = arith.constant 4 : i32
        %parallel_loop3A_506 = arith.index_cast %parallel_loop3A_505 : i32 to index
        %parallel_loop3A_507 = arith.index_cast %parallel_loop3A_452 : i32 to index
        %parallel_loop3A_508 = tpu.vector_load %arg9[%parallel_loop3A_506, %parallel_loop3A_507] {strides = array<i32>} : memref<16x768xf32, #tpu.memory_space<vmem>>, vector<1x16xf32>,
        %parallel_loop3A_509 = vector.shape_cast %parallel_loop3A_508 : vector<1x16xf32> to vector<16xf32>
        %parallel_loop3A_510 = arith.addf %parallel_loop3A_509, %parallel_loop3A_456 : vector<16xf32>
        %parallel_loop3A_511 = arith.constant 4 : i32
        %parallel_loop3A_512 = arith.index_cast %parallel_loop3A_511 : i32 to index
        %parallel_loop3A_513 = arith.index_cast %parallel_loop3A_452 : i32 to index
        %parallel_loop3A_514 = tpu.vector_load %arg13[%parallel_loop3A_512, %parallel_loop3A_513] {strides = array<i32>} : memref<16x768xf32, #tpu.memory_space<vmem>>, vector<1x16xf32>,
        %parallel_loop3A_515 = vector.shape_cast %parallel_loop3A_514 : vector<1x16xf32> to vector<16xf32>
        %parallel_loop3A_516 = vector.shape_cast %parallel_loop3A_510 : vector<16xf32> to vector<1x16xf32>
        tpu.vector_store %arg13[%parallel_loop3A_512, %parallel_loop3A_513], %parallel_loop3A_516 {strides = array<i32>} : memref<16x768xf32, #tpu.memory_space<vmem>>, vector<1x16xf32>,
        %parallel_loop3A_517 = arith.constant 5 : i32
        %parallel_loop3A_518 = arith.index_cast %parallel_loop3A_517 : i32 to index
        %parallel_loop3A_519 = arith.index_cast %parallel_loop3A_452 : i32 to index
        %parallel_loop3A_520 = tpu.vector_load %arg9[%parallel_loop3A_518, %parallel_loop3A_519] {strides = array<i32>} : memref<16x768xf32, #tpu.memory_space<vmem>>, vector<1x16xf32>,
        %parallel_loop3A_521 = vector.shape_cast %parallel_loop3A_520 : vector<1x16xf32> to vector<16xf32>
        %parallel_loop3A_522 = arith.addf %parallel_loop3A_521, %parallel_loop3A_456 : vector<16xf32>
        %parallel_loop3A_523 = arith.constant 5 : i32
        %parallel_loop3A_524 = arith.index_cast %parallel_loop3A_523 : i32 to index
        %parallel_loop3A_525 = arith.index_cast %parallel_loop3A_452 : i32 to index
        %parallel_loop3A_526 = tpu.vector_load %arg13[%parallel_loop3A_524, %parallel_loop3A_525] {strides = array<i32>} : memref<16x768xf32, #tpu.memory_space<vmem>>, vector<1x16xf32>,
        %parallel_loop3A_527 = vector.shape_cast %parallel_loop3A_526 : vector<1x16xf32> to vector<16xf32>
        %parallel_loop3A_528 = vector.shape_cast %parallel_loop3A_522 : vector<16xf32> to vector<1x16xf32>
        tpu.vector_store %arg13[%parallel_loop3A_524, %parallel_loop3A_525], %parallel_loop3A_528 {strides = array<i32>} : memref<16x768xf32, #tpu.memory_space<vmem>>, vector<1x16xf32>,
        %parallel_loop3A_529 = arith.constant 6 : i32
        %parallel_loop3A_530 = arith.index_cast %parallel_loop3A_529 : i32 to index
        %parallel_loop3A_531 = arith.index_cast %parallel_loop3A_452 : i32 to index
        %parallel_loop3A_532 = tpu.vector_load %arg9[%parallel_loop3A_530, %parallel_loop3A_531] {strides = array<i32>} : memref<16x768xf32, #tpu.memory_space<vmem>>, vector<1x16xf32>,
        %parallel_loop3A_533 = vector.shape_cast %parallel_loop3A_532 : vector<1x16xf32> to vector<16xf32>
        %parallel_loop3A_534 = arith.addf %parallel_loop3A_533, %parallel_loop3A_456 : vector<16xf32>
        %parallel_loop3A_535 = arith.constant 6 : i32
        %parallel_loop3A_536 = arith.index_cast %parallel_loop3A_535 : i32 to index
        %parallel_loop3A_537 = arith.index_cast %parallel_loop3A_452 : i32 to index
        %parallel_loop3A_538 = tpu.vector_load %arg13[%parallel_loop3A_536, %parallel_loop3A_537] {strides = array<i32>} : memref<16x768xf32, #tpu.memory_space<vmem>>, vector<1x16xf32>,
        %parallel_loop3A_539 = vector.shape_cast %parallel_loop3A_538 : vector<1x16xf32> to vector<16xf32>
        %parallel_loop3A_540 = vector.shape_cast %parallel_loop3A_534 : vector<16xf32> to vector<1x16xf32>
        tpu.vector_store %arg13[%parallel_loop3A_536, %parallel_loop3A_537], %parallel_loop3A_540 {strides = array<i32>} : memref<16x768xf32, #tpu.memory_space<vmem>>, vector<1x16xf32>,
        %parallel_loop3A_541 = arith.constant 7 : i32
        %parallel_loop3A_542 = arith.index_cast %parallel_loop3A_541 : i32 to index
        %parallel_loop3A_543 = arith.index_cast %parallel_loop3A_452 : i32 to index
        %parallel_loop3A_544 = tpu.vector_load %arg9[%parallel_loop3A_542, %parallel_loop3A_543] {strides = array<i32>} : memref<16x768xf32, #tpu.memory_space<vmem>>, vector<1x16xf32>,
        %parallel_loop3A_545 = vector.shape_cast %parallel_loop3A_544 : vector<1x16xf32> to vector<16xf32>
        %parallel_loop3A_546 = arith.addf %parallel_loop3A_545, %parallel_loop3A_456 : vector<16xf32>
        %parallel_loop3A_547 = arith.constant 7 : i32
        %parallel_loop3A_548 = arith.index_cast %parallel_loop3A_547 : i32 to index
        %parallel_loop3A_549 = arith.index_cast %parallel_loop3A_452 : i32 to index
        %parallel_loop3A_550 = tpu.vector_load %arg13[%parallel_loop3A_548, %parallel_loop3A_549] {strides = array<i32>} : memref<16x768xf32, #tpu.memory_space<vmem>>, vector<1x16xf32>,
        %parallel_loop3A_551 = vector.shape_cast %parallel_loop3A_550 : vector<1x16xf32> to vector<16xf32>
        %parallel_loop3A_552 = vector.shape_cast %parallel_loop3A_546 : vector<16xf32> to vector<1x16xf32>
        tpu.vector_store %arg13[%parallel_loop3A_548, %parallel_loop3A_549], %parallel_loop3A_552 {strides = array<i32>} : memref<16x768xf32, #tpu.memory_space<vmem>>, vector<1x16xf32>,
        %parallel_loop3A_553 = arith.constant 8 : i32
        %parallel_loop3A_554 = arith.index_cast %parallel_loop3A_553 : i32 to index
        %parallel_loop3A_555 = arith.index_cast %parallel_loop3A_452 : i32 to index
        %parallel_loop3A_556 = tpu.vector_load %arg9[%parallel_loop3A_554, %parallel_loop3A_555] {strides = array<i32>} : memref<16x768xf32, #tpu.memory_space<vmem>>, vector<1x16xf32>,
        %parallel_loop3A_557 = vector.shape_cast %parallel_loop3A_556 : vector<1x16xf32> to vector<16xf32>
        %parallel_loop3A_558 = arith.addf %parallel_loop3A_557, %parallel_loop3A_456 : vector<16xf32>
        %parallel_loop3A_559 = arith.constant 8 : i32
        %parallel_loop3A_560 = arith.index_cast %parallel_loop3A_559 : i32 to index
        %parallel_loop3A_561 = arith.index_cast %parallel_loop3A_452 : i32 to index
        %parallel_loop3A_562 = tpu.vector_load %arg13[%parallel_loop3A_560, %parallel_loop3A_561] {strides = array<i32>} : memref<16x768xf32, #tpu.memory_space<vmem>>, vector<1x16xf32>,
        %parallel_loop3A_563 = vector.shape_cast %parallel_loop3A_562 : vector<1x16xf32> to vector<16xf32>
        %parallel_loop3A_564 = vector.shape_cast %parallel_loop3A_558 : vector<16xf32> to vector<1x16xf32>
        tpu.vector_store %arg13[%parallel_loop3A_560, %parallel_loop3A_561], %parallel_loop3A_564 {strides = array<i32>} : memref<16x768xf32, #tpu.memory_space<vmem>>, vector<1x16xf32>,
        %parallel_loop3A_565 = arith.constant 9 : i32
        %parallel_loop3A_566 = arith.index_cast %parallel_loop3A_565 : i32 to index
        %parallel_loop3A_567 = arith.index_cast %parallel_loop3A_452 : i32 to index
        %parallel_loop3A_568 = tpu.vector_load %arg9[%parallel_loop3A_566, %parallel_loop3A_567] {strides = array<i32>} : memref<16x768xf32, #tpu.memory_space<vmem>>, vector<1x16xf32>,
        %parallel_loop3A_569 = vector.shape_cast %parallel_loop3A_568 : vector<1x16xf32> to vector<16xf32>
        %parallel_loop3A_570 = arith.addf %parallel_loop3A_569, %parallel_loop3A_456 : vector<16xf32>
        %parallel_loop3A_571 = arith.constant 9 : i32
        %parallel_loop3A_572 = arith.index_cast %parallel_loop3A_571 : i32 to index
        %parallel_loop3A_573 = arith.index_cast %parallel_loop3A_452 : i32 to index
        %parallel_loop3A_574 = tpu.vector_load %arg13[%parallel_loop3A_572, %parallel_loop3A_573] {strides = array<i32>} : memref<16x768xf32, #tpu.memory_space<vmem>>, vector<1x16xf32>,
        %parallel_loop3A_575 = vector.shape_cast %parallel_loop3A_574 : vector<1x16xf32> to vector<16xf32>
        %parallel_loop3A_576 = vector.shape_cast %parallel_loop3A_570 : vector<16xf32> to vector<1x16xf32>
        tpu.vector_store %arg13[%parallel_loop3A_572, %parallel_loop3A_573], %parallel_loop3A_576 {strides = array<i32>} : memref<16x768xf32, #tpu.memory_space<vmem>>, vector<1x16xf32>,
        %parallel_loop3A_577 = arith.constant 10 : i32
        %parallel_loop3A_578 = arith.index_cast %parallel_loop3A_577 : i32 to index
        %parallel_loop3A_579 = arith.index_cast %parallel_loop3A_452 : i32 to index
        %parallel_loop3A_580 = tpu.vector_load %arg9[%parallel_loop3A_578, %parallel_loop3A_579] {strides = array<i32>} : memref<16x768xf32, #tpu.memory_space<vmem>>, vector<1x16xf32>,
        %parallel_loop3A_581 = vector.shape_cast %parallel_loop3A_580 : vector<1x16xf32> to vector<16xf32>
        %parallel_loop3A_582 = arith.addf %parallel_loop3A_581, %parallel_loop3A_456 : vector<16xf32>
        %parallel_loop3A_583 = arith.constant 10 : i32
        %parallel_loop3A_584 = arith.index_cast %parallel_loop3A_583 : i32 to index
        %parallel_loop3A_585 = arith.index_cast %parallel_loop3A_452 : i32 to index
        %parallel_loop3A_586 = tpu.vector_load %arg13[%parallel_loop3A_584, %parallel_loop3A_585] {strides = array<i32>} : memref<16x768xf32, #tpu.memory_space<vmem>>, vector<1x16xf32>,
        %parallel_loop3A_587 = vector.shape_cast %parallel_loop3A_586 : vector<1x16xf32> to vector<16xf32>
        %parallel_loop3A_588 = vector.shape_cast %parallel_loop3A_582 : vector<16xf32> to vector<1x16xf32>
        tpu.vector_store %arg13[%parallel_loop3A_584, %parallel_loop3A_585], %parallel_loop3A_588 {strides = array<i32>} : memref<16x768xf32, #tpu.memory_space<vmem>>, vector<1x16xf32>,
        %parallel_loop3A_589 = arith.constant 11 : i32
        %parallel_loop3A_590 = arith.index_cast %parallel_loop3A_589 : i32 to index
        %parallel_loop3A_591 = arith.index_cast %parallel_loop3A_452 : i32 to index
        %parallel_loop3A_592 = tpu.vector_load %arg9[%parallel_loop3A_590, %parallel_loop3A_591] {strides = array<i32>} : memref<16x768xf32, #tpu.memory_space<vmem>>, vector<1x16xf32>,
        %parallel_loop3A_593 = vector.shape_cast %parallel_loop3A_592 : vector<1x16xf32> to vector<16xf32>
        %parallel_loop3A_594 = arith.addf %parallel_loop3A_593, %parallel_loop3A_456 : vector<16xf32>
        %parallel_loop3A_595 = arith.constant 11 : i32
        %parallel_loop3A_596 = arith.index_cast %parallel_loop3A_595 : i32 to index
        %parallel_loop3A_597 = arith.index_cast %parallel_loop3A_452 : i32 to index
        %parallel_loop3A_598 = tpu.vector_load %arg13[%parallel_loop3A_596, %parallel_loop3A_597] {strides = array<i32>} : memref<16x768xf32, #tpu.memory_space<vmem>>, vector<1x16xf32>,
        %parallel_loop3A_599 = vector.shape_cast %parallel_loop3A_598 : vector<1x16xf32> to vector<16xf32>
        %parallel_loop3A_600 = vector.shape_cast %parallel_loop3A_594 : vector<16xf32> to vector<1x16xf32>
        tpu.vector_store %arg13[%parallel_loop3A_596, %parallel_loop3A_597], %parallel_loop3A_600 {strides = array<i32>} : memref<16x768xf32, #tpu.memory_space<vmem>>, vector<1x16xf32>,
        %parallel_loop3A_601 = arith.constant 12 : i32
        %parallel_loop3A_602 = arith.index_cast %parallel_loop3A_601 : i32 to index
        %parallel_loop3A_603 = arith.index_cast %parallel_loop3A_452 : i32 to index
        %parallel_loop3A_604 = tpu.vector_load %arg9[%parallel_loop3A_602, %parallel_loop3A_603] {strides = array<i32>} : memref<16x768xf32, #tpu.memory_space<vmem>>, vector<1x16xf32>,
        %parallel_loop3A_605 = vector.shape_cast %parallel_loop3A_604 : vector<1x16xf32> to vector<16xf32>
        %parallel_loop3A_606 = arith.addf %parallel_loop3A_605, %parallel_loop3A_456 : vector<16xf32>
        %parallel_loop3A_607 = arith.constant 12 : i32
        %parallel_loop3A_608 = arith.index_cast %parallel_loop3A_607 : i32 to index
        %parallel_loop3A_609 = arith.index_cast %parallel_loop3A_452 : i32 to index
        %parallel_loop3A_610 = tpu.vector_load %arg13[%parallel_loop3A_608, %parallel_loop3A_609] {strides = array<i32>} : memref<16x768xf32, #tpu.memory_space<vmem>>, vector<1x16xf32>,
        %parallel_loop3A_611 = vector.shape_cast %parallel_loop3A_610 : vector<1x16xf32> to vector<16xf32>
        %parallel_loop3A_612 = vector.shape_cast %parallel_loop3A_606 : vector<16xf32> to vector<1x16xf32>
        tpu.vector_store %arg13[%parallel_loop3A_608, %parallel_loop3A_609], %parallel_loop3A_612 {strides = array<i32>} : memref<16x768xf32, #tpu.memory_space<vmem>>, vector<1x16xf32>,
        %parallel_loop3A_613 = arith.constant 13 : i32
        %parallel_loop3A_614 = arith.index_cast %parallel_loop3A_613 : i32 to index
        %parallel_loop3A_615 = arith.index_cast %parallel_loop3A_452 : i32 to index
        %parallel_loop3A_616 = tpu.vector_load %arg9[%parallel_loop3A_614, %parallel_loop3A_615] {strides = array<i32>} : memref<16x768xf32, #tpu.memory_space<vmem>>, vector<1x16xf32>,
        %parallel_loop3A_617 = vector.shape_cast %parallel_loop3A_616 : vector<1x16xf32> to vector<16xf32>
        %parallel_loop3A_618 = arith.addf %parallel_loop3A_617, %parallel_loop3A_456 : vector<16xf32>
        %parallel_loop3A_619 = arith.constant 13 : i32
        %parallel_loop3A_620 = arith.index_cast %parallel_loop3A_619 : i32 to index
        %parallel_loop3A_621 = arith.index_cast %parallel_loop3A_452 : i32 to index
        %parallel_loop3A_622 = tpu.vector_load %arg13[%parallel_loop3A_620, %parallel_loop3A_621] {strides = array<i32>} : memref<16x768xf32, #tpu.memory_space<vmem>>, vector<1x16xf32>,
        %parallel_loop3A_623 = vector.shape_cast %parallel_loop3A_622 : vector<1x16xf32> to vector<16xf32>
        %parallel_loop3A_624 = vector.shape_cast %parallel_loop3A_618 : vector<16xf32> to vector<1x16xf32>
        tpu.vector_store %arg13[%parallel_loop3A_620, %parallel_loop3A_621], %parallel_loop3A_624 {strides = array<i32>} : memref<16x768xf32, #tpu.memory_space<vmem>>, vector<1x16xf32>,
        %parallel_loop3A_625 = arith.constant 14 : i32
        %parallel_loop3A_626 = arith.index_cast %parallel_loop3A_625 : i32 to index
        %parallel_loop3A_627 = arith.index_cast %parallel_loop3A_452 : i32 to index
        %parallel_loop3A_628 = tpu.vector_load %arg9[%parallel_loop3A_626, %parallel_loop3A_627] {strides = array<i32>} : memref<16x768xf32, #tpu.memory_space<vmem>>, vector<1x16xf32>,
        %parallel_loop3A_629 = vector.shape_cast %parallel_loop3A_628 : vector<1x16xf32> to vector<16xf32>
        %parallel_loop3A_630 = arith.addf %parallel_loop3A_629, %parallel_loop3A_456 : vector<16xf32>
        %parallel_loop3A_631 = arith.constant 14 : i32
        %parallel_loop3A_632 = arith.index_cast %parallel_loop3A_631 : i32 to index
        %parallel_loop3A_633 = arith.index_cast %parallel_loop3A_452 : i32 to index
        %parallel_loop3A_634 = tpu.vector_load %arg13[%parallel_loop3A_632, %parallel_loop3A_633] {strides = array<i32>} : memref<16x768xf32, #tpu.memory_space<vmem>>, vector<1x16xf32>,
        %parallel_loop3A_635 = vector.shape_cast %parallel_loop3A_634 : vector<1x16xf32> to vector<16xf32>
        %parallel_loop3A_636 = vector.shape_cast %parallel_loop3A_630 : vector<16xf32> to vector<1x16xf32>
        tpu.vector_store %arg13[%parallel_loop3A_632, %parallel_loop3A_633], %parallel_loop3A_636 {strides = array<i32>} : memref<16x768xf32, #tpu.memory_space<vmem>>, vector<1x16xf32>,
        %parallel_loop3A_637 = arith.constant 15 : i32
        %parallel_loop3A_638 = arith.index_cast %parallel_loop3A_637 : i32 to index
        %parallel_loop3A_639 = arith.index_cast %parallel_loop3A_452 : i32 to index
        %parallel_loop3A_640 = tpu.vector_load %arg9[%parallel_loop3A_638, %parallel_loop3A_639] {strides = array<i32>} : memref<16x768xf32, #tpu.memory_space<vmem>>, vector<1x16xf32>,
        %parallel_loop3A_641 = vector.shape_cast %parallel_loop3A_640 : vector<1x16xf32> to vector<16xf32>
        %parallel_loop3A_642 = arith.addf %parallel_loop3A_641, %parallel_loop3A_456 : vector<16xf32>
        %parallel_loop3A_643 = arith.constant 15 : i32
        %parallel_loop3A_644 = arith.index_cast %parallel_loop3A_643 : i32 to index
        %parallel_loop3A_645 = arith.index_cast %parallel_loop3A_452 : i32 to index
        %parallel_loop3A_646 = tpu.vector_load %arg13[%parallel_loop3A_644, %parallel_loop3A_645] {strides = array<i32>} : memref<16x768xf32, #tpu.memory_space<vmem>>, vector<1x16xf32>,
        %parallel_loop3A_647 = vector.shape_cast %parallel_loop3A_646 : vector<1x16xf32> to vector<16xf32>
        %parallel_loop3A_648 = vector.shape_cast %parallel_loop3A_642 : vector<16xf32> to vector<1x16xf32>
        tpu.vector_store %arg13[%parallel_loop3A_644, %parallel_loop3A_645], %parallel_loop3A_648 {strides = array<i32>} : memref<16x768xf32, #tpu.memory_space<vmem>>, vector<1x16xf32>,
      } {sc.loop_unroll_factor = 16 : i64, sc.parallel_access}
      %add3A_234 = arith.constant 4 : i32
      %add3A_235 = arith.addi %add3A_191, %add3A_234 : i32
      %lt3A_236 = arith.constant 616 : i32
      %lt3A_237 = arith.cmpi slt, %add3A_235, %lt3A_236 : i32
      %convert_element_type3A_238 = arith.extui %lt3A_237 : i1 to i32
      %cond3A_239 = arith.constant 0 : i32
      %cond3A_240 = arith.cmpi ne, %convert_element_type3A_238, %cond3A_239 : i32
      scf.if %cond3A_240 {
        %add3A_452 = arith.constant 4 : i32
        %add3A_453 = arith.addi %add3A_191, %add3A_452 : i32
        %mul3A_454 = arith.constant 16 : i32
        %mul3A_455 = arith.muli %add3A_453, %mul3A_454 : i32
        %dma_start3A_456 = tpu.memref_slice %arg6[%mul3A_455] : memref<9856xi32, #tpu.memory_space<vmem>> -> memref<16xi32, #tpu.memory_space<vmem>>
        %dma_start3A_457 = arith.constant 0 : i32
        %dma_start3A_458 = arith.constant 0 : i32
        %dma_start3A_459 = tpu.memref_slice %arg3[%dma_start3A_457, %dma_start3A_458] : memref<49408x768xf32, #tpu.memory_space<hbm>> -> memref<49408x768xf32, #tpu.memory_space<hbm>>
        tpu.enqueue_indirect_dma source(%dma_start3A_459 : memref<49408x768xf32, #tpu.memory_space<hbm>>) target(%arg9 : memref<16x768xf32, #tpu.memory_space<vmem>>) offsets(%dma_start3A_456 : memref<16xi32, #tpu.memory_space<vmem>>) semaphore(%arg17 : memref<!tpu.dma_semaphore, #tpu.memory_space<semaphore_mem>>)
      } else {
      }
      %mul3A_241 = arith.constant 16 : i32
      %mul3A_242 = arith.muli %add3A_191, %mul3A_241 : i32
      %add3A_243 = arith.addi %mul3A_2, %mul3A_242 : i32
      %jit3A_244 = arith.constant 4096 : i32
      %div3A_245 = arith.divsi %add3A_243, %jit3A_244 : i32
      %sign3A_246 = arith.constant 0 : i32
      %sign3A_247 = arith.cmpi sgt, %add3A_243, %sign3A_246 : i32
      %sign3A_248 = arith.extui %sign3A_247 : i1 to i32
      %sign3A_249 = arith.constant 0 : i32
      %sign3A_250 = arith.cmpi slt, %add3A_243, %sign3A_249 : i32
      %sign3A_251 = arith.extui %sign3A_250 : i1 to i32
      %sign3A_252 = arith.subi %sign3A_248, %sign3A_251 : i32
      %sign3A_253 = arith.constant 0 : i32
      %sign3A_254 = arith.cmpi sgt, %jit3A_244, %sign3A_253 : i32
      %sign3A_255 = arith.extui %sign3A_254 : i1 to i32
      %sign3A_256 = arith.constant 0 : i32
      %sign3A_257 = arith.cmpi slt, %jit3A_244, %sign3A_256 : i32
      %sign3A_258 = arith.extui %sign3A_257 : i1 to i32
      %sign3A_259 = arith.subi %sign3A_255, %sign3A_258 : i32
      %ne3A_260 = arith.cmpi ne, %sign3A_252, %sign3A_259 : i32
      %rem3A_261 = arith.remsi %add3A_243, %jit3A_244 : i32
      %ne3A_262 = arith.constant 0 : i32
      %ne3A_263 = arith.cmpi ne, %rem3A_261, %ne3A_262 : i32
      %and3A_264 = arith.andi %ne3A_260, %ne3A_263 : i1
      %sub3A_265 = arith.constant 1 : i32
      %sub3A_266 = arith.subi %div3A_245, %sub3A_265 : i32
      %select_n3A_267 = arith.select %and3A_264, %sub3A_266, %div3A_245 : i32
      %rem3A_268 = arith.constant 4096 : i32
      %rem3A_269 = arith.remsi %add3A_243, %rem3A_268 : i32
      %dma_start3A_270 = arith.constant 0 : i32
      %dma_start3A_271 = tpu.memref_slice %arg5[%select_n3A_267, %rem3A_269, %dma_start3A_270] : memref<77x4096x768xf32, #tpu.memory_space<hbm>> -> memref<1x16x768xf32, #tpu.memory_space<hbm>>
      %dma_start3A_272 = tpu.memref_squeeze %dma_start3A_271 : memref<1x16x768xf32, #tpu.memory_space<hbm>> -> memref<16x768xf32, #tpu.memory_space<hbm>>
      %dma_start3A_273 = arith.constant 0 : i32
      %dma_start3A_274 = tpu.memref_slice %arg5[%select_n3A_267, %rem3A_269, %dma_start3A_273] : memref<77x4096x768xf32, #tpu.memory_space<hbm>> -> memref<1x16x768xf32, #tpu.memory_space<hbm>>
      %dma_start3A_275 = tpu.memref_squeeze %dma_start3A_274 : memref<1x16x768xf32, #tpu.memory_space<hbm>> -> memref<16x768xf32, #tpu.memory_space<hbm>>
      tpu.enqueue_dma source(%arg13 : memref<16x768xf32, #tpu.memory_space<vmem>>) target(%dma_start3A_275 : memref<16x768xf32, #tpu.memory_space<hbm>>) target_semaphore(%arg21 : memref<!tpu.dma_semaphore, #tpu.memory_space<semaphore_mem>>)
      %mul3A_276 = arith.constant 4 : i32
      %mul3A_277 = arith.muli %scan3A_104, %mul3A_276 : i32
      %add3A_278 = arith.constant 2 : i32
      %add3A_279 = arith.addi %mul3A_277, %add3A_278 : i32
      %dma_wait3A_280 = arith.constant 0 : i32
      %dma_wait3A_281 = arith.constant 0 : i32
      %dma_wait3A_282 = tpu.memref_slice %arg3[%dma_wait3A_280, %dma_wait3A_281] : memref<49408x768xf32, #tpu.memory_space<hbm>> -> memref<16x768xf32, #tpu.memory_space<hbm>>
      %dma_wait3A_283 = arith.constant 0 : i32
      %dma_wait3A_284 = arith.constant 0 : i32
      %dma_wait3A_285 = tpu.memref_slice %arg3[%dma_wait3A_283, %dma_wait3A_284] : memref<49408x768xf32, #tpu.memory_space<hbm>> -> memref<16x768xf32, #tpu.memory_space<hbm>>
      tpu.wait_dma2 semaphore(%arg18 : memref<!tpu.dma_semaphore, #tpu.memory_space<semaphore_mem>>) src(%dma_wait3A_285 : memref<16x768xf32, #tpu.memory_space<hbm>>) dst(%arg10 : memref<16x768xf32, #tpu.memory_space<vmem>>)
      %ge3A_286 = arith.constant 4 : i32
      %ge3A_287 = arith.cmpi sge, %add3A_279, %ge3A_286 : i32
      %convert_element_type3A_288 = arith.extui %ge3A_287 : i1 to i32
      %cond3A_289 = arith.constant 0 : i32
      %cond3A_290 = arith.cmpi ne, %convert_element_type3A_288, %cond3A_289 : i32
      scf.if %cond3A_290 {
        %dma_wait3A_452 = arith.constant 0 : i32
        %dma_wait3A_453 = arith.constant 0 : i32
        %dma_wait3A_454 = arith.constant 0 : i32
        %dma_wait3A_455 = tpu.memref_slice %arg5[%dma_wait3A_452, %dma_wait3A_453, %dma_wait3A_454] : memref<77x4096x768xf32, #tpu.memory_space<hbm>> -> memref<1x16x768xf32, #tpu.memory_space<hbm>>
        %dma_wait3A_456 = tpu.memref_squeeze %dma_wait3A_455 : memref<1x16x768xf32, #tpu.memory_space<hbm>> -> memref<16x768xf32, #tpu.memory_space<hbm>>
        %dma_wait3A_457 = arith.constant 0 : i32
        %dma_wait3A_458 = arith.constant 0 : i32
        %dma_wait3A_459 = tpu.memref_slice %arg5[%dma_wait3A_452, %dma_wait3A_457, %dma_wait3A_458] : memref<77x4096x768xf32, #tpu.memory_space<hbm>> -> memref<1x16x768xf32, #tpu.memory_space<hbm>>
        %dma_wait3A_460 = tpu.memref_squeeze %dma_wait3A_459 : memref<1x16x768xf32, #tpu.memory_space<hbm>> -> memref<16x768xf32, #tpu.memory_space<hbm>>
        tpu.wait_dma2 semaphore(%arg22 : memref<!tpu.dma_semaphore, #tpu.memory_space<semaphore_mem>>) src(%arg14 : memref<16x768xf32, #tpu.memory_space<vmem>>) dst(%dma_wait3A_460 : memref<16x768xf32, #tpu.memory_space<hbm>>)
      } else {
      }
      %mul3A_291 = arith.constant 16 : i32
      %mul3A_292 = arith.muli %add3A_279, %mul3A_291 : i32
      %add3A_293 = arith.addi %mul3A_2, %mul3A_292 : i32
      %jit3A_294 = arith.constant 4096 : i32
      %div3A_295 = arith.divsi %add3A_293, %jit3A_294 : i32
      %sign3A_296 = arith.constant 0 : i32
      %sign3A_297 = arith.cmpi sgt, %add3A_293, %sign3A_296 : i32
      %sign3A_298 = arith.extui %sign3A_297 : i1 to i32
      %sign3A_299 = arith.constant 0 : i32
      %sign3A_300 = arith.cmpi slt, %add3A_293, %sign3A_299 : i32
      %sign3A_301 = arith.extui %sign3A_300 : i1 to i32
      %sign3A_302 = arith.subi %sign3A_298, %sign3A_301 : i32
      %sign3A_303 = arith.constant 0 : i32
      %sign3A_304 = arith.cmpi sgt, %jit3A_294, %sign3A_303 : i32
      %sign3A_305 = arith.extui %sign3A_304 : i1 to i32
      %sign3A_306 = arith.constant 0 : i32
      %sign3A_307 = arith.cmpi slt, %jit3A_294, %sign3A_306 : i32
      %sign3A_308 = arith.extui %sign3A_307 : i1 to i32
      %sign3A_309 = arith.subi %sign3A_305, %sign3A_308 : i32
      %ne3A_310 = arith.cmpi ne, %sign3A_302, %sign3A_309 : i32
      %rem3A_311 = arith.remsi %add3A_293, %jit3A_294 : i32
      %ne3A_312 = arith.constant 0 : i32
      %ne3A_313 = arith.cmpi ne, %rem3A_311, %ne3A_312 : i32
      %and3A_314 = arith.andi %ne3A_310, %ne3A_313 : i1
      %sub3A_315 = arith.constant 1 : i32
      %sub3A_316 = arith.subi %div3A_295, %sub3A_315 : i32
      %select_n3A_317 = arith.select %and3A_314, %sub3A_316, %div3A_295 : i32
      %sub3A_318 = arith.subi %select_n3A_317, %mul3A_44 : i32
      %parallel_loop3A_319 = arith.constant 0 : i32
      %parallel_loop3A_320 = arith.constant 768 : i32
      %parallel_loop3A_321 = arith.constant 16 : i32
      scf.for %parallel_loop3A_452 = %parallel_loop3A_319 to %parallel_loop3A_320 step %parallel_loop3A_321  : i32 {
        %parallel_loop3A_453 = arith.index_cast %sub3A_318 : i32 to index
        %parallel_loop3A_454 = arith.index_cast %parallel_loop3A_452 : i32 to index
        %parallel_loop3A_455 = tpu.vector_load %arg7[%parallel_loop3A_453, %parallel_loop3A_454] {strides = array<i32>} : memref<16x768xf32, #tpu.memory_space<vmem>>, vector<1x16xf32>,
        %parallel_loop3A_456 = vector.shape_cast %parallel_loop3A_455 : vector<1x16xf32> to vector<16xf32>
        %parallel_loop3A_457 = arith.constant 0 : i32
        %parallel_loop3A_458 = arith.index_cast %parallel_loop3A_457 : i32 to index
        %parallel_loop3A_459 = arith.index_cast %parallel_loop3A_452 : i32 to index
        %parallel_loop3A_460 = tpu.vector_load %arg10[%parallel_loop3A_458, %parallel_loop3A_459] {strides = array<i32>} : memref<16x768xf32, #tpu.memory_space<vmem>>, vector<1x16xf32>,
        %parallel_loop3A_461 = vector.shape_cast %parallel_loop3A_460 : vector<1x16xf32> to vector<16xf32>
        %parallel_loop3A_462 = arith.addf %parallel_loop3A_461, %parallel_loop3A_456 : vector<16xf32>
        %parallel_loop3A_463 = arith.constant 0 : i32
        %parallel_loop3A_464 = arith.index_cast %parallel_loop3A_463 : i32 to index
        %parallel_loop3A_465 = arith.index_cast %parallel_loop3A_452 : i32 to index
        %parallel_loop3A_466 = tpu.vector_load %arg14[%parallel_loop3A_464, %parallel_loop3A_465] {strides = array<i32>} : memref<16x768xf32, #tpu.memory_space<vmem>>, vector<1x16xf32>,
        %parallel_loop3A_467 = vector.shape_cast %parallel_loop3A_466 : vector<1x16xf32> to vector<16xf32>
        %parallel_loop3A_468 = vector.shape_cast %parallel_loop3A_462 : vector<16xf32> to vector<1x16xf32>
        tpu.vector_store %arg14[%parallel_loop3A_464, %parallel_loop3A_465], %parallel_loop3A_468 {strides = array<i32>} : memref<16x768xf32, #tpu.memory_space<vmem>>, vector<1x16xf32>,
        %parallel_loop3A_469 = arith.constant 1 : i32
        %parallel_loop3A_470 = arith.index_cast %parallel_loop3A_469 : i32 to index
        %parallel_loop3A_471 = arith.index_cast %parallel_loop3A_452 : i32 to index
        %parallel_loop3A_472 = tpu.vector_load %arg10[%parallel_loop3A_470, %parallel_loop3A_471] {strides = array<i32>} : memref<16x768xf32, #tpu.memory_space<vmem>>, vector<1x16xf32>,
        %parallel_loop3A_473 = vector.shape_cast %parallel_loop3A_472 : vector<1x16xf32> to vector<16xf32>
        %parallel_loop3A_474 = arith.addf %parallel_loop3A_473, %parallel_loop3A_456 : vector<16xf32>
        %parallel_loop3A_475 = arith.constant 1 : i32
        %parallel_loop3A_476 = arith.index_cast %parallel_loop3A_475 : i32 to index
        %parallel_loop3A_477 = arith.index_cast %parallel_loop3A_452 : i32 to index
        %parallel_loop3A_478 = tpu.vector_load %arg14[%parallel_loop3A_476, %parallel_loop3A_477] {strides = array<i32>} : memref<16x768xf32, #tpu.memory_space<vmem>>, vector<1x16xf32>,
        %parallel_loop3A_479 = vector.shape_cast %parallel_loop3A_478 : vector<1x16xf32> to vector<16xf32>
        %parallel_loop3A_480 = vector.shape_cast %parallel_loop3A_474 : vector<16xf32> to vector<1x16xf32>
        tpu.vector_store %arg14[%parallel_loop3A_476, %parallel_loop3A_477], %parallel_loop3A_480 {strides = array<i32>} : memref<16x768xf32, #tpu.memory_space<vmem>>, vector<1x16xf32>,
        %parallel_loop3A_481 = arith.constant 2 : i32
        %parallel_loop3A_482 = arith.index_cast %parallel_loop3A_481 : i32 to index
        %parallel_loop3A_483 = arith.index_cast %parallel_loop3A_452 : i32 to index
        %parallel_loop3A_484 = tpu.vector_load %arg10[%parallel_loop3A_482, %parallel_loop3A_483] {strides = array<i32>} : memref<16x768xf32, #tpu.memory_space<vmem>>, vector<1x16xf32>,
        %parallel_loop3A_485 = vector.shape_cast %parallel_loop3A_484 : vector<1x16xf32> to vector<16xf32>
        %parallel_loop3A_486 = arith.addf %parallel_loop3A_485, %parallel_loop3A_456 : vector<16xf32>
        %parallel_loop3A_487 = arith.constant 2 : i32
        %parallel_loop3A_488 = arith.index_cast %parallel_loop3A_487 : i32 to index
        %parallel_loop3A_489 = arith.index_cast %parallel_loop3A_452 : i32 to index
        %parallel_loop3A_490 = tpu.vector_load %arg14[%parallel_loop3A_488, %parallel_loop3A_489] {strides = array<i32>} : memref<16x768xf32, #tpu.memory_space<vmem>>, vector<1x16xf32>,
        %parallel_loop3A_491 = vector.shape_cast %parallel_loop3A_490 : vector<1x16xf32> to vector<16xf32>
        %parallel_loop3A_492 = vector.shape_cast %parallel_loop3A_486 : vector<16xf32> to vector<1x16xf32>
        tpu.vector_store %arg14[%parallel_loop3A_488, %parallel_loop3A_489], %parallel_loop3A_492 {strides = array<i32>} : memref<16x768xf32, #tpu.memory_space<vmem>>, vector<1x16xf32>,
        %parallel_loop3A_493 = arith.constant 3 : i32
        %parallel_loop3A_494 = arith.index_cast %parallel_loop3A_493 : i32 to index
        %parallel_loop3A_495 = arith.index_cast %parallel_loop3A_452 : i32 to index
        %parallel_loop3A_496 = tpu.vector_load %arg10[%parallel_loop3A_494, %parallel_loop3A_495] {strides = array<i32>} : memref<16x768xf32, #tpu.memory_space<vmem>>, vector<1x16xf32>,
        %parallel_loop3A_497 = vector.shape_cast %parallel_loop3A_496 : vector<1x16xf32> to vector<16xf32>
        %parallel_loop3A_498 = arith.addf %parallel_loop3A_497, %parallel_loop3A_456 : vector<16xf32>
        %parallel_loop3A_499 = arith.constant 3 : i32
        %parallel_loop3A_500 = arith.index_cast %parallel_loop3A_499 : i32 to index
        %parallel_loop3A_501 = arith.index_cast %parallel_loop3A_452 : i32 to index
        %parallel_loop3A_502 = tpu.vector_load %arg14[%parallel_loop3A_500, %parallel_loop3A_501] {strides = array<i32>} : memref<16x768xf32, #tpu.memory_space<vmem>>, vector<1x16xf32>,
        %parallel_loop3A_503 = vector.shape_cast %parallel_loop3A_502 : vector<1x16xf32> to vector<16xf32>
        %parallel_loop3A_504 = vector.shape_cast %parallel_loop3A_498 : vector<16xf32> to vector<1x16xf32>
        tpu.vector_store %arg14[%parallel_loop3A_500, %parallel_loop3A_501], %parallel_loop3A_504 {strides = array<i32>} : memref<16x768xf32, #tpu.memory_space<vmem>>, vector<1x16xf32>,
        %parallel_loop3A_505 = arith.constant 4 : i32
        %parallel_loop3A_506 = arith.index_cast %parallel_loop3A_505 : i32 to index
        %parallel_loop3A_507 = arith.index_cast %parallel_loop3A_452 : i32 to index
        %parallel_loop3A_508 = tpu.vector_load %arg10[%parallel_loop3A_506, %parallel_loop3A_507] {strides = array<i32>} : memref<16x768xf32, #tpu.memory_space<vmem>>, vector<1x16xf32>,
        %parallel_loop3A_509 = vector.shape_cast %parallel_loop3A_508 : vector<1x16xf32> to vector<16xf32>
        %parallel_loop3A_510 = arith.addf %parallel_loop3A_509, %parallel_loop3A_456 : vector<16xf32>
        %parallel_loop3A_511 = arith.constant 4 : i32
        %parallel_loop3A_512 = arith.index_cast %parallel_loop3A_511 : i32 to index
        %parallel_loop3A_513 = arith.index_cast %parallel_loop3A_452 : i32 to index
        %parallel_loop3A_514 = tpu.vector_load %arg14[%parallel_loop3A_512, %parallel_loop3A_513] {strides = array<i32>} : memref<16x768xf32, #tpu.memory_space<vmem>>, vector<1x16xf32>,
        %parallel_loop3A_515 = vector.shape_cast %parallel_loop3A_514 : vector<1x16xf32> to vector<16xf32>
        %parallel_loop3A_516 = vector.shape_cast %parallel_loop3A_510 : vector<16xf32> to vector<1x16xf32>
        tpu.vector_store %arg14[%parallel_loop3A_512, %parallel_loop3A_513], %parallel_loop3A_516 {strides = array<i32>} : memref<16x768xf32, #tpu.memory_space<vmem>>, vector<1x16xf32>,
        %parallel_loop3A_517 = arith.constant 5 : i32
        %parallel_loop3A_518 = arith.index_cast %parallel_loop3A_517 : i32 to index
        %parallel_loop3A_519 = arith.index_cast %parallel_loop3A_452 : i32 to index
        %parallel_loop3A_520 = tpu.vector_load %arg10[%parallel_loop3A_518, %parallel_loop3A_519] {strides = array<i32>} : memref<16x768xf32, #tpu.memory_space<vmem>>, vector<1x16xf32>,
        %parallel_loop3A_521 = vector.shape_cast %parallel_loop3A_520 : vector<1x16xf32> to vector<16xf32>
        %parallel_loop3A_522 = arith.addf %parallel_loop3A_521, %parallel_loop3A_456 : vector<16xf32>
        %parallel_loop3A_523 = arith.constant 5 : i32
        %parallel_loop3A_524 = arith.index_cast %parallel_loop3A_523 : i32 to index
        %parallel_loop3A_525 = arith.index_cast %parallel_loop3A_452 : i32 to index
        %parallel_loop3A_526 = tpu.vector_load %arg14[%parallel_loop3A_524, %parallel_loop3A_525] {strides = array<i32>} : memref<16x768xf32, #tpu.memory_space<vmem>>, vector<1x16xf32>,
        %parallel_loop3A_527 = vector.shape_cast %parallel_loop3A_526 : vector<1x16xf32> to vector<16xf32>
        %parallel_loop3A_528 = vector.shape_cast %parallel_loop3A_522 : vector<16xf32> to vector<1x16xf32>
        tpu.vector_store %arg14[%parallel_loop3A_524, %parallel_loop3A_525], %parallel_loop3A_528 {strides = array<i32>} : memref<16x768xf32, #tpu.memory_space<vmem>>, vector<1x16xf32>,
        %parallel_loop3A_529 = arith.constant 6 : i32
        %parallel_loop3A_530 = arith.index_cast %parallel_loop3A_529 : i32 to index
        %parallel_loop3A_531 = arith.index_cast %parallel_loop3A_452 : i32 to index
        %parallel_loop3A_532 = tpu.vector_load %arg10[%parallel_loop3A_530, %parallel_loop3A_531] {strides = array<i32>} : memref<16x768xf32, #tpu.memory_space<vmem>>, vector<1x16xf32>,
        %parallel_loop3A_533 = vector.shape_cast %parallel_loop3A_532 : vector<1x16xf32> to vector<16xf32>
        %parallel_loop3A_534 = arith.addf %parallel_loop3A_533, %parallel_loop3A_456 : vector<16xf32>
        %parallel_loop3A_535 = arith.constant 6 : i32
        %parallel_loop3A_536 = arith.index_cast %parallel_loop3A_535 : i32 to index
        %parallel_loop3A_537 = arith.index_cast %parallel_loop3A_452 : i32 to index
        %parallel_loop3A_538 = tpu.vector_load %arg14[%parallel_loop3A_536, %parallel_loop3A_537] {strides = array<i32>} : memref<16x768xf32, #tpu.memory_space<vmem>>, vector<1x16xf32>,
        %parallel_loop3A_539 = vector.shape_cast %parallel_loop3A_538 : vector<1x16xf32> to vector<16xf32>
        %parallel_loop3A_540 = vector.shape_cast %parallel_loop3A_534 : vector<16xf32> to vector<1x16xf32>
        tpu.vector_store %arg14[%parallel_loop3A_536, %parallel_loop3A_537], %parallel_loop3A_540 {strides = array<i32>} : memref<16x768xf32, #tpu.memory_space<vmem>>, vector<1x16xf32>,
        %parallel_loop3A_541 = arith.constant 7 : i32
        %parallel_loop3A_542 = arith.index_cast %parallel_loop3A_541 : i32 to index
        %parallel_loop3A_543 = arith.index_cast %parallel_loop3A_452 : i32 to index
        %parallel_loop3A_544 = tpu.vector_load %arg10[%parallel_loop3A_542, %parallel_loop3A_543] {strides = array<i32>} : memref<16x768xf32, #tpu.memory_space<vmem>>, vector<1x16xf32>,
        %parallel_loop3A_545 = vector.shape_cast %parallel_loop3A_544 : vector<1x16xf32> to vector<16xf32>
        %parallel_loop3A_546 = arith.addf %parallel_loop3A_545, %parallel_loop3A_456 : vector<16xf32>
        %parallel_loop3A_547 = arith.constant 7 : i32
        %parallel_loop3A_548 = arith.index_cast %parallel_loop3A_547 : i32 to index
        %parallel_loop3A_549 = arith.index_cast %parallel_loop3A_452 : i32 to index
        %parallel_loop3A_550 = tpu.vector_load %arg14[%parallel_loop3A_548, %parallel_loop3A_549] {strides = array<i32>} : memref<16x768xf32, #tpu.memory_space<vmem>>, vector<1x16xf32>,
        %parallel_loop3A_551 = vector.shape_cast %parallel_loop3A_550 : vector<1x16xf32> to vector<16xf32>
        %parallel_loop3A_552 = vector.shape_cast %parallel_loop3A_546 : vector<16xf32> to vector<1x16xf32>
        tpu.vector_store %arg14[%parallel_loop3A_548, %parallel_loop3A_549], %parallel_loop3A_552 {strides = array<i32>} : memref<16x768xf32, #tpu.memory_space<vmem>>, vector<1x16xf32>,
        %parallel_loop3A_553 = arith.constant 8 : i32
        %parallel_loop3A_554 = arith.index_cast %parallel_loop3A_553 : i32 to index
        %parallel_loop3A_555 = arith.index_cast %parallel_loop3A_452 : i32 to index
        %parallel_loop3A_556 = tpu.vector_load %arg10[%parallel_loop3A_554, %parallel_loop3A_555] {strides = array<i32>} : memref<16x768xf32, #tpu.memory_space<vmem>>, vector<1x16xf32>,
        %parallel_loop3A_557 = vector.shape_cast %parallel_loop3A_556 : vector<1x16xf32> to vector<16xf32>
        %parallel_loop3A_558 = arith.addf %parallel_loop3A_557, %parallel_loop3A_456 : vector<16xf32>
        %parallel_loop3A_559 = arith.constant 8 : i32
        %parallel_loop3A_560 = arith.index_cast %parallel_loop3A_559 : i32 to index
        %parallel_loop3A_561 = arith.index_cast %parallel_loop3A_452 : i32 to index
        %parallel_loop3A_562 = tpu.vector_load %arg14[%parallel_loop3A_560, %parallel_loop3A_561] {strides = array<i32>} : memref<16x768xf32, #tpu.memory_space<vmem>>, vector<1x16xf32>,
        %parallel_loop3A_563 = vector.shape_cast %parallel_loop3A_562 : vector<1x16xf32> to vector<16xf32>
        %parallel_loop3A_564 = vector.shape_cast %parallel_loop3A_558 : vector<16xf32> to vector<1x16xf32>
        tpu.vector_store %arg14[%parallel_loop3A_560, %parallel_loop3A_561], %parallel_loop3A_564 {strides = array<i32>} : memref<16x768xf32, #tpu.memory_space<vmem>>, vector<1x16xf32>,
        %parallel_loop3A_565 = arith.constant 9 : i32
        %parallel_loop3A_566 = arith.index_cast %parallel_loop3A_565 : i32 to index
        %parallel_loop3A_567 = arith.index_cast %parallel_loop3A_452 : i32 to index
        %parallel_loop3A_568 = tpu.vector_load %arg10[%parallel_loop3A_566, %parallel_loop3A_567] {strides = array<i32>} : memref<16x768xf32, #tpu.memory_space<vmem>>, vector<1x16xf32>,
        %parallel_loop3A_569 = vector.shape_cast %parallel_loop3A_568 : vector<1x16xf32> to vector<16xf32>
        %parallel_loop3A_570 = arith.addf %parallel_loop3A_569, %parallel_loop3A_456 : vector<16xf32>
        %parallel_loop3A_571 = arith.constant 9 : i32
        %parallel_loop3A_572 = arith.index_cast %parallel_loop3A_571 : i32 to index
        %parallel_loop3A_573 = arith.index_cast %parallel_loop3A_452 : i32 to index
        %parallel_loop3A_574 = tpu.vector_load %arg14[%parallel_loop3A_572, %parallel_loop3A_573] {strides = array<i32>} : memref<16x768xf32, #tpu.memory_space<vmem>>, vector<1x16xf32>,
        %parallel_loop3A_575 = vector.shape_cast %parallel_loop3A_574 : vector<1x16xf32> to vector<16xf32>
        %parallel_loop3A_576 = vector.shape_cast %parallel_loop3A_570 : vector<16xf32> to vector<1x16xf32>
        tpu.vector_store %arg14[%parallel_loop3A_572, %parallel_loop3A_573], %parallel_loop3A_576 {strides = array<i32>} : memref<16x768xf32, #tpu.memory_space<vmem>>, vector<1x16xf32>,
        %parallel_loop3A_577 = arith.constant 10 : i32
        %parallel_loop3A_578 = arith.index_cast %parallel_loop3A_577 : i32 to index
        %parallel_loop3A_579 = arith.index_cast %parallel_loop3A_452 : i32 to index
        %parallel_loop3A_580 = tpu.vector_load %arg10[%parallel_loop3A_578, %parallel_loop3A_579] {strides = array<i32>} : memref<16x768xf32, #tpu.memory_space<vmem>>, vector<1x16xf32>,
        %parallel_loop3A_581 = vector.shape_cast %parallel_loop3A_580 : vector<1x16xf32> to vector<16xf32>
        %parallel_loop3A_582 = arith.addf %parallel_loop3A_581, %parallel_loop3A_456 : vector<16xf32>
        %parallel_loop3A_583 = arith.constant 10 : i32
        %parallel_loop3A_584 = arith.index_cast %parallel_loop3A_583 : i32 to index
        %parallel_loop3A_585 = arith.index_cast %parallel_loop3A_452 : i32 to index
        %parallel_loop3A_586 = tpu.vector_load %arg14[%parallel_loop3A_584, %parallel_loop3A_585] {strides = array<i32>} : memref<16x768xf32, #tpu.memory_space<vmem>>, vector<1x16xf32>,
        %parallel_loop3A_587 = vector.shape_cast %parallel_loop3A_586 : vector<1x16xf32> to vector<16xf32>
        %parallel_loop3A_588 = vector.shape_cast %parallel_loop3A_582 : vector<16xf32> to vector<1x16xf32>
        tpu.vector_store %arg14[%parallel_loop3A_584, %parallel_loop3A_585], %parallel_loop3A_588 {strides = array<i32>} : memref<16x768xf32, #tpu.memory_space<vmem>>, vector<1x16xf32>,
        %parallel_loop3A_589 = arith.constant 11 : i32
        %parallel_loop3A_590 = arith.index_cast %parallel_loop3A_589 : i32 to index
        %parallel_loop3A_591 = arith.index_cast %parallel_loop3A_452 : i32 to index
        %parallel_loop3A_592 = tpu.vector_load %arg10[%parallel_loop3A_590, %parallel_loop3A_591] {strides = array<i32>} : memref<16x768xf32, #tpu.memory_space<vmem>>, vector<1x16xf32>,
        %parallel_loop3A_593 = vector.shape_cast %parallel_loop3A_592 : vector<1x16xf32> to vector<16xf32>
        %parallel_loop3A_594 = arith.addf %parallel_loop3A_593, %parallel_loop3A_456 : vector<16xf32>
        %parallel_loop3A_595 = arith.constant 11 : i32
        %parallel_loop3A_596 = arith.index_cast %parallel_loop3A_595 : i32 to index
        %parallel_loop3A_597 = arith.index_cast %parallel_loop3A_452 : i32 to index
        %parallel_loop3A_598 = tpu.vector_load %arg14[%parallel_loop3A_596, %parallel_loop3A_597] {strides = array<i32>} : memref<16x768xf32, #tpu.memory_space<vmem>>, vector<1x16xf32>,
        %parallel_loop3A_599 = vector.shape_cast %parallel_loop3A_598 : vector<1x16xf32> to vector<16xf32>
        %parallel_loop3A_600 = vector.shape_cast %parallel_loop3A_594 : vector<16xf32> to vector<1x16xf32>
        tpu.vector_store %arg14[%parallel_loop3A_596, %parallel_loop3A_597], %parallel_loop3A_600 {strides = array<i32>} : memref<16x768xf32, #tpu.memory_space<vmem>>, vector<1x16xf32>,
        %parallel_loop3A_601 = arith.constant 12 : i32
        %parallel_loop3A_602 = arith.index_cast %parallel_loop3A_601 : i32 to index
        %parallel_loop3A_603 = arith.index_cast %parallel_loop3A_452 : i32 to index
        %parallel_loop3A_604 = tpu.vector_load %arg10[%parallel_loop3A_602, %parallel_loop3A_603] {strides = array<i32>} : memref<16x768xf32, #tpu.memory_space<vmem>>, vector<1x16xf32>,
        %parallel_loop3A_605 = vector.shape_cast %parallel_loop3A_604 : vector<1x16xf32> to vector<16xf32>
        %parallel_loop3A_606 = arith.addf %parallel_loop3A_605, %parallel_loop3A_456 : vector<16xf32>
        %parallel_loop3A_607 = arith.constant 12 : i32
        %parallel_loop3A_608 = arith.index_cast %parallel_loop3A_607 : i32 to index
        %parallel_loop3A_609 = arith.index_cast %parallel_loop3A_452 : i32 to index
        %parallel_loop3A_610 = tpu.vector_load %arg14[%parallel_loop3A_608, %parallel_loop3A_609] {strides = array<i32>} : memref<16x768xf32, #tpu.memory_space<vmem>>, vector<1x16xf32>,
        %parallel_loop3A_611 = vector.shape_cast %parallel_loop3A_610 : vector<1x16xf32> to vector<16xf32>
        %parallel_loop3A_612 = vector.shape_cast %parallel_loop3A_606 : vector<16xf32> to vector<1x16xf32>
        tpu.vector_store %arg14[%parallel_loop3A_608, %parallel_loop3A_609], %parallel_loop3A_612 {strides = array<i32>} : memref<16x768xf32, #tpu.memory_space<vmem>>, vector<1x16xf32>,
        %parallel_loop3A_613 = arith.constant 13 : i32
        %parallel_loop3A_614 = arith.index_cast %parallel_loop3A_613 : i32 to index
        %parallel_loop3A_615 = arith.index_cast %parallel_loop3A_452 : i32 to index
        %parallel_loop3A_616 = tpu.vector_load %arg10[%parallel_loop3A_614, %parallel_loop3A_615] {strides = array<i32>} : memref<16x768xf32, #tpu.memory_space<vmem>>, vector<1x16xf32>,
        %parallel_loop3A_617 = vector.shape_cast %parallel_loop3A_616 : vector<1x16xf32> to vector<16xf32>
        %parallel_loop3A_618 = arith.addf %parallel_loop3A_617, %parallel_loop3A_456 : vector<16xf32>
        %parallel_loop3A_619 = arith.constant 13 : i32
        %parallel_loop3A_620 = arith.index_cast %parallel_loop3A_619 : i32 to index
        %parallel_loop3A_621 = arith.index_cast %parallel_loop3A_452 : i32 to index
        %parallel_loop3A_622 = tpu.vector_load %arg14[%parallel_loop3A_620, %parallel_loop3A_621] {strides = array<i32>} : memref<16x768xf32, #tpu.memory_space<vmem>>, vector<1x16xf32>,
        %parallel_loop3A_623 = vector.shape_cast %parallel_loop3A_622 : vector<1x16xf32> to vector<16xf32>
        %parallel_loop3A_624 = vector.shape_cast %parallel_loop3A_618 : vector<16xf32> to vector<1x16xf32>
        tpu.vector_store %arg14[%parallel_loop3A_620, %parallel_loop3A_621], %parallel_loop3A_624 {strides = array<i32>} : memref<16x768xf32, #tpu.memory_space<vmem>>, vector<1x16xf32>,
        %parallel_loop3A_625 = arith.constant 14 : i32
        %parallel_loop3A_626 = arith.index_cast %parallel_loop3A_625 : i32 to index
        %parallel_loop3A_627 = arith.index_cast %parallel_loop3A_452 : i32 to index
        %parallel_loop3A_628 = tpu.vector_load %arg10[%parallel_loop3A_626, %parallel_loop3A_627] {strides = array<i32>} : memref<16x768xf32, #tpu.memory_space<vmem>>, vector<1x16xf32>,
        %parallel_loop3A_629 = vector.shape_cast %parallel_loop3A_628 : vector<1x16xf32> to vector<16xf32>
        %parallel_loop3A_630 = arith.addf %parallel_loop3A_629, %parallel_loop3A_456 : vector<16xf32>
        %parallel_loop3A_631 = arith.constant 14 : i32
        %parallel_loop3A_632 = arith.index_cast %parallel_loop3A_631 : i32 to index
        %parallel_loop3A_633 = arith.index_cast %parallel_loop3A_452 : i32 to index
        %parallel_loop3A_634 = tpu.vector_load %arg14[%parallel_loop3A_632, %parallel_loop3A_633] {strides = array<i32>} : memref<16x768xf32, #tpu.memory_space<vmem>>, vector<1x16xf32>,
        %parallel_loop3A_635 = vector.shape_cast %parallel_loop3A_634 : vector<1x16xf32> to vector<16xf32>
        %parallel_loop3A_636 = vector.shape_cast %parallel_loop3A_630 : vector<16xf32> to vector<1x16xf32>
        tpu.vector_store %arg14[%parallel_loop3A_632, %parallel_loop3A_633], %parallel_loop3A_636 {strides = array<i32>} : memref<16x768xf32, #tpu.memory_space<vmem>>, vector<1x16xf32>,
        %parallel_loop3A_637 = arith.constant 15 : i32
        %parallel_loop3A_638 = arith.index_cast %parallel_loop3A_637 : i32 to index
        %parallel_loop3A_639 = arith.index_cast %parallel_loop3A_452 : i32 to index
        %parallel_loop3A_640 = tpu.vector_load %arg10[%parallel_loop3A_638, %parallel_loop3A_639] {strides = array<i32>} : memref<16x768xf32, #tpu.memory_space<vmem>>, vector<1x16xf32>,
        %parallel_loop3A_641 = vector.shape_cast %parallel_loop3A_640 : vector<1x16xf32> to vector<16xf32>
        %parallel_loop3A_642 = arith.addf %parallel_loop3A_641, %parallel_loop3A_456 : vector<16xf32>
        %parallel_loop3A_643 = arith.constant 15 : i32
        %parallel_loop3A_644 = arith.index_cast %parallel_loop3A_643 : i32 to index
        %parallel_loop3A_645 = arith.index_cast %parallel_loop3A_452 : i32 to index
        %parallel_loop3A_646 = tpu.vector_load %arg14[%parallel_loop3A_644, %parallel_loop3A_645] {strides = array<i32>} : memref<16x768xf32, #tpu.memory_space<vmem>>, vector<1x16xf32>,
        %parallel_loop3A_647 = vector.shape_cast %parallel_loop3A_646 : vector<1x16xf32> to vector<16xf32>
        %parallel_loop3A_648 = vector.shape_cast %parallel_loop3A_642 : vector<16xf32> to vector<1x16xf32>
        tpu.vector_store %arg14[%parallel_loop3A_644, %parallel_loop3A_645], %parallel_loop3A_648 {strides = array<i32>} : memref<16x768xf32, #tpu.memory_space<vmem>>, vector<1x16xf32>,
      } {sc.loop_unroll_factor = 16 : i64, sc.parallel_access}
      %add3A_322 = arith.constant 4 : i32
      %add3A_323 = arith.addi %add3A_279, %add3A_322 : i32
      %lt3A_324 = arith.constant 616 : i32
      %lt3A_325 = arith.cmpi slt, %add3A_323, %lt3A_324 : i32
      %convert_element_type3A_326 = arith.extui %lt3A_325 : i1 to i32
      %cond3A_327 = arith.constant 0 : i32
      %cond3A_328 = arith.cmpi ne, %convert_element_type3A_326, %cond3A_327 : i32
      scf.if %cond3A_328 {
        %add3A_452 = arith.constant 4 : i32
        %add3A_453 = arith.addi %add3A_279, %add3A_452 : i32
        %mul3A_454 = arith.constant 16 : i32
        %mul3A_455 = arith.muli %add3A_453, %mul3A_454 : i32
        %dma_start3A_456 = tpu.memref_slice %arg6[%mul3A_455] : memref<9856xi32, #tpu.memory_space<vmem>> -> memref<16xi32, #tpu.memory_space<vmem>>
        %dma_start3A_457 = arith.constant 0 : i32
        %dma_start3A_458 = arith.constant 0 : i32
        %dma_start3A_459 = tpu.memref_slice %arg3[%dma_start3A_457, %dma_start3A_458] : memref<49408x768xf32, #tpu.memory_space<hbm>> -> memref<49408x768xf32, #tpu.memory_space<hbm>>
        tpu.enqueue_indirect_dma source(%dma_start3A_459 : memref<49408x768xf32, #tpu.memory_space<hbm>>) target(%arg10 : memref<16x768xf32, #tpu.memory_space<vmem>>) offsets(%dma_start3A_456 : memref<16xi32, #tpu.memory_space<vmem>>) semaphore(%arg18 : memref<!tpu.dma_semaphore, #tpu.memory_space<semaphore_mem>>)
      } else {
      }
      %mul3A_329 = arith.constant 16 : i32
      %mul3A_330 = arith.muli %add3A_279, %mul3A_329 : i32
      %add3A_331 = arith.addi %mul3A_2, %mul3A_330 : i32
      %jit3A_332 = arith.constant 4096 : i32
      %div3A_333 = arith.divsi %add3A_331, %jit3A_332 : i32
      %sign3A_334 = arith.constant 0 : i32
      %sign3A_335 = arith.cmpi sgt, %add3A_331, %sign3A_334 : i32
      %sign3A_336 = arith.extui %sign3A_335 : i1 to i32
      %sign3A_337 = arith.constant 0 : i32
      %sign3A_338 = arith.cmpi slt, %add3A_331, %sign3A_337 : i32
      %sign3A_339 = arith.extui %sign3A_338 : i1 to i32
      %sign3A_340 = arith.subi %sign3A_336, %sign3A_339 : i32
      %sign3A_341 = arith.constant 0 : i32
      %sign3A_342 = arith.cmpi sgt, %jit3A_332, %sign3A_341 : i32
      %sign3A_343 = arith.extui %sign3A_342 : i1 to i32
      %sign3A_344 = arith.constant 0 : i32
      %sign3A_345 = arith.cmpi slt, %jit3A_332, %sign3A_344 : i32
      %sign3A_346 = arith.extui %sign3A_345 : i1 to i32
      %sign3A_347 = arith.subi %sign3A_343, %sign3A_346 : i32
      %ne3A_348 = arith.cmpi ne, %sign3A_340, %sign3A_347 : i32
      %rem3A_349 = arith.remsi %add3A_331, %jit3A_332 : i32
      %ne3A_350 = arith.constant 0 : i32
      %ne3A_351 = arith.cmpi ne, %rem3A_349, %ne3A_350 : i32
      %and3A_352 = arith.andi %ne3A_348, %ne3A_351 : i1
      %sub3A_353 = arith.constant 1 : i32
      %sub3A_354 = arith.subi %div3A_333, %sub3A_353 : i32
      %select_n3A_355 = arith.select %and3A_352, %sub3A_354, %div3A_333 : i32
      %rem3A_356 = arith.constant 4096 : i32
      %rem3A_357 = arith.remsi %add3A_331, %rem3A_356 : i32
      %dma_start3A_358 = arith.constant 0 : i32
      %dma_start3A_359 = tpu.memref_slice %arg5[%select_n3A_355, %rem3A_357, %dma_start3A_358] : memref<77x4096x768xf32, #tpu.memory_space<hbm>> -> memref<1x16x768xf32, #tpu.memory_space<hbm>>
      %dma_start3A_360 = tpu.memref_squeeze %dma_start3A_359 : memref<1x16x768xf32, #tpu.memory_space<hbm>> -> memref<16x768xf32, #tpu.memory_space<hbm>>
      %dma_start3A_361 = arith.constant 0 : i32
      %dma_start3A_362 = tpu.memref_slice %arg5[%select_n3A_355, %rem3A_357, %dma_start3A_361] : memref<77x4096x768xf32, #tpu.memory_space<hbm>> -> memref<1x16x768xf32, #tpu.memory_space<hbm>>
      %dma_start3A_363 = tpu.memref_squeeze %dma_start3A_362 : memref<1x16x768xf32, #tpu.memory_space<hbm>> -> memref<16x768xf32, #tpu.memory_space<hbm>>
      tpu.enqueue_dma source(%arg14 : memref<16x768xf32, #tpu.memory_space<vmem>>) target(%dma_start3A_363 : memref<16x768xf32, #tpu.memory_space<hbm>>) target_semaphore(%arg22 : memref<!tpu.dma_semaphore, #tpu.memory_space<semaphore_mem>>)
      %mul3A_364 = arith.constant 4 : i32
      %mul3A_365 = arith.muli %scan3A_104, %mul3A_364 : i32
      %add3A_366 = arith.constant 3 : i32
      %add3A_367 = arith.addi %mul3A_365, %add3A_366 : i32
      %dma_wait3A_368 = arith.constant 0 : i32
      %dma_wait3A_369 = arith.constant 0 : i32
      %dma_wait3A_370 = tpu.memref_slice %arg3[%dma_wait3A_368, %dma_wait3A_369] : memref<49408x768xf32, #tpu.memory_space<hbm>> -> memref<16x768xf32, #tpu.memory_space<hbm>>
      %dma_wait3A_371 = arith.constant 0 : i32
      %dma_wait3A_372 = arith.constant 0 : i32
      %dma_wait3A_373 = tpu.memref_slice %arg3[%dma_wait3A_371, %dma_wait3A_372] : memref<49408x768xf32, #tpu.memory_space<hbm>> -> memref<16x768xf32, #tpu.memory_space<hbm>>
      tpu.wait_dma2 semaphore(%arg19 : memref<!tpu.dma_semaphore, #tpu.memory_space<semaphore_mem>>) src(%dma_wait3A_373 : memref<16x768xf32, #tpu.memory_space<hbm>>) dst(%arg11 : memref<16x768xf32, #tpu.memory_space<vmem>>)
      %ge3A_374 = arith.constant 4 : i32
      %ge3A_375 = arith.cmpi sge, %add3A_367, %ge3A_374 : i32
      %convert_element_type3A_376 = arith.extui %ge3A_375 : i1 to i32
      %cond3A_377 = arith.constant 0 : i32
      %cond3A_378 = arith.cmpi ne, %convert_element_type3A_376, %cond3A_377 : i32
      scf.if %cond3A_378 {
        %dma_wait3A_452 = arith.constant 0 : i32
        %dma_wait3A_453 = arith.constant 0 : i32
        %dma_wait3A_454 = arith.constant 0 : i32
        %dma_wait3A_455 = tpu.memref_slice %arg5[%dma_wait3A_452, %dma_wait3A_453, %dma_wait3A_454] : memref<77x4096x768xf32, #tpu.memory_space<hbm>> -> memref<1x16x768xf32, #tpu.memory_space<hbm>>
        %dma_wait3A_456 = tpu.memref_squeeze %dma_wait3A_455 : memref<1x16x768xf32, #tpu.memory_space<hbm>> -> memref<16x768xf32, #tpu.memory_space<hbm>>
        %dma_wait3A_457 = arith.constant 0 : i32
        %dma_wait3A_458 = arith.constant 0 : i32
        %dma_wait3A_459 = tpu.memref_slice %arg5[%dma_wait3A_452, %dma_wait3A_457, %dma_wait3A_458] : memref<77x4096x768xf32, #tpu.memory_space<hbm>> -> memref<1x16x768xf32, #tpu.memory_space<hbm>>
        %dma_wait3A_460 = tpu.memref_squeeze %dma_wait3A_459 : memref<1x16x768xf32, #tpu.memory_space<hbm>> -> memref<16x768xf32, #tpu.memory_space<hbm>>
        tpu.wait_dma2 semaphore(%arg23 : memref<!tpu.dma_semaphore, #tpu.memory_space<semaphore_mem>>) src(%arg15 : memref<16x768xf32, #tpu.memory_space<vmem>>) dst(%dma_wait3A_460 : memref<16x768xf32, #tpu.memory_space<hbm>>)
      } else {
      }
      %mul3A_379 = arith.constant 16 : i32
      %mul3A_380 = arith.muli %add3A_367, %mul3A_379 : i32
      %add3A_381 = arith.addi %mul3A_2, %mul3A_380 : i32
      %jit3A_382 = arith.constant 4096 : i32
      %div3A_383 = arith.divsi %add3A_381, %jit3A_382 : i32
      %sign3A_384 = arith.constant 0 : i32
      %sign3A_385 = arith.cmpi sgt, %add3A_381, %sign3A_384 : i32
      %sign3A_386 = arith.extui %sign3A_385 : i1 to i32
      %sign3A_387 = arith.constant 0 : i32
      %sign3A_388 = arith.cmpi slt, %add3A_381, %sign3A_387 : i32
      %sign3A_389 = arith.extui %sign3A_388 : i1 to i32
      %sign3A_390 = arith.subi %sign3A_386, %sign3A_389 : i32
      %sign3A_391 = arith.constant 0 : i32
      %sign3A_392 = arith.cmpi sgt, %jit3A_382, %sign3A_391 : i32
      %sign3A_393 = arith.extui %sign3A_392 : i1 to i32
      %sign3A_394 = arith.constant 0 : i32
      %sign3A_395 = arith.cmpi slt, %jit3A_382, %sign3A_394 : i32
      %sign3A_396 = arith.extui %sign3A_395 : i1 to i32
      %sign3A_397 = arith.subi %sign3A_393, %sign3A_396 : i32
      %ne3A_398 = arith.cmpi ne, %sign3A_390, %sign3A_397 : i32
      %rem3A_399 = arith.remsi %add3A_381, %jit3A_382 : i32
      %ne3A_400 = arith.constant 0 : i32
      %ne3A_401 = arith.cmpi ne, %rem3A_399, %ne3A_400 : i32
      %and3A_402 = arith.andi %ne3A_398, %ne3A_401 : i1
      %sub3A_403 = arith.constant 1 : i32
      %sub3A_404 = arith.subi %div3A_383, %sub3A_403 : i32
      %select_n3A_405 = arith.select %and3A_402, %sub3A_404, %div3A_383 : i32
      %sub3A_406 = arith.subi %select_n3A_405, %mul3A_44 : i32
      %parallel_loop3A_407 = arith.constant 0 : i32
      %parallel_loop3A_408 = arith.constant 768 : i32
      %parallel_loop3A_409 = arith.constant 16 : i32
      scf.for %parallel_loop3A_452 = %parallel_loop3A_407 to %parallel_loop3A_408 step %parallel_loop3A_409  : i32 {
        %parallel_loop3A_453 = arith.index_cast %sub3A_406 : i32 to index
        %parallel_loop3A_454 = arith.index_cast %parallel_loop3A_452 : i32 to index
        %parallel_loop3A_455 = tpu.vector_load %arg7[%parallel_loop3A_453, %parallel_loop3A_454] {strides = array<i32>} : memref<16x768xf32, #tpu.memory_space<vmem>>, vector<1x16xf32>,
        %parallel_loop3A_456 = vector.shape_cast %parallel_loop3A_455 : vector<1x16xf32> to vector<16xf32>
        %parallel_loop3A_457 = arith.constant 0 : i32
        %parallel_loop3A_458 = arith.index_cast %parallel_loop3A_457 : i32 to index
        %parallel_loop3A_459 = arith.index_cast %parallel_loop3A_452 : i32 to index
        %parallel_loop3A_460 = tpu.vector_load %arg11[%parallel_loop3A_458, %parallel_loop3A_459] {strides = array<i32>} : memref<16x768xf32, #tpu.memory_space<vmem>>, vector<1x16xf32>,
        %parallel_loop3A_461 = vector.shape_cast %parallel_loop3A_460 : vector<1x16xf32> to vector<16xf32>
        %parallel_loop3A_462 = arith.addf %parallel_loop3A_461, %parallel_loop3A_456 : vector<16xf32>
        %parallel_loop3A_463 = arith.constant 0 : i32
        %parallel_loop3A_464 = arith.index_cast %parallel_loop3A_463 : i32 to index
        %parallel_loop3A_465 = arith.index_cast %parallel_loop3A_452 : i32 to index
        %parallel_loop3A_466 = tpu.vector_load %arg15[%parallel_loop3A_464, %parallel_loop3A_465] {strides = array<i32>} : memref<16x768xf32, #tpu.memory_space<vmem>>, vector<1x16xf32>,
        %parallel_loop3A_467 = vector.shape_cast %parallel_loop3A_466 : vector<1x16xf32> to vector<16xf32>
        %parallel_loop3A_468 = vector.shape_cast %parallel_loop3A_462 : vector<16xf32> to vector<1x16xf32>
        tpu.vector_store %arg15[%parallel_loop3A_464, %parallel_loop3A_465], %parallel_loop3A_468 {strides = array<i32>} : memref<16x768xf32, #tpu.memory_space<vmem>>, vector<1x16xf32>,
        %parallel_loop3A_469 = arith.constant 1 : i32
        %parallel_loop3A_470 = arith.index_cast %parallel_loop3A_469 : i32 to index
        %parallel_loop3A_471 = arith.index_cast %parallel_loop3A_452 : i32 to index
        %parallel_loop3A_472 = tpu.vector_load %arg11[%parallel_loop3A_470, %parallel_loop3A_471] {strides = array<i32>} : memref<16x768xf32, #tpu.memory_space<vmem>>, vector<1x16xf32>,
        %parallel_loop3A_473 = vector.shape_cast %parallel_loop3A_472 : vector<1x16xf32> to vector<16xf32>
        %parallel_loop3A_474 = arith.addf %parallel_loop3A_473, %parallel_loop3A_456 : vector<16xf32>
        %parallel_loop3A_475 = arith.constant 1 : i32
        %parallel_loop3A_476 = arith.index_cast %parallel_loop3A_475 : i32 to index
        %parallel_loop3A_477 = arith.index_cast %parallel_loop3A_452 : i32 to index
        %parallel_loop3A_478 = tpu.vector_load %arg15[%parallel_loop3A_476, %parallel_loop3A_477] {strides = array<i32>} : memref<16x768xf32, #tpu.memory_space<vmem>>, vector<1x16xf32>,
        %parallel_loop3A_479 = vector.shape_cast %parallel_loop3A_478 : vector<1x16xf32> to vector<16xf32>
        %parallel_loop3A_480 = vector.shape_cast %parallel_loop3A_474 : vector<16xf32> to vector<1x16xf32>
        tpu.vector_store %arg15[%parallel_loop3A_476, %parallel_loop3A_477], %parallel_loop3A_480 {strides = array<i32>} : memref<16x768xf32, #tpu.memory_space<vmem>>, vector<1x16xf32>,
        %parallel_loop3A_481 = arith.constant 2 : i32
        %parallel_loop3A_482 = arith.index_cast %parallel_loop3A_481 : i32 to index
        %parallel_loop3A_483 = arith.index_cast %parallel_loop3A_452 : i32 to index
        %parallel_loop3A_484 = tpu.vector_load %arg11[%parallel_loop3A_482, %parallel_loop3A_483] {strides = array<i32>} : memref<16x768xf32, #tpu.memory_space<vmem>>, vector<1x16xf32>,
        %parallel_loop3A_485 = vector.shape_cast %parallel_loop3A_484 : vector<1x16xf32> to vector<16xf32>
        %parallel_loop3A_486 = arith.addf %parallel_loop3A_485, %parallel_loop3A_456 : vector<16xf32>
        %parallel_loop3A_487 = arith.constant 2 : i32
        %parallel_loop3A_488 = arith.index_cast %parallel_loop3A_487 : i32 to index
        %parallel_loop3A_489 = arith.index_cast %parallel_loop3A_452 : i32 to index
        %parallel_loop3A_490 = tpu.vector_load %arg15[%parallel_loop3A_488, %parallel_loop3A_489] {strides = array<i32>} : memref<16x768xf32, #tpu.memory_space<vmem>>, vector<1x16xf32>,
        %parallel_loop3A_491 = vector.shape_cast %parallel_loop3A_490 : vector<1x16xf32> to vector<16xf32>
        %parallel_loop3A_492 = vector.shape_cast %parallel_loop3A_486 : vector<16xf32> to vector<1x16xf32>
        tpu.vector_store %arg15[%parallel_loop3A_488, %parallel_loop3A_489], %parallel_loop3A_492 {strides = array<i32>} : memref<16x768xf32, #tpu.memory_space<vmem>>, vector<1x16xf32>,
        %parallel_loop3A_493 = arith.constant 3 : i32
        %parallel_loop3A_494 = arith.index_cast %parallel_loop3A_493 : i32 to index
        %parallel_loop3A_495 = arith.index_cast %parallel_loop3A_452 : i32 to index
        %parallel_loop3A_496 = tpu.vector_load %arg11[%parallel_loop3A_494, %parallel_loop3A_495] {strides = array<i32>} : memref<16x768xf32, #tpu.memory_space<vmem>>, vector<1x16xf32>,
        %parallel_loop3A_497 = vector.shape_cast %parallel_loop3A_496 : vector<1x16xf32> to vector<16xf32>
        %parallel_loop3A_498 = arith.addf %parallel_loop3A_497, %parallel_loop3A_456 : vector<16xf32>
        %parallel_loop3A_499 = arith.constant 3 : i32
        %parallel_loop3A_500 = arith.index_cast %parallel_loop3A_499 : i32 to index
        %parallel_loop3A_501 = arith.index_cast %parallel_loop3A_452 : i32 to index
        %parallel_loop3A_502 = tpu.vector_load %arg15[%parallel_loop3A_500, %parallel_loop3A_501] {strides = array<i32>} : memref<16x768xf32, #tpu.memory_space<vmem>>, vector<1x16xf32>,
        %parallel_loop3A_503 = vector.shape_cast %parallel_loop3A_502 : vector<1x16xf32> to vector<16xf32>
        %parallel_loop3A_504 = vector.shape_cast %parallel_loop3A_498 : vector<16xf32> to vector<1x16xf32>
        tpu.vector_store %arg15[%parallel_loop3A_500, %parallel_loop3A_501], %parallel_loop3A_504 {strides = array<i32>} : memref<16x768xf32, #tpu.memory_space<vmem>>, vector<1x16xf32>,
        %parallel_loop3A_505 = arith.constant 4 : i32
        %parallel_loop3A_506 = arith.index_cast %parallel_loop3A_505 : i32 to index
        %parallel_loop3A_507 = arith.index_cast %parallel_loop3A_452 : i32 to index
        %parallel_loop3A_508 = tpu.vector_load %arg11[%parallel_loop3A_506, %parallel_loop3A_507] {strides = array<i32>} : memref<16x768xf32, #tpu.memory_space<vmem>>, vector<1x16xf32>,
        %parallel_loop3A_509 = vector.shape_cast %parallel_loop3A_508 : vector<1x16xf32> to vector<16xf32>
        %parallel_loop3A_510 = arith.addf %parallel_loop3A_509, %parallel_loop3A_456 : vector<16xf32>
        %parallel_loop3A_511 = arith.constant 4 : i32
        %parallel_loop3A_512 = arith.index_cast %parallel_loop3A_511 : i32 to index
        %parallel_loop3A_513 = arith.index_cast %parallel_loop3A_452 : i32 to index
        %parallel_loop3A_514 = tpu.vector_load %arg15[%parallel_loop3A_512, %parallel_loop3A_513] {strides = array<i32>} : memref<16x768xf32, #tpu.memory_space<vmem>>, vector<1x16xf32>,
        %parallel_loop3A_515 = vector.shape_cast %parallel_loop3A_514 : vector<1x16xf32> to vector<16xf32>
        %parallel_loop3A_516 = vector.shape_cast %parallel_loop3A_510 : vector<16xf32> to vector<1x16xf32>
        tpu.vector_store %arg15[%parallel_loop3A_512, %parallel_loop3A_513], %parallel_loop3A_516 {strides = array<i32>} : memref<16x768xf32, #tpu.memory_space<vmem>>, vector<1x16xf32>,
        %parallel_loop3A_517 = arith.constant 5 : i32
        %parallel_loop3A_518 = arith.index_cast %parallel_loop3A_517 : i32 to index
        %parallel_loop3A_519 = arith.index_cast %parallel_loop3A_452 : i32 to index
        %parallel_loop3A_520 = tpu.vector_load %arg11[%parallel_loop3A_518, %parallel_loop3A_519] {strides = array<i32>} : memref<16x768xf32, #tpu.memory_space<vmem>>, vector<1x16xf32>,
        %parallel_loop3A_521 = vector.shape_cast %parallel_loop3A_520 : vector<1x16xf32> to vector<16xf32>
        %parallel_loop3A_522 = arith.addf %parallel_loop3A_521, %parallel_loop3A_456 : vector<16xf32>
        %parallel_loop3A_523 = arith.constant 5 : i32
        %parallel_loop3A_524 = arith.index_cast %parallel_loop3A_523 : i32 to index
        %parallel_loop3A_525 = arith.index_cast %parallel_loop3A_452 : i32 to index
        %parallel_loop3A_526 = tpu.vector_load %arg15[%parallel_loop3A_524, %parallel_loop3A_525] {strides = array<i32>} : memref<16x768xf32, #tpu.memory_space<vmem>>, vector<1x16xf32>,
        %parallel_loop3A_527 = vector.shape_cast %parallel_loop3A_526 : vector<1x16xf32> to vector<16xf32>
        %parallel_loop3A_528 = vector.shape_cast %parallel_loop3A_522 : vector<16xf32> to vector<1x16xf32>
        tpu.vector_store %arg15[%parallel_loop3A_524, %parallel_loop3A_525], %parallel_loop3A_528 {strides = array<i32>} : memref<16x768xf32, #tpu.memory_space<vmem>>, vector<1x16xf32>,
        %parallel_loop3A_529 = arith.constant 6 : i32
        %parallel_loop3A_530 = arith.index_cast %parallel_loop3A_529 : i32 to index
        %parallel_loop3A_531 = arith.index_cast %parallel_loop3A_452 : i32 to index
        %parallel_loop3A_532 = tpu.vector_load %arg11[%parallel_loop3A_530, %parallel_loop3A_531] {strides = array<i32>} : memref<16x768xf32, #tpu.memory_space<vmem>>, vector<1x16xf32>,
        %parallel_loop3A_533 = vector.shape_cast %parallel_loop3A_532 : vector<1x16xf32> to vector<16xf32>
        %parallel_loop3A_534 = arith.addf %parallel_loop3A_533, %parallel_loop3A_456 : vector<16xf32>
        %parallel_loop3A_535 = arith.constant 6 : i32
        %parallel_loop3A_536 = arith.index_cast %parallel_loop3A_535 : i32 to index
        %parallel_loop3A_537 = arith.index_cast %parallel_loop3A_452 : i32 to index
        %parallel_loop3A_538 = tpu.vector_load %arg15[%parallel_loop3A_536, %parallel_loop3A_537] {strides = array<i32>} : memref<16x768xf32, #tpu.memory_space<vmem>>, vector<1x16xf32>,
        %parallel_loop3A_539 = vector.shape_cast %parallel_loop3A_538 : vector<1x16xf32> to vector<16xf32>
        %parallel_loop3A_540 = vector.shape_cast %parallel_loop3A_534 : vector<16xf32> to vector<1x16xf32>
        tpu.vector_store %arg15[%parallel_loop3A_536, %parallel_loop3A_537], %parallel_loop3A_540 {strides = array<i32>} : memref<16x768xf32, #tpu.memory_space<vmem>>, vector<1x16xf32>,
        %parallel_loop3A_541 = arith.constant 7 : i32
        %parallel_loop3A_542 = arith.index_cast %parallel_loop3A_541 : i32 to index
        %parallel_loop3A_543 = arith.index_cast %parallel_loop3A_452 : i32 to index
        %parallel_loop3A_544 = tpu.vector_load %arg11[%parallel_loop3A_542, %parallel_loop3A_543] {strides = array<i32>} : memref<16x768xf32, #tpu.memory_space<vmem>>, vector<1x16xf32>,
        %parallel_loop3A_545 = vector.shape_cast %parallel_loop3A_544 : vector<1x16xf32> to vector<16xf32>
        %parallel_loop3A_546 = arith.addf %parallel_loop3A_545, %parallel_loop3A_456 : vector<16xf32>
        %parallel_loop3A_547 = arith.constant 7 : i32
        %parallel_loop3A_548 = arith.index_cast %parallel_loop3A_547 : i32 to index
        %parallel_loop3A_549 = arith.index_cast %parallel_loop3A_452 : i32 to index
        %parallel_loop3A_550 = tpu.vector_load %arg15[%parallel_loop3A_548, %parallel_loop3A_549] {strides = array<i32>} : memref<16x768xf32, #tpu.memory_space<vmem>>, vector<1x16xf32>,
        %parallel_loop3A_551 = vector.shape_cast %parallel_loop3A_550 : vector<1x16xf32> to vector<16xf32>
        %parallel_loop3A_552 = vector.shape_cast %parallel_loop3A_546 : vector<16xf32> to vector<1x16xf32>
        tpu.vector_store %arg15[%parallel_loop3A_548, %parallel_loop3A_549], %parallel_loop3A_552 {strides = array<i32>} : memref<16x768xf32, #tpu.memory_space<vmem>>, vector<1x16xf32>,
        %parallel_loop3A_553 = arith.constant 8 : i32
        %parallel_loop3A_554 = arith.index_cast %parallel_loop3A_553 : i32 to index
        %parallel_loop3A_555 = arith.index_cast %parallel_loop3A_452 : i32 to index
        %parallel_loop3A_556 = tpu.vector_load %arg11[%parallel_loop3A_554, %parallel_loop3A_555] {strides = array<i32>} : memref<16x768xf32, #tpu.memory_space<vmem>>, vector<1x16xf32>,
        %parallel_loop3A_557 = vector.shape_cast %parallel_loop3A_556 : vector<1x16xf32> to vector<16xf32>
        %parallel_loop3A_558 = arith.addf %parallel_loop3A_557, %parallel_loop3A_456 : vector<16xf32>
        %parallel_loop3A_559 = arith.constant 8 : i32
        %parallel_loop3A_560 = arith.index_cast %parallel_loop3A_559 : i32 to index
        %parallel_loop3A_561 = arith.index_cast %parallel_loop3A_452 : i32 to index
        %parallel_loop3A_562 = tpu.vector_load %arg15[%parallel_loop3A_560, %parallel_loop3A_561] {strides = array<i32>} : memref<16x768xf32, #tpu.memory_space<vmem>>, vector<1x16xf32>,
        %parallel_loop3A_563 = vector.shape_cast %parallel_loop3A_562 : vector<1x16xf32> to vector<16xf32>
        %parallel_loop3A_564 = vector.shape_cast %parallel_loop3A_558 : vector<16xf32> to vector<1x16xf32>
        tpu.vector_store %arg15[%parallel_loop3A_560, %parallel_loop3A_561], %parallel_loop3A_564 {strides = array<i32>} : memref<16x768xf32, #tpu.memory_space<vmem>>, vector<1x16xf32>,
        %parallel_loop3A_565 = arith.constant 9 : i32
        %parallel_loop3A_566 = arith.index_cast %parallel_loop3A_565 : i32 to index
        %parallel_loop3A_567 = arith.index_cast %parallel_loop3A_452 : i32 to index
        %parallel_loop3A_568 = tpu.vector_load %arg11[%parallel_loop3A_566, %parallel_loop3A_567] {strides = array<i32>} : memref<16x768xf32, #tpu.memory_space<vmem>>, vector<1x16xf32>,
        %parallel_loop3A_569 = vector.shape_cast %parallel_loop3A_568 : vector<1x16xf32> to vector<16xf32>
        %parallel_loop3A_570 = arith.addf %parallel_loop3A_569, %parallel_loop3A_456 : vector<16xf32>
        %parallel_loop3A_571 = arith.constant 9 : i32
        %parallel_loop3A_572 = arith.index_cast %parallel_loop3A_571 : i32 to index
        %parallel_loop3A_573 = arith.index_cast %parallel_loop3A_452 : i32 to index
        %parallel_loop3A_574 = tpu.vector_load %arg15[%parallel_loop3A_572, %parallel_loop3A_573] {strides = array<i32>} : memref<16x768xf32, #tpu.memory_space<vmem>>, vector<1x16xf32>,
        %parallel_loop3A_575 = vector.shape_cast %parallel_loop3A_574 : vector<1x16xf32> to vector<16xf32>
        %parallel_loop3A_576 = vector.shape_cast %parallel_loop3A_570 : vector<16xf32> to vector<1x16xf32>
        tpu.vector_store %arg15[%parallel_loop3A_572, %parallel_loop3A_573], %parallel_loop3A_576 {strides = array<i32>} : memref<16x768xf32, #tpu.memory_space<vmem>>, vector<1x16xf32>,
        %parallel_loop3A_577 = arith.constant 10 : i32
        %parallel_loop3A_578 = arith.index_cast %parallel_loop3A_577 : i32 to index
        %parallel_loop3A_579 = arith.index_cast %parallel_loop3A_452 : i32 to index
        %parallel_loop3A_580 = tpu.vector_load %arg11[%parallel_loop3A_578, %parallel_loop3A_579] {strides = array<i32>} : memref<16x768xf32, #tpu.memory_space<vmem>>, vector<1x16xf32>,
        %parallel_loop3A_581 = vector.shape_cast %parallel_loop3A_580 : vector<1x16xf32> to vector<16xf32>
        %parallel_loop3A_582 = arith.addf %parallel_loop3A_581, %parallel_loop3A_456 : vector<16xf32>
        %parallel_loop3A_583 = arith.constant 10 : i32
        %parallel_loop3A_584 = arith.index_cast %parallel_loop3A_583 : i32 to index
        %parallel_loop3A_585 = arith.index_cast %parallel_loop3A_452 : i32 to index
        %parallel_loop3A_586 = tpu.vector_load %arg15[%parallel_loop3A_584, %parallel_loop3A_585] {strides = array<i32>} : memref<16x768xf32, #tpu.memory_space<vmem>>, vector<1x16xf32>,
        %parallel_loop3A_587 = vector.shape_cast %parallel_loop3A_586 : vector<1x16xf32> to vector<16xf32>
        %parallel_loop3A_588 = vector.shape_cast %parallel_loop3A_582 : vector<16xf32> to vector<1x16xf32>
        tpu.vector_store %arg15[%parallel_loop3A_584, %parallel_loop3A_585], %parallel_loop3A_588 {strides = array<i32>} : memref<16x768xf32, #tpu.memory_space<vmem>>, vector<1x16xf32>,
        %parallel_loop3A_589 = arith.constant 11 : i32
        %parallel_loop3A_590 = arith.index_cast %parallel_loop3A_589 : i32 to index
        %parallel_loop3A_591 = arith.index_cast %parallel_loop3A_452 : i32 to index
        %parallel_loop3A_592 = tpu.vector_load %arg11[%parallel_loop3A_590, %parallel_loop3A_591] {strides = array<i32>} : memref<16x768xf32, #tpu.memory_space<vmem>>, vector<1x16xf32>,
        %parallel_loop3A_593 = vector.shape_cast %parallel_loop3A_592 : vector<1x16xf32> to vector<16xf32>
        %parallel_loop3A_594 = arith.addf %parallel_loop3A_593, %parallel_loop3A_456 : vector<16xf32>
        %parallel_loop3A_595 = arith.constant 11 : i32
        %parallel_loop3A_596 = arith.index_cast %parallel_loop3A_595 : i32 to index
        %parallel_loop3A_597 = arith.index_cast %parallel_loop3A_452 : i32 to index
        %parallel_loop3A_598 = tpu.vector_load %arg15[%parallel_loop3A_596, %parallel_loop3A_597] {strides = array<i32>} : memref<16x768xf32, #tpu.memory_space<vmem>>, vector<1x16xf32>,
        %parallel_loop3A_599 = vector.shape_cast %parallel_loop3A_598 : vector<1x16xf32> to vector<16xf32>
        %parallel_loop3A_600 = vector.shape_cast %parallel_loop3A_594 : vector<16xf32> to vector<1x16xf32>
        tpu.vector_store %arg15[%parallel_loop3A_596, %parallel_loop3A_597], %parallel_loop3A_600 {strides = array<i32>} : memref<16x768xf32, #tpu.memory_space<vmem>>, vector<1x16xf32>,
        %parallel_loop3A_601 = arith.constant 12 : i32
        %parallel_loop3A_602 = arith.index_cast %parallel_loop3A_601 : i32 to index
        %parallel_loop3A_603 = arith.index_cast %parallel_loop3A_452 : i32 to index
        %parallel_loop3A_604 = tpu.vector_load %arg11[%parallel_loop3A_602, %parallel_loop3A_603] {strides = array<i32>} : memref<16x768xf32, #tpu.memory_space<vmem>>, vector<1x16xf32>,
        %parallel_loop3A_605 = vector.shape_cast %parallel_loop3A_604 : vector<1x16xf32> to vector<16xf32>
        %parallel_loop3A_606 = arith.addf %parallel_loop3A_605, %parallel_loop3A_456 : vector<16xf32>
        %parallel_loop3A_607 = arith.constant 12 : i32
        %parallel_loop3A_608 = arith.index_cast %parallel_loop3A_607 : i32 to index
        %parallel_loop3A_609 = arith.index_cast %parallel_loop3A_452 : i32 to index
        %parallel_loop3A_610 = tpu.vector_load %arg15[%parallel_loop3A_608, %parallel_loop3A_609] {strides = array<i32>} : memref<16x768xf32, #tpu.memory_space<vmem>>, vector<1x16xf32>,
        %parallel_loop3A_611 = vector.shape_cast %parallel_loop3A_610 : vector<1x16xf32> to vector<16xf32>
        %parallel_loop3A_612 = vector.shape_cast %parallel_loop3A_606 : vector<16xf32> to vector<1x16xf32>
        tpu.vector_store %arg15[%parallel_loop3A_608, %parallel_loop3A_609], %parallel_loop3A_612 {strides = array<i32>} : memref<16x768xf32, #tpu.memory_space<vmem>>, vector<1x16xf32>,
        %parallel_loop3A_613 = arith.constant 13 : i32
        %parallel_loop3A_614 = arith.index_cast %parallel_loop3A_613 : i32 to index
        %parallel_loop3A_615 = arith.index_cast %parallel_loop3A_452 : i32 to index
        %parallel_loop3A_616 = tpu.vector_load %arg11[%parallel_loop3A_614, %parallel_loop3A_615] {strides = array<i32>} : memref<16x768xf32, #tpu.memory_space<vmem>>, vector<1x16xf32>,
        %parallel_loop3A_617 = vector.shape_cast %parallel_loop3A_616 : vector<1x16xf32> to vector<16xf32>
        %parallel_loop3A_618 = arith.addf %parallel_loop3A_617, %parallel_loop3A_456 : vector<16xf32>
        %parallel_loop3A_619 = arith.constant 13 : i32
        %parallel_loop3A_620 = arith.index_cast %parallel_loop3A_619 : i32 to index
        %parallel_loop3A_621 = arith.index_cast %parallel_loop3A_452 : i32 to index
        %parallel_loop3A_622 = tpu.vector_load %arg15[%parallel_loop3A_620, %parallel_loop3A_621] {strides = array<i32>} : memref<16x768xf32, #tpu.memory_space<vmem>>, vector<1x16xf32>,
        %parallel_loop3A_623 = vector.shape_cast %parallel_loop3A_622 : vector<1x16xf32> to vector<16xf32>
        %parallel_loop3A_624 = vector.shape_cast %parallel_loop3A_618 : vector<16xf32> to vector<1x16xf32>
        tpu.vector_store %arg15[%parallel_loop3A_620, %parallel_loop3A_621], %parallel_loop3A_624 {strides = array<i32>} : memref<16x768xf32, #tpu.memory_space<vmem>>, vector<1x16xf32>,
        %parallel_loop3A_625 = arith.constant 14 : i32
        %parallel_loop3A_626 = arith.index_cast %parallel_loop3A_625 : i32 to index
        %parallel_loop3A_627 = arith.index_cast %parallel_loop3A_452 : i32 to index
        %parallel_loop3A_628 = tpu.vector_load %arg11[%parallel_loop3A_626, %parallel_loop3A_627] {strides = array<i32>} : memref<16x768xf32, #tpu.memory_space<vmem>>, vector<1x16xf32>,
        %parallel_loop3A_629 = vector.shape_cast %parallel_loop3A_628 : vector<1x16xf32> to vector<16xf32>
        %parallel_loop3A_630 = arith.addf %parallel_loop3A_629, %parallel_loop3A_456 : vector<16xf32>
        %parallel_loop3A_631 = arith.constant 14 : i32
        %parallel_loop3A_632 = arith.index_cast %parallel_loop3A_631 : i32 to index
        %parallel_loop3A_633 = arith.index_cast %parallel_loop3A_452 : i32 to index
        %parallel_loop3A_634 = tpu.vector_load %arg15[%parallel_loop3A_632, %parallel_loop3A_633] {strides = array<i32>} : memref<16x768xf32, #tpu.memory_space<vmem>>, vector<1x16xf32>,
        %parallel_loop3A_635 = vector.shape_cast %parallel_loop3A_634 : vector<1x16xf32> to vector<16xf32>
        %parallel_loop3A_636 = vector.shape_cast %parallel_loop3A_630 : vector<16xf32> to vector<1x16xf32>
        tpu.vector_store %arg15[%parallel_loop3A_632, %parallel_loop3A_633], %parallel_loop3A_636 {strides = array<i32>} : memref<16x768xf32, #tpu.memory_space<vmem>>, vector<1x16xf32>,
        %parallel_loop3A_637 = arith.constant 15 : i32
        %parallel_loop3A_638 = arith.index_cast %parallel_loop3A_637 : i32 to index
        %parallel_loop3A_639 = arith.index_cast %parallel_loop3A_452 : i32 to index
        %parallel_loop3A_640 = tpu.vector_load %arg11[%parallel_loop3A_638, %parallel_loop3A_639] {strides = array<i32>} : memref<16x768xf32, #tpu.memory_space<vmem>>, vector<1x16xf32>,
        %parallel_loop3A_641 = vector.shape_cast %parallel_loop3A_640 : vector<1x16xf32> to vector<16xf32>
        %parallel_loop3A_642 = arith.addf %parallel_loop3A_641, %parallel_loop3A_456 : vector<16xf32>
        %parallel_loop3A_643 = arith.constant 15 : i32
        %parallel_loop3A_644 = arith.index_cast %parallel_loop3A_643 : i32 to index
        %parallel_loop3A_645 = arith.index_cast %parallel_loop3A_452 : i32 to index
        %parallel_loop3A_646 = tpu.vector_load %arg15[%parallel_loop3A_644, %parallel_loop3A_645] {strides = array<i32>} : memref<16x768xf32, #tpu.memory_space<vmem>>, vector<1x16xf32>,
        %parallel_loop3A_647 = vector.shape_cast %parallel_loop3A_646 : vector<1x16xf32> to vector<16xf32>
        %parallel_loop3A_648 = vector.shape_cast %parallel_loop3A_642 : vector<16xf32> to vector<1x16xf32>
        tpu.vector_store %arg15[%parallel_loop3A_644, %parallel_loop3A_645], %parallel_loop3A_648 {strides = array<i32>} : memref<16x768xf32, #tpu.memory_space<vmem>>, vector<1x16xf32>,
      } {sc.loop_unroll_factor = 16 : i64, sc.parallel_access}
      %add3A_410 = arith.constant 4 : i32
      %add3A_411 = arith.addi %add3A_367, %add3A_410 : i32
      %lt3A_412 = arith.constant 616 : i32
      %lt3A_413 = arith.cmpi slt, %add3A_411, %lt3A_412 : i32
      %convert_element_type3A_414 = arith.extui %lt3A_413 : i1 to i32
      %cond3A_415 = arith.constant 0 : i32
      %cond3A_416 = arith.cmpi ne, %convert_element_type3A_414, %cond3A_415 : i32
      scf.if %cond3A_416 {
        %add3A_452 = arith.constant 4 : i32
        %add3A_453 = arith.addi %add3A_367, %add3A_452 : i32
        %mul3A_454 = arith.constant 16 : i32
        %mul3A_455 = arith.muli %add3A_453, %mul3A_454 : i32
        %dma_start3A_456 = tpu.memref_slice %arg6[%mul3A_455] : memref<9856xi32, #tpu.memory_space<vmem>> -> memref<16xi32, #tpu.memory_space<vmem>>
        %dma_start3A_457 = arith.constant 0 : i32
        %dma_start3A_458 = arith.constant 0 : i32
        %dma_start3A_459 = tpu.memref_slice %arg3[%dma_start3A_457, %dma_start3A_458] : memref<49408x768xf32, #tpu.memory_space<hbm>> -> memref<49408x768xf32, #tpu.memory_space<hbm>>
        tpu.enqueue_indirect_dma source(%dma_start3A_459 : memref<49408x768xf32, #tpu.memory_space<hbm>>) target(%arg11 : memref<16x768xf32, #tpu.memory_space<vmem>>) offsets(%dma_start3A_456 : memref<16xi32, #tpu.memory_space<vmem>>) semaphore(%arg19 : memref<!tpu.dma_semaphore, #tpu.memory_space<semaphore_mem>>)
      } else {
      }
      %mul3A_417 = arith.constant 16 : i32
      %mul3A_418 = arith.muli %add3A_367, %mul3A_417 : i32
      %add3A_419 = arith.addi %mul3A_2, %mul3A_418 : i32
      %jit3A_420 = arith.constant 4096 : i32
      %div3A_421 = arith.divsi %add3A_419, %jit3A_420 : i32
      %sign3A_422 = arith.constant 0 : i32
      %sign3A_423 = arith.cmpi sgt, %add3A_419, %sign3A_422 : i32
      %sign3A_424 = arith.extui %sign3A_423 : i1 to i32
      %sign3A_425 = arith.constant 0 : i32
      %sign3A_426 = arith.cmpi slt, %add3A_419, %sign3A_425 : i32
      %sign3A_427 = arith.extui %sign3A_426 : i1 to i32
      %sign3A_428 = arith.subi %sign3A_424, %sign3A_427 : i32
      %sign3A_429 = arith.constant 0 : i32
      %sign3A_430 = arith.cmpi sgt, %jit3A_420, %sign3A_429 : i32
      %sign3A_431 = arith.extui %sign3A_430 : i1 to i32
      %sign3A_432 = arith.constant 0 : i32
      %sign3A_433 = arith.cmpi slt, %jit3A_420, %sign3A_432 : i32
      %sign3A_434 = arith.extui %sign3A_433 : i1 to i32
      %sign3A_435 = arith.subi %sign3A_431, %sign3A_434 : i32
      %ne3A_436 = arith.cmpi ne, %sign3A_428, %sign3A_435 : i32
      %rem3A_437 = arith.remsi %add3A_419, %jit3A_420 : i32
      %ne3A_438 = arith.constant 0 : i32
      %ne3A_439 = arith.cmpi ne, %rem3A_437, %ne3A_438 : i32
      %and3A_440 = arith.andi %ne3A_436, %ne3A_439 : i1
      %sub3A_441 = arith.constant 1 : i32
      %sub3A_442 = arith.subi %div3A_421, %sub3A_441 : i32
      %select_n3A_443 = arith.select %and3A_440, %sub3A_442, %div3A_421 : i32
      %rem3A_444 = arith.constant 4096 : i32
      %rem3A_445 = arith.remsi %add3A_419, %rem3A_444 : i32
      %dma_start3A_446 = arith.constant 0 : i32
      %dma_start3A_447 = tpu.memref_slice %arg5[%select_n3A_443, %rem3A_445, %dma_start3A_446] : memref<77x4096x768xf32, #tpu.memory_space<hbm>> -> memref<1x16x768xf32, #tpu.memory_space<hbm>>
      %dma_start3A_448 = tpu.memref_squeeze %dma_start3A_447 : memref<1x16x768xf32, #tpu.memory_space<hbm>> -> memref<16x768xf32, #tpu.memory_space<hbm>>
      %dma_start3A_449 = arith.constant 0 : i32
      %dma_start3A_450 = tpu.memref_slice %arg5[%select_n3A_443, %rem3A_445, %dma_start3A_449] : memref<77x4096x768xf32, #tpu.memory_space<hbm>> -> memref<1x16x768xf32, #tpu.memory_space<hbm>>
      %dma_start3A_451 = tpu.memref_squeeze %dma_start3A_450 : memref<1x16x768xf32, #tpu.memory_space<hbm>> -> memref<16x768xf32, #tpu.memory_space<hbm>>
      tpu.enqueue_dma source(%arg15 : memref<16x768xf32, #tpu.memory_space<vmem>>) target(%dma_start3A_451 : memref<16x768xf32, #tpu.memory_space<hbm>>) target_semaphore(%arg23 : memref<!tpu.dma_semaphore, #tpu.memory_space<semaphore_mem>>)
    }
    %scan3A_68 = arith.constant 154 : i32
    %dma_wait3A = arith.constant 0 : i32
    %dma_wait3A_69 = arith.constant 0 : i32
    %dma_wait3A_70 = arith.constant 0 : i32
    %dma_wait3A_71 = tpu.memref_slice %arg5[%dma_wait3A, %dma_wait3A_69, %dma_wait3A_70] : memref<77x4096x768xf32, #tpu.memory_space<hbm>> -> memref<1x16x768xf32, #tpu.memory_space<hbm>>
    %dma_wait3A_72 = tpu.memref_squeeze %dma_wait3A_71 : memref<1x16x768xf32, #tpu.memory_space<hbm>> -> memref<16x768xf32, #tpu.memory_space<hbm>>
    %dma_wait3A_73 = arith.constant 0 : i32
    %dma_wait3A_74 = arith.constant 0 : i32
    %dma_wait3A_75 = tpu.memref_slice %arg5[%dma_wait3A, %dma_wait3A_73, %dma_wait3A_74] : memref<77x4096x768xf32, #tpu.memory_space<hbm>> -> memref<1x16x768xf32, #tpu.memory_space<hbm>>
    %dma_wait3A_76 = tpu.memref_squeeze %dma_wait3A_75 : memref<1x16x768xf32, #tpu.memory_space<hbm>> -> memref<16x768xf32, #tpu.memory_space<hbm>>
    tpu.wait_dma2 semaphore(%arg20 : memref<!tpu.dma_semaphore, #tpu.memory_space<semaphore_mem>>) src(%arg12 : memref<16x768xf32, #tpu.memory_space<vmem>>) dst(%dma_wait3A_76 : memref<16x768xf32, #tpu.memory_space<hbm>>)
    %dma_wait3A_77 = arith.constant 0 : i32
    %dma_wait3A_78 = arith.constant 0 : i32
    %dma_wait3A_79 = arith.constant 0 : i32
    %dma_wait3A_80 = tpu.memref_slice %arg5[%dma_wait3A_77, %dma_wait3A_78, %dma_wait3A_79] : memref<77x4096x768xf32, #tpu.memory_space<hbm>> -> memref<1x16x768xf32, #tpu.memory_space<hbm>>
    %dma_wait3A_81 = tpu.memref_squeeze %dma_wait3A_80 : memref<1x16x768xf32, #tpu.memory_space<hbm>> -> memref<16x768xf32, #tpu.memory_space<hbm>>
    %dma_wait3A_82 = arith.constant 0 : i32
    %dma_wait3A_83 = arith.constant 0 : i32
    %dma_wait3A_84 = tpu.memref_slice %arg5[%dma_wait3A_77, %dma_wait3A_82, %dma_wait3A_83] : memref<77x4096x768xf32, #tpu.memory_space<hbm>> -> memref<1x16x768xf32, #tpu.memory_space<hbm>>
    %dma_wait3A_85 = tpu.memref_squeeze %dma_wait3A_84 : memref<1x16x768xf32, #tpu.memory_space<hbm>> -> memref<16x768xf32, #tpu.memory_space<hbm>>
    tpu.wait_dma2 semaphore(%arg21 : memref<!tpu.dma_semaphore, #tpu.memory_space<semaphore_mem>>) src(%arg13 : memref<16x768xf32, #tpu.memory_space<vmem>>) dst(%dma_wait3A_85 : memref<16x768xf32, #tpu.memory_space<hbm>>)
    %dma_wait3A_86 = arith.constant 0 : i32
    %dma_wait3A_87 = arith.constant 0 : i32
    %dma_wait3A_88 = arith.constant 0 : i32
    %dma_wait3A_89 = tpu.memref_slice %arg5[%dma_wait3A_86, %dma_wait3A_87, %dma_wait3A_88] : memref<77x4096x768xf32, #tpu.memory_space<hbm>> -> memref<1x16x768xf32, #tpu.memory_space<hbm>>
    %dma_wait3A_90 = tpu.memref_squeeze %dma_wait3A_89 : memref<1x16x768xf32, #tpu.memory_space<hbm>> -> memref<16x768xf32, #tpu.memory_space<hbm>>
    %dma_wait3A_91 = arith.constant 0 : i32
    %dma_wait3A_92 = arith.constant 0 : i32
    %dma_wait3A_93 = tpu.memref_slice %arg5[%dma_wait3A_86, %dma_wait3A_91, %dma_wait3A_92] : memref<77x4096x768xf32, #tpu.memory_space<hbm>> -> memref<1x16x768xf32, #tpu.memory_space<hbm>>
    %dma_wait3A_94 = tpu.memref_squeeze %dma_wait3A_93 : memref<1x16x768xf32, #tpu.memory_space<hbm>> -> memref<16x768xf32, #tpu.memory_space<hbm>>
    tpu.wait_dma2 semaphore(%arg22 : memref<!tpu.dma_semaphore, #tpu.memory_space<semaphore_mem>>) src(%arg14 : memref<16x768xf32, #tpu.memory_space<vmem>>) dst(%dma_wait3A_94 : memref<16x768xf32, #tpu.memory_space<hbm>>)
    %dma_wait3A_95 = arith.constant 0 : i32
    %dma_wait3A_96 = arith.constant 0 : i32
    %dma_wait3A_97 = arith.constant 0 : i32
    %dma_wait3A_98 = tpu.memref_slice %arg5[%dma_wait3A_95, %dma_wait3A_96, %dma_wait3A_97] : memref<77x4096x768xf32, #tpu.memory_space<hbm>> -> memref<1x16x768xf32, #tpu.memory_space<hbm>>
    %dma_wait3A_99 = tpu.memref_squeeze %dma_wait3A_98 : memref<1x16x768xf32, #tpu.memory_space<hbm>> -> memref<16x768xf32, #tpu.memory_space<hbm>>
    %dma_wait3A_100 = arith.constant 0 : i32
    %dma_wait3A_101 = arith.constant 0 : i32
    %dma_wait3A_102 = tpu.memref_slice %arg5[%dma_wait3A_95, %dma_wait3A_100, %dma_wait3A_101] : memref<77x4096x768xf32, #tpu.memory_space<hbm>> -> memref<1x16x768xf32, #tpu.memory_space<hbm>>
    %dma_wait3A_103 = tpu.memref_squeeze %dma_wait3A_102 : memref<1x16x768xf32, #tpu.memory_space<hbm>> -> memref<16x768xf32, #tpu.memory_space<hbm>>
    tpu.wait_dma2 semaphore(%arg23 : memref<!tpu.dma_semaphore, #tpu.memory_space<semaphore_mem>>) src(%arg15 : memref<16x768xf32, #tpu.memory_space<vmem>>) dst(%dma_wait3A_103 : memref<16x768xf32, #tpu.memory_space<hbm>>)
    return
  }
}

</mosaic_0001>

<sc_bundles>
// kernel: kernel.3.cloned.1.call-start
scs
__scs_entry_jumppad:
0x0: {  	(pc) =	sbr.rel $0x88, $3  }
0x1: {  	(tag) =	ssettag $0x0;
	lr =	simm.s32 $0x1  }
0x2: {  	[smem:$0x3F9E] =	sst lr;
	_ =	strace $0xD0000000  }
0x3: {  	_ = 	snop  }
0x4: {  	_ = 	snop  }
0x5: {  	_ = 	snop  }
0x6: {  	_ = 	snop  }
0x7: {  	_ = 	snop  }
__scs_overlays_trampoline_lowered:
0x8: {  	[smem:$0x3FAD] =	sst s0  }
0x9: {  	[smem:$0x3FAE] =	sst s1  }
0xa: {  	[smem:$0x3FAF] =	sst s2  }
0xb: {  	[smem:$0x3FB0] =	sst s3  }
0xc: {  	[smem:$0x3FB1] =	sst s4  }
0xd: {  	[smem:$0x3FB2] =	sst s5  }
0xe: {  	[smem:$0x3FB3] =	sst s6  }
0xf: {  	[smem:$0x3FB4] =	sst s7  }
0x10: {  	[smem:$0x3FB5] =	sst s8  }
0x11: {  	[smem:$0x3FB6] =	sst s9;
	s0 =	simm.s32 @!p0 $0x0  }
0x12: {  	s1 =	sld [smem:$0x3F9C];
	s0 =	simm.s32 @p0 $0x1  }
0x13: {  	[smem:$0x3FB7] =	sst s0;
	s0 =	simm.s32 @!p1 $0x0  }
0x14: {  	s2 =	sld [smem:$0x3F9B];
	s0 =	simm.s32 @p1 $0x1  }
0x15: {  	[smem:$0x3FB8] =	sst s0;
	s0 =	simm.s32 @!p2 $0x0  }
0x16: {  	s3 =	sld [smem:$0x3FDB];
	s0 =	simm.s32 @p2 $0x1  }
0x17: {  	s4 =	simm.s32 $0x1BF5;
	[smem:$0x3FBA] =	sst s0  }
0x18: {  	s0 =	sld [smem:$0x3F9D];
	_ =	swait.ge [sflag:s4], $0x0  }
0x19: {  	s7 =	sld [smem:$0x3F9E]  }
0x1a: {  	s8 =	sadd.s32 $0xFFFFE003, lr  }
0x1b: {  	s9 =	sadd.s32 $0xFFFFFEF7, lr;
	s5 =	simm.s32 $0xFFFFFFFF;
	p2 =	slt.u32 s8, $0xFFFFF086  }
0x1c: {  	p1 =	slt.u32 s9, $0xF7A;
	s5 =	simm.s32 @!p2 $0x0  }
0x1d: {  	s5 =	simm.s32 @p1 $0x1;
	p0 =	seq.s32 s7, s2  }
0x1e: {  	s7 =	smul.u32 @!p0 $0xF7A, s2;
	p2 =	seq.s32 @!p0 s5, $0x0  }
0x1f: {  	s9 =	smul.u32 $0xF7A, s1;
	s8 =	simm.s32 @!p0 $0x1BF5;
	p2 =	por !p2, p0  }
0x20: {  	[sflag:s8] =	ssyncset.s32 @!p0 $0xFFFFF086;
	s6 =	sadd.s32 @!p0 s3, s7;
	s7 =	simm.s32 @!p0 $0x108  }
0x21: {  	s3 =	sadd.s32 s3, s9;
	s6 =	sadd.s32 @!p0 $0x88, s6;
	s7 =	simm.s32 @p2 $0x1082  }
0x22: {  	[simem:s7], [sflag:s8] =	dma.local @!p0 [hbm:s6], $0xF7A  }
0x23: {  	s9 =	sor.u32 $0xD0000000, s2;
	s6 =	simm.s32 $0x108;
	_ =	swait.ge @!p0 [sflag:s8], $0x0  }
0x24: {  	s3 =	sadd.s32 $0x88, s3;
	s6 =	simm.s32 @!p1 $0x1082;
	[sflag:s4] =	ssyncset.s32 $0xFFFFF086  }
0x25: {  	[simem:s6], [sflag:s4] =	dma.local [hbm:s3], $0xF7A  }
0x26: {  	[smem:$0x3F9E] =	sst s1;
	(tag) =	ssettag s2;
	_ =	strace s9  }
0x27: {  	s1 =	sld [smem:$0x3FAE]  }
0x28: {  	s2 =	sld [smem:$0x3FAF]  }
0x29: {  	s4 =	sld [smem:$0x3FB1]  }
0x2a: {  	p0 =	seq.s32 s5, $0x0;
	s5 =	sld [smem:$0x3FB2]  }
0x2b: {  	s6 =	sld [smem:$0x3FB3]  }
0x2c: {  	s7 =	sld [smem:$0x3FB4]  }
0x2d: {  	s3 =	simm.s32 $0x108;
	s8 =	sld [smem:$0x3FB5]  }
0x2e: {  	s3 =	simm.s32 @!p0 $0x1082;
	s9 =	sld [smem:$0x3FB6]  }
0x2f: {  	lr =	sadd.s32 s0, s3;
	s0 =	sld [smem:$0x3FAD]  }
0x30: {  	s3 =	sld [smem:$0x3FB0]  }
0x31: {  	[smem:$0x3FB9] =	sst s10  }
0x32: {  	s10 =	sld [smem:$0x3FB7];
	_ =	sdelay $0x3  }
0x33: {  	p0 =	seq.s32 s10, $0x1;
	s10 =	sld [smem:$0x3FB9];
	_ =	sdelay $0x3  }
0x34: {  	[smem:$0x3FB9] =	sst s10  }
0x35: {  	s10 =	sld [smem:$0x3FB8];
	_ =	sdelay $0x3  }
0x36: {  	p1 =	seq.s32 s10, $0x1;
	s10 =	sld [smem:$0x3FB9];
	_ =	sdelay $0x3  }
0x37: {  	[smem:$0x3FB9] =	sst s10  }
0x38: {  	s10 =	sld [smem:$0x3FBA]  }
0x39: {  	_ = 	snop;
	(pc) =	sbr.ind lr, $3  }
0x3a: {  	_ = 	snop  }
0x3b: {  	_ = 	snop  }
0x3c: {  	p2 =	seq.s32 s10, $0x1;
	s10 =	sld [smem:$0x3FB9]  }
0x3d: {  	_ =	shalt  }
0x3e: {  	_ =	shalt  }
0x3f: {  	_ =	shalt  }
0x40: {  	_ =	shalt  }
0x41: {  	_ =	shalt  }
0x42: {  	_ =	shalt  }
0x43: {  	_ =	shalt  }
0x44: {  	_ =	shalt  }
0x45: {  	_ =	shalt  }
0x46: {  	_ =	shalt  }
0x47: {  	_ =	shalt  }
0x48: {  	_ =	shalt  }
0x49: {  	_ =	shalt  }
0x4a: {  	_ =	shalt  }
0x4b: {  	_ =	shalt  }
0x4c: {  	_ =	shalt  }
0x4d: {  	_ =	shalt  }
0x4e: {  	_ =	shalt  }
0x4f: {  	_ =	shalt  }
0x50: {  	_ =	shalt  }
0x51: {  	_ =	shalt  }
0x52: {  	_ =	shalt  }
0x53: {  	_ =	shalt  }
0x54: {  	_ =	shalt  }
0x55: {  	_ =	shalt  }
0x56: {  	_ =	shalt  }
0x57: {  	_ =	shalt  }
0x58: {  	_ =	shalt  }
0x59: {  	_ =	shalt  }
0x5a: {  	_ =	shalt  }
0x5b: {  	_ =	shalt  }
0x5c: {  	_ =	shalt  }
0x5d: {  	_ =	shalt  }
0x5e: {  	_ =	shalt  }
0x5f: {  	_ =	shalt  }
0x60: {  	_ =	shalt  }
0x61: {  	_ =	shalt  }
0x62: {  	_ =	shalt  }
0x63: {  	_ =	shalt  }
0x64: {  	_ =	shalt  }
0x65: {  	_ =	shalt  }
0x66: {  	_ =	shalt  }
0x67: {  	_ =	shalt  }
0x68: {  	_ =	shalt  }
0x69: {  	_ =	shalt  }
0x6a: {  	_ =	shalt  }
0x6b: {  	_ =	shalt  }
0x6c: {  	_ =	shalt  }
0x6d: {  	_ =	shalt  }
0x6e: {  	_ =	shalt  }
0x6f: {  	_ =	shalt  }
0x70: {  	_ =	shalt  }
0x71: {  	_ =	shalt  }
0x72: {  	_ =	shalt  }
0x73: {  	_ =	shalt  }
0x74: {  	_ =	shalt  }
0x75: {  	_ =	shalt  }
0x76: {  	_ =	shalt  }
0x77: {  	_ =	shalt  }
0x78: {  	_ =	shalt  }
0x79: {  	_ =	shalt  }
0x7a: {  	_ =	shalt  }
0x7b: {  	_ =	shalt  }
0x7c: {  	_ =	shalt  }
0x7d: {  	_ =	shalt  }
0x7e: {  	_ =	shalt  }
0x7f: {  	_ =	shalt  }
0x80: {  	_ =	shalt  }
0x81: {  	_ =	shalt  }
0x82: {  	_ =	shalt  }
0x83: {  	_ =	shalt  }
0x84: {  	_ =	shalt  }
0x85: {  	_ =	shalt  }
0x86: {  	_ =	shalt  }
0x87: {  	_ =	shalt  }
.Lfunc_end0:
.L_simem_size_0:
called_computation_lowered:
.L_overlay_start_0:
0x88: {  	s2 =	sld [smem:$0x3FD9]  }
0x89: {  	s3 =	sld [smem:$0x3FFE];
	_ =	sdelay $0x1  }
0x8a: {  	s1 =	srdreg.scid  }
0x8b: {  	s0 =	sand.u32 $0x1, s1  }
0x8c: {  	s17 =	sshll.u32 s0, $0xA;
	s2 =	sadd.s32 s3, s2  }
0x8d: {  	s2 =	sadd.s32 s2, s17  }
0x8e: {  	[smem:$0x3FC5] =	sst s2  }
0x8f: {  	_ = 	snop  }
0x90: {  	s2 =	sld [smem:$0x3FC8]  }
0x91: {  	s18 =	sld [smem:$0x3FD0];
	(tm) =	ssettm $0x1  }
0x92: {  	s4 =	sld [smem:$0x3FFB];
	_ =	sdelay $0x3  }
0x93: {  	_ =	strace s4  }
0x94: {  	s4 =	sld [smem:$0x3FFC];
	_ =	sdelay $0x3  }
0x95: {  	_ =	strace s4  }
0x96: {  	s4 =	sld [smem:$0x3FFD];
	_ =	sdelay $0x3  }
0x97: {  	_ =	strace s4  }
0x98: {  	_ =	strace $0x8FFFFFFF  }
0x99: {  	s19 =	sld [smem:$0x3FDB];
	_ =	sdelay $0x1  }
0x9a: {  	s5 =	simm.s32 $_scs_section_size  }
0x9b: {  	s6 =	simm.s32 $_size__tile_overlayer_lowered;
	s7 =	simm.s32 $_tile_overlayer_lowered  }
0x9c: {  	s22 =	simm.s32 $0x1BFF;
	s21 =	sshll.u32 s7, $0x1;
	s4 =	sadd.s32 s5, s19  }
0x9d: {  	s8 =	simm.s32 $0x0;
	s20 =	sshll.u32 s6, $0x1;
	s6 =	sadd.s32 s21, s4  }
0x9e: {  	[timem:s8], [sflag:s22] =	dma.local [hbm:s6], s20  }
0x9f: {  	_ =	swait.ge [sflag:s22], s20  }
0xa0: {  	s5 =	ssub.s32 $0x0, s20;
	[sflag:s22] =	ssyncset.done $0x0  }
0xa1: {  	[sflag:s22] =	ssyncadd.s32 s5;
	_ =	sdelay $0x1  }
0xa2: {  	s23 =	simm.s32 $0x1B8B  }
0xa3: {  	_ =	swait.ge [sflag:s23], $0x1  }
0xa4: {  	[sflag:s23] =	ssyncset.done $0x0  }
0xa5: {  	s25 =	simm.s32 $0x1B8E;
	s24 =	sld [smem:$0x3FFE];
	[sflag:s23] =	ssyncadd.s32 $0xFFFFFFFF  }
0xa6: {  	s26 =	simm.s32 $execute0_lowered;
	[smem:$0x3FD2] =	sst s25  }
0xa7: {  	s6 =	sshll.u32 s26, $0x1;
	_ =	strace $0x80000046;
	[dreg:$0x1] =	wrdreg $0xFFFFFFFF  }
0xa8: {  	s28 =	simm.s32 $_size_execute0_lowered;
	s4 =	sadd.s32 s4, s6;
	[dreg:$0x0] =	wrdreg $0x0  }
0xa9: {  	s6 =	sshll.u32 s28, $0x1;
	[dreg:$0x2] =	wrdreg s4  }
0xaa: {  	[dreg:$0x3] =	wrdreg s6  }
0xab: {  	[dreg:$0x4] =	wrdreg $0xC0  }
0xac: {  	_ =	task [dreg:s8], $0x5FFFF  }
0xad: {  	[dreg:$0x1] =	wrdreg $0xFFFFFFFF  }
0xae: {  	[dreg:$0x0] =	wrdreg $0x60  }
0xaf: {  	[dreg:$0x2] =	wrdreg s24  }
0xb0: {  	[dreg:$0x3] =	wrdreg s2  }
0xb1: {  	[dreg:$0x4] =	wrdreg s18  }
0xb2: {  	[dreg:$0x5] =	wrdreg $0x9  }
0xb3: {  	_ =	task.clear_ibuf [dreg:s8], $0x6FFFF;
	_ =	strace $0x90000046  }
0xb4: {  	s29 =	simm.s32 $0x9;
	_ =	strace $0x80000048  }
0xb5: {  	_ =	swait.ge [sflag:s29], $0x1  }
0xb6: {  	[sflag:s29] =	ssyncadd.s32 $0xFFFFFFFF  }
0xb7: {  	_ =	strace $0x90000048  }
0xb8: {  	_ =	sfence  }
0xb9: {  	s30 =	sld [smem:$0x0];
	_ =	sdelay $0x2  }
0xba: {  	s31 =	sshll.u32 s1, $0xD;
	s1 =	sshrl.u32 s1, $0x2  }
0xbb: {  	s3 =	sand.u32 $0x4000, s31;
	s1 =	sadd.s32 s1, s30  }
0xbc: {  	s0 =	sor.u32 s3, s0;
	s1 =	sshll.u32 s1, $0x11  }
0xbd: {  	s0 =	sor.u32 s1, s0  }
0xbe: {  	s0 =	sadd.s32 $0x8F2B, s0  }
0xbf: {  	[sflag:s0] =	ssyncadd.remote.s32 $0x1  }
0xc0: {  	_ =	sfence.sel $0xFFFF  }
0xc1: {  	[dreg:$0x0] =	wrdreg $0xFFFFFFFF;
	(pc) =	sbr.abs _section_cstart, $3  }
0xc2: {  	[dreg:$0x1] =	wrdreg $0xFFFFFFFF  }
0xc3: {  	_ =	task.clear_ibuf [dreg:s8], $0x2FFFF;
	_ =	strace $0x9FFFFFFF  }
0xc4: {  	(tm) =	ssettm $0x7FFFFFFF  }
0xc5: {  	_ =	shalt  }
tec
execute0_lowered:
.L_overlay_start_1:
0x0: {  	(tag) =	ssettag $0x1  }
0x1: {  	s6 =	rddreg [dreg:$0x0]  }
0x2: {  	s0 =	srdreg.scid;
	s2 =	rddreg [dreg:$0x1]  }
0x3: {  	s1 =	stileid.u32;
	s4 =	rddreg [dreg:$0x2]  }
0x4: {  	s5 =	simm.s32 $0x0;
	s12 =	simm.s32 $0x9;
	s18 =	simm.s32 $0x1  }
0x5: {  	s19 =	simm.s32 $0x11680;
	s20 =	simm.s32 $0x2;
	s21 =	simm.s32 $0x14680  }
0x6: {  	s22 =	simm.s32 $0x3;
	s23 =	simm.s32 $0x17680;
	s24 =	simm.s32 $0x4  }
0x7: {  	s25 =	simm.s32 $0x1A680;
	s0 =	sand.u32 $0x1, s0;
	s1 =	sshll.u32 s1, $0x1  }
0x8: {  	s28 =	simm.s32 $0x6;
	s29 =	simm.s32 $0x7;
	s1 =	sor.u32 s0, s1  }
0x9: {  	s30 =	simm.s32 $0x8;
	[smem:$0x7FF] =	sst s5;
	s3 =	smul.u32 $0x2680, s1  }
0xa: {  	s31 =	simm.s32 $0x0;
	s0 =	ssub.s32 $0x2, s0;
	_ =	strace $0x80000047  }
0xb: {  	s9 =	sshrl.u32 s0, $0x1;
	s1 =	sshrl.u32 s3, $0xF;
	s8 =	sshrl.u32 s3, $0x3  }
0xc: {  	s0 =	ssub.s32 s0, s9;
	s7 =	smul.u32 $0x300, s1;
	s8 =	sadd.s32 s8, s6  }
0xd: {  	v2 =	vlaneseq.u32;
	s9 =	sadd.s32 $0x100, s2;
	s11 =	smax.u32 s0, $0x1;
	s26 =	sadd.s32 $0x400, s8  }
0xe: {  	vm0 =	vmmov $0xffff;
	v1 =	vshrl.u32 v2, $0x3;
	s10 =	sadd.s32 s7, s6;
	s6 =	sshll.u32 s1, $0x3;
	[dreg:$0x4] =	wrdreg s26  }
0xf: {  	v0 =	vand.u32 $0x7, v2;
	v2 =	vor.u32 $0x8, v2;
	v1 =	vmul.u32 $0x8, v1;
	s26 =	simm.s32 $0x5;
	s8 =	sadd.s32 $0x9E00, s10;
	s10 =	sadd.s32 $0x200, s2  }
.LBB2_1:
0x10: {  	s0 =	rddreg [dreg:$0x4]  }
0x11: {  	[tilespmem:s5], [sflag:$0x9] =	stream.linear.gather [hbm4b:s0+s5], $0x2680, $0x38;
	[tilespmem:$0x1D680] =	vst v63  }
0x12: {  	_ =	swait.ge [sflag:s12], $0x2680  }
0x13: {  	[sflag:s12] =	ssyncset.done $0x0  }
0x14: {  	s14 =	simm.s32 $0x2680;
	[sflag:s12] =	ssyncadd.s32 $0xFFFFD980  }
0x15: {  	[tilespmem:s14], [sflag:$0x9] =	stream.linear.gather [hbm4b:s8+s5], $0x3000, $0x38;
	[tilespmem:$0x1D680] =	vst v63  }
0x16: {  	_ =	swait.ge [sflag:s12], $0x3000  }
0x17: {  	[sflag:s12] =	ssyncset.done $0x0  }
0x18: {  	[sflag:s12] =	ssyncadd.s32 $0xFFFFD000  }
0x19: {  	v3 =	vld [tilespmem:$0x0];
	_ =	sdelay $0x4  }
0x1a: {  	v4 =	vshrl.u32 v3, $0x3  }
0x1b: {  	v4 =	vmul.u32 $0x30, v4  }
0x1c: {  	v3 =	vand.u32 $0x7, v3  }
0x1d: {  	v3 =	vor.u32 v3, v4  }
0x1e: {  	v4 =	vperm.xlane v3, v0;
	_ =	sdelay $0x1  }
0x1f: {  	v4 =	vadd.s32 v1, v4;
	_ =	sdelay $0x3  }
0x20: {  	s15 =	simm.s32 $0x5680;
	v3 =	vperm.xlane v3, v2  }
0x21: {  	[tilespmem:s15], [sflag:$0x1] =	stream.indirect_vreg.gather [hbm4b:s2+s5], $0x80, v4, vm0, $0xb8;
	[tilespmem:$0x1D680] =	vst v63  }
0x22: {  	s16 =	simm.s32 $0x5E80;
	v3 =	vadd.s32 v1, v3  }
0x23: {  	[tilespmem:s16], [sflag:$0x1] =	stream.indirect_vreg.gather [hbm4b:s9+s5], $0x80, v4, vm0, $0xb8;
	[tilespmem:$0x1D680] =	vst v63  }
0x24: {  	s17 =	simm.s32 $0x6680  }
0x25: {  	[tilespmem:s17], [sflag:$0x1] =	stream.indirect_vreg.gather [hbm4b:s10+s5], $0x80, v4, vm0, $0xb8;
	[tilespmem:$0x1D680] =	vst v63  }
0x26: {  	s1 =	simm.s32 $0x6E80  }
0x27: {  	[tilespmem:s1], [sflag:$0x1] =	stream.indirect_vreg.gather [hbm4b:s2+s5], $0x80, v3, vm0, $0xb8;
	[tilespmem:$0x1D680] =	vst v63  }
0x28: {  	s7 =	simm.s32 $0x7680  }
0x29: {  	[tilespmem:s7], [sflag:$0x1] =	stream.indirect_vreg.gather [hbm4b:s9+s5], $0x80, v3, vm0, $0xb8;
	[tilespmem:$0x1D680] =	vst v63  }
0x2a: {  	s13 =	simm.s32 $0x7E80  }
0x2b: {  	[tilespmem:s13], [sflag:$0x1] =	stream.indirect_vreg.gather [hbm4b:s10+s5], $0x80, v3, vm0, $0xb8;
	[tilespmem:$0x1D680] =	vst v63  }
0x2c: {  	v3 =	vld [tilespmem:$0x10];
	_ =	sdelay $0x4  }
0x2d: {  	v61 =	vshrl.u32 v3, $0x3  }
0x2e: {  	v4 =	vmul.u32 $0x30, v61  }
0x2f: {  	v3 =	vand.u32 $0x7, v3  }
0x30: {  	v3 =	vor.u32 v3, v4  }
0x31: {  	v4 =	vperm.xlane v3, v0;
	_ =	sdelay $0x1  }
0x32: {  	v4 =	vadd.s32 v1, v4;
	_ =	sdelay $0x3  }
0x33: {  	s14 =	simm.s32 $0x8680;
	v3 =	vperm.xlane v3, v2  }
0x34: {  	[tilespmem:s14], [sflag:$0x2] =	stream.indirect_vreg.gather [hbm4b:s2+s5], $0x80, v4, vm0, $0xb8;
	[tilespmem:$0x1D680] =	vst v63  }
0x35: {  	s15 =	simm.s32 $0x8E80;
	v3 =	vadd.s32 v1, v3  }
0x36: {  	[tilespmem:s15], [sflag:$0x2] =	stream.indirect_vreg.gather [hbm4b:s9+s5], $0x80, v4, vm0, $0xb8;
	[tilespmem:$0x1D680] =	vst v63  }
0x37: {  	s16 =	simm.s32 $0x9680  }
0x38: {  	[tilespmem:s16], [sflag:$0x2] =	stream.indirect_vreg.gather [hbm4b:s10+s5], $0x80, v4, vm0, $0xb8;
	[tilespmem:$0x1D680] =	vst v63  }
0x39: {  	s17 =	simm.s32 $0x9E80  }
0x3a: {  	[tilespmem:s17], [sflag:$0x2] =	stream.indirect_vreg.gather [hbm4b:s2+s5], $0x80, v3, vm0, $0xb8;
	[tilespmem:$0x1D680] =	vst v63  }
0x3b: {  	s1 =	simm.s32 $0xA680  }
0x3c: {  	[tilespmem:s1], [sflag:$0x2] =	stream.indirect_vreg.gather [hbm4b:s9+s5], $0x80, v3, vm0, $0xb8;
	[tilespmem:$0x1D680] =	vst v63  }
0x3d: {  	s7 =	simm.s32 $0xAE80  }
0x3e: {  	[tilespmem:s7], [sflag:$0x2] =	stream.indirect_vreg.gather [hbm4b:s10+s5], $0x80, v3, vm0, $0xb8;
	[tilespmem:$0x1D680] =	vst v63  }
0x3f: {  	v3 =	vld [tilespmem:$0x20];
	_ =	sdelay $0x4  }
0x40: {  	v62 =	vshrl.u32 v3, $0x3  }
0x41: {  	v4 =	vmul.u32 $0x30, v62  }
0x42: {  	v3 =	vand.u32 $0x7, v3  }
0x43: {  	v3 =	vor.u32 v3, v4  }
0x44: {  	v4 =	vperm.xlane v3, v0;
	_ =	sdelay $0x1  }
0x45: {  	v4 =	vadd.s32 v1, v4;
	_ =	sdelay $0x3  }
0x46: {  	s13 =	simm.s32 $0xB680;
	v3 =	vperm.xlane v3, v2  }
0x47: {  	[tilespmem:s13], [sflag:$0x3] =	stream.indirect_vreg.gather [hbm4b:s2+s5], $0x80, v4, vm0, $0xb8;
	[tilespmem:$0x1D680] =	vst v63  }
0x48: {  	s14 =	simm.s32 $0xBE80;
	v3 =	vadd.s32 v1, v3  }
0x49: {  	[tilespmem:s14], [sflag:$0x3] =	stream.indirect_vreg.gather [hbm4b:s9+s5], $0x80, v4, vm0, $0xb8;
	[tilespmem:$0x1D680] =	vst v63  }
0x4a: {  	s15 =	simm.s32 $0xC680  }
0x4b: {  	[tilespmem:s15], [sflag:$0x3] =	stream.indirect_vreg.gather [hbm4b:s10+s5], $0x80, v4, vm0, $0xb8;
	[tilespmem:$0x1D680] =	vst v63  }
0x4c: {  	s16 =	simm.s32 $0xCE80  }
0x4d: {  	[tilespmem:s16], [sflag:$0x3] =	stream.indirect_vreg.gather [hbm4b:s2+s5], $0x80, v3, vm0, $0xb8;
	[tilespmem:$0x1D680] =	vst v63  }
0x4e: {  	s17 =	simm.s32 $0xD680  }
0x4f: {  	[tilespmem:s17], [sflag:$0x3] =	stream.indirect_vreg.gather [hbm4b:s9+s5], $0x80, v3, vm0, $0xb8;
	[tilespmem:$0x1D680] =	vst v63  }
0x50: {  	s1 =	simm.s32 $0xDE80  }
0x51: {  	[tilespmem:s1], [sflag:$0x3] =	stream.indirect_vreg.gather [hbm4b:s10+s5], $0x80, v3, vm0, $0xb8;
	[tilespmem:$0x1D680] =	vst v63  }
0x52: {  	v3 =	vld [tilespmem:$0x30];
	_ =	sdelay $0x4  }
0x53: {  	v63 =	vshrl.u32 v3, $0x3  }
0x54: {  	v4 =	vmul.u32 $0x30, v63  }
0x55: {  	v3 =	vand.u32 $0x7, v3  }
0x56: {  	v3 =	vor.u32 v3, v4  }
0x57: {  	v4 =	vperm.xlane v3, v0;
	_ =	sdelay $0x1  }
0x58: {  	v4 =	vadd.s32 v1, v4;
	_ =	sdelay $0x3  }
0x59: {  	s7 =	simm.s32 $0xE680;
	v3 =	vperm.xlane v3, v2  }
0x5a: {  	[tilespmem:s7], [sflag:$0x4] =	stream.indirect_vreg.gather [hbm4b:s2+s5], $0x80, v4, vm0, $0xb8;
	[tilespmem:$0x1D680] =	vst v63  }
0x5b: {  	s13 =	simm.s32 $0xEE80;
	v3 =	vadd.s32 v1, v3  }
0x5c: {  	[tilespmem:s13], [sflag:$0x4] =	stream.indirect_vreg.gather [hbm4b:s9+s5], $0x80, v4, vm0, $0xb8;
	[tilespmem:$0x1D680] =	vst v63  }
0x5d: {  	s14 =	simm.s32 $0xF680  }
0x5e: {  	[tilespmem:s14], [sflag:$0x4] =	stream.indirect_vreg.gather [hbm4b:s10+s5], $0x80, v4, vm0, $0xb8;
	[tilespmem:$0x1D680] =	vst v63  }
0x5f: {  	s15 =	simm.s32 $0xFE80  }
0x60: {  	[tilespmem:s15], [sflag:$0x4] =	stream.indirect_vreg.gather [hbm4b:s2+s5], $0x80, v3, vm0, $0xb8;
	[tilespmem:$0x1D680] =	vst v63  }
0x61: {  	s16 =	simm.s32 $0x10680  }
0x62: {  	[tilespmem:s16], [sflag:$0x4] =	stream.indirect_vreg.gather [hbm4b:s9+s5], $0x80, v3, vm0, $0xb8;
	[tilespmem:$0x1D680] =	vst v63  }
0x63: {  	s17 =	simm.s32 $0x10E80;
	s1 =	simm.s32 $0x0  }
0x64: {  	[tilespmem:s17], [sflag:$0x4] =	stream.indirect_vreg.gather [hbm4b:s10+s5], $0x80, v3, vm0, $0xb8;
	[tilespmem:$0x1D680] =	vst v63  }
.LBB2_2:
0x65: {  	s13 =	sshll.u32 s1, $0x6  }
0x66: {  	s14 =	sadd.s32 s3, s13  }
0x67: {  	s15 =	sshrl.u32 s14, $0xC  }
0x68: {  	s0 =	ssub.s32 s15, s6  }
0x69: {  	s0 =	sshrl.u32 s0, $0x3  }
0x6a: {  	s0 =	smul.u32 $0x6000, s0  }
0x6b: {  	s16 =	sshrl.u32 s14, $0x5  }
0x6c: {  	s16 =	sand.u32 $0x380, s16;
	s0 =	sshra.s32 s0, $0x2  }
0x6d: {  	_ =	swait.ge [sflag:s18], $0x3000;
	s0 =	sor.u32 s16, s0  }
0x6e: {  	p1 =	seq.s32 s1, $0x0;
	[sflag:s18] =	ssyncset.done $0x0;
	s7 =	sadd.s32 $0x2680, s0  }
0x6f: {  	s17 =	simm.s32 @!p1 $0x5;
	[sflag:s18] =	ssyncadd.s32 $0xFFFFD000;
	v3 =	vmov s7  }
0x70: {  	_ =	swait.ge @!p1 [sflag:s17], $0x3000  }
0x71: {  	[sflag:s17] =	ssyncset.done @!p1 $0x0  }
0x72: {  	[sflag:s17] =	ssyncadd.s32 @!p1 $0xFFFFD000;
	s16 =	simm.s32 $0x0;
	s0 =	sshll.u32 s1, $0x8  }
.LBB2_3:
0x73: {  	s17 =	sshll.u32 s16, $0x3  }
0x74: {  	v4 =	vld.idx.msk [tilespmem:v3+s17+$0x0 ss:$0x1], $0xffff  }
0x75: {  	v5 =	vld [tilespmem:s17+$0x5680]  }
0x76: {  	v6 =	vld [tilespmem:s17+$0x5700]  }
0x77: {  	v7 =	vld [tilespmem:s17+$0x5780]  }
0x78: {  	v8 =	vld [tilespmem:s17+$0x5800]  }
0x79: {  	v9 =	vld [tilespmem:s17+$0x5880]  }
0x7a: {  	v10 =	vld [tilespmem:s17+$0x5900];
	v5 =	vadd.f32 v5, v4  }
0x7b: {  	v11 =	vld [tilespmem:s17+$0x5980];
	v6 =	vadd.f32 v6, v4  }
0x7c: {  	v24 =	vld [tilespmem:s17+$0x5A00];
	[tilespmem:s17+$0x11680] =	vst v5;
	v5 =	vadd.f32 v7, v4  }
0x7d: {  	v26 =	vld [tilespmem:s17+$0x6E80];
	v25 =	vadd.f32 v8, v4;
	[tilespmem:s17+$0x11700] =	vst v6  }
0x7e: {  	v27 =	vld [tilespmem:s17+$0x6F00];
	[tilespmem:s17+$0x11780] =	vst v5;
	v5 =	vadd.f32 v9, v4  }
0x7f: {  	v29 =	vld [tilespmem:s17+$0x6F80];
	v28 =	vadd.f32 v10, v4;
	[tilespmem:s17+$0x11800] =	vst v25  }
0x80: {  	v30 =	vld [tilespmem:s17+$0x7000];
	[tilespmem:s17+$0x11880] =	vst v5;
	v5 =	vadd.f32 v11, v4  }
0x81: {  	v32 =	vld [tilespmem:s17+$0x7080];
	v31 =	vadd.f32 v24, v4;
	[tilespmem:s17+$0x11900] =	vst v28  }
0x82: {  	v33 =	vld [tilespmem:s17+$0x7100];
	[tilespmem:s17+$0x11980] =	vst v5;
	v5 =	vadd.f32 v26, v4  }
0x83: {  	v34 =	vadd.f32 v27, v4;
	[tilespmem:s17+$0x11A00] =	vst v31  }
0x84: {  	[tilespmem:s17+$0x12E80] =	vst v5;
	v5 =	vadd.f32 v29, v4  }
0x85: {  	v35 =	vadd.f32 v30, v4;
	[tilespmem:s17+$0x12F00] =	vst v34  }
0x86: {  	[tilespmem:s17+$0x12F80] =	vst v5;
	v5 =	vadd.f32 v32, v4  }
0x87: {  	v36 =	vadd.f32 v33, v4;
	[tilespmem:s17+$0x13000] =	vst v35  }
0x88: {  	[tilespmem:s17+$0x13080] =	vst v5  }
0x89: {  	[tilespmem:s17+$0x13100] =	vst v36  }
0x8a: {  	v5 =	vld [tilespmem:s17+$0x7180]  }
0x8b: {  	v6 =	vld [tilespmem:s17+$0x7200]  }
0x8c: {  	v37 =	vld.idx.msk [tilespmem:v3+s17+$0x10 ss:$0x1], $0xffff  }
0x8d: {  	v38 =	vld [tilespmem:s17+$0x5690]  }
0x8e: {  	v39 =	vld [tilespmem:s17+$0x5710]  }
0x8f: {  	v40 =	vld [tilespmem:s17+$0x5790]  }
0x90: {  	v41 =	vld [tilespmem:s17+$0x5810]  }
0x91: {  	v12 =	vld [tilespmem:s17+$0x5890]  }
0x92: {  	v13 =	vld [tilespmem:s17+$0x5910]  }
0x93: {  	v14 =	vld [tilespmem:s17+$0x5990]  }
0x94: {  	v15 =	vld [tilespmem:s17+$0x5A10]  }
0x95: {  	v16 =	vld [tilespmem:s17+$0x6E90]  }
0x96: {  	v17 =	vld [tilespmem:s17+$0x6F10]  }
0x97: {  	v18 =	vld [tilespmem:s17+$0x6F90]  }
0x98: {  	v19 =	vld [tilespmem:s17+$0x7010]  }
0x99: {  	v20 =	vld [tilespmem:s17+$0x7090]  }
0x9a: {  	v21 =	vld [tilespmem:s17+$0x7110]  }
0x9b: {  	v22 =	vld [tilespmem:s17+$0x7190]  }
0x9c: {  	v23 =	vld [tilespmem:s17+$0x7210]  }
0x9d: {  	v24 =	vld.idx.msk [tilespmem:v3+s17+$0x20 ss:$0x1], $0xffff  }
0x9e: {  	v25 =	vld [tilespmem:s17+$0x56A0];
	v5 =	vadd.f32 v5, v4  }
0x9f: {  	v42 =	vld [tilespmem:s17+$0x5720];
	v4 =	vadd.f32 v6, v4  }
0xa0: {  	v43 =	vld [tilespmem:s17+$0x57A0];
	[tilespmem:s17+$0x13180] =	vst v5;
	v5 =	vadd.f32 v38, v37  }
0xa1: {  	v44 =	vld [tilespmem:s17+$0x5820];
	[tilespmem:s17+$0x13200] =	vst v4;
	v4 =	vadd.f32 v39, v37  }
0xa2: {  	v45 =	vld [tilespmem:s17+$0x58A0];
	[tilespmem:s17+$0x11690] =	vst v5;
	v5 =	vadd.f32 v40, v37  }
0xa3: {  	v46 =	vld [tilespmem:s17+$0x5920];
	[tilespmem:s17+$0x11710] =	vst v4;
	v4 =	vadd.f32 v41, v37  }
0xa4: {  	v47 =	vld [tilespmem:s17+$0x59A0];
	[tilespmem:s17+$0x11790] =	vst v5;
	v5 =	vadd.f32 v12, v37  }
0xa5: {  	v48 =	vld [tilespmem:s17+$0x5A20];
	[tilespmem:s17+$0x11810] =	vst v4;
	v4 =	vadd.f32 v13, v37  }
0xa6: {  	v49 =	vld [tilespmem:s17+$0x6EA0];
	[tilespmem:s17+$0x11890] =	vst v5;
	v5 =	vadd.f32 v14, v37  }
0xa7: {  	v50 =	vld [tilespmem:s17+$0x6F20];
	[tilespmem:s17+$0x11910] =	vst v4;
	v4 =	vadd.f32 v15, v37  }
0xa8: {  	v51 =	vld [tilespmem:s17+$0x6FA0];
	[tilespmem:s17+$0x11990] =	vst v5;
	v5 =	vadd.f32 v16, v37  }
0xa9: {  	v52 =	vld [tilespmem:s17+$0x7020];
	[tilespmem:s17+$0x11A10] =	vst v4;
	v4 =	vadd.f32 v17, v37  }
0xaa: {  	v53 =	vld [tilespmem:s17+$0x70A0];
	[tilespmem:s17+$0x12E90] =	vst v5;
	v5 =	vadd.f32 v18, v37  }
0xab: {  	v54 =	vld [tilespmem:s17+$0x7120];
	[tilespmem:s17+$0x12F10] =	vst v4;
	v4 =	vadd.f32 v19, v37  }
0xac: {  	v55 =	vld [tilespmem:s17+$0x71A0];
	[tilespmem:s17+$0x12F90] =	vst v5;
	v5 =	vadd.f32 v20, v37  }
0xad: {  	v56 =	vld [tilespmem:s17+$0x7220];
	[tilespmem:s17+$0x13010] =	vst v4;
	v4 =	vadd.f32 v21, v37  }
0xae: {  	v57 =	vld.idx.msk [tilespmem:v3+s17+$0x30 ss:$0x1], $0xffff;
	[tilespmem:s17+$0x13090] =	vst v5;
	v5 =	vadd.f32 v22, v37  }
0xaf: {  	v58 =	vld [tilespmem:s17+$0x56B0];
	[tilespmem:s17+$0x13110] =	vst v4;
	v4 =	vadd.f32 v23, v37  }
0xb0: {  	v59 =	vld [tilespmem:s17+$0x5730];
	[tilespmem:s17+$0x13190] =	vst v5;
	v5 =	vadd.f32 v25, v24  }
0xb1: {  	v60 =	vld [tilespmem:s17+$0x57B0];
	[tilespmem:s17+$0x13210] =	vst v4;
	v4 =	vadd.f32 v42, v24  }
0xb2: {  	v61 =	vld [tilespmem:s17+$0x5830];
	[tilespmem:s17+$0x116A0] =	vst v5;
	v5 =	vadd.f32 v43, v24  }
0xb3: {  	v62 =	vld [tilespmem:s17+$0x58B0];
	[tilespmem:s17+$0x11720] =	vst v4;
	v4 =	vadd.f32 v44, v24  }
0xb4: {  	v63 =	vld [tilespmem:s17+$0x5930];
	[tilespmem:s17+$0x117A0] =	vst v5;
	v5 =	vadd.f32 v45, v24  }
0xb5: {  	v26 =	vld [tilespmem:s17+$0x5A30];
	[tilespmem:s17+$0x11820] =	vst v4;
	v4 =	vadd.f32 v46, v24  }
0xb6: {  	v27 =	vld [tilespmem:s17+$0x6EB0];
	[tilespmem:s17+$0x118A0] =	vst v5;
	v5 =	vadd.f32 v47, v24  }
0xb7: {  	v28 =	vld [tilespmem:s17+$0x6F30];
	[tilespmem:s17+$0x11920] =	vst v4;
	v4 =	vadd.f32 v48, v24  }
0xb8: {  	v29 =	vld [tilespmem:s17+$0x6FB0];
	[tilespmem:s17+$0x119A0] =	vst v5;
	v5 =	vadd.f32 v49, v24  }
0xb9: {  	v30 =	vld [tilespmem:s17+$0x7030];
	[tilespmem:s17+$0x11A20] =	vst v4;
	v4 =	vadd.f32 v50, v24  }
0xba: {  	v31 =	vld [tilespmem:s17+$0x70B0];
	[tilespmem:s17+$0x12EA0] =	vst v5;
	v5 =	vadd.f32 v51, v24  }
0xbb: {  	v32 =	vld [tilespmem:s17+$0x7130];
	[tilespmem:s17+$0x12F20] =	vst v4;
	v4 =	vadd.f32 v52, v24  }
0xbc: {  	v33 =	vld [tilespmem:s17+$0x71B0];
	[tilespmem:s17+$0x12FA0] =	vst v5;
	v5 =	vadd.f32 v53, v24  }
0xbd: {  	v34 =	vld [tilespmem:s17+$0x7230];
	[tilespmem:s17+$0x13020] =	vst v4;
	v4 =	vadd.f32 v54, v24  }
0xbe: {  	v35 =	vld.idx.msk [tilespmem:v3+s17+$0x40 ss:$0x1], $0xffff;
	[tilespmem:s17+$0x130A0] =	vst v5;
	v5 =	vadd.f32 v55, v24  }
0xbf: {  	v36 =	vld [tilespmem:s17+$0x56C0];
	[tilespmem:s17+$0x13120] =	vst v4;
	v4 =	vadd.f32 v56, v24  }
0xc0: {  	v38 =	vld [tilespmem:s17+$0x57C0];
	[tilespmem:s17+$0x131A0] =	vst v5;
	v5 =	vadd.f32 v58, v57  }
0xc1: {  	v25 =	vld [tilespmem:s17+$0x59B0];
	[tilespmem:s17+$0x13220] =	vst v4;
	v4 =	vadd.f32 v59, v57  }
0xc2: {  	v39 =	vld [tilespmem:s17+$0x5840];
	[tilespmem:s17+$0x116B0] =	vst v5;
	v5 =	vadd.f32 v60, v57  }
0xc3: {  	v40 =	vld [tilespmem:s17+$0x58C0];
	[tilespmem:s17+$0x11730] =	vst v4;
	v4 =	vadd.f32 v61, v57  }
0xc4: {  	v41 =	vld [tilespmem:s17+$0x5940];
	[tilespmem:s17+$0x117B0] =	vst v5;
	v5 =	vadd.f32 v62, v57  }
0xc5: {  	v16 =	vld [tilespmem:s17+$0x5BD0];
	[tilespmem:s17+$0x11830] =	vst v4;
	v4 =	vadd.f32 v63, v57  }
0xc6: {  	v17 =	vld [tilespmem:s17+$0x5C50];
	[tilespmem:s17+$0x118B0] =	vst v5;
	v5 =	vadd.f32 v25, v57  }
0xc7: {  	v21 =	vld [tilespmem:s17+$0x5A80];
	[tilespmem:s17+$0x11930] =	vst v4;
	v4 =	vadd.f32 v26, v57  }
0xc8: {  	v20 =	vld [tilespmem:s17+$0x7320];
	[tilespmem:s17+$0x119B0] =	vst v5;
	v5 =	vadd.f32 v27, v57  }
0xc9: {  	v37 =	vld [tilespmem:s17+$0x5740];
	[tilespmem:s17+$0x11A30] =	vst v4;
	v4 =	vadd.f32 v28, v57  }
0xca: {  	v22 =	vld [tilespmem:s17+$0x5B00];
	[tilespmem:s17+$0x12EB0] =	vst v5;
	v5 =	vadd.f32 v29, v57  }
0xcb: {  	v23 =	vld [tilespmem:s17+$0x5B80];
	[tilespmem:s17+$0x12F30] =	vst v4;
	v4 =	vadd.f32 v30, v57  }
0xcc: {  	v42 =	vld [tilespmem:s17+$0x59C0];
	[tilespmem:s17+$0x12FB0] =	vst v5;
	v5 =	vadd.f32 v31, v57  }
0xcd: {  	v43 =	vld [tilespmem:s17+$0x5A40];
	[tilespmem:s17+$0x13030] =	vst v4;
	v4 =	vadd.f32 v32, v57  }
0xce: {  	v44 =	vld [tilespmem:s17+$0x6EC0];
	[tilespmem:s17+$0x130B0] =	vst v5;
	v5 =	vadd.f32 v33, v57  }
0xcf: {  	v45 =	vld [tilespmem:s17+$0x6F40];
	[tilespmem:s17+$0x13130] =	vst v4;
	v4 =	vadd.f32 v34, v57  }
0xd0: {  	v46 =	vld [tilespmem:s17+$0x6FC0];
	[tilespmem:s17+$0x131B0] =	vst v5;
	v5 =	vadd.f32 v36, v35  }
0xd1: {  	v47 =	vld [tilespmem:s17+$0x7040];
	[tilespmem:s17+$0x13230] =	vst v4;
	v4 =	vadd.f32 v37, v35  }
0xd2: {  	v48 =	vld [tilespmem:s17+$0x70C0];
	[tilespmem:s17+$0x116C0] =	vst v5;
	v5 =	vadd.f32 v38, v35  }
0xd3: {  	v49 =	vld [tilespmem:s17+$0x7140];
	[tilespmem:s17+$0x11740] =	vst v4;
	v4 =	vadd.f32 v39, v35  }
0xd4: {  	v50 =	vld [tilespmem:s17+$0x71C0];
	[tilespmem:s17+$0x117C0] =	vst v5;
	v5 =	vadd.f32 v40, v35  }
0xd5: {  	v51 =	vld [tilespmem:s17+$0x7240];
	[tilespmem:s17+$0x11840] =	vst v4;
	v4 =	vadd.f32 v41, v35  }
0xd6: {  	v52 =	vld.idx.msk [tilespmem:v3+s17+$0x50 ss:$0x1], $0xffff;
	[tilespmem:s17+$0x118C0] =	vst v5;
	v5 =	vadd.f32 v42, v35  }
0xd7: {  	v53 =	vld [tilespmem:s17+$0x56D0];
	[tilespmem:s17+$0x11940] =	vst v4;
	v4 =	vadd.f32 v43, v35  }
0xd8: {  	v54 =	vld [tilespmem:s17+$0x5750];
	[tilespmem:s17+$0x119C0] =	vst v5;
	v5 =	vadd.f32 v44, v35  }
0xd9: {  	v55 =	vld [tilespmem:s17+$0x57D0];
	[tilespmem:s17+$0x11A40] =	vst v4;
	v4 =	vadd.f32 v45, v35  }
0xda: {  	v56 =	vld [tilespmem:s17+$0x5850];
	[tilespmem:s17+$0x12EC0] =	vst v5;
	v5 =	vadd.f32 v46, v35  }
0xdb: {  	v24 =	vld [tilespmem:s17+$0x7050];
	[tilespmem:s17+$0x12F40] =	vst v4;
	v4 =	vadd.f32 v47, v35  }
0xdc: {  	v58 =	vld [tilespmem:s17+$0x5950];
	[tilespmem:s17+$0x12FC0] =	vst v5;
	v5 =	vadd.f32 v48, v35  }
0xdd: {  	v59 =	vld [tilespmem:s17+$0x59D0];
	[tilespmem:s17+$0x13040] =	vst v4;
	v4 =	vadd.f32 v49, v35  }
0xde: {  	v60 =	vld [tilespmem:s17+$0x5A50];
	[tilespmem:s17+$0x130C0] =	vst v5;
	v5 =	vadd.f32 v50, v35  }
0xdf: {  	v57 =	vld [tilespmem:s17+$0x58D0];
	[tilespmem:s17+$0x13140] =	vst v4;
	v4 =	vadd.f32 v51, v35  }
0xe0: {  	v61 =	vld [tilespmem:s17+$0x6ED0];
	[tilespmem:s17+$0x131C0] =	vst v5;
	v5 =	vadd.f32 v53, v52  }
0xe1: {  	v62 =	vld [tilespmem:s17+$0x6F50];
	[tilespmem:s17+$0x13240] =	vst v4;
	v4 =	vadd.f32 v54, v52  }
0xe2: {  	v63 =	vld [tilespmem:s17+$0x6FD0];
	[tilespmem:s17+$0x116D0] =	vst v5;
	v5 =	vadd.f32 v55, v52  }
0xe3: {  	v25 =	vld [tilespmem:s17+$0x70D0];
	[tilespmem:s17+$0x11750] =	vst v4;
	v4 =	vadd.f32 v56, v52  }
0xe4: {  	v26 =	vld [tilespmem:s17+$0x7150];
	[tilespmem:s17+$0x117D0] =	vst v5;
	v5 =	vadd.f32 v57, v52  }
0xe5: {  	v27 =	vld [tilespmem:s17+$0x71D0];
	[tilespmem:s17+$0x11850] =	vst v4;
	v4 =	vadd.f32 v58, v52  }
0xe6: {  	v28 =	vld [tilespmem:s17+$0x7250];
	[tilespmem:s17+$0x118D0] =	vst v5;
	v5 =	vadd.f32 v59, v52  }
0xe7: {  	v29 =	vld.idx.msk [tilespmem:v3+s17+$0x60 ss:$0x1], $0xffff;
	[tilespmem:s17+$0x11950] =	vst v4;
	v4 =	vadd.f32 v60, v52  }
0xe8: {  	v30 =	vld [tilespmem:s17+$0x56E0];
	[tilespmem:s17+$0x119D0] =	vst v5;
	v5 =	vadd.f32 v61, v52  }
0xe9: {  	v31 =	vld [tilespmem:s17+$0x5760];
	[tilespmem:s17+$0x11A50] =	vst v4;
	v4 =	vadd.f32 v62, v52  }
0xea: {  	v32 =	vld [tilespmem:s17+$0x57E0];
	[tilespmem:s17+$0x12ED0] =	vst v5;
	v5 =	vadd.f32 v63, v52  }
0xeb: {  	v33 =	vld [tilespmem:s17+$0x5860];
	[tilespmem:s17+$0x12F50] =	vst v4;
	v4 =	vadd.f32 v24, v52  }
0xec: {  	v34 =	vld [tilespmem:s17+$0x58E0];
	[tilespmem:s17+$0x12FD0] =	vst v5;
	v5 =	vadd.f32 v25, v52  }
0xed: {  	v36 =	vld [tilespmem:s17+$0x59E0];
	[tilespmem:s17+$0x13050] =	vst v4;
	v4 =	vadd.f32 v26, v52  }
0xee: {  	v37 =	vld [tilespmem:s17+$0x5A60];
	[tilespmem:s17+$0x130D0] =	vst v5;
	v5 =	vadd.f32 v27, v52  }
0xef: {  	v38 =	vld [tilespmem:s17+$0x6EE0];
	[tilespmem:s17+$0x13150] =	vst v4;
	v4 =	vadd.f32 v28, v52  }
0xf0: {  	v35 =	vld [tilespmem:s17+$0x5960];
	[tilespmem:s17+$0x131D0] =	vst v5;
	v5 =	vadd.f32 v30, v29  }
0xf1: {  	v39 =	vld [tilespmem:s17+$0x6F60];
	[tilespmem:s17+$0x13250] =	vst v4;
	v4 =	vadd.f32 v31, v29  }
0xf2: {  	v40 =	vld [tilespmem:s17+$0x6FE0];
	[tilespmem:s17+$0x116E0] =	vst v5;
	v5 =	vadd.f32 v32, v29  }
0xf3: {  	v41 =	vld [tilespmem:s17+$0x7060];
	[tilespmem:s17+$0x11760] =	vst v4;
	v4 =	vadd.f32 v33, v29  }
0xf4: {  	v42 =	vld [tilespmem:s17+$0x70E0];
	[tilespmem:s17+$0x117E0] =	vst v5;
	v5 =	vadd.f32 v34, v29  }
0xf5: {  	v43 =	vld [tilespmem:s17+$0x7160];
	[tilespmem:s17+$0x11860] =	vst v4;
	v4 =	vadd.f32 v35, v29  }
0xf6: {  	v44 =	vld [tilespmem:s17+$0x71E0];
	[tilespmem:s17+$0x118E0] =	vst v5;
	v5 =	vadd.f32 v36, v29  }
0xf7: {  	v45 =	vld [tilespmem:s17+$0x7260];
	[tilespmem:s17+$0x11960] =	vst v4;
	v4 =	vadd.f32 v37, v29  }
0xf8: {  	v46 =	vld.idx.msk [tilespmem:v3+s17+$0x70 ss:$0x1], $0xffff;
	[tilespmem:s17+$0x119E0] =	vst v5;
	v5 =	vadd.f32 v38, v29  }
0xf9: {  	v47 =	vld [tilespmem:s17+$0x56F0];
	[tilespmem:s17+$0x11A60] =	vst v4;
	v4 =	vadd.f32 v39, v29  }
0xfa: {  	v48 =	vld [tilespmem:s17+$0x5770];
	[tilespmem:s17+$0x12EE0] =	vst v5;
	v5 =	vadd.f32 v40, v29  }
0xfb: {  	v49 =	vld [tilespmem:s17+$0x57F0];
	[tilespmem:s17+$0x12F60] =	vst v4;
	v4 =	vadd.f32 v41, v29  }
0xfc: {  	v50 =	vld [tilespmem:s17+$0x5870];
	[tilespmem:s17+$0x12FE0] =	vst v5;
	v5 =	vadd.f32 v42, v29  }
0xfd: {  	v51 =	vld [tilespmem:s17+$0x58F0];
	[tilespmem:s17+$0x13060] =	vst v4;
	v4 =	vadd.f32 v43, v29  }
0xfe: {  	v53 =	vld [tilespmem:s17+$0x59F0];
	[tilespmem:s17+$0x130E0] =	vst v5;
	v5 =	vadd.f32 v44, v29  }
0xff: {  	v54 =	vld [tilespmem:s17+$0x5A70];
	[tilespmem:s17+$0x13160] =	vst v4;
	v4 =	vadd.f32 v45, v29  }
0x100: {  	v52 =	vld [tilespmem:s17+$0x5970];
	[tilespmem:s17+$0x131E0] =	vst v5;
	v5 =	vadd.f32 v47, v46  }
0x101: {  	v55 =	vld [tilespmem:s17+$0x6EF0];
	[tilespmem:s17+$0x13260] =	vst v4;
	v4 =	vadd.f32 v48, v46  }
0x102: {  	v56 =	vld [tilespmem:s17+$0x6F70];
	[tilespmem:s17+$0x116F0] =	vst v5;
	v5 =	vadd.f32 v49, v46  }
0x103: {  	v57 =	vld [tilespmem:s17+$0x6FF0];
	[tilespmem:s17+$0x11770] =	vst v4;
	v4 =	vadd.f32 v50, v46  }
0x104: {  	v58 =	vld [tilespmem:s17+$0x7070];
	[tilespmem:s17+$0x117F0] =	vst v5;
	v5 =	vadd.f32 v51, v46  }
0x105: {  	v59 =	vld [tilespmem:s17+$0x70F0];
	[tilespmem:s17+$0x11870] =	vst v4;
	v4 =	vadd.f32 v52, v46  }
0x106: {  	v60 =	vld [tilespmem:s17+$0x7170];
	[tilespmem:s17+$0x118F0] =	vst v5;
	v5 =	vadd.f32 v53, v46  }
0x107: {  	v61 =	vld [tilespmem:s17+$0x71F0];
	[tilespmem:s17+$0x11970] =	vst v4;
	v4 =	vadd.f32 v54, v46  }
0x108: {  	v62 =	vld [tilespmem:s17+$0x7270];
	[tilespmem:s17+$0x119F0] =	vst v5;
	v5 =	vadd.f32 v55, v46  }
0x109: {  	v63 =	vld.idx.msk [tilespmem:v3+s17+$0x400 ss:$0x1], $0xffff;
	[tilespmem:s17+$0x11A70] =	vst v4;
	v4 =	vadd.f32 v56, v46  }
0x10a: {  	v24 =	vld [tilespmem:s17+$0x5C00];
	[tilespmem:s17+$0x12EF0] =	vst v5;
	v5 =	vadd.f32 v57, v46  }
0x10b: {  	v25 =	vld [tilespmem:s17+$0x5C80];
	[tilespmem:s17+$0x12F70] =	vst v4;
	v4 =	vadd.f32 v58, v46  }
0x10c: {  	v26 =	vld [tilespmem:s17+$0x5D00];
	[tilespmem:s17+$0x12FF0] =	vst v5;
	v5 =	vadd.f32 v59, v46  }
0x10d: {  	v27 =	vld [tilespmem:s17+$0x5D80];
	[tilespmem:s17+$0x13070] =	vst v4;
	v4 =	vadd.f32 v60, v46  }
0x10e: {  	v28 =	vld [tilespmem:s17+$0x5E00];
	[tilespmem:s17+$0x130F0] =	vst v5;
	v5 =	vadd.f32 v61, v46  }
0x10f: {  	v30 =	vld [tilespmem:s17+$0x7300];
	[tilespmem:s17+$0x13170] =	vst v4;
	v4 =	vadd.f32 v62, v46  }
0x110: {  	v31 =	vld [tilespmem:s17+$0x7380];
	[tilespmem:s17+$0x131F0] =	vst v5;
	v5 =	vadd.f32 v21, v63  }
0x111: {  	v32 =	vld [tilespmem:s17+$0x7400];
	[tilespmem:s17+$0x13270] =	vst v4;
	v4 =	vadd.f32 v22, v63  }
0x112: {  	v33 =	vld [tilespmem:s17+$0x7480];
	[tilespmem:s17+$0x11A80] =	vst v5;
	v5 =	vadd.f32 v23, v63  }
0x113: {  	v29 =	vld [tilespmem:s17+$0x7280];
	[tilespmem:s17+$0x11B00] =	vst v4;
	v4 =	vadd.f32 v24, v63  }
0x114: {  	v34 =	vld [tilespmem:s17+$0x7500];
	[tilespmem:s17+$0x11B80] =	vst v5;
	v5 =	vadd.f32 v25, v63  }
0x115: {  	v35 =	vld [tilespmem:s17+$0x7580];
	[tilespmem:s17+$0x11C00] =	vst v4;
	v4 =	vadd.f32 v26, v63  }
0x116: {  	v36 =	vld [tilespmem:s17+$0x7600];
	[tilespmem:s17+$0x11C80] =	vst v5;
	v5 =	vadd.f32 v27, v63  }
0x117: {  	v37 =	vld.idx.msk [tilespmem:v3+s17+$0x410 ss:$0x1], $0xffff;
	[tilespmem:s17+$0x11D00] =	vst v4;
	v4 =	vadd.f32 v28, v63  }
0x118: {  	v38 =	vld [tilespmem:s17+$0x5A90];
	[tilespmem:s17+$0x11D80] =	vst v5;
	v5 =	vadd.f32 v29, v63  }
0x119: {  	v39 =	vld [tilespmem:s17+$0x5B10];
	[tilespmem:s17+$0x11E00] =	vst v4;
	v4 =	vadd.f32 v30, v63  }
0x11a: {  	v40 =	vld [tilespmem:s17+$0x5B90];
	[tilespmem:s17+$0x13280] =	vst v5;
	v5 =	vadd.f32 v31, v63  }
0x11b: {  	v41 =	vld [tilespmem:s17+$0x5C10];
	[tilespmem:s17+$0x13300] =	vst v4;
	v4 =	vadd.f32 v32, v63  }
0x11c: {  	v42 =	vld [tilespmem:s17+$0x5C90];
	[tilespmem:s17+$0x13380] =	vst v5;
	v5 =	vadd.f32 v33, v63  }
0x11d: {  	v43 =	vld [tilespmem:s17+$0x5D10];
	[tilespmem:s17+$0x13400] =	vst v4;
	v4 =	vadd.f32 v34, v63  }
0x11e: {  	v44 =	vld [tilespmem:s17+$0x5D90];
	[tilespmem:s17+$0x13480] =	vst v5;
	v5 =	vadd.f32 v35, v63  }
0x11f: {  	v45 =	vld [tilespmem:s17+$0x5E10];
	[tilespmem:s17+$0x13500] =	vst v4;
	v4 =	vadd.f32 v36, v63  }
0x120: {  	v47 =	vld [tilespmem:s17+$0x7310];
	[tilespmem:s17+$0x13580] =	vst v5;
	v5 =	vadd.f32 v38, v37  }
0x121: {  	v48 =	vld [tilespmem:s17+$0x7390];
	[tilespmem:s17+$0x13600] =	vst v4;
	v4 =	vadd.f32 v39, v37  }
0x122: {  	v49 =	vld [tilespmem:s17+$0x7410];
	[tilespmem:s17+$0x11A90] =	vst v5;
	v5 =	vadd.f32 v40, v37  }
0x123: {  	v46 =	vld [tilespmem:s17+$0x7290];
	[tilespmem:s17+$0x11B10] =	vst v4;
	v4 =	vadd.f32 v41, v37  }
0x124: {  	v50 =	vld [tilespmem:s17+$0x7490];
	[tilespmem:s17+$0x11B90] =	vst v5;
	v5 =	vadd.f32 v42, v37  }
0x125: {  	v51 =	vld [tilespmem:s17+$0x7510];
	[tilespmem:s17+$0x11C10] =	vst v4;
	v4 =	vadd.f32 v43, v37  }
0x126: {  	v52 =	vld [tilespmem:s17+$0x7590];
	[tilespmem:s17+$0x11C90] =	vst v5;
	v5 =	vadd.f32 v44, v37  }
0x127: {  	v53 =	vld [tilespmem:s17+$0x7610];
	[tilespmem:s17+$0x11D10] =	vst v4;
	v4 =	vadd.f32 v45, v37  }
0x128: {  	v54 =	vld.idx.msk [tilespmem:v3+s17+$0x420 ss:$0x1], $0xffff;
	[tilespmem:s17+$0x11D90] =	vst v5;
	v5 =	vadd.f32 v46, v37  }
0x129: {  	v55 =	vld [tilespmem:s17+$0x5AA0];
	[tilespmem:s17+$0x11E10] =	vst v4;
	v4 =	vadd.f32 v47, v37  }
0x12a: {  	v56 =	vld [tilespmem:s17+$0x5B20];
	[tilespmem:s17+$0x13290] =	vst v5;
	v5 =	vadd.f32 v48, v37  }
0x12b: {  	v57 =	vld [tilespmem:s17+$0x5BA0];
	[tilespmem:s17+$0x13310] =	vst v4;
	v4 =	vadd.f32 v49, v37  }
0x12c: {  	v58 =	vld [tilespmem:s17+$0x5C20];
	[tilespmem:s17+$0x13390] =	vst v5;
	v5 =	vadd.f32 v50, v37  }
0x12d: {  	v59 =	vld [tilespmem:s17+$0x5CA0];
	[tilespmem:s17+$0x13410] =	vst v4;
	v4 =	vadd.f32 v51, v37  }
0x12e: {  	v60 =	vld [tilespmem:s17+$0x5D20];
	[tilespmem:s17+$0x13490] =	vst v5;
	v5 =	vadd.f32 v52, v37  }
0x12f: {  	v61 =	vld [tilespmem:s17+$0x5DA0];
	[tilespmem:s17+$0x13510] =	vst v4;
	v4 =	vadd.f32 v53, v37  }
0x130: {  	v62 =	vld [tilespmem:s17+$0x5E20];
	[tilespmem:s17+$0x13590] =	vst v5;
	v5 =	vadd.f32 v55, v54  }
0x131: {  	v21 =	vld [tilespmem:s17+$0x73A0];
	[tilespmem:s17+$0x13610] =	vst v4;
	v4 =	vadd.f32 v56, v54  }
0x132: {  	v22 =	vld [tilespmem:s17+$0x7420];
	[tilespmem:s17+$0x11AA0] =	vst v5;
	v5 =	vadd.f32 v57, v54  }
0x133: {  	v63 =	vld [tilespmem:s17+$0x72A0];
	[tilespmem:s17+$0x11B20] =	vst v4;
	v4 =	vadd.f32 v58, v54  }
0x134: {  	v23 =	vld [tilespmem:s17+$0x74A0];
	[tilespmem:s17+$0x11BA0] =	vst v5;
	v5 =	vadd.f32 v59, v54  }
0x135: {  	v24 =	vld [tilespmem:s17+$0x7520];
	[tilespmem:s17+$0x11C20] =	vst v4;
	v4 =	vadd.f32 v60, v54  }
0x136: {  	v25 =	vld [tilespmem:s17+$0x75A0];
	[tilespmem:s17+$0x11CA0] =	vst v5;
	v5 =	vadd.f32 v61, v54  }
0x137: {  	v26 =	vld [tilespmem:s17+$0x7620];
	[tilespmem:s17+$0x11D20] =	vst v4;
	v4 =	vadd.f32 v62, v54  }
0x138: {  	v27 =	vld.idx.msk [tilespmem:v3+s17+$0x430 ss:$0x1], $0xffff;
	[tilespmem:s17+$0x11DA0] =	vst v5;
	v5 =	vadd.f32 v63, v54  }
0x139: {  	v28 =	vld [tilespmem:s17+$0x5AB0];
	[tilespmem:s17+$0x11E20] =	vst v4;
	v4 =	vadd.f32 v20, v54  }
0x13a: {  	v29 =	vld [tilespmem:s17+$0x5B30];
	[tilespmem:s17+$0x132A0] =	vst v5;
	v5 =	vadd.f32 v21, v54  }
0x13b: {  	v30 =	vld [tilespmem:s17+$0x5BB0];
	[tilespmem:s17+$0x13320] =	vst v4;
	v4 =	vadd.f32 v22, v54  }
0x13c: {  	v31 =	vld [tilespmem:s17+$0x5C30];
	[tilespmem:s17+$0x133A0] =	vst v5;
	v5 =	vadd.f32 v23, v54  }
0x13d: {  	v32 =	vld [tilespmem:s17+$0x5CB0];
	[tilespmem:s17+$0x13420] =	vst v4;
	v4 =	vadd.f32 v24, v54  }
0x13e: {  	v33 =	vld [tilespmem:s17+$0x5D30];
	[tilespmem:s17+$0x134A0] =	vst v5;
	v5 =	vadd.f32 v25, v54  }
0x13f: {  	v34 =	vld [tilespmem:s17+$0x5DB0];
	[tilespmem:s17+$0x13520] =	vst v4;
	v4 =	vadd.f32 v26, v54  }
0x140: {  	v35 =	vld [tilespmem:s17+$0x5E30];
	[tilespmem:s17+$0x135A0] =	vst v5;
	v5 =	vadd.f32 v28, v27  }
0x141: {  	v36 =	vld [tilespmem:s17+$0x72B0];
	[tilespmem:s17+$0x13620] =	vst v4;
	v4 =	vadd.f32 v29, v27  }
0x142: {  	v38 =	vld [tilespmem:s17+$0x73B0];
	[tilespmem:s17+$0x11AB0] =	vst v5;
	v5 =	vadd.f32 v30, v27  }
0x143: {  	v39 =	vld [tilespmem:s17+$0x7430];
	[tilespmem:s17+$0x11B30] =	vst v4;
	v4 =	vadd.f32 v31, v27  }
0x144: {  	v37 =	vld [tilespmem:s17+$0x7330];
	[tilespmem:s17+$0x11BB0] =	vst v5;
	v5 =	vadd.f32 v32, v27  }
0x145: {  	v40 =	vld [tilespmem:s17+$0x74B0];
	[tilespmem:s17+$0x11C30] =	vst v4;
	v4 =	vadd.f32 v33, v27  }
0x146: {  	v41 =	vld [tilespmem:s17+$0x7530];
	[tilespmem:s17+$0x11CB0] =	vst v5;
	v5 =	vadd.f32 v34, v27  }
0x147: {  	v42 =	vld [tilespmem:s17+$0x75B0];
	[tilespmem:s17+$0x11D30] =	vst v4;
	v4 =	vadd.f32 v35, v27  }
0x148: {  	v43 =	vld [tilespmem:s17+$0x7630];
	[tilespmem:s17+$0x11DB0] =	vst v5;
	v5 =	vadd.f32 v36, v27  }
0x149: {  	v44 =	vld.idx.msk [tilespmem:v3+s17+$0x440 ss:$0x1], $0xffff;
	[tilespmem:s17+$0x11E30] =	vst v4;
	v4 =	vadd.f32 v37, v27  }
0x14a: {  	v45 =	vld [tilespmem:s17+$0x5AC0];
	[tilespmem:s17+$0x132B0] =	vst v5;
	v5 =	vadd.f32 v38, v27  }
0x14b: {  	v46 =	vld [tilespmem:s17+$0x5B40];
	[tilespmem:s17+$0x13330] =	vst v4;
	v4 =	vadd.f32 v39, v27  }
0x14c: {  	v47 =	vld [tilespmem:s17+$0x5BC0];
	[tilespmem:s17+$0x133B0] =	vst v5;
	v5 =	vadd.f32 v40, v27  }
0x14d: {  	v48 =	vld [tilespmem:s17+$0x5C40];
	[tilespmem:s17+$0x13430] =	vst v4;
	v4 =	vadd.f32 v41, v27  }
0x14e: {  	v49 =	vld [tilespmem:s17+$0x5CC0];
	[tilespmem:s17+$0x134B0] =	vst v5;
	v5 =	vadd.f32 v42, v27  }
0x14f: {  	v50 =	vld [tilespmem:s17+$0x5D40];
	[tilespmem:s17+$0x13530] =	vst v4;
	v4 =	vadd.f32 v43, v27  }
0x150: {  	v51 =	vld [tilespmem:s17+$0x5DC0];
	[tilespmem:s17+$0x135B0] =	vst v5;
	v5 =	vadd.f32 v45, v44  }
0x151: {  	v52 =	vld [tilespmem:s17+$0x5E40];
	[tilespmem:s17+$0x13630] =	vst v4;
	v4 =	vadd.f32 v46, v44  }
0x152: {  	v53 =	vld [tilespmem:s17+$0x72C0];
	[tilespmem:s17+$0x11AC0] =	vst v5;
	v5 =	vadd.f32 v47, v44  }
0x153: {  	v55 =	vld [tilespmem:s17+$0x73C0];
	[tilespmem:s17+$0x11B40] =	vst v4;
	v4 =	vadd.f32 v48, v44  }
0x154: {  	v54 =	vld [tilespmem:s17+$0x7340];
	[tilespmem:s17+$0x11BC0] =	vst v5;
	v5 =	vadd.f32 v49, v44  }
0x155: {  	v56 =	vld [tilespmem:s17+$0x7440];
	[tilespmem:s17+$0x11C40] =	vst v4;
	v4 =	vadd.f32 v50, v44  }
0x156: {  	v57 =	vld [tilespmem:s17+$0x74C0];
	[tilespmem:s17+$0x11CC0] =	vst v5;
	v5 =	vadd.f32 v51, v44  }
0x157: {  	v58 =	vld [tilespmem:s17+$0x7540];
	[tilespmem:s17+$0x11D40] =	vst v4;
	v4 =	vadd.f32 v52, v44  }
0x158: {  	v59 =	vld [tilespmem:s17+$0x75C0];
	[tilespmem:s17+$0x11DC0] =	vst v5;
	v5 =	vadd.f32 v53, v44  }
0x159: {  	v60 =	vld [tilespmem:s17+$0x7640];
	[tilespmem:s17+$0x11E40] =	vst v4;
	v4 =	vadd.f32 v54, v44  }
0x15a: {  	v61 =	vld.idx.msk [tilespmem:v3+s17+$0x450 ss:$0x1], $0xffff;
	[tilespmem:s17+$0x132C0] =	vst v5;
	v5 =	vadd.f32 v55, v44  }
0x15b: {  	v62 =	vld [tilespmem:s17+$0x5AD0];
	[tilespmem:s17+$0x13340] =	vst v4;
	v4 =	vadd.f32 v56, v44  }
0x15c: {  	v63 =	vld [tilespmem:s17+$0x5B50];
	[tilespmem:s17+$0x133C0] =	vst v5;
	v5 =	vadd.f32 v57, v44  }
0x15d: {  	v18 =	vld [tilespmem:s17+$0x5CD0];
	[tilespmem:s17+$0x13440] =	vst v4;
	v4 =	vadd.f32 v58, v44  }
0x15e: {  	v19 =	vld [tilespmem:s17+$0x5D50];
	[tilespmem:s17+$0x134C0] =	vst v5;
	v5 =	vadd.f32 v59, v44  }
0x15f: {  	v20 =	vld [tilespmem:s17+$0x5DD0];
	[tilespmem:s17+$0x13540] =	vst v4;
	v4 =	vadd.f32 v60, v44  }
0x160: {  	v21 =	vld [tilespmem:s17+$0x5E50];
	[tilespmem:s17+$0x135C0] =	vst v5;
	v5 =	vadd.f32 v62, v61  }
0x161: {  	v22 =	vld [tilespmem:s17+$0x72D0];
	[tilespmem:s17+$0x13640] =	vst v4;
	v4 =	vadd.f32 v63, v61  }
0x162: {  	v23 =	vld [tilespmem:s17+$0x7350];
	[tilespmem:s17+$0x11AD0] =	vst v5;
	v5 =	vadd.f32 v16, v61  }
0x163: {  	v24 =	vld [tilespmem:s17+$0x73D0];
	[tilespmem:s17+$0x11B50] =	vst v4;
	v4 =	vadd.f32 v17, v61  }
0x164: {  	v25 =	vld [tilespmem:s17+$0x7450];
	[tilespmem:s17+$0x11BD0] =	vst v5;
	v5 =	vadd.f32 v18, v61  }
0x165: {  	v26 =	vld [tilespmem:s17+$0x74D0];
	[tilespmem:s17+$0x11C50] =	vst v4;
	v4 =	vadd.f32 v19, v61  }
0x166: {  	v28 =	vld [tilespmem:s17+$0x75D0];
	[tilespmem:s17+$0x11CD0] =	vst v5;
	v5 =	vadd.f32 v20, v61  }
0x167: {  	v29 =	vld [tilespmem:s17+$0x7650];
	[tilespmem:s17+$0x11D50] =	vst v4;
	v4 =	vadd.f32 v21, v61  }
0x168: {  	v27 =	vld [tilespmem:s17+$0x7550];
	[tilespmem:s17+$0x11DD0] =	vst v5;
	v5 =	vadd.f32 v22, v61  }
0x169: {  	v30 =	vld.idx.msk [tilespmem:v3+s17+$0x460 ss:$0x1], $0xffff;
	[tilespmem:s17+$0x11E50] =	vst v4;
	v4 =	vadd.f32 v23, v61  }
0x16a: {  	v31 =	vld [tilespmem:s17+$0x5AE0];
	[tilespmem:s17+$0x132D0] =	vst v5;
	v5 =	vadd.f32 v24, v61  }
0x16b: {  	v32 =	vld [tilespmem:s17+$0x5B60];
	[tilespmem:s17+$0x13350] =	vst v4;
	v4 =	vadd.f32 v25, v61  }
0x16c: {  	v33 =	vld [tilespmem:s17+$0x5BE0];
	[tilespmem:s17+$0x133D0] =	vst v5;
	v5 =	vadd.f32 v26, v61  }
0x16d: {  	v34 =	vld [tilespmem:s17+$0x5C60];
	[tilespmem:s17+$0x13450] =	vst v4;
	v4 =	vadd.f32 v27, v61  }
0x16e: {  	v35 =	vld [tilespmem:s17+$0x5CE0];
	[tilespmem:s17+$0x134D0] =	vst v5;
	v5 =	vadd.f32 v28, v61  }
0x16f: {  	v36 =	vld [tilespmem:s17+$0x5D60];
	[tilespmem:s17+$0x13550] =	vst v4;
	v4 =	vadd.f32 v29, v61  }
0x170: {  	v37 =	vld [tilespmem:s17+$0x5DE0];
	[tilespmem:s17+$0x135D0] =	vst v5;
	v5 =	vadd.f32 v31, v30  }
0x171: {  	v38 =	vld [tilespmem:s17+$0x5E60];
	[tilespmem:s17+$0x13650] =	vst v4;
	v4 =	vadd.f32 v32, v30  }
0x172: {  	v39 =	vld [tilespmem:s17+$0x72E0];
	[tilespmem:s17+$0x11AE0] =	vst v5;
	v5 =	vadd.f32 v33, v30  }
0x173: {  	v40 =	vld [tilespmem:s17+$0x7360];
	[tilespmem:s17+$0x11B60] =	vst v4;
	v4 =	vadd.f32 v34, v30  }
0x174: {  	v41 =	vld [tilespmem:s17+$0x73E0];
	[tilespmem:s17+$0x11BE0] =	vst v5;
	v5 =	vadd.f32 v35, v30  }
0x175: {  	v42 =	vld [tilespmem:s17+$0x7460];
	[tilespmem:s17+$0x11C60] =	vst v4;
	v4 =	vadd.f32 v36, v30  }
0x176: {  	v43 =	vld [tilespmem:s17+$0x74E0];
	[tilespmem:s17+$0x11CE0] =	vst v5;
	v5 =	vadd.f32 v37, v30  }
0x177: {  	v45 =	vld [tilespmem:s17+$0x75E0];
	[tilespmem:s17+$0x11D60] =	vst v4;
	v4 =	vadd.f32 v38, v30  }
0x178: {  	v44 =	vld [tilespmem:s17+$0x7560];
	[tilespmem:s17+$0x11DE0] =	vst v5;
	v5 =	vadd.f32 v39, v30  }
0x179: {  	v46 =	vld [tilespmem:s17+$0x7660];
	[tilespmem:s17+$0x11E60] =	vst v4;
	v4 =	vadd.f32 v40, v30  }
0x17a: {  	v47 =	vld.idx.msk [tilespmem:v3+s17+$0x470 ss:$0x1], $0xffff;
	[tilespmem:s17+$0x132E0] =	vst v5;
	v5 =	vadd.f32 v41, v30  }
0x17b: {  	v48 =	vld [tilespmem:s17+$0x5AF0];
	[tilespmem:s17+$0x13360] =	vst v4;
	v4 =	vadd.f32 v42, v30  }
0x17c: {  	v49 =	vld [tilespmem:s17+$0x5B70];
	[tilespmem:s17+$0x133E0] =	vst v5;
	v5 =	vadd.f32 v43, v30  }
0x17d: {  	v50 =	vld [tilespmem:s17+$0x5BF0];
	[tilespmem:s17+$0x13460] =	vst v4;
	v4 =	vadd.f32 v44, v30  }
0x17e: {  	v51 =	vld [tilespmem:s17+$0x5C70];
	[tilespmem:s17+$0x134E0] =	vst v5;
	v5 =	vadd.f32 v45, v30  }
0x17f: {  	v52 =	vld [tilespmem:s17+$0x5CF0];
	[tilespmem:s17+$0x13560] =	vst v4;
	v4 =	vadd.f32 v46, v30  }
0x180: {  	v53 =	vld [tilespmem:s17+$0x5D70];
	[tilespmem:s17+$0x135E0] =	vst v5;
	v5 =	vadd.f32 v48, v47  }
0x181: {  	v54 =	vld [tilespmem:s17+$0x5DF0];
	[tilespmem:s17+$0x13660] =	vst v4;
	v4 =	vadd.f32 v49, v47  }
0x182: {  	v55 =	vld [tilespmem:s17+$0x5E70];
	[tilespmem:s17+$0x11AF0] =	vst v5;
	v5 =	vadd.f32 v50, v47  }
0x183: {  	v56 =	vld [tilespmem:s17+$0x72F0];
	[tilespmem:s17+$0x11B70] =	vst v4;
	v4 =	vadd.f32 v51, v47  }
0x184: {  	v57 =	vld [tilespmem:s17+$0x7370];
	[tilespmem:s17+$0x11BF0] =	vst v5;
	v5 =	vadd.f32 v52, v47  }
0x185: {  	v58 =	vld [tilespmem:s17+$0x73F0];
	[tilespmem:s17+$0x11C70] =	vst v4;
	v4 =	vadd.f32 v53, v47  }
0x186: {  	v59 =	vld [tilespmem:s17+$0x7470];
	[tilespmem:s17+$0x11CF0] =	vst v5;
	v5 =	vadd.f32 v54, v47  }
0x187: {  	v60 =	vld [tilespmem:s17+$0x74F0];
	[tilespmem:s17+$0x11D70] =	vst v4;
	v4 =	vadd.f32 v55, v47  }
0x188: {  	v61 =	vld [tilespmem:s17+$0x7570];
	[tilespmem:s17+$0x11DF0] =	vst v5;
	v5 =	vadd.f32 v56, v47  }
0x189: {  	v62 =	vld [tilespmem:s17+$0x75F0];
	[tilespmem:s17+$0x11E70] =	vst v4;
	v4 =	vadd.f32 v57, v47  }
0x18a: {  	v63 =	vld [tilespmem:s17+$0x7670];
	[tilespmem:s17+$0x132F0] =	vst v5;
	v5 =	vadd.f32 v58, v47  }
0x18b: {  	[tilespmem:s17+$0x13370] =	vst v4;
	v4 =	vadd.f32 v59, v47  }
0x18c: {  	p0 =	slt.u32 s16, $0x200;
	[tilespmem:s17+$0x133F0] =	vst v5;
	v5 =	vadd.f32 v60, v47  }
.Ltmp0:
0x18d: {  	[tilespmem:s17+$0x13470] =	vst v4;
	v4 =	vadd.f32 v61, v47;
	(pc) =	sbr.rel @p0 .LBB2_3-.Ltmp0, $4  }
0x18e: {  	[tilespmem:s17+$0x134F0] =	vst v5;
	v5 =	vadd.f32 v62, v47  }
0x18f: {  	[tilespmem:s17+$0x13570] =	vst v4;
	v4 =	vadd.f32 v63, v47  }
0x190: {  	[tilespmem:s17+$0x135F0] =	vst v5  }
0x191: {  	s16 =	sadd.s32 $0x100, s16;
	[tilespmem:s17+$0x13670] =	vst v4  }
0x192: {  	p0 =	seq.s32 s1, $0x99  }
0x193: {  	s0 =	sshrl.u32 @!p0 s0, $0x2  }
0x194: {  	v3 =	vld @!p0 [tilespmem:s0+$0x40];
	_ =	sdelay $0x4  }
0x195: {  	v4 =	vshrl.u32 @!p0 v3, $0x3  }
0x196: {  	v4 =	vmul.u32 @!p0 $0x30, v4  }
0x197: {  	v5 =	vlaneseq.u32 @!p0;
	v3 =	vand.u32 @!p0 $0x7, v3  }
0x198: {  	v6 =	vshrl.u32 @!p0 v5, $0x3;
	v3 =	vor.u32 @!p0 v3, v4;
	v4 =	vand.u32 @!p0 $0x7, v5  }
0x199: {  	v6 =	vmul.u32 @!p0 $0x8, v6;
	v4 =	vperm.xlane @!p0 v3, v4;
	_ =	sdelay $0x1  }
0x19a: {  	v4 =	vadd.s32 @!p0 v6, v4;
	_ =	sdelay $0x2  }
0x19b: {  	v5 =	vor.u32 @!p0 $0x8, v5  }
0x19c: {  	vm1 =	vmmov @!p0 $0xffff;
	s7 =	simm.s32 @!p0 $0x0;
	s16 =	simm.s32 @!p0 $0x5680;
	v3 =	vperm.xlane @!p0 v3, v5  }
0x19d: {  	[tilespmem:s16], [sflag:$0x1] =	stream.indirect_vreg.gather @!p0 [hbm4b:s2+s7], $0x80, v4, vm1, $0xb8;
	[tilespmem:$0x1D680] =	vst v63  }
0x19e: {  	v3 =	vadd.s32 @!p0 v6, v3;
	s16 =	simm.s32 @!p0 $0x5E80  }
0x19f: {  	[tilespmem:s16], [sflag:$0x1] =	stream.indirect_vreg.gather @!p0 [hbm4b:s9+s7], $0x80, v4, vm1, $0xb8;
	[tilespmem:$0x1D680] =	vst v63  }
0x1a0: {  	s16 =	simm.s32 @!p0 $0x6680  }
0x1a1: {  	[tilespmem:s16], [sflag:$0x1] =	stream.indirect_vreg.gather @!p0 [hbm4b:s10+s7], $0x80, v4, vm1, $0xb8;
	[tilespmem:$0x1D680] =	vst v63  }
0x1a2: {  	s14 =	sshrl.u32 s14, $0x3;
	s16 =	simm.s32 @!p0 $0x6E80  }
0x1a3: {  	[tilespmem:s16], [sflag:$0x1] =	stream.indirect_vreg.gather @!p0 [hbm4b:s2+s7], $0x80, v3, vm1, $0xb8;
	[tilespmem:$0x1D680] =	vst v63  }
0x1a4: {  	s15 =	smul.u32 $0x300000, s15;
	s14 =	sand.u32 $0x1F8, s14;
	s16 =	simm.s32 @!p0 $0x7680  }
0x1a5: {  	[tilespmem:s16], [sflag:$0x1] =	stream.indirect_vreg.gather @!p0 [hbm4b:s9+s7], $0x80, v3, vm1, $0xb8;
	[tilespmem:$0x1D680] =	vst v63  }
0x1a6: {  	s13 =	sadd.s32 s13, s3;
	s14 =	smul.u32 $0x1800, s14;
	s16 =	simm.s32 @!p0 $0x7E80  }
0x1a7: {  	[tilespmem:s16], [sflag:$0x1] =	stream.indirect_vreg.gather @!p0 [hbm4b:s10+s7], $0x80, v3, vm1, $0xb8;
	[tilespmem:$0x1D680] =	vst v63  }
0x1a8: {  	s16 =	sadd.s32 s15, s14;
	s14 =	sadd.s32 $0x10, s13  }
0x1a9: {  	s7 =	sshrl.u32 s16, $0x3;
	s15 =	sshrl.u32 s14, $0xC  }
0x1aa: {  	s7 =	sadd.s32 s4, s7;
	s17 =	ssub.s32 s15, s6  }
0x1ab: {  	[hbm4b:s7+s5] =	stream.linear.scatter [tilespmem:s19], [sflag:$0x5], $0x3000, $0x38;
	[tilespmem:$0x1D680] =	vst v63  }
0x1ac: {  	s7 =	sshrl.u32 s17, $0x3  }
0x1ad: {  	s7 =	smul.u32 $0x6000, s7  }
0x1ae: {  	s16 =	sshrl.u32 s14, $0x5  }
0x1af: {  	s16 =	sand.u32 $0x380, s16;
	s7 =	sshra.s32 s7, $0x2  }
0x1b0: {  	_ =	swait.ge [sflag:s20], $0x3000;
	s7 =	sor.u32 s16, s7  }
0x1b1: {  	[sflag:s20] =	ssyncset.done $0x0;
	s7 =	sadd.s32 $0x2680, s7  }
0x1b2: {  	s17 =	simm.s32 @!p1 $0x6;
	[sflag:s20] =	ssyncadd.s32 $0xFFFFD000;
	v3 =	vmov s7  }
0x1b3: {  	_ =	swait.ge @!p1 [sflag:s17], $0x3000  }
0x1b4: {  	[sflag:s17] =	ssyncset.done @!p1 $0x0  }
0x1b5: {  	s16 =	simm.s32 $0x0;
	[sflag:s17] =	ssyncadd.s32 @!p1 $0xFFFFD000  }
.LBB2_5:
0x1b6: {  	s17 =	sshll.u32 s16, $0x3  }
0x1b7: {  	v4 =	vld.idx.msk [tilespmem:v3+s17+$0x0 ss:$0x1], $0xffff  }
0x1b8: {  	v5 =	vld [tilespmem:s17+$0x8680]  }
0x1b9: {  	v6 =	vld [tilespmem:s17+$0x8700]  }
0x1ba: {  	v7 =	vld [tilespmem:s17+$0x8780]  }
0x1bb: {  	v8 =	vld [tilespmem:s17+$0x8800]  }
0x1bc: {  	v9 =	vld [tilespmem:s17+$0x8880]  }
0x1bd: {  	v10 =	vld [tilespmem:s17+$0x8900];
	v5 =	vadd.f32 v5, v4  }
0x1be: {  	v11 =	vld [tilespmem:s17+$0x8980];
	v6 =	vadd.f32 v6, v4  }
0x1bf: {  	v24 =	vld [tilespmem:s17+$0x8A00];
	[tilespmem:s17+$0x14680] =	vst v5;
	v5 =	vadd.f32 v7, v4  }
0x1c0: {  	v26 =	vld [tilespmem:s17+$0x9E80];
	v25 =	vadd.f32 v8, v4;
	[tilespmem:s17+$0x14700] =	vst v6  }
0x1c1: {  	v27 =	vld [tilespmem:s17+$0x9F00];
	[tilespmem:s17+$0x14780] =	vst v5;
	v5 =	vadd.f32 v9, v4  }
0x1c2: {  	v29 =	vld [tilespmem:s17+$0x9F80];
	v28 =	vadd.f32 v10, v4;
	[tilespmem:s17+$0x14800] =	vst v25  }
0x1c3: {  	v30 =	vld [tilespmem:s17+$0xA000];
	[tilespmem:s17+$0x14880] =	vst v5;
	v5 =	vadd.f32 v11, v4  }
0x1c4: {  	v32 =	vld [tilespmem:s17+$0xA080];
	v31 =	vadd.f32 v24, v4;
	[tilespmem:s17+$0x14900] =	vst v28  }
0x1c5: {  	v33 =	vld [tilespmem:s17+$0xA100];
	[tilespmem:s17+$0x14980] =	vst v5;
	v5 =	vadd.f32 v26, v4  }
0x1c6: {  	v34 =	vadd.f32 v27, v4;
	[tilespmem:s17+$0x14A00] =	vst v31  }
0x1c7: {  	[tilespmem:s17+$0x15E80] =	vst v5;
	v5 =	vadd.f32 v29, v4  }
0x1c8: {  	v35 =	vadd.f32 v30, v4;
	[tilespmem:s17+$0x15F00] =	vst v34  }
0x1c9: {  	[tilespmem:s17+$0x15F80] =	vst v5;
	v5 =	vadd.f32 v32, v4  }
0x1ca: {  	v36 =	vadd.f32 v33, v4;
	[tilespmem:s17+$0x16000] =	vst v35  }
0x1cb: {  	[tilespmem:s17+$0x16080] =	vst v5  }
0x1cc: {  	[tilespmem:s17+$0x16100] =	vst v36  }
0x1cd: {  	v5 =	vld [tilespmem:s17+$0xA180]  }
0x1ce: {  	v6 =	vld [tilespmem:s17+$0xA200]  }
0x1cf: {  	v37 =	vld.idx.msk [tilespmem:v3+s17+$0x10 ss:$0x1], $0xffff  }
0x1d0: {  	v38 =	vld [tilespmem:s17+$0x8690]  }
0x1d1: {  	v39 =	vld [tilespmem:s17+$0x8710]  }
0x1d2: {  	v40 =	vld [tilespmem:s17+$0x8790]  }
0x1d3: {  	v41 =	vld [tilespmem:s17+$0x8810]  }
0x1d4: {  	v12 =	vld [tilespmem:s17+$0x8890]  }
0x1d5: {  	v13 =	vld [tilespmem:s17+$0x8910]  }
0x1d6: {  	v14 =	vld [tilespmem:s17+$0x8990]  }
0x1d7: {  	v15 =	vld [tilespmem:s17+$0x8A10]  }
0x1d8: {  	v16 =	vld [tilespmem:s17+$0x9E90]  }
0x1d9: {  	v17 =	vld [tilespmem:s17+$0x9F10]  }
0x1da: {  	v18 =	vld [tilespmem:s17+$0x9F90]  }
0x1db: {  	v19 =	vld [tilespmem:s17+$0xA010]  }
0x1dc: {  	v20 =	vld [tilespmem:s17+$0xA090]  }
0x1dd: {  	v21 =	vld [tilespmem:s17+$0xA110]  }
0x1de: {  	v22 =	vld [tilespmem:s17+$0xA190]  }
0x1df: {  	v23 =	vld [tilespmem:s17+$0xA210]  }
0x1e0: {  	v24 =	vld.idx.msk [tilespmem:v3+s17+$0x20 ss:$0x1], $0xffff  }
0x1e1: {  	v25 =	vld [tilespmem:s17+$0x86A0];
	v5 =	vadd.f32 v5, v4  }
0x1e2: {  	v42 =	vld [tilespmem:s17+$0x8720];
	v4 =	vadd.f32 v6, v4  }
0x1e3: {  	v43 =	vld [tilespmem:s17+$0x87A0];
	[tilespmem:s17+$0x16180] =	vst v5;
	v5 =	vadd.f32 v38, v37  }
0x1e4: {  	v44 =	vld [tilespmem:s17+$0x8820];
	[tilespmem:s17+$0x16200] =	vst v4;
	v4 =	vadd.f32 v39, v37  }
0x1e5: {  	v45 =	vld [tilespmem:s17+$0x88A0];
	[tilespmem:s17+$0x14690] =	vst v5;
	v5 =	vadd.f32 v40, v37  }
0x1e6: {  	v46 =	vld [tilespmem:s17+$0x8920];
	[tilespmem:s17+$0x14710] =	vst v4;
	v4 =	vadd.f32 v41, v37  }
0x1e7: {  	v47 =	vld [tilespmem:s17+$0x89A0];
	[tilespmem:s17+$0x14790] =	vst v5;
	v5 =	vadd.f32 v12, v37  }
0x1e8: {  	v48 =	vld [tilespmem:s17+$0x8A20];
	[tilespmem:s17+$0x14810] =	vst v4;
	v4 =	vadd.f32 v13, v37  }
0x1e9: {  	v49 =	vld [tilespmem:s17+$0x9EA0];
	[tilespmem:s17+$0x14890] =	vst v5;
	v5 =	vadd.f32 v14, v37  }
0x1ea: {  	v50 =	vld [tilespmem:s17+$0x9F20];
	[tilespmem:s17+$0x14910] =	vst v4;
	v4 =	vadd.f32 v15, v37  }
0x1eb: {  	v51 =	vld [tilespmem:s17+$0x9FA0];
	[tilespmem:s17+$0x14990] =	vst v5;
	v5 =	vadd.f32 v16, v37  }
0x1ec: {  	v52 =	vld [tilespmem:s17+$0xA020];
	[tilespmem:s17+$0x14A10] =	vst v4;
	v4 =	vadd.f32 v17, v37  }
0x1ed: {  	v53 =	vld [tilespmem:s17+$0xA0A0];
	[tilespmem:s17+$0x15E90] =	vst v5;
	v5 =	vadd.f32 v18, v37  }
0x1ee: {  	v54 =	vld [tilespmem:s17+$0xA120];
	[tilespmem:s17+$0x15F10] =	vst v4;
	v4 =	vadd.f32 v19, v37  }
0x1ef: {  	v55 =	vld [tilespmem:s17+$0xA1A0];
	[tilespmem:s17+$0x15F90] =	vst v5;
	v5 =	vadd.f32 v20, v37  }
0x1f0: {  	v56 =	vld [tilespmem:s17+$0xA220];
	[tilespmem:s17+$0x16010] =	vst v4;
	v4 =	vadd.f32 v21, v37  }
0x1f1: {  	v57 =	vld.idx.msk [tilespmem:v3+s17+$0x30 ss:$0x1], $0xffff;
	[tilespmem:s17+$0x16090] =	vst v5;
	v5 =	vadd.f32 v22, v37  }
0x1f2: {  	v58 =	vld [tilespmem:s17+$0x86B0];
	[tilespmem:s17+$0x16110] =	vst v4;
	v4 =	vadd.f32 v23, v37  }
0x1f3: {  	v59 =	vld [tilespmem:s17+$0x8730];
	[tilespmem:s17+$0x16190] =	vst v5;
	v5 =	vadd.f32 v25, v24  }
0x1f4: {  	v60 =	vld [tilespmem:s17+$0x87B0];
	[tilespmem:s17+$0x16210] =	vst v4;
	v4 =	vadd.f32 v42, v24  }
0x1f5: {  	v61 =	vld [tilespmem:s17+$0x8830];
	[tilespmem:s17+$0x146A0] =	vst v5;
	v5 =	vadd.f32 v43, v24  }
0x1f6: {  	v62 =	vld [tilespmem:s17+$0x88B0];
	[tilespmem:s17+$0x14720] =	vst v4;
	v4 =	vadd.f32 v44, v24  }
0x1f7: {  	v63 =	vld [tilespmem:s17+$0x8930];
	[tilespmem:s17+$0x147A0] =	vst v5;
	v5 =	vadd.f32 v45, v24  }
0x1f8: {  	v26 =	vld [tilespmem:s17+$0x8A30];
	[tilespmem:s17+$0x14820] =	vst v4;
	v4 =	vadd.f32 v46, v24  }
0x1f9: {  	v27 =	vld [tilespmem:s17+$0x9EB0];
	[tilespmem:s17+$0x148A0] =	vst v5;
	v5 =	vadd.f32 v47, v24  }
0x1fa: {  	v28 =	vld [tilespmem:s17+$0x9F30];
	[tilespmem:s17+$0x14920] =	vst v4;
	v4 =	vadd.f32 v48, v24  }
0x1fb: {  	v29 =	vld [tilespmem:s17+$0x9FB0];
	[tilespmem:s17+$0x149A0] =	vst v5;
	v5 =	vadd.f32 v49, v24  }
0x1fc: {  	v30 =	vld [tilespmem:s17+$0xA030];
	[tilespmem:s17+$0x14A20] =	vst v4;
	v4 =	vadd.f32 v50, v24  }
0x1fd: {  	v31 =	vld [tilespmem:s17+$0xA0B0];
	[tilespmem:s17+$0x15EA0] =	vst v5;
	v5 =	vadd.f32 v51, v24  }
0x1fe: {  	v32 =	vld [tilespmem:s17+$0xA130];
	[tilespmem:s17+$0x15F20] =	vst v4;
	v4 =	vadd.f32 v52, v24  }
0x1ff: {  	v33 =	vld [tilespmem:s17+$0xA1B0];
	[tilespmem:s17+$0x15FA0] =	vst v5;
	v5 =	vadd.f32 v53, v24  }
0x200: {  	v34 =	vld [tilespmem:s17+$0xA230];
	[tilespmem:s17+$0x16020] =	vst v4;
	v4 =	vadd.f32 v54, v24  }
0x201: {  	v35 =	vld.idx.msk [tilespmem:v3+s17+$0x40 ss:$0x1], $0xffff;
	[tilespmem:s17+$0x160A0] =	vst v5;
	v5 =	vadd.f32 v55, v24  }
0x202: {  	v36 =	vld [tilespmem:s17+$0x86C0];
	[tilespmem:s17+$0x16120] =	vst v4;
	v4 =	vadd.f32 v56, v24  }
0x203: {  	v38 =	vld [tilespmem:s17+$0x87C0];
	[tilespmem:s17+$0x161A0] =	vst v5;
	v5 =	vadd.f32 v58, v57  }
0x204: {  	v25 =	vld [tilespmem:s17+$0x89B0];
	[tilespmem:s17+$0x16220] =	vst v4;
	v4 =	vadd.f32 v59, v57  }
0x205: {  	v39 =	vld [tilespmem:s17+$0x8840];
	[tilespmem:s17+$0x146B0] =	vst v5;
	v5 =	vadd.f32 v60, v57  }
0x206: {  	v40 =	vld [tilespmem:s17+$0x88C0];
	[tilespmem:s17+$0x14730] =	vst v4;
	v4 =	vadd.f32 v61, v57  }
0x207: {  	v41 =	vld [tilespmem:s17+$0x8940];
	[tilespmem:s17+$0x147B0] =	vst v5;
	v5 =	vadd.f32 v62, v57  }
0x208: {  	v16 =	vld [tilespmem:s17+$0x8BD0];
	[tilespmem:s17+$0x14830] =	vst v4;
	v4 =	vadd.f32 v63, v57  }
0x209: {  	v17 =	vld [tilespmem:s17+$0x8C50];
	[tilespmem:s17+$0x148B0] =	vst v5;
	v5 =	vadd.f32 v25, v57  }
0x20a: {  	v21 =	vld [tilespmem:s17+$0x8A80];
	[tilespmem:s17+$0x14930] =	vst v4;
	v4 =	vadd.f32 v26, v57  }
0x20b: {  	v20 =	vld [tilespmem:s17+$0xA320];
	[tilespmem:s17+$0x149B0] =	vst v5;
	v5 =	vadd.f32 v27, v57  }
0x20c: {  	v37 =	vld [tilespmem:s17+$0x8740];
	[tilespmem:s17+$0x14A30] =	vst v4;
	v4 =	vadd.f32 v28, v57  }
0x20d: {  	v22 =	vld [tilespmem:s17+$0x8B00];
	[tilespmem:s17+$0x15EB0] =	vst v5;
	v5 =	vadd.f32 v29, v57  }
0x20e: {  	v23 =	vld [tilespmem:s17+$0x8B80];
	[tilespmem:s17+$0x15F30] =	vst v4;
	v4 =	vadd.f32 v30, v57  }
0x20f: {  	v42 =	vld [tilespmem:s17+$0x89C0];
	[tilespmem:s17+$0x15FB0] =	vst v5;
	v5 =	vadd.f32 v31, v57  }
0x210: {  	v43 =	vld [tilespmem:s17+$0x8A40];
	[tilespmem:s17+$0x16030] =	vst v4;
	v4 =	vadd.f32 v32, v57  }
0x211: {  	v44 =	vld [tilespmem:s17+$0x9EC0];
	[tilespmem:s17+$0x160B0] =	vst v5;
	v5 =	vadd.f32 v33, v57  }
0x212: {  	v45 =	vld [tilespmem:s17+$0x9F40];
	[tilespmem:s17+$0x16130] =	vst v4;
	v4 =	vadd.f32 v34, v57  }
0x213: {  	v46 =	vld [tilespmem:s17+$0x9FC0];
	[tilespmem:s17+$0x161B0] =	vst v5;
	v5 =	vadd.f32 v36, v35  }
0x214: {  	v47 =	vld [tilespmem:s17+$0xA040];
	[tilespmem:s17+$0x16230] =	vst v4;
	v4 =	vadd.f32 v37, v35  }
0x215: {  	v48 =	vld [tilespmem:s17+$0xA0C0];
	[tilespmem:s17+$0x146C0] =	vst v5;
	v5 =	vadd.f32 v38, v35  }
0x216: {  	v49 =	vld [tilespmem:s17+$0xA140];
	[tilespmem:s17+$0x14740] =	vst v4;
	v4 =	vadd.f32 v39, v35  }
0x217: {  	v50 =	vld [tilespmem:s17+$0xA1C0];
	[tilespmem:s17+$0x147C0] =	vst v5;
	v5 =	vadd.f32 v40, v35  }
0x218: {  	v51 =	vld [tilespmem:s17+$0xA240];
	[tilespmem:s17+$0x14840] =	vst v4;
	v4 =	vadd.f32 v41, v35  }
0x219: {  	v52 =	vld.idx.msk [tilespmem:v3+s17+$0x50 ss:$0x1], $0xffff;
	[tilespmem:s17+$0x148C0] =	vst v5;
	v5 =	vadd.f32 v42, v35  }
0x21a: {  	v53 =	vld [tilespmem:s17+$0x86D0];
	[tilespmem:s17+$0x14940] =	vst v4;
	v4 =	vadd.f32 v43, v35  }
0x21b: {  	v54 =	vld [tilespmem:s17+$0x8750];
	[tilespmem:s17+$0x149C0] =	vst v5;
	v5 =	vadd.f32 v44, v35  }
0x21c: {  	v55 =	vld [tilespmem:s17+$0x87D0];
	[tilespmem:s17+$0x14A40] =	vst v4;
	v4 =	vadd.f32 v45, v35  }
0x21d: {  	v56 =	vld [tilespmem:s17+$0x8850];
	[tilespmem:s17+$0x15EC0] =	vst v5;
	v5 =	vadd.f32 v46, v35  }
0x21e: {  	v24 =	vld [tilespmem:s17+$0xA050];
	[tilespmem:s17+$0x15F40] =	vst v4;
	v4 =	vadd.f32 v47, v35  }
0x21f: {  	v58 =	vld [tilespmem:s17+$0x8950];
	[tilespmem:s17+$0x15FC0] =	vst v5;
	v5 =	vadd.f32 v48, v35  }
0x220: {  	v59 =	vld [tilespmem:s17+$0x89D0];
	[tilespmem:s17+$0x16040] =	vst v4;
	v4 =	vadd.f32 v49, v35  }
0x221: {  	v60 =	vld [tilespmem:s17+$0x8A50];
	[tilespmem:s17+$0x160C0] =	vst v5;
	v5 =	vadd.f32 v50, v35  }
0x222: {  	v57 =	vld [tilespmem:s17+$0x88D0];
	[tilespmem:s17+$0x16140] =	vst v4;
	v4 =	vadd.f32 v51, v35  }
0x223: {  	v61 =	vld [tilespmem:s17+$0x9ED0];
	[tilespmem:s17+$0x161C0] =	vst v5;
	v5 =	vadd.f32 v53, v52  }
0x224: {  	v62 =	vld [tilespmem:s17+$0x9F50];
	[tilespmem:s17+$0x16240] =	vst v4;
	v4 =	vadd.f32 v54, v52  }
0x225: {  	v63 =	vld [tilespmem:s17+$0x9FD0];
	[tilespmem:s17+$0x146D0] =	vst v5;
	v5 =	vadd.f32 v55, v52  }
0x226: {  	v25 =	vld [tilespmem:s17+$0xA0D0];
	[tilespmem:s17+$0x14750] =	vst v4;
	v4 =	vadd.f32 v56, v52  }
0x227: {  	v26 =	vld [tilespmem:s17+$0xA150];
	[tilespmem:s17+$0x147D0] =	vst v5;
	v5 =	vadd.f32 v57, v52  }
0x228: {  	v27 =	vld [tilespmem:s17+$0xA1D0];
	[tilespmem:s17+$0x14850] =	vst v4;
	v4 =	vadd.f32 v58, v52  }
0x229: {  	v28 =	vld [tilespmem:s17+$0xA250];
	[tilespmem:s17+$0x148D0] =	vst v5;
	v5 =	vadd.f32 v59, v52  }
0x22a: {  	v29 =	vld.idx.msk [tilespmem:v3+s17+$0x60 ss:$0x1], $0xffff;
	[tilespmem:s17+$0x14950] =	vst v4;
	v4 =	vadd.f32 v60, v52  }
0x22b: {  	v30 =	vld [tilespmem:s17+$0x86E0];
	[tilespmem:s17+$0x149D0] =	vst v5;
	v5 =	vadd.f32 v61, v52  }
0x22c: {  	v31 =	vld [tilespmem:s17+$0x8760];
	[tilespmem:s17+$0x14A50] =	vst v4;
	v4 =	vadd.f32 v62, v52  }
0x22d: {  	v32 =	vld [tilespmem:s17+$0x87E0];
	[tilespmem:s17+$0x15ED0] =	vst v5;
	v5 =	vadd.f32 v63, v52  }
0x22e: {  	v33 =	vld [tilespmem:s17+$0x8860];
	[tilespmem:s17+$0x15F50] =	vst v4;
	v4 =	vadd.f32 v24, v52  }
0x22f: {  	v34 =	vld [tilespmem:s17+$0x88E0];
	[tilespmem:s17+$0x15FD0] =	vst v5;
	v5 =	vadd.f32 v25, v52  }
0x230: {  	v36 =	vld [tilespmem:s17+$0x89E0];
	[tilespmem:s17+$0x16050] =	vst v4;
	v4 =	vadd.f32 v26, v52  }
0x231: {  	v37 =	vld [tilespmem:s17+$0x8A60];
	[tilespmem:s17+$0x160D0] =	vst v5;
	v5 =	vadd.f32 v27, v52  }
0x232: {  	v38 =	vld [tilespmem:s17+$0x9EE0];
	[tilespmem:s17+$0x16150] =	vst v4;
	v4 =	vadd.f32 v28, v52  }
0x233: {  	v35 =	vld [tilespmem:s17+$0x8960];
	[tilespmem:s17+$0x161D0] =	vst v5;
	v5 =	vadd.f32 v30, v29  }
0x234: {  	v39 =	vld [tilespmem:s17+$0x9F60];
	[tilespmem:s17+$0x16250] =	vst v4;
	v4 =	vadd.f32 v31, v29  }
0x235: {  	v40 =	vld [tilespmem:s17+$0x9FE0];
	[tilespmem:s17+$0x146E0] =	vst v5;
	v5 =	vadd.f32 v32, v29  }
0x236: {  	v41 =	vld [tilespmem:s17+$0xA060];
	[tilespmem:s17+$0x14760] =	vst v4;
	v4 =	vadd.f32 v33, v29  }
0x237: {  	v42 =	vld [tilespmem:s17+$0xA0E0];
	[tilespmem:s17+$0x147E0] =	vst v5;
	v5 =	vadd.f32 v34, v29  }
0x238: {  	v43 =	vld [tilespmem:s17+$0xA160];
	[tilespmem:s17+$0x14860] =	vst v4;
	v4 =	vadd.f32 v35, v29  }
0x239: {  	v44 =	vld [tilespmem:s17+$0xA1E0];
	[tilespmem:s17+$0x148E0] =	vst v5;
	v5 =	vadd.f32 v36, v29  }
0x23a: {  	v45 =	vld [tilespmem:s17+$0xA260];
	[tilespmem:s17+$0x14960] =	vst v4;
	v4 =	vadd.f32 v37, v29  }
0x23b: {  	v46 =	vld.idx.msk [tilespmem:v3+s17+$0x70 ss:$0x1], $0xffff;
	[tilespmem:s17+$0x149E0] =	vst v5;
	v5 =	vadd.f32 v38, v29  }
0x23c: {  	v47 =	vld [tilespmem:s17+$0x86F0];
	[tilespmem:s17+$0x14A60] =	vst v4;
	v4 =	vadd.f32 v39, v29  }
0x23d: {  	v48 =	vld [tilespmem:s17+$0x8770];
	[tilespmem:s17+$0x15EE0] =	vst v5;
	v5 =	vadd.f32 v40, v29  }
0x23e: {  	v49 =	vld [tilespmem:s17+$0x87F0];
	[tilespmem:s17+$0x15F60] =	vst v4;
	v4 =	vadd.f32 v41, v29  }
0x23f: {  	v50 =	vld [tilespmem:s17+$0x8870];
	[tilespmem:s17+$0x15FE0] =	vst v5;
	v5 =	vadd.f32 v42, v29  }
0x240: {  	v51 =	vld [tilespmem:s17+$0x88F0];
	[tilespmem:s17+$0x16060] =	vst v4;
	v4 =	vadd.f32 v43, v29  }
0x241: {  	v53 =	vld [tilespmem:s17+$0x89F0];
	[tilespmem:s17+$0x160E0] =	vst v5;
	v5 =	vadd.f32 v44, v29  }
0x242: {  	v54 =	vld [tilespmem:s17+$0x8A70];
	[tilespmem:s17+$0x16160] =	vst v4;
	v4 =	vadd.f32 v45, v29  }
0x243: {  	v52 =	vld [tilespmem:s17+$0x8970];
	[tilespmem:s17+$0x161E0] =	vst v5;
	v5 =	vadd.f32 v47, v46  }
0x244: {  	v55 =	vld [tilespmem:s17+$0x9EF0];
	[tilespmem:s17+$0x16260] =	vst v4;
	v4 =	vadd.f32 v48, v46  }
0x245: {  	v56 =	vld [tilespmem:s17+$0x9F70];
	[tilespmem:s17+$0x146F0] =	vst v5;
	v5 =	vadd.f32 v49, v46  }
0x246: {  	v57 =	vld [tilespmem:s17+$0x9FF0];
	[tilespmem:s17+$0x14770] =	vst v4;
	v4 =	vadd.f32 v50, v46  }
0x247: {  	v58 =	vld [tilespmem:s17+$0xA070];
	[tilespmem:s17+$0x147F0] =	vst v5;
	v5 =	vadd.f32 v51, v46  }
0x248: {  	v59 =	vld [tilespmem:s17+$0xA0F0];
	[tilespmem:s17+$0x14870] =	vst v4;
	v4 =	vadd.f32 v52, v46  }
0x249: {  	v60 =	vld [tilespmem:s17+$0xA170];
	[tilespmem:s17+$0x148F0] =	vst v5;
	v5 =	vadd.f32 v53, v46  }
0x24a: {  	v61 =	vld [tilespmem:s17+$0xA1F0];
	[tilespmem:s17+$0x14970] =	vst v4;
	v4 =	vadd.f32 v54, v46  }
0x24b: {  	v62 =	vld [tilespmem:s17+$0xA270];
	[tilespmem:s17+$0x149F0] =	vst v5;
	v5 =	vadd.f32 v55, v46  }
0x24c: {  	v63 =	vld.idx.msk [tilespmem:v3+s17+$0x400 ss:$0x1], $0xffff;
	[tilespmem:s17+$0x14A70] =	vst v4;
	v4 =	vadd.f32 v56, v46  }
0x24d: {  	v24 =	vld [tilespmem:s17+$0x8C00];
	[tilespmem:s17+$0x15EF0] =	vst v5;
	v5 =	vadd.f32 v57, v46  }
0x24e: {  	v25 =	vld [tilespmem:s17+$0x8C80];
	[tilespmem:s17+$0x15F70] =	vst v4;
	v4 =	vadd.f32 v58, v46  }
0x24f: {  	v26 =	vld [tilespmem:s17+$0x8D00];
	[tilespmem:s17+$0x15FF0] =	vst v5;
	v5 =	vadd.f32 v59, v46  }
0x250: {  	v27 =	vld [tilespmem:s17+$0x8D80];
	[tilespmem:s17+$0x16070] =	vst v4;
	v4 =	vadd.f32 v60, v46  }
0x251: {  	v28 =	vld [tilespmem:s17+$0x8E00];
	[tilespmem:s17+$0x160F0] =	vst v5;
	v5 =	vadd.f32 v61, v46  }
0x252: {  	v30 =	vld [tilespmem:s17+$0xA300];
	[tilespmem:s17+$0x16170] =	vst v4;
	v4 =	vadd.f32 v62, v46  }
0x253: {  	v31 =	vld [tilespmem:s17+$0xA380];
	[tilespmem:s17+$0x161F0] =	vst v5;
	v5 =	vadd.f32 v21, v63  }
0x254: {  	v32 =	vld [tilespmem:s17+$0xA400];
	[tilespmem:s17+$0x16270] =	vst v4;
	v4 =	vadd.f32 v22, v63  }
0x255: {  	v33 =	vld [tilespmem:s17+$0xA480];
	[tilespmem:s17+$0x14A80] =	vst v5;
	v5 =	vadd.f32 v23, v63  }
0x256: {  	v29 =	vld [tilespmem:s17+$0xA280];
	[tilespmem:s17+$0x14B00] =	vst v4;
	v4 =	vadd.f32 v24, v63  }
0x257: {  	v34 =	vld [tilespmem:s17+$0xA500];
	[tilespmem:s17+$0x14B80] =	vst v5;
	v5 =	vadd.f32 v25, v63  }
0x258: {  	v35 =	vld [tilespmem:s17+$0xA580];
	[tilespmem:s17+$0x14C00] =	vst v4;
	v4 =	vadd.f32 v26, v63  }
0x259: {  	v36 =	vld [tilespmem:s17+$0xA600];
	[tilespmem:s17+$0x14C80] =	vst v5;
	v5 =	vadd.f32 v27, v63  }
0x25a: {  	v37 =	vld.idx.msk [tilespmem:v3+s17+$0x410 ss:$0x1], $0xffff;
	[tilespmem:s17+$0x14D00] =	vst v4;
	v4 =	vadd.f32 v28, v63  }
0x25b: {  	v38 =	vld [tilespmem:s17+$0x8A90];
	[tilespmem:s17+$0x14D80] =	vst v5;
	v5 =	vadd.f32 v29, v63  }
0x25c: {  	v39 =	vld [tilespmem:s17+$0x8B10];
	[tilespmem:s17+$0x14E00] =	vst v4;
	v4 =	vadd.f32 v30, v63  }
0x25d: {  	v40 =	vld [tilespmem:s17+$0x8B90];
	[tilespmem:s17+$0x16280] =	vst v5;
	v5 =	vadd.f32 v31, v63  }
0x25e: {  	v41 =	vld [tilespmem:s17+$0x8C10];
	[tilespmem:s17+$0x16300] =	vst v4;
	v4 =	vadd.f32 v32, v63  }
0x25f: {  	v42 =	vld [tilespmem:s17+$0x8C90];
	[tilespmem:s17+$0x16380] =	vst v5;
	v5 =	vadd.f32 v33, v63  }
0x260: {  	v43 =	vld [tilespmem:s17+$0x8D10];
	[tilespmem:s17+$0x16400] =	vst v4;
	v4 =	vadd.f32 v34, v63  }
0x261: {  	v44 =	vld [tilespmem:s17+$0x8D90];
	[tilespmem:s17+$0x16480] =	vst v5;
	v5 =	vadd.f32 v35, v63  }
0x262: {  	v45 =	vld [tilespmem:s17+$0x8E10];
	[tilespmem:s17+$0x16500] =	vst v4;
	v4 =	vadd.f32 v36, v63  }
0x263: {  	v47 =	vld [tilespmem:s17+$0xA310];
	[tilespmem:s17+$0x16580] =	vst v5;
	v5 =	vadd.f32 v38, v37  }
0x264: {  	v48 =	vld [tilespmem:s17+$0xA390];
	[tilespmem:s17+$0x16600] =	vst v4;
	v4 =	vadd.f32 v39, v37  }
0x265: {  	v49 =	vld [tilespmem:s17+$0xA410];
	[tilespmem:s17+$0x14A90] =	vst v5;
	v5 =	vadd.f32 v40, v37  }
0x266: {  	v46 =	vld [tilespmem:s17+$0xA290];
	[tilespmem:s17+$0x14B10] =	vst v4;
	v4 =	vadd.f32 v41, v37  }
0x267: {  	v50 =	vld [tilespmem:s17+$0xA490];
	[tilespmem:s17+$0x14B90] =	vst v5;
	v5 =	vadd.f32 v42, v37  }
0x268: {  	v51 =	vld [tilespmem:s17+$0xA510];
	[tilespmem:s17+$0x14C10] =	vst v4;
	v4 =	vadd.f32 v43, v37  }
0x269: {  	v52 =	vld [tilespmem:s17+$0xA590];
	[tilespmem:s17+$0x14C90] =	vst v5;
	v5 =	vadd.f32 v44, v37  }
0x26a: {  	v53 =	vld [tilespmem:s17+$0xA610];
	[tilespmem:s17+$0x14D10] =	vst v4;
	v4 =	vadd.f32 v45, v37  }
0x26b: {  	v54 =	vld.idx.msk [tilespmem:v3+s17+$0x420 ss:$0x1], $0xffff;
	[tilespmem:s17+$0x14D90] =	vst v5;
	v5 =	vadd.f32 v46, v37  }
0x26c: {  	v55 =	vld [tilespmem:s17+$0x8AA0];
	[tilespmem:s17+$0x14E10] =	vst v4;
	v4 =	vadd.f32 v47, v37  }
0x26d: {  	v56 =	vld [tilespmem:s17+$0x8B20];
	[tilespmem:s17+$0x16290] =	vst v5;
	v5 =	vadd.f32 v48, v37  }
0x26e: {  	v57 =	vld [tilespmem:s17+$0x8BA0];
	[tilespmem:s17+$0x16310] =	vst v4;
	v4 =	vadd.f32 v49, v37  }
0x26f: {  	v58 =	vld [tilespmem:s17+$0x8C20];
	[tilespmem:s17+$0x16390] =	vst v5;
	v5 =	vadd.f32 v50, v37  }
0x270: {  	v59 =	vld [tilespmem:s17+$0x8CA0];
	[tilespmem:s17+$0x16410] =	vst v4;
	v4 =	vadd.f32 v51, v37  }
0x271: {  	v60 =	vld [tilespmem:s17+$0x8D20];
	[tilespmem:s17+$0x16490] =	vst v5;
	v5 =	vadd.f32 v52, v37  }
0x272: {  	v61 =	vld [tilespmem:s17+$0x8DA0];
	[tilespmem:s17+$0x16510] =	vst v4;
	v4 =	vadd.f32 v53, v37  }
0x273: {  	v62 =	vld [tilespmem:s17+$0x8E20];
	[tilespmem:s17+$0x16590] =	vst v5;
	v5 =	vadd.f32 v55, v54  }
0x274: {  	v21 =	vld [tilespmem:s17+$0xA3A0];
	[tilespmem:s17+$0x16610] =	vst v4;
	v4 =	vadd.f32 v56, v54  }
0x275: {  	v22 =	vld [tilespmem:s17+$0xA420];
	[tilespmem:s17+$0x14AA0] =	vst v5;
	v5 =	vadd.f32 v57, v54  }
0x276: {  	v63 =	vld [tilespmem:s17+$0xA2A0];
	[tilespmem:s17+$0x14B20] =	vst v4;
	v4 =	vadd.f32 v58, v54  }
0x277: {  	v23 =	vld [tilespmem:s17+$0xA4A0];
	[tilespmem:s17+$0x14BA0] =	vst v5;
	v5 =	vadd.f32 v59, v54  }
0x278: {  	v24 =	vld [tilespmem:s17+$0xA520];
	[tilespmem:s17+$0x14C20] =	vst v4;
	v4 =	vadd.f32 v60, v54  }
0x279: {  	v25 =	vld [tilespmem:s17+$0xA5A0];
	[tilespmem:s17+$0x14CA0] =	vst v5;
	v5 =	vadd.f32 v61, v54  }
0x27a: {  	v26 =	vld [tilespmem:s17+$0xA620];
	[tilespmem:s17+$0x14D20] =	vst v4;
	v4 =	vadd.f32 v62, v54  }
0x27b: {  	v27 =	vld.idx.msk [tilespmem:v3+s17+$0x430 ss:$0x1], $0xffff;
	[tilespmem:s17+$0x14DA0] =	vst v5;
	v5 =	vadd.f32 v63, v54  }
0x27c: {  	v28 =	vld [tilespmem:s17+$0x8AB0];
	[tilespmem:s17+$0x14E20] =	vst v4;
	v4 =	vadd.f32 v20, v54  }
0x27d: {  	v29 =	vld [tilespmem:s17+$0x8B30];
	[tilespmem:s17+$0x162A0] =	vst v5;
	v5 =	vadd.f32 v21, v54  }
0x27e: {  	v30 =	vld [tilespmem:s17+$0x8BB0];
	[tilespmem:s17+$0x16320] =	vst v4;
	v4 =	vadd.f32 v22, v54  }
0x27f: {  	v31 =	vld [tilespmem:s17+$0x8C30];
	[tilespmem:s17+$0x163A0] =	vst v5;
	v5 =	vadd.f32 v23, v54  }
0x280: {  	v32 =	vld [tilespmem:s17+$0x8CB0];
	[tilespmem:s17+$0x16420] =	vst v4;
	v4 =	vadd.f32 v24, v54  }
0x281: {  	v33 =	vld [tilespmem:s17+$0x8D30];
	[tilespmem:s17+$0x164A0] =	vst v5;
	v5 =	vadd.f32 v25, v54  }
0x282: {  	v34 =	vld [tilespmem:s17+$0x8DB0];
	[tilespmem:s17+$0x16520] =	vst v4;
	v4 =	vadd.f32 v26, v54  }
0x283: {  	v35 =	vld [tilespmem:s17+$0x8E30];
	[tilespmem:s17+$0x165A0] =	vst v5;
	v5 =	vadd.f32 v28, v27  }
0x284: {  	v36 =	vld [tilespmem:s17+$0xA2B0];
	[tilespmem:s17+$0x16620] =	vst v4;
	v4 =	vadd.f32 v29, v27  }
0x285: {  	v38 =	vld [tilespmem:s17+$0xA3B0];
	[tilespmem:s17+$0x14AB0] =	vst v5;
	v5 =	vadd.f32 v30, v27  }
0x286: {  	v39 =	vld [tilespmem:s17+$0xA430];
	[tilespmem:s17+$0x14B30] =	vst v4;
	v4 =	vadd.f32 v31, v27  }
0x287: {  	v37 =	vld [tilespmem:s17+$0xA330];
	[tilespmem:s17+$0x14BB0] =	vst v5;
	v5 =	vadd.f32 v32, v27  }
0x288: {  	v40 =	vld [tilespmem:s17+$0xA4B0];
	[tilespmem:s17+$0x14C30] =	vst v4;
	v4 =	vadd.f32 v33, v27  }
0x289: {  	v41 =	vld [tilespmem:s17+$0xA530];
	[tilespmem:s17+$0x14CB0] =	vst v5;
	v5 =	vadd.f32 v34, v27  }
0x28a: {  	v42 =	vld [tilespmem:s17+$0xA5B0];
	[tilespmem:s17+$0x14D30] =	vst v4;
	v4 =	vadd.f32 v35, v27  }
0x28b: {  	v43 =	vld [tilespmem:s17+$0xA630];
	[tilespmem:s17+$0x14DB0] =	vst v5;
	v5 =	vadd.f32 v36, v27  }
0x28c: {  	v44 =	vld.idx.msk [tilespmem:v3+s17+$0x440 ss:$0x1], $0xffff;
	[tilespmem:s17+$0x14E30] =	vst v4;
	v4 =	vadd.f32 v37, v27  }
0x28d: {  	v45 =	vld [tilespmem:s17+$0x8AC0];
	[tilespmem:s17+$0x162B0] =	vst v5;
	v5 =	vadd.f32 v38, v27  }
0x28e: {  	v46 =	vld [tilespmem:s17+$0x8B40];
	[tilespmem:s17+$0x16330] =	vst v4;
	v4 =	vadd.f32 v39, v27  }
0x28f: {  	v47 =	vld [tilespmem:s17+$0x8BC0];
	[tilespmem:s17+$0x163B0] =	vst v5;
	v5 =	vadd.f32 v40, v27  }
0x290: {  	v48 =	vld [tilespmem:s17+$0x8C40];
	[tilespmem:s17+$0x16430] =	vst v4;
	v4 =	vadd.f32 v41, v27  }
0x291: {  	v49 =	vld [tilespmem:s17+$0x8CC0];
	[tilespmem:s17+$0x164B0] =	vst v5;
	v5 =	vadd.f32 v42, v27  }
0x292: {  	v50 =	vld [tilespmem:s17+$0x8D40];
	[tilespmem:s17+$0x16530] =	vst v4;
	v4 =	vadd.f32 v43, v27  }
0x293: {  	v51 =	vld [tilespmem:s17+$0x8DC0];
	[tilespmem:s17+$0x165B0] =	vst v5;
	v5 =	vadd.f32 v45, v44  }
0x294: {  	v52 =	vld [tilespmem:s17+$0x8E40];
	[tilespmem:s17+$0x16630] =	vst v4;
	v4 =	vadd.f32 v46, v44  }
0x295: {  	v53 =	vld [tilespmem:s17+$0xA2C0];
	[tilespmem:s17+$0x14AC0] =	vst v5;
	v5 =	vadd.f32 v47, v44  }
0x296: {  	v55 =	vld [tilespmem:s17+$0xA3C0];
	[tilespmem:s17+$0x14B40] =	vst v4;
	v4 =	vadd.f32 v48, v44  }
0x297: {  	v54 =	vld [tilespmem:s17+$0xA340];
	[tilespmem:s17+$0x14BC0] =	vst v5;
	v5 =	vadd.f32 v49, v44  }
0x298: {  	v56 =	vld [tilespmem:s17+$0xA440];
	[tilespmem:s17+$0x14C40] =	vst v4;
	v4 =	vadd.f32 v50, v44  }
0x299: {  	v57 =	vld [tilespmem:s17+$0xA4C0];
	[tilespmem:s17+$0x14CC0] =	vst v5;
	v5 =	vadd.f32 v51, v44  }
0x29a: {  	v58 =	vld [tilespmem:s17+$0xA540];
	[tilespmem:s17+$0x14D40] =	vst v4;
	v4 =	vadd.f32 v52, v44  }
0x29b: {  	v59 =	vld [tilespmem:s17+$0xA5C0];
	[tilespmem:s17+$0x14DC0] =	vst v5;
	v5 =	vadd.f32 v53, v44  }
0x29c: {  	v60 =	vld [tilespmem:s17+$0xA640];
	[tilespmem:s17+$0x14E40] =	vst v4;
	v4 =	vadd.f32 v54, v44  }
0x29d: {  	v61 =	vld.idx.msk [tilespmem:v3+s17+$0x450 ss:$0x1], $0xffff;
	[tilespmem:s17+$0x162C0] =	vst v5;
	v5 =	vadd.f32 v55, v44  }
0x29e: {  	v62 =	vld [tilespmem:s17+$0x8AD0];
	[tilespmem:s17+$0x16340] =	vst v4;
	v4 =	vadd.f32 v56, v44  }
0x29f: {  	v63 =	vld [tilespmem:s17+$0x8B50];
	[tilespmem:s17+$0x163C0] =	vst v5;
	v5 =	vadd.f32 v57, v44  }
0x2a0: {  	v18 =	vld [tilespmem:s17+$0x8CD0];
	[tilespmem:s17+$0x16440] =	vst v4;
	v4 =	vadd.f32 v58, v44  }
0x2a1: {  	v19 =	vld [tilespmem:s17+$0x8D50];
	[tilespmem:s17+$0x164C0] =	vst v5;
	v5 =	vadd.f32 v59, v44  }
0x2a2: {  	v20 =	vld [tilespmem:s17+$0x8DD0];
	[tilespmem:s17+$0x16540] =	vst v4;
	v4 =	vadd.f32 v60, v44  }
0x2a3: {  	v21 =	vld [tilespmem:s17+$0x8E50];
	[tilespmem:s17+$0x165C0] =	vst v5;
	v5 =	vadd.f32 v62, v61  }
0x2a4: {  	v22 =	vld [tilespmem:s17+$0xA2D0];
	[tilespmem:s17+$0x16640] =	vst v4;
	v4 =	vadd.f32 v63, v61  }
0x2a5: {  	v23 =	vld [tilespmem:s17+$0xA350];
	[tilespmem:s17+$0x14AD0] =	vst v5;
	v5 =	vadd.f32 v16, v61  }
0x2a6: {  	v24 =	vld [tilespmem:s17+$0xA3D0];
	[tilespmem:s17+$0x14B50] =	vst v4;
	v4 =	vadd.f32 v17, v61  }
0x2a7: {  	v25 =	vld [tilespmem:s17+$0xA450];
	[tilespmem:s17+$0x14BD0] =	vst v5;
	v5 =	vadd.f32 v18, v61  }
0x2a8: {  	v26 =	vld [tilespmem:s17+$0xA4D0];
	[tilespmem:s17+$0x14C50] =	vst v4;
	v4 =	vadd.f32 v19, v61  }
0x2a9: {  	v28 =	vld [tilespmem:s17+$0xA5D0];
	[tilespmem:s17+$0x14CD0] =	vst v5;
	v5 =	vadd.f32 v20, v61  }
0x2aa: {  	v29 =	vld [tilespmem:s17+$0xA650];
	[tilespmem:s17+$0x14D50] =	vst v4;
	v4 =	vadd.f32 v21, v61  }
0x2ab: {  	v27 =	vld [tilespmem:s17+$0xA550];
	[tilespmem:s17+$0x14DD0] =	vst v5;
	v5 =	vadd.f32 v22, v61  }
0x2ac: {  	v30 =	vld.idx.msk [tilespmem:v3+s17+$0x460 ss:$0x1], $0xffff;
	[tilespmem:s17+$0x14E50] =	vst v4;
	v4 =	vadd.f32 v23, v61  }
0x2ad: {  	v31 =	vld [tilespmem:s17+$0x8AE0];
	[tilespmem:s17+$0x162D0] =	vst v5;
	v5 =	vadd.f32 v24, v61  }
0x2ae: {  	v32 =	vld [tilespmem:s17+$0x8B60];
	[tilespmem:s17+$0x16350] =	vst v4;
	v4 =	vadd.f32 v25, v61  }
0x2af: {  	v33 =	vld [tilespmem:s17+$0x8BE0];
	[tilespmem:s17+$0x163D0] =	vst v5;
	v5 =	vadd.f32 v26, v61  }
0x2b0: {  	v34 =	vld [tilespmem:s17+$0x8C60];
	[tilespmem:s17+$0x16450] =	vst v4;
	v4 =	vadd.f32 v27, v61  }
0x2b1: {  	v35 =	vld [tilespmem:s17+$0x8CE0];
	[tilespmem:s17+$0x164D0] =	vst v5;
	v5 =	vadd.f32 v28, v61  }
0x2b2: {  	v36 =	vld [tilespmem:s17+$0x8D60];
	[tilespmem:s17+$0x16550] =	vst v4;
	v4 =	vadd.f32 v29, v61  }
0x2b3: {  	v37 =	vld [tilespmem:s17+$0x8DE0];
	[tilespmem:s17+$0x165D0] =	vst v5;
	v5 =	vadd.f32 v31, v30  }
0x2b4: {  	v38 =	vld [tilespmem:s17+$0x8E60];
	[tilespmem:s17+$0x16650] =	vst v4;
	v4 =	vadd.f32 v32, v30  }
0x2b5: {  	v39 =	vld [tilespmem:s17+$0xA2E0];
	[tilespmem:s17+$0x14AE0] =	vst v5;
	v5 =	vadd.f32 v33, v30  }
0x2b6: {  	v40 =	vld [tilespmem:s17+$0xA360];
	[tilespmem:s17+$0x14B60] =	vst v4;
	v4 =	vadd.f32 v34, v30  }
0x2b7: {  	v41 =	vld [tilespmem:s17+$0xA3E0];
	[tilespmem:s17+$0x14BE0] =	vst v5;
	v5 =	vadd.f32 v35, v30  }
0x2b8: {  	v42 =	vld [tilespmem:s17+$0xA460];
	[tilespmem:s17+$0x14C60] =	vst v4;
	v4 =	vadd.f32 v36, v30  }
0x2b9: {  	v43 =	vld [tilespmem:s17+$0xA4E0];
	[tilespmem:s17+$0x14CE0] =	vst v5;
	v5 =	vadd.f32 v37, v30  }
0x2ba: {  	v45 =	vld [tilespmem:s17+$0xA5E0];
	[tilespmem:s17+$0x14D60] =	vst v4;
	v4 =	vadd.f32 v38, v30  }
0x2bb: {  	v44 =	vld [tilespmem:s17+$0xA560];
	[tilespmem:s17+$0x14DE0] =	vst v5;
	v5 =	vadd.f32 v39, v30  }
0x2bc: {  	v46 =	vld [tilespmem:s17+$0xA660];
	[tilespmem:s17+$0x14E60] =	vst v4;
	v4 =	vadd.f32 v40, v30  }
0x2bd: {  	v47 =	vld.idx.msk [tilespmem:v3+s17+$0x470 ss:$0x1], $0xffff;
	[tilespmem:s17+$0x162E0] =	vst v5;
	v5 =	vadd.f32 v41, v30  }
0x2be: {  	v48 =	vld [tilespmem:s17+$0x8AF0];
	[tilespmem:s17+$0x16360] =	vst v4;
	v4 =	vadd.f32 v42, v30  }
0x2bf: {  	v49 =	vld [tilespmem:s17+$0x8B70];
	[tilespmem:s17+$0x163E0] =	vst v5;
	v5 =	vadd.f32 v43, v30  }
0x2c0: {  	v50 =	vld [tilespmem:s17+$0x8BF0];
	[tilespmem:s17+$0x16460] =	vst v4;
	v4 =	vadd.f32 v44, v30  }
0x2c1: {  	v51 =	vld [tilespmem:s17+$0x8C70];
	[tilespmem:s17+$0x164E0] =	vst v5;
	v5 =	vadd.f32 v45, v30  }
0x2c2: {  	v52 =	vld [tilespmem:s17+$0x8CF0];
	[tilespmem:s17+$0x16560] =	vst v4;
	v4 =	vadd.f32 v46, v30  }
0x2c3: {  	v53 =	vld [tilespmem:s17+$0x8D70];
	[tilespmem:s17+$0x165E0] =	vst v5;
	v5 =	vadd.f32 v48, v47  }
0x2c4: {  	v54 =	vld [tilespmem:s17+$0x8DF0];
	[tilespmem:s17+$0x16660] =	vst v4;
	v4 =	vadd.f32 v49, v47  }
0x2c5: {  	v55 =	vld [tilespmem:s17+$0x8E70];
	[tilespmem:s17+$0x14AF0] =	vst v5;
	v5 =	vadd.f32 v50, v47  }
0x2c6: {  	v56 =	vld [tilespmem:s17+$0xA2F0];
	[tilespmem:s17+$0x14B70] =	vst v4;
	v4 =	vadd.f32 v51, v47  }
0x2c7: {  	v57 =	vld [tilespmem:s17+$0xA370];
	[tilespmem:s17+$0x14BF0] =	vst v5;
	v5 =	vadd.f32 v52, v47  }
0x2c8: {  	v58 =	vld [tilespmem:s17+$0xA3F0];
	[tilespmem:s17+$0x14C70] =	vst v4;
	v4 =	vadd.f32 v53, v47  }
0x2c9: {  	v59 =	vld [tilespmem:s17+$0xA470];
	[tilespmem:s17+$0x14CF0] =	vst v5;
	v5 =	vadd.f32 v54, v47  }
0x2ca: {  	v60 =	vld [tilespmem:s17+$0xA4F0];
	[tilespmem:s17+$0x14D70] =	vst v4;
	v4 =	vadd.f32 v55, v47  }
0x2cb: {  	v61 =	vld [tilespmem:s17+$0xA570];
	[tilespmem:s17+$0x14DF0] =	vst v5;
	v5 =	vadd.f32 v56, v47  }
0x2cc: {  	v62 =	vld [tilespmem:s17+$0xA5F0];
	[tilespmem:s17+$0x14E70] =	vst v4;
	v4 =	vadd.f32 v57, v47  }
0x2cd: {  	v63 =	vld [tilespmem:s17+$0xA670];
	[tilespmem:s17+$0x162F0] =	vst v5;
	v5 =	vadd.f32 v58, v47  }
0x2ce: {  	[tilespmem:s17+$0x16370] =	vst v4;
	v4 =	vadd.f32 v59, v47  }
0x2cf: {  	p2 =	slt.u32 s16, $0x200;
	[tilespmem:s17+$0x163F0] =	vst v5;
	v5 =	vadd.f32 v60, v47  }
.Ltmp1:
0x2d0: {  	[tilespmem:s17+$0x16470] =	vst v4;
	v4 =	vadd.f32 v61, v47;
	(pc) =	sbr.rel @p2 .LBB2_5-.Ltmp1, $4  }
0x2d1: {  	[tilespmem:s17+$0x164F0] =	vst v5;
	v5 =	vadd.f32 v62, v47  }
0x2d2: {  	[tilespmem:s17+$0x16570] =	vst v4;
	v4 =	vadd.f32 v63, v47  }
0x2d3: {  	[tilespmem:s17+$0x165F0] =	vst v5  }
0x2d4: {  	s16 =	sadd.s32 $0x100, s16;
	[tilespmem:s17+$0x16670] =	vst v4  }
0x2d5: {  	v3 =	vld @!p0 [tilespmem:s0+$0x50];
	_ =	sdelay $0x4  }
0x2d6: {  	v4 =	vshrl.u32 @!p0 v3, $0x3  }
0x2d7: {  	v4 =	vmul.u32 @!p0 $0x30, v4  }
0x2d8: {  	v5 =	vlaneseq.u32 @!p0;
	v3 =	vand.u32 @!p0 $0x7, v3  }
0x2d9: {  	v6 =	vshrl.u32 @!p0 v5, $0x3;
	v3 =	vor.u32 @!p0 v3, v4;
	v4 =	vand.u32 @!p0 $0x7, v5  }
0x2da: {  	v6 =	vmul.u32 @!p0 $0x8, v6;
	v4 =	vperm.xlane @!p0 v3, v4;
	_ =	sdelay $0x1  }
0x2db: {  	v4 =	vadd.s32 @!p0 v6, v4;
	_ =	sdelay $0x2  }
0x2dc: {  	v5 =	vor.u32 @!p0 $0x8, v5  }
0x2dd: {  	s7 =	simm.s32 @!p0 $0x0;
	s16 =	simm.s32 @!p0 $0x8680;
	v3 =	vperm.xlane @!p0 v3, v5  }
0x2de: {  	[tilespmem:s16], [sflag:$0x2] =	stream.indirect_vreg.gather @!p0 [hbm4b:s2+s7], $0x80, v4, vm1, $0xb8;
	[tilespmem:$0x1D680] =	vst v63  }
0x2df: {  	v3 =	vadd.s32 @!p0 v6, v3;
	s16 =	simm.s32 @!p0 $0x8E80  }
0x2e0: {  	[tilespmem:s16], [sflag:$0x2] =	stream.indirect_vreg.gather @!p0 [hbm4b:s9+s7], $0x80, v4, vm1, $0xb8;
	[tilespmem:$0x1D680] =	vst v63  }
0x2e1: {  	s16 =	simm.s32 @!p0 $0x9680  }
0x2e2: {  	[tilespmem:s16], [sflag:$0x2] =	stream.indirect_vreg.gather @!p0 [hbm4b:s10+s7], $0x80, v4, vm1, $0xb8;
	[tilespmem:$0x1D680] =	vst v63  }
0x2e3: {  	s14 =	sshrl.u32 s14, $0x3;
	s16 =	simm.s32 @!p0 $0x9E80  }
0x2e4: {  	[tilespmem:s16], [sflag:$0x2] =	stream.indirect_vreg.gather @!p0 [hbm4b:s2+s7], $0x80, v3, vm1, $0xb8;
	[tilespmem:$0x1D680] =	vst v63  }
0x2e5: {  	s15 =	smul.u32 $0x300000, s15;
	s14 =	sand.u32 $0x1FA, s14;
	s16 =	simm.s32 @!p0 $0xA680  }
0x2e6: {  	[tilespmem:s16], [sflag:$0x2] =	stream.indirect_vreg.gather @!p0 [hbm4b:s9+s7], $0x80, v3, vm1, $0xb8;
	[tilespmem:$0x1D680] =	vst v63  }
0x2e7: {  	s14 =	smul.u32 $0x1800, s14;
	s16 =	simm.s32 @!p0 $0xAE80  }
0x2e8: {  	[tilespmem:s16], [sflag:$0x2] =	stream.indirect_vreg.gather @!p0 [hbm4b:s10+s7], $0x80, v3, vm1, $0xb8;
	[tilespmem:$0x1D680] =	vst v63  }
0x2e9: {  	s16 =	sadd.s32 s15, s14;
	s14 =	sadd.s32 $0x20, s13  }
0x2ea: {  	s7 =	sshrl.u32 s16, $0x3;
	s15 =	sshrl.u32 s14, $0xC  }
0x2eb: {  	s7 =	sadd.s32 s4, s7;
	s17 =	ssub.s32 s15, s6  }
0x2ec: {  	[hbm4b:s7+s5] =	stream.linear.scatter [tilespmem:s21], [sflag:$0x6], $0x3000, $0x38;
	[tilespmem:$0x1D680] =	vst v63  }
0x2ed: {  	s7 =	sshrl.u32 s17, $0x3  }
0x2ee: {  	s7 =	smul.u32 $0x6000, s7  }
0x2ef: {  	s16 =	sshrl.u32 s14, $0x5  }
0x2f0: {  	s16 =	sand.u32 $0x380, s16;
	s7 =	sshra.s32 s7, $0x2  }
0x2f1: {  	_ =	swait.ge [sflag:s22], $0x3000;
	s7 =	sor.u32 s16, s7  }
0x2f2: {  	[sflag:s22] =	ssyncset.done $0x0;
	s7 =	sadd.s32 $0x2680, s7  }
0x2f3: {  	s17 =	simm.s32 @!p1 $0x7;
	[sflag:s22] =	ssyncadd.s32 $0xFFFFD000;
	v3 =	vmov s7  }
0x2f4: {  	_ =	swait.ge @!p1 [sflag:s17], $0x3000  }
0x2f5: {  	[sflag:s17] =	ssyncset.done @!p1 $0x0  }
0x2f6: {  	s16 =	simm.s32 $0x0;
	[sflag:s17] =	ssyncadd.s32 @!p1 $0xFFFFD000  }
.LBB2_7:
0x2f7: {  	s17 =	sshll.u32 s16, $0x3  }
0x2f8: {  	v4 =	vld.idx.msk [tilespmem:v3+s17+$0x0 ss:$0x1], $0xffff  }
0x2f9: {  	v5 =	vld [tilespmem:s17+$0xB680]  }
0x2fa: {  	v6 =	vld [tilespmem:s17+$0xB700]  }
0x2fb: {  	v7 =	vld [tilespmem:s17+$0xB780]  }
0x2fc: {  	v8 =	vld [tilespmem:s17+$0xB800]  }
0x2fd: {  	v9 =	vld [tilespmem:s17+$0xB880]  }
0x2fe: {  	v10 =	vld [tilespmem:s17+$0xB900];
	v5 =	vadd.f32 v5, v4  }
0x2ff: {  	v11 =	vld [tilespmem:s17+$0xB980];
	v6 =	vadd.f32 v6, v4  }
0x300: {  	v24 =	vld [tilespmem:s17+$0xBA00];
	[tilespmem:s17+$0x17680] =	vst v5;
	v5 =	vadd.f32 v7, v4  }
0x301: {  	v26 =	vld [tilespmem:s17+$0xCE80];
	v25 =	vadd.f32 v8, v4;
	[tilespmem:s17+$0x17700] =	vst v6  }
0x302: {  	v27 =	vld [tilespmem:s17+$0xCF00];
	[tilespmem:s17+$0x17780] =	vst v5;
	v5 =	vadd.f32 v9, v4  }
0x303: {  	v29 =	vld [tilespmem:s17+$0xCF80];
	v28 =	vadd.f32 v10, v4;
	[tilespmem:s17+$0x17800] =	vst v25  }
0x304: {  	v30 =	vld [tilespmem:s17+$0xD000];
	[tilespmem:s17+$0x17880] =	vst v5;
	v5 =	vadd.f32 v11, v4  }
0x305: {  	v32 =	vld [tilespmem:s17+$0xD080];
	v31 =	vadd.f32 v24, v4;
	[tilespmem:s17+$0x17900] =	vst v28  }
0x306: {  	v33 =	vld [tilespmem:s17+$0xD100];
	[tilespmem:s17+$0x17980] =	vst v5;
	v5 =	vadd.f32 v26, v4  }
0x307: {  	v34 =	vadd.f32 v27, v4;
	[tilespmem:s17+$0x17A00] =	vst v31  }
0x308: {  	[tilespmem:s17+$0x18E80] =	vst v5;
	v5 =	vadd.f32 v29, v4  }
0x309: {  	v35 =	vadd.f32 v30, v4;
	[tilespmem:s17+$0x18F00] =	vst v34  }
0x30a: {  	[tilespmem:s17+$0x18F80] =	vst v5;
	v5 =	vadd.f32 v32, v4  }
0x30b: {  	v36 =	vadd.f32 v33, v4;
	[tilespmem:s17+$0x19000] =	vst v35  }
0x30c: {  	[tilespmem:s17+$0x19080] =	vst v5  }
0x30d: {  	[tilespmem:s17+$0x19100] =	vst v36  }
0x30e: {  	v5 =	vld [tilespmem:s17+$0xD180]  }
0x30f: {  	v6 =	vld [tilespmem:s17+$0xD200]  }
0x310: {  	v37 =	vld.idx.msk [tilespmem:v3+s17+$0x10 ss:$0x1], $0xffff  }
0x311: {  	v38 =	vld [tilespmem:s17+$0xB690]  }
0x312: {  	v39 =	vld [tilespmem:s17+$0xB710]  }
0x313: {  	v40 =	vld [tilespmem:s17+$0xB790]  }
0x314: {  	v41 =	vld [tilespmem:s17+$0xB810]  }
0x315: {  	v12 =	vld [tilespmem:s17+$0xB890]  }
0x316: {  	v13 =	vld [tilespmem:s17+$0xB910]  }
0x317: {  	v14 =	vld [tilespmem:s17+$0xB990]  }
0x318: {  	v15 =	vld [tilespmem:s17+$0xBA10]  }
0x319: {  	v16 =	vld [tilespmem:s17+$0xCE90]  }
0x31a: {  	v17 =	vld [tilespmem:s17+$0xCF10]  }
0x31b: {  	v18 =	vld [tilespmem:s17+$0xCF90]  }
0x31c: {  	v19 =	vld [tilespmem:s17+$0xD010]  }
0x31d: {  	v20 =	vld [tilespmem:s17+$0xD090]  }
0x31e: {  	v21 =	vld [tilespmem:s17+$0xD110]  }
0x31f: {  	v22 =	vld [tilespmem:s17+$0xD190]  }
0x320: {  	v23 =	vld [tilespmem:s17+$0xD210]  }
0x321: {  	v24 =	vld.idx.msk [tilespmem:v3+s17+$0x20 ss:$0x1], $0xffff  }
0x322: {  	v25 =	vld [tilespmem:s17+$0xB6A0];
	v5 =	vadd.f32 v5, v4  }
0x323: {  	v42 =	vld [tilespmem:s17+$0xB720];
	v4 =	vadd.f32 v6, v4  }
0x324: {  	v43 =	vld [tilespmem:s17+$0xB7A0];
	[tilespmem:s17+$0x19180] =	vst v5;
	v5 =	vadd.f32 v38, v37  }
0x325: {  	v44 =	vld [tilespmem:s17+$0xB820];
	[tilespmem:s17+$0x19200] =	vst v4;
	v4 =	vadd.f32 v39, v37  }
0x326: {  	v45 =	vld [tilespmem:s17+$0xB8A0];
	[tilespmem:s17+$0x17690] =	vst v5;
	v5 =	vadd.f32 v40, v37  }
0x327: {  	v46 =	vld [tilespmem:s17+$0xB920];
	[tilespmem:s17+$0x17710] =	vst v4;
	v4 =	vadd.f32 v41, v37  }
0x328: {  	v47 =	vld [tilespmem:s17+$0xB9A0];
	[tilespmem:s17+$0x17790] =	vst v5;
	v5 =	vadd.f32 v12, v37  }
0x329: {  	v48 =	vld [tilespmem:s17+$0xBA20];
	[tilespmem:s17+$0x17810] =	vst v4;
	v4 =	vadd.f32 v13, v37  }
0x32a: {  	v49 =	vld [tilespmem:s17+$0xCEA0];
	[tilespmem:s17+$0x17890] =	vst v5;
	v5 =	vadd.f32 v14, v37  }
0x32b: {  	v50 =	vld [tilespmem:s17+$0xCF20];
	[tilespmem:s17+$0x17910] =	vst v4;
	v4 =	vadd.f32 v15, v37  }
0x32c: {  	v51 =	vld [tilespmem:s17+$0xCFA0];
	[tilespmem:s17+$0x17990] =	vst v5;
	v5 =	vadd.f32 v16, v37  }
0x32d: {  	v52 =	vld [tilespmem:s17+$0xD020];
	[tilespmem:s17+$0x17A10] =	vst v4;
	v4 =	vadd.f32 v17, v37  }
0x32e: {  	v53 =	vld [tilespmem:s17+$0xD0A0];
	[tilespmem:s17+$0x18E90] =	vst v5;
	v5 =	vadd.f32 v18, v37  }
0x32f: {  	v54 =	vld [tilespmem:s17+$0xD120];
	[tilespmem:s17+$0x18F10] =	vst v4;
	v4 =	vadd.f32 v19, v37  }
0x330: {  	v55 =	vld [tilespmem:s17+$0xD1A0];
	[tilespmem:s17+$0x18F90] =	vst v5;
	v5 =	vadd.f32 v20, v37  }
0x331: {  	v56 =	vld [tilespmem:s17+$0xD220];
	[tilespmem:s17+$0x19010] =	vst v4;
	v4 =	vadd.f32 v21, v37  }
0x332: {  	v57 =	vld.idx.msk [tilespmem:v3+s17+$0x30 ss:$0x1], $0xffff;
	[tilespmem:s17+$0x19090] =	vst v5;
	v5 =	vadd.f32 v22, v37  }
0x333: {  	v58 =	vld [tilespmem:s17+$0xB6B0];
	[tilespmem:s17+$0x19110] =	vst v4;
	v4 =	vadd.f32 v23, v37  }
0x334: {  	v59 =	vld [tilespmem:s17+$0xB730];
	[tilespmem:s17+$0x19190] =	vst v5;
	v5 =	vadd.f32 v25, v24  }
0x335: {  	v60 =	vld [tilespmem:s17+$0xB7B0];
	[tilespmem:s17+$0x19210] =	vst v4;
	v4 =	vadd.f32 v42, v24  }
0x336: {  	v61 =	vld [tilespmem:s17+$0xB830];
	[tilespmem:s17+$0x176A0] =	vst v5;
	v5 =	vadd.f32 v43, v24  }
0x337: {  	v62 =	vld [tilespmem:s17+$0xB8B0];
	[tilespmem:s17+$0x17720] =	vst v4;
	v4 =	vadd.f32 v44, v24  }
0x338: {  	v63 =	vld [tilespmem:s17+$0xB930];
	[tilespmem:s17+$0x177A0] =	vst v5;
	v5 =	vadd.f32 v45, v24  }
0x339: {  	v26 =	vld [tilespmem:s17+$0xBA30];
	[tilespmem:s17+$0x17820] =	vst v4;
	v4 =	vadd.f32 v46, v24  }
0x33a: {  	v27 =	vld [tilespmem:s17+$0xCEB0];
	[tilespmem:s17+$0x178A0] =	vst v5;
	v5 =	vadd.f32 v47, v24  }
0x33b: {  	v28 =	vld [tilespmem:s17+$0xCF30];
	[tilespmem:s17+$0x17920] =	vst v4;
	v4 =	vadd.f32 v48, v24  }
0x33c: {  	v29 =	vld [tilespmem:s17+$0xCFB0];
	[tilespmem:s17+$0x179A0] =	vst v5;
	v5 =	vadd.f32 v49, v24  }
0x33d: {  	v30 =	vld [tilespmem:s17+$0xD030];
	[tilespmem:s17+$0x17A20] =	vst v4;
	v4 =	vadd.f32 v50, v24  }
0x33e: {  	v31 =	vld [tilespmem:s17+$0xD0B0];
	[tilespmem:s17+$0x18EA0] =	vst v5;
	v5 =	vadd.f32 v51, v24  }
0x33f: {  	v32 =	vld [tilespmem:s17+$0xD130];
	[tilespmem:s17+$0x18F20] =	vst v4;
	v4 =	vadd.f32 v52, v24  }
0x340: {  	v33 =	vld [tilespmem:s17+$0xD1B0];
	[tilespmem:s17+$0x18FA0] =	vst v5;
	v5 =	vadd.f32 v53, v24  }
0x341: {  	v34 =	vld [tilespmem:s17+$0xD230];
	[tilespmem:s17+$0x19020] =	vst v4;
	v4 =	vadd.f32 v54, v24  }
0x342: {  	v35 =	vld.idx.msk [tilespmem:v3+s17+$0x40 ss:$0x1], $0xffff;
	[tilespmem:s17+$0x190A0] =	vst v5;
	v5 =	vadd.f32 v55, v24  }
0x343: {  	v36 =	vld [tilespmem:s17+$0xB6C0];
	[tilespmem:s17+$0x19120] =	vst v4;
	v4 =	vadd.f32 v56, v24  }
0x344: {  	v38 =	vld [tilespmem:s17+$0xB7C0];
	[tilespmem:s17+$0x191A0] =	vst v5;
	v5 =	vadd.f32 v58, v57  }
0x345: {  	v25 =	vld [tilespmem:s17+$0xB9B0];
	[tilespmem:s17+$0x19220] =	vst v4;
	v4 =	vadd.f32 v59, v57  }
0x346: {  	v39 =	vld [tilespmem:s17+$0xB840];
	[tilespmem:s17+$0x176B0] =	vst v5;
	v5 =	vadd.f32 v60, v57  }
0x347: {  	v40 =	vld [tilespmem:s17+$0xB8C0];
	[tilespmem:s17+$0x17730] =	vst v4;
	v4 =	vadd.f32 v61, v57  }
0x348: {  	v41 =	vld [tilespmem:s17+$0xB940];
	[tilespmem:s17+$0x177B0] =	vst v5;
	v5 =	vadd.f32 v62, v57  }
0x349: {  	v16 =	vld [tilespmem:s17+$0xBBD0];
	[tilespmem:s17+$0x17830] =	vst v4;
	v4 =	vadd.f32 v63, v57  }
0x34a: {  	v17 =	vld [tilespmem:s17+$0xBC50];
	[tilespmem:s17+$0x178B0] =	vst v5;
	v5 =	vadd.f32 v25, v57  }
0x34b: {  	v21 =	vld [tilespmem:s17+$0xBA80];
	[tilespmem:s17+$0x17930] =	vst v4;
	v4 =	vadd.f32 v26, v57  }
0x34c: {  	v20 =	vld [tilespmem:s17+$0xD320];
	[tilespmem:s17+$0x179B0] =	vst v5;
	v5 =	vadd.f32 v27, v57  }
0x34d: {  	v37 =	vld [tilespmem:s17+$0xB740];
	[tilespmem:s17+$0x17A30] =	vst v4;
	v4 =	vadd.f32 v28, v57  }
0x34e: {  	v22 =	vld [tilespmem:s17+$0xBB00];
	[tilespmem:s17+$0x18EB0] =	vst v5;
	v5 =	vadd.f32 v29, v57  }
0x34f: {  	v23 =	vld [tilespmem:s17+$0xBB80];
	[tilespmem:s17+$0x18F30] =	vst v4;
	v4 =	vadd.f32 v30, v57  }
0x350: {  	v42 =	vld [tilespmem:s17+$0xB9C0];
	[tilespmem:s17+$0x18FB0] =	vst v5;
	v5 =	vadd.f32 v31, v57  }
0x351: {  	v43 =	vld [tilespmem:s17+$0xBA40];
	[tilespmem:s17+$0x19030] =	vst v4;
	v4 =	vadd.f32 v32, v57  }
0x352: {  	v44 =	vld [tilespmem:s17+$0xCEC0];
	[tilespmem:s17+$0x190B0] =	vst v5;
	v5 =	vadd.f32 v33, v57  }
0x353: {  	v45 =	vld [tilespmem:s17+$0xCF40];
	[tilespmem:s17+$0x19130] =	vst v4;
	v4 =	vadd.f32 v34, v57  }
0x354: {  	v46 =	vld [tilespmem:s17+$0xCFC0];
	[tilespmem:s17+$0x191B0] =	vst v5;
	v5 =	vadd.f32 v36, v35  }
0x355: {  	v47 =	vld [tilespmem:s17+$0xD040];
	[tilespmem:s17+$0x19230] =	vst v4;
	v4 =	vadd.f32 v37, v35  }
0x356: {  	v48 =	vld [tilespmem:s17+$0xD0C0];
	[tilespmem:s17+$0x176C0] =	vst v5;
	v5 =	vadd.f32 v38, v35  }
0x357: {  	v49 =	vld [tilespmem:s17+$0xD140];
	[tilespmem:s17+$0x17740] =	vst v4;
	v4 =	vadd.f32 v39, v35  }
0x358: {  	v50 =	vld [tilespmem:s17+$0xD1C0];
	[tilespmem:s17+$0x177C0] =	vst v5;
	v5 =	vadd.f32 v40, v35  }
0x359: {  	v51 =	vld [tilespmem:s17+$0xD240];
	[tilespmem:s17+$0x17840] =	vst v4;
	v4 =	vadd.f32 v41, v35  }
0x35a: {  	v52 =	vld.idx.msk [tilespmem:v3+s17+$0x50 ss:$0x1], $0xffff;
	[tilespmem:s17+$0x178C0] =	vst v5;
	v5 =	vadd.f32 v42, v35  }
0x35b: {  	v53 =	vld [tilespmem:s17+$0xB6D0];
	[tilespmem:s17+$0x17940] =	vst v4;
	v4 =	vadd.f32 v43, v35  }
0x35c: {  	v54 =	vld [tilespmem:s17+$0xB750];
	[tilespmem:s17+$0x179C0] =	vst v5;
	v5 =	vadd.f32 v44, v35  }
0x35d: {  	v55 =	vld [tilespmem:s17+$0xB7D0];
	[tilespmem:s17+$0x17A40] =	vst v4;
	v4 =	vadd.f32 v45, v35  }
0x35e: {  	v56 =	vld [tilespmem:s17+$0xB850];
	[tilespmem:s17+$0x18EC0] =	vst v5;
	v5 =	vadd.f32 v46, v35  }
0x35f: {  	v24 =	vld [tilespmem:s17+$0xD050];
	[tilespmem:s17+$0x18F40] =	vst v4;
	v4 =	vadd.f32 v47, v35  }
0x360: {  	v58 =	vld [tilespmem:s17+$0xB950];
	[tilespmem:s17+$0x18FC0] =	vst v5;
	v5 =	vadd.f32 v48, v35  }
0x361: {  	v59 =	vld [tilespmem:s17+$0xB9D0];
	[tilespmem:s17+$0x19040] =	vst v4;
	v4 =	vadd.f32 v49, v35  }
0x362: {  	v60 =	vld [tilespmem:s17+$0xBA50];
	[tilespmem:s17+$0x190C0] =	vst v5;
	v5 =	vadd.f32 v50, v35  }
0x363: {  	v57 =	vld [tilespmem:s17+$0xB8D0];
	[tilespmem:s17+$0x19140] =	vst v4;
	v4 =	vadd.f32 v51, v35  }
0x364: {  	v61 =	vld [tilespmem:s17+$0xCED0];
	[tilespmem:s17+$0x191C0] =	vst v5;
	v5 =	vadd.f32 v53, v52  }
0x365: {  	v62 =	vld [tilespmem:s17+$0xCF50];
	[tilespmem:s17+$0x19240] =	vst v4;
	v4 =	vadd.f32 v54, v52  }
0x366: {  	v63 =	vld [tilespmem:s17+$0xCFD0];
	[tilespmem:s17+$0x176D0] =	vst v5;
	v5 =	vadd.f32 v55, v52  }
0x367: {  	v25 =	vld [tilespmem:s17+$0xD0D0];
	[tilespmem:s17+$0x17750] =	vst v4;
	v4 =	vadd.f32 v56, v52  }
0x368: {  	v26 =	vld [tilespmem:s17+$0xD150];
	[tilespmem:s17+$0x177D0] =	vst v5;
	v5 =	vadd.f32 v57, v52  }
0x369: {  	v27 =	vld [tilespmem:s17+$0xD1D0];
	[tilespmem:s17+$0x17850] =	vst v4;
	v4 =	vadd.f32 v58, v52  }
0x36a: {  	v28 =	vld [tilespmem:s17+$0xD250];
	[tilespmem:s17+$0x178D0] =	vst v5;
	v5 =	vadd.f32 v59, v52  }
0x36b: {  	v29 =	vld.idx.msk [tilespmem:v3+s17+$0x60 ss:$0x1], $0xffff;
	[tilespmem:s17+$0x17950] =	vst v4;
	v4 =	vadd.f32 v60, v52  }
0x36c: {  	v30 =	vld [tilespmem:s17+$0xB6E0];
	[tilespmem:s17+$0x179D0] =	vst v5;
	v5 =	vadd.f32 v61, v52  }
0x36d: {  	v31 =	vld [tilespmem:s17+$0xB760];
	[tilespmem:s17+$0x17A50] =	vst v4;
	v4 =	vadd.f32 v62, v52  }
0x36e: {  	v32 =	vld [tilespmem:s17+$0xB7E0];
	[tilespmem:s17+$0x18ED0] =	vst v5;
	v5 =	vadd.f32 v63, v52  }
0x36f: {  	v33 =	vld [tilespmem:s17+$0xB860];
	[tilespmem:s17+$0x18F50] =	vst v4;
	v4 =	vadd.f32 v24, v52  }
0x370: {  	v34 =	vld [tilespmem:s17+$0xB8E0];
	[tilespmem:s17+$0x18FD0] =	vst v5;
	v5 =	vadd.f32 v25, v52  }
0x371: {  	v36 =	vld [tilespmem:s17+$0xB9E0];
	[tilespmem:s17+$0x19050] =	vst v4;
	v4 =	vadd.f32 v26, v52  }
0x372: {  	v37 =	vld [tilespmem:s17+$0xBA60];
	[tilespmem:s17+$0x190D0] =	vst v5;
	v5 =	vadd.f32 v27, v52  }
0x373: {  	v38 =	vld [tilespmem:s17+$0xCEE0];
	[tilespmem:s17+$0x19150] =	vst v4;
	v4 =	vadd.f32 v28, v52  }
0x374: {  	v35 =	vld [tilespmem:s17+$0xB960];
	[tilespmem:s17+$0x191D0] =	vst v5;
	v5 =	vadd.f32 v30, v29  }
0x375: {  	v39 =	vld [tilespmem:s17+$0xCF60];
	[tilespmem:s17+$0x19250] =	vst v4;
	v4 =	vadd.f32 v31, v29  }
0x376: {  	v40 =	vld [tilespmem:s17+$0xCFE0];
	[tilespmem:s17+$0x176E0] =	vst v5;
	v5 =	vadd.f32 v32, v29  }
0x377: {  	v41 =	vld [tilespmem:s17+$0xD060];
	[tilespmem:s17+$0x17760] =	vst v4;
	v4 =	vadd.f32 v33, v29  }
0x378: {  	v42 =	vld [tilespmem:s17+$0xD0E0];
	[tilespmem:s17+$0x177E0] =	vst v5;
	v5 =	vadd.f32 v34, v29  }
0x379: {  	v43 =	vld [tilespmem:s17+$0xD160];
	[tilespmem:s17+$0x17860] =	vst v4;
	v4 =	vadd.f32 v35, v29  }
0x37a: {  	v44 =	vld [tilespmem:s17+$0xD1E0];
	[tilespmem:s17+$0x178E0] =	vst v5;
	v5 =	vadd.f32 v36, v29  }
0x37b: {  	v45 =	vld [tilespmem:s17+$0xD260];
	[tilespmem:s17+$0x17960] =	vst v4;
	v4 =	vadd.f32 v37, v29  }
0x37c: {  	v46 =	vld.idx.msk [tilespmem:v3+s17+$0x70 ss:$0x1], $0xffff;
	[tilespmem:s17+$0x179E0] =	vst v5;
	v5 =	vadd.f32 v38, v29  }
0x37d: {  	v47 =	vld [tilespmem:s17+$0xB6F0];
	[tilespmem:s17+$0x17A60] =	vst v4;
	v4 =	vadd.f32 v39, v29  }
0x37e: {  	v48 =	vld [tilespmem:s17+$0xB770];
	[tilespmem:s17+$0x18EE0] =	vst v5;
	v5 =	vadd.f32 v40, v29  }
0x37f: {  	v49 =	vld [tilespmem:s17+$0xB7F0];
	[tilespmem:s17+$0x18F60] =	vst v4;
	v4 =	vadd.f32 v41, v29  }
0x380: {  	v50 =	vld [tilespmem:s17+$0xB870];
	[tilespmem:s17+$0x18FE0] =	vst v5;
	v5 =	vadd.f32 v42, v29  }
0x381: {  	v51 =	vld [tilespmem:s17+$0xB8F0];
	[tilespmem:s17+$0x19060] =	vst v4;
	v4 =	vadd.f32 v43, v29  }
0x382: {  	v53 =	vld [tilespmem:s17+$0xB9F0];
	[tilespmem:s17+$0x190E0] =	vst v5;
	v5 =	vadd.f32 v44, v29  }
0x383: {  	v54 =	vld [tilespmem:s17+$0xBA70];
	[tilespmem:s17+$0x19160] =	vst v4;
	v4 =	vadd.f32 v45, v29  }
0x384: {  	v52 =	vld [tilespmem:s17+$0xB970];
	[tilespmem:s17+$0x191E0] =	vst v5;
	v5 =	vadd.f32 v47, v46  }
0x385: {  	v55 =	vld [tilespmem:s17+$0xCEF0];
	[tilespmem:s17+$0x19260] =	vst v4;
	v4 =	vadd.f32 v48, v46  }
0x386: {  	v56 =	vld [tilespmem:s17+$0xCF70];
	[tilespmem:s17+$0x176F0] =	vst v5;
	v5 =	vadd.f32 v49, v46  }
0x387: {  	v57 =	vld [tilespmem:s17+$0xCFF0];
	[tilespmem:s17+$0x17770] =	vst v4;
	v4 =	vadd.f32 v50, v46  }
0x388: {  	v58 =	vld [tilespmem:s17+$0xD070];
	[tilespmem:s17+$0x177F0] =	vst v5;
	v5 =	vadd.f32 v51, v46  }
0x389: {  	v59 =	vld [tilespmem:s17+$0xD0F0];
	[tilespmem:s17+$0x17870] =	vst v4;
	v4 =	vadd.f32 v52, v46  }
0x38a: {  	v60 =	vld [tilespmem:s17+$0xD170];
	[tilespmem:s17+$0x178F0] =	vst v5;
	v5 =	vadd.f32 v53, v46  }
0x38b: {  	v61 =	vld [tilespmem:s17+$0xD1F0];
	[tilespmem:s17+$0x17970] =	vst v4;
	v4 =	vadd.f32 v54, v46  }
0x38c: {  	v62 =	vld [tilespmem:s17+$0xD270];
	[tilespmem:s17+$0x179F0] =	vst v5;
	v5 =	vadd.f32 v55, v46  }
0x38d: {  	v63 =	vld.idx.msk [tilespmem:v3+s17+$0x400 ss:$0x1], $0xffff;
	[tilespmem:s17+$0x17A70] =	vst v4;
	v4 =	vadd.f32 v56, v46  }
0x38e: {  	v24 =	vld [tilespmem:s17+$0xBC00];
	[tilespmem:s17+$0x18EF0] =	vst v5;
	v5 =	vadd.f32 v57, v46  }
0x38f: {  	v25 =	vld [tilespmem:s17+$0xBC80];
	[tilespmem:s17+$0x18F70] =	vst v4;
	v4 =	vadd.f32 v58, v46  }
0x390: {  	v26 =	vld [tilespmem:s17+$0xBD00];
	[tilespmem:s17+$0x18FF0] =	vst v5;
	v5 =	vadd.f32 v59, v46  }
0x391: {  	v27 =	vld [tilespmem:s17+$0xBD80];
	[tilespmem:s17+$0x19070] =	vst v4;
	v4 =	vadd.f32 v60, v46  }
0x392: {  	v28 =	vld [tilespmem:s17+$0xBE00];
	[tilespmem:s17+$0x190F0] =	vst v5;
	v5 =	vadd.f32 v61, v46  }
0x393: {  	v30 =	vld [tilespmem:s17+$0xD300];
	[tilespmem:s17+$0x19170] =	vst v4;
	v4 =	vadd.f32 v62, v46  }
0x394: {  	v31 =	vld [tilespmem:s17+$0xD380];
	[tilespmem:s17+$0x191F0] =	vst v5;
	v5 =	vadd.f32 v21, v63  }
0x395: {  	v32 =	vld [tilespmem:s17+$0xD400];
	[tilespmem:s17+$0x19270] =	vst v4;
	v4 =	vadd.f32 v22, v63  }
0x396: {  	v33 =	vld [tilespmem:s17+$0xD480];
	[tilespmem:s17+$0x17A80] =	vst v5;
	v5 =	vadd.f32 v23, v63  }
0x397: {  	v29 =	vld [tilespmem:s17+$0xD280];
	[tilespmem:s17+$0x17B00] =	vst v4;
	v4 =	vadd.f32 v24, v63  }
0x398: {  	v34 =	vld [tilespmem:s17+$0xD500];
	[tilespmem:s17+$0x17B80] =	vst v5;
	v5 =	vadd.f32 v25, v63  }
0x399: {  	v35 =	vld [tilespmem:s17+$0xD580];
	[tilespmem:s17+$0x17C00] =	vst v4;
	v4 =	vadd.f32 v26, v63  }
0x39a: {  	v36 =	vld [tilespmem:s17+$0xD600];
	[tilespmem:s17+$0x17C80] =	vst v5;
	v5 =	vadd.f32 v27, v63  }
0x39b: {  	v37 =	vld.idx.msk [tilespmem:v3+s17+$0x410 ss:$0x1], $0xffff;
	[tilespmem:s17+$0x17D00] =	vst v4;
	v4 =	vadd.f32 v28, v63  }
0x39c: {  	v38 =	vld [tilespmem:s17+$0xBA90];
	[tilespmem:s17+$0x17D80] =	vst v5;
	v5 =	vadd.f32 v29, v63  }
0x39d: {  	v39 =	vld [tilespmem:s17+$0xBB10];
	[tilespmem:s17+$0x17E00] =	vst v4;
	v4 =	vadd.f32 v30, v63  }
0x39e: {  	v40 =	vld [tilespmem:s17+$0xBB90];
	[tilespmem:s17+$0x19280] =	vst v5;
	v5 =	vadd.f32 v31, v63  }
0x39f: {  	v41 =	vld [tilespmem:s17+$0xBC10];
	[tilespmem:s17+$0x19300] =	vst v4;
	v4 =	vadd.f32 v32, v63  }
0x3a0: {  	v42 =	vld [tilespmem:s17+$0xBC90];
	[tilespmem:s17+$0x19380] =	vst v5;
	v5 =	vadd.f32 v33, v63  }
0x3a1: {  	v43 =	vld [tilespmem:s17+$0xBD10];
	[tilespmem:s17+$0x19400] =	vst v4;
	v4 =	vadd.f32 v34, v63  }
0x3a2: {  	v44 =	vld [tilespmem:s17+$0xBD90];
	[tilespmem:s17+$0x19480] =	vst v5;
	v5 =	vadd.f32 v35, v63  }
0x3a3: {  	v45 =	vld [tilespmem:s17+$0xBE10];
	[tilespmem:s17+$0x19500] =	vst v4;
	v4 =	vadd.f32 v36, v63  }
0x3a4: {  	v47 =	vld [tilespmem:s17+$0xD310];
	[tilespmem:s17+$0x19580] =	vst v5;
	v5 =	vadd.f32 v38, v37  }
0x3a5: {  	v48 =	vld [tilespmem:s17+$0xD390];
	[tilespmem:s17+$0x19600] =	vst v4;
	v4 =	vadd.f32 v39, v37  }
0x3a6: {  	v49 =	vld [tilespmem:s17+$0xD410];
	[tilespmem:s17+$0x17A90] =	vst v5;
	v5 =	vadd.f32 v40, v37  }
0x3a7: {  	v46 =	vld [tilespmem:s17+$0xD290];
	[tilespmem:s17+$0x17B10] =	vst v4;
	v4 =	vadd.f32 v41, v37  }
0x3a8: {  	v50 =	vld [tilespmem:s17+$0xD490];
	[tilespmem:s17+$0x17B90] =	vst v5;
	v5 =	vadd.f32 v42, v37  }
0x3a9: {  	v51 =	vld [tilespmem:s17+$0xD510];
	[tilespmem:s17+$0x17C10] =	vst v4;
	v4 =	vadd.f32 v43, v37  }
0x3aa: {  	v52 =	vld [tilespmem:s17+$0xD590];
	[tilespmem:s17+$0x17C90] =	vst v5;
	v5 =	vadd.f32 v44, v37  }
0x3ab: {  	v53 =	vld [tilespmem:s17+$0xD610];
	[tilespmem:s17+$0x17D10] =	vst v4;
	v4 =	vadd.f32 v45, v37  }
0x3ac: {  	v54 =	vld.idx.msk [tilespmem:v3+s17+$0x420 ss:$0x1], $0xffff;
	[tilespmem:s17+$0x17D90] =	vst v5;
	v5 =	vadd.f32 v46, v37  }
0x3ad: {  	v55 =	vld [tilespmem:s17+$0xBAA0];
	[tilespmem:s17+$0x17E10] =	vst v4;
	v4 =	vadd.f32 v47, v37  }
0x3ae: {  	v56 =	vld [tilespmem:s17+$0xBB20];
	[tilespmem:s17+$0x19290] =	vst v5;
	v5 =	vadd.f32 v48, v37  }
0x3af: {  	v57 =	vld [tilespmem:s17+$0xBBA0];
	[tilespmem:s17+$0x19310] =	vst v4;
	v4 =	vadd.f32 v49, v37  }
0x3b0: {  	v58 =	vld [tilespmem:s17+$0xBC20];
	[tilespmem:s17+$0x19390] =	vst v5;
	v5 =	vadd.f32 v50, v37  }
0x3b1: {  	v59 =	vld [tilespmem:s17+$0xBCA0];
	[tilespmem:s17+$0x19410] =	vst v4;
	v4 =	vadd.f32 v51, v37  }
0x3b2: {  	v60 =	vld [tilespmem:s17+$0xBD20];
	[tilespmem:s17+$0x19490] =	vst v5;
	v5 =	vadd.f32 v52, v37  }
0x3b3: {  	v61 =	vld [tilespmem:s17+$0xBDA0];
	[tilespmem:s17+$0x19510] =	vst v4;
	v4 =	vadd.f32 v53, v37  }
0x3b4: {  	v62 =	vld [tilespmem:s17+$0xBE20];
	[tilespmem:s17+$0x19590] =	vst v5;
	v5 =	vadd.f32 v55, v54  }
0x3b5: {  	v21 =	vld [tilespmem:s17+$0xD3A0];
	[tilespmem:s17+$0x19610] =	vst v4;
	v4 =	vadd.f32 v56, v54  }
0x3b6: {  	v22 =	vld [tilespmem:s17+$0xD420];
	[tilespmem:s17+$0x17AA0] =	vst v5;
	v5 =	vadd.f32 v57, v54  }
0x3b7: {  	v63 =	vld [tilespmem:s17+$0xD2A0];
	[tilespmem:s17+$0x17B20] =	vst v4;
	v4 =	vadd.f32 v58, v54  }
0x3b8: {  	v23 =	vld [tilespmem:s17+$0xD4A0];
	[tilespmem:s17+$0x17BA0] =	vst v5;
	v5 =	vadd.f32 v59, v54  }
0x3b9: {  	v24 =	vld [tilespmem:s17+$0xD520];
	[tilespmem:s17+$0x17C20] =	vst v4;
	v4 =	vadd.f32 v60, v54  }
0x3ba: {  	v25 =	vld [tilespmem:s17+$0xD5A0];
	[tilespmem:s17+$0x17CA0] =	vst v5;
	v5 =	vadd.f32 v61, v54  }
0x3bb: {  	v26 =	vld [tilespmem:s17+$0xD620];
	[tilespmem:s17+$0x17D20] =	vst v4;
	v4 =	vadd.f32 v62, v54  }
0x3bc: {  	v27 =	vld.idx.msk [tilespmem:v3+s17+$0x430 ss:$0x1], $0xffff;
	[tilespmem:s17+$0x17DA0] =	vst v5;
	v5 =	vadd.f32 v63, v54  }
0x3bd: {  	v28 =	vld [tilespmem:s17+$0xBAB0];
	[tilespmem:s17+$0x17E20] =	vst v4;
	v4 =	vadd.f32 v20, v54  }
0x3be: {  	v29 =	vld [tilespmem:s17+$0xBB30];
	[tilespmem:s17+$0x192A0] =	vst v5;
	v5 =	vadd.f32 v21, v54  }
0x3bf: {  	v30 =	vld [tilespmem:s17+$0xBBB0];
	[tilespmem:s17+$0x19320] =	vst v4;
	v4 =	vadd.f32 v22, v54  }
0x3c0: {  	v31 =	vld [tilespmem:s17+$0xBC30];
	[tilespmem:s17+$0x193A0] =	vst v5;
	v5 =	vadd.f32 v23, v54  }
0x3c1: {  	v32 =	vld [tilespmem:s17+$0xBCB0];
	[tilespmem:s17+$0x19420] =	vst v4;
	v4 =	vadd.f32 v24, v54  }
0x3c2: {  	v33 =	vld [tilespmem:s17+$0xBD30];
	[tilespmem:s17+$0x194A0] =	vst v5;
	v5 =	vadd.f32 v25, v54  }
0x3c3: {  	v34 =	vld [tilespmem:s17+$0xBDB0];
	[tilespmem:s17+$0x19520] =	vst v4;
	v4 =	vadd.f32 v26, v54  }
0x3c4: {  	v35 =	vld [tilespmem:s17+$0xBE30];
	[tilespmem:s17+$0x195A0] =	vst v5;
	v5 =	vadd.f32 v28, v27  }
0x3c5: {  	v36 =	vld [tilespmem:s17+$0xD2B0];
	[tilespmem:s17+$0x19620] =	vst v4;
	v4 =	vadd.f32 v29, v27  }
0x3c6: {  	v38 =	vld [tilespmem:s17+$0xD3B0];
	[tilespmem:s17+$0x17AB0] =	vst v5;
	v5 =	vadd.f32 v30, v27  }
0x3c7: {  	v39 =	vld [tilespmem:s17+$0xD430];
	[tilespmem:s17+$0x17B30] =	vst v4;
	v4 =	vadd.f32 v31, v27  }
0x3c8: {  	v37 =	vld [tilespmem:s17+$0xD330];
	[tilespmem:s17+$0x17BB0] =	vst v5;
	v5 =	vadd.f32 v32, v27  }
0x3c9: {  	v40 =	vld [tilespmem:s17+$0xD4B0];
	[tilespmem:s17+$0x17C30] =	vst v4;
	v4 =	vadd.f32 v33, v27  }
0x3ca: {  	v41 =	vld [tilespmem:s17+$0xD530];
	[tilespmem:s17+$0x17CB0] =	vst v5;
	v5 =	vadd.f32 v34, v27  }
0x3cb: {  	v42 =	vld [tilespmem:s17+$0xD5B0];
	[tilespmem:s17+$0x17D30] =	vst v4;
	v4 =	vadd.f32 v35, v27  }
0x3cc: {  	v43 =	vld [tilespmem:s17+$0xD630];
	[tilespmem:s17+$0x17DB0] =	vst v5;
	v5 =	vadd.f32 v36, v27  }
0x3cd: {  	v44 =	vld.idx.msk [tilespmem:v3+s17+$0x440 ss:$0x1], $0xffff;
	[tilespmem:s17+$0x17E30] =	vst v4;
	v4 =	vadd.f32 v37, v27  }
0x3ce: {  	v45 =	vld [tilespmem:s17+$0xBAC0];
	[tilespmem:s17+$0x192B0] =	vst v5;
	v5 =	vadd.f32 v38, v27  }
0x3cf: {  	v46 =	vld [tilespmem:s17+$0xBB40];
	[tilespmem:s17+$0x19330] =	vst v4;
	v4 =	vadd.f32 v39, v27  }
0x3d0: {  	v47 =	vld [tilespmem:s17+$0xBBC0];
	[tilespmem:s17+$0x193B0] =	vst v5;
	v5 =	vadd.f32 v40, v27  }
0x3d1: {  	v48 =	vld [tilespmem:s17+$0xBC40];
	[tilespmem:s17+$0x19430] =	vst v4;
	v4 =	vadd.f32 v41, v27  }
0x3d2: {  	v49 =	vld [tilespmem:s17+$0xBCC0];
	[tilespmem:s17+$0x194B0] =	vst v5;
	v5 =	vadd.f32 v42, v27  }
0x3d3: {  	v50 =	vld [tilespmem:s17+$0xBD40];
	[tilespmem:s17+$0x19530] =	vst v4;
	v4 =	vadd.f32 v43, v27  }
0x3d4: {  	v51 =	vld [tilespmem:s17+$0xBDC0];
	[tilespmem:s17+$0x195B0] =	vst v5;
	v5 =	vadd.f32 v45, v44  }
0x3d5: {  	v52 =	vld [tilespmem:s17+$0xBE40];
	[tilespmem:s17+$0x19630] =	vst v4;
	v4 =	vadd.f32 v46, v44  }
0x3d6: {  	v53 =	vld [tilespmem:s17+$0xD2C0];
	[tilespmem:s17+$0x17AC0] =	vst v5;
	v5 =	vadd.f32 v47, v44  }
0x3d7: {  	v55 =	vld [tilespmem:s17+$0xD3C0];
	[tilespmem:s17+$0x17B40] =	vst v4;
	v4 =	vadd.f32 v48, v44  }
0x3d8: {  	v54 =	vld [tilespmem:s17+$0xD340];
	[tilespmem:s17+$0x17BC0] =	vst v5;
	v5 =	vadd.f32 v49, v44  }
0x3d9: {  	v56 =	vld [tilespmem:s17+$0xD440];
	[tilespmem:s17+$0x17C40] =	vst v4;
	v4 =	vadd.f32 v50, v44  }
0x3da: {  	v57 =	vld [tilespmem:s17+$0xD4C0];
	[tilespmem:s17+$0x17CC0] =	vst v5;
	v5 =	vadd.f32 v51, v44  }
0x3db: {  	v58 =	vld [tilespmem:s17+$0xD540];
	[tilespmem:s17+$0x17D40] =	vst v4;
	v4 =	vadd.f32 v52, v44  }
0x3dc: {  	v59 =	vld [tilespmem:s17+$0xD5C0];
	[tilespmem:s17+$0x17DC0] =	vst v5;
	v5 =	vadd.f32 v53, v44  }
0x3dd: {  	v60 =	vld [tilespmem:s17+$0xD640];
	[tilespmem:s17+$0x17E40] =	vst v4;
	v4 =	vadd.f32 v54, v44  }
0x3de: {  	v61 =	vld.idx.msk [tilespmem:v3+s17+$0x450 ss:$0x1], $0xffff;
	[tilespmem:s17+$0x192C0] =	vst v5;
	v5 =	vadd.f32 v55, v44  }
0x3df: {  	v62 =	vld [tilespmem:s17+$0xBAD0];
	[tilespmem:s17+$0x19340] =	vst v4;
	v4 =	vadd.f32 v56, v44  }
0x3e0: {  	v63 =	vld [tilespmem:s17+$0xBB50];
	[tilespmem:s17+$0x193C0] =	vst v5;
	v5 =	vadd.f32 v57, v44  }
0x3e1: {  	v18 =	vld [tilespmem:s17+$0xBCD0];
	[tilespmem:s17+$0x19440] =	vst v4;
	v4 =	vadd.f32 v58, v44  }
0x3e2: {  	v19 =	vld [tilespmem:s17+$0xBD50];
	[tilespmem:s17+$0x194C0] =	vst v5;
	v5 =	vadd.f32 v59, v44  }
0x3e3: {  	v20 =	vld [tilespmem:s17+$0xBDD0];
	[tilespmem:s17+$0x19540] =	vst v4;
	v4 =	vadd.f32 v60, v44  }
0x3e4: {  	v21 =	vld [tilespmem:s17+$0xBE50];
	[tilespmem:s17+$0x195C0] =	vst v5;
	v5 =	vadd.f32 v62, v61  }
0x3e5: {  	v22 =	vld [tilespmem:s17+$0xD2D0];
	[tilespmem:s17+$0x19640] =	vst v4;
	v4 =	vadd.f32 v63, v61  }
0x3e6: {  	v23 =	vld [tilespmem:s17+$0xD350];
	[tilespmem:s17+$0x17AD0] =	vst v5;
	v5 =	vadd.f32 v16, v61  }
0x3e7: {  	v24 =	vld [tilespmem:s17+$0xD3D0];
	[tilespmem:s17+$0x17B50] =	vst v4;
	v4 =	vadd.f32 v17, v61  }
0x3e8: {  	v25 =	vld [tilespmem:s17+$0xD450];
	[tilespmem:s17+$0x17BD0] =	vst v5;
	v5 =	vadd.f32 v18, v61  }
0x3e9: {  	v26 =	vld [tilespmem:s17+$0xD4D0];
	[tilespmem:s17+$0x17C50] =	vst v4;
	v4 =	vadd.f32 v19, v61  }
0x3ea: {  	v28 =	vld [tilespmem:s17+$0xD5D0];
	[tilespmem:s17+$0x17CD0] =	vst v5;
	v5 =	vadd.f32 v20, v61  }
0x3eb: {  	v29 =	vld [tilespmem:s17+$0xD650];
	[tilespmem:s17+$0x17D50] =	vst v4;
	v4 =	vadd.f32 v21, v61  }
0x3ec: {  	v27 =	vld [tilespmem:s17+$0xD550];
	[tilespmem:s17+$0x17DD0] =	vst v5;
	v5 =	vadd.f32 v22, v61  }
0x3ed: {  	v30 =	vld.idx.msk [tilespmem:v3+s17+$0x460 ss:$0x1], $0xffff;
	[tilespmem:s17+$0x17E50] =	vst v4;
	v4 =	vadd.f32 v23, v61  }
0x3ee: {  	v31 =	vld [tilespmem:s17+$0xBAE0];
	[tilespmem:s17+$0x192D0] =	vst v5;
	v5 =	vadd.f32 v24, v61  }
0x3ef: {  	v32 =	vld [tilespmem:s17+$0xBB60];
	[tilespmem:s17+$0x19350] =	vst v4;
	v4 =	vadd.f32 v25, v61  }
0x3f0: {  	v33 =	vld [tilespmem:s17+$0xBBE0];
	[tilespmem:s17+$0x193D0] =	vst v5;
	v5 =	vadd.f32 v26, v61  }
0x3f1: {  	v34 =	vld [tilespmem:s17+$0xBC60];
	[tilespmem:s17+$0x19450] =	vst v4;
	v4 =	vadd.f32 v27, v61  }
0x3f2: {  	v35 =	vld [tilespmem:s17+$0xBCE0];
	[tilespmem:s17+$0x194D0] =	vst v5;
	v5 =	vadd.f32 v28, v61  }
0x3f3: {  	v36 =	vld [tilespmem:s17+$0xBD60];
	[tilespmem:s17+$0x19550] =	vst v4;
	v4 =	vadd.f32 v29, v61  }
0x3f4: {  	v37 =	vld [tilespmem:s17+$0xBDE0];
	[tilespmem:s17+$0x195D0] =	vst v5;
	v5 =	vadd.f32 v31, v30  }
0x3f5: {  	v38 =	vld [tilespmem:s17+$0xBE60];
	[tilespmem:s17+$0x19650] =	vst v4;
	v4 =	vadd.f32 v32, v30  }
0x3f6: {  	v39 =	vld [tilespmem:s17+$0xD2E0];
	[tilespmem:s17+$0x17AE0] =	vst v5;
	v5 =	vadd.f32 v33, v30  }
0x3f7: {  	v40 =	vld [tilespmem:s17+$0xD360];
	[tilespmem:s17+$0x17B60] =	vst v4;
	v4 =	vadd.f32 v34, v30  }
0x3f8: {  	v41 =	vld [tilespmem:s17+$0xD3E0];
	[tilespmem:s17+$0x17BE0] =	vst v5;
	v5 =	vadd.f32 v35, v30  }
0x3f9: {  	v42 =	vld [tilespmem:s17+$0xD460];
	[tilespmem:s17+$0x17C60] =	vst v4;
	v4 =	vadd.f32 v36, v30  }
0x3fa: {  	v43 =	vld [tilespmem:s17+$0xD4E0];
	[tilespmem:s17+$0x17CE0] =	vst v5;
	v5 =	vadd.f32 v37, v30  }
0x3fb: {  	v45 =	vld [tilespmem:s17+$0xD5E0];
	[tilespmem:s17+$0x17D60] =	vst v4;
	v4 =	vadd.f32 v38, v30  }
0x3fc: {  	v44 =	vld [tilespmem:s17+$0xD560];
	[tilespmem:s17+$0x17DE0] =	vst v5;
	v5 =	vadd.f32 v39, v30  }
0x3fd: {  	v46 =	vld [tilespmem:s17+$0xD660];
	[tilespmem:s17+$0x17E60] =	vst v4;
	v4 =	vadd.f32 v40, v30  }
0x3fe: {  	v47 =	vld.idx.msk [tilespmem:v3+s17+$0x470 ss:$0x1], $0xffff;
	[tilespmem:s17+$0x192E0] =	vst v5;
	v5 =	vadd.f32 v41, v30  }
0x3ff: {  	v48 =	vld [tilespmem:s17+$0xBAF0];
	[tilespmem:s17+$0x19360] =	vst v4;
	v4 =	vadd.f32 v42, v30  }
0x400: {  	v49 =	vld [tilespmem:s17+$0xBB70];
	[tilespmem:s17+$0x193E0] =	vst v5;
	v5 =	vadd.f32 v43, v30  }
0x401: {  	v50 =	vld [tilespmem:s17+$0xBBF0];
	[tilespmem:s17+$0x19460] =	vst v4;
	v4 =	vadd.f32 v44, v30  }
0x402: {  	v51 =	vld [tilespmem:s17+$0xBC70];
	[tilespmem:s17+$0x194E0] =	vst v5;
	v5 =	vadd.f32 v45, v30  }
0x403: {  	v52 =	vld [tilespmem:s17+$0xBCF0];
	[tilespmem:s17+$0x19560] =	vst v4;
	v4 =	vadd.f32 v46, v30  }
0x404: {  	v53 =	vld [tilespmem:s17+$0xBD70];
	[tilespmem:s17+$0x195E0] =	vst v5;
	v5 =	vadd.f32 v48, v47  }
0x405: {  	v54 =	vld [tilespmem:s17+$0xBDF0];
	[tilespmem:s17+$0x19660] =	vst v4;
	v4 =	vadd.f32 v49, v47  }
0x406: {  	v55 =	vld [tilespmem:s17+$0xBE70];
	[tilespmem:s17+$0x17AF0] =	vst v5;
	v5 =	vadd.f32 v50, v47  }
0x407: {  	v56 =	vld [tilespmem:s17+$0xD2F0];
	[tilespmem:s17+$0x17B70] =	vst v4;
	v4 =	vadd.f32 v51, v47  }
0x408: {  	v57 =	vld [tilespmem:s17+$0xD370];
	[tilespmem:s17+$0x17BF0] =	vst v5;
	v5 =	vadd.f32 v52, v47  }
0x409: {  	v58 =	vld [tilespmem:s17+$0xD3F0];
	[tilespmem:s17+$0x17C70] =	vst v4;
	v4 =	vadd.f32 v53, v47  }
0x40a: {  	v59 =	vld [tilespmem:s17+$0xD470];
	[tilespmem:s17+$0x17CF0] =	vst v5;
	v5 =	vadd.f32 v54, v47  }
0x40b: {  	v60 =	vld [tilespmem:s17+$0xD4F0];
	[tilespmem:s17+$0x17D70] =	vst v4;
	v4 =	vadd.f32 v55, v47  }
0x40c: {  	v61 =	vld [tilespmem:s17+$0xD570];
	[tilespmem:s17+$0x17DF0] =	vst v5;
	v5 =	vadd.f32 v56, v47  }
0x40d: {  	v62 =	vld [tilespmem:s17+$0xD5F0];
	[tilespmem:s17+$0x17E70] =	vst v4;
	v4 =	vadd.f32 v57, v47  }
0x40e: {  	v63 =	vld [tilespmem:s17+$0xD670];
	[tilespmem:s17+$0x192F0] =	vst v5;
	v5 =	vadd.f32 v58, v47  }
0x40f: {  	[tilespmem:s17+$0x19370] =	vst v4;
	v4 =	vadd.f32 v59, v47  }
0x410: {  	p2 =	slt.u32 s16, $0x200;
	[tilespmem:s17+$0x193F0] =	vst v5;
	v5 =	vadd.f32 v60, v47  }
.Ltmp2:
0x411: {  	[tilespmem:s17+$0x19470] =	vst v4;
	v4 =	vadd.f32 v61, v47;
	(pc) =	sbr.rel @p2 .LBB2_7-.Ltmp2, $4  }
0x412: {  	[tilespmem:s17+$0x194F0] =	vst v5;
	v5 =	vadd.f32 v62, v47  }
0x413: {  	[tilespmem:s17+$0x19570] =	vst v4;
	v4 =	vadd.f32 v63, v47  }
0x414: {  	[tilespmem:s17+$0x195F0] =	vst v5  }
0x415: {  	s16 =	sadd.s32 $0x100, s16;
	[tilespmem:s17+$0x19670] =	vst v4  }
0x416: {  	v3 =	vld @!p0 [tilespmem:s0+$0x60];
	_ =	sdelay $0x4  }
0x417: {  	v4 =	vshrl.u32 @!p0 v3, $0x3  }
0x418: {  	v4 =	vmul.u32 @!p0 $0x30, v4  }
0x419: {  	v5 =	vlaneseq.u32 @!p0;
	v3 =	vand.u32 @!p0 $0x7, v3  }
0x41a: {  	v6 =	vshrl.u32 @!p0 v5, $0x3;
	v3 =	vor.u32 @!p0 v3, v4;
	v4 =	vand.u32 @!p0 $0x7, v5  }
0x41b: {  	v6 =	vmul.u32 @!p0 $0x8, v6;
	v4 =	vperm.xlane @!p0 v3, v4;
	_ =	sdelay $0x1  }
0x41c: {  	v4 =	vadd.s32 @!p0 v6, v4;
	_ =	sdelay $0x2  }
0x41d: {  	v5 =	vor.u32 @!p0 $0x8, v5  }
0x41e: {  	s7 =	simm.s32 @!p0 $0x0;
	s16 =	simm.s32 @!p0 $0xB680;
	v3 =	vperm.xlane @!p0 v3, v5  }
0x41f: {  	[tilespmem:s16], [sflag:$0x3] =	stream.indirect_vreg.gather @!p0 [hbm4b:s2+s7], $0x80, v4, vm1, $0xb8;
	[tilespmem:$0x1D680] =	vst v63  }
0x420: {  	v3 =	vadd.s32 @!p0 v6, v3;
	s16 =	simm.s32 @!p0 $0xBE80  }
0x421: {  	[tilespmem:s16], [sflag:$0x3] =	stream.indirect_vreg.gather @!p0 [hbm4b:s9+s7], $0x80, v4, vm1, $0xb8;
	[tilespmem:$0x1D680] =	vst v63  }
0x422: {  	s14 =	sshrl.u32 s14, $0x3;
	s16 =	simm.s32 @!p0 $0xC680  }
0x423: {  	[tilespmem:s16], [sflag:$0x3] =	stream.indirect_vreg.gather @!p0 [hbm4b:s10+s7], $0x80, v4, vm1, $0xb8;
	[tilespmem:$0x1D680] =	vst v63  }
0x424: {  	s15 =	smul.u32 $0x300000, s15;
	s14 =	sand.u32 $0x1FC, s14;
	s16 =	simm.s32 @!p0 $0xCE80  }
0x425: {  	[tilespmem:s16], [sflag:$0x3] =	stream.indirect_vreg.gather @!p0 [hbm4b:s2+s7], $0x80, v3, vm1, $0xb8;
	[tilespmem:$0x1D680] =	vst v63  }
0x426: {  	s14 =	smul.u32 $0x1800, s14;
	s16 =	simm.s32 @!p0 $0xD680  }
0x427: {  	[tilespmem:s16], [sflag:$0x3] =	stream.indirect_vreg.gather @!p0 [hbm4b:s9+s7], $0x80, v3, vm1, $0xb8;
	[tilespmem:$0x1D680] =	vst v63  }
0x428: {  	s13 =	sadd.s32 $0x30, s13;
	s15 =	sadd.s32 s15, s14;
	s16 =	simm.s32 @!p0 $0xDE80  }
0x429: {  	[tilespmem:s16], [sflag:$0x3] =	stream.indirect_vreg.gather @!p0 [hbm4b:s10+s7], $0x80, v3, vm1, $0xb8;
	[tilespmem:$0x1D680] =	vst v63  }
0x42a: {  	s14 =	sshrl.u32 s13, $0xC;
	s7 =	sshrl.u32 s15, $0x3  }
0x42b: {  	s16 =	ssub.s32 s14, s6;
	s7 =	sadd.s32 s4, s7  }
0x42c: {  	[hbm4b:s7+s5] =	stream.linear.scatter [tilespmem:s23], [sflag:$0x7], $0x3000, $0x38;
	[tilespmem:$0x1D680] =	vst v63  }
0x42d: {  	s7 =	sshrl.u32 s16, $0x3  }
0x42e: {  	s7 =	smul.u32 $0x6000, s7  }
0x42f: {  	s17 =	sshrl.u32 s13, $0x5  }
0x430: {  	s15 =	sand.u32 $0x380, s17;
	s7 =	sshra.s32 s7, $0x2  }
0x431: {  	_ =	swait.ge [sflag:s24], $0x3000;
	s7 =	sor.u32 s15, s7  }
0x432: {  	[sflag:s24] =	ssyncset.done $0x0;
	s7 =	sadd.s32 $0x2680, s7  }
0x433: {  	s16 =	simm.s32 @!p1 $0x8;
	[sflag:s24] =	ssyncadd.s32 $0xFFFFD000;
	v3 =	vmov s7  }
0x434: {  	_ =	swait.ge @!p1 [sflag:s16], $0x3000  }
0x435: {  	[sflag:s16] =	ssyncset.done @!p1 $0x0  }
0x436: {  	s15 =	simm.s32 $0x0;
	[sflag:s16] =	ssyncadd.s32 @!p1 $0xFFFFD000  }
.LBB2_9:
0x437: {  	s16 =	sshll.u32 s15, $0x3  }
0x438: {  	v4 =	vld.idx.msk [tilespmem:v3+s16+$0x0 ss:$0x1], $0xffff  }
0x439: {  	v5 =	vld [tilespmem:s16+$0xE680]  }
0x43a: {  	v6 =	vld [tilespmem:s16+$0xE700]  }
0x43b: {  	v7 =	vld [tilespmem:s16+$0xE780]  }
0x43c: {  	v8 =	vld [tilespmem:s16+$0xE800]  }
0x43d: {  	v9 =	vld [tilespmem:s16+$0xE880]  }
0x43e: {  	v10 =	vld [tilespmem:s16+$0xE900];
	v5 =	vadd.f32 v5, v4  }
0x43f: {  	v11 =	vld [tilespmem:s16+$0xE980];
	v6 =	vadd.f32 v6, v4  }
0x440: {  	v24 =	vld [tilespmem:s16+$0xEA00];
	[tilespmem:s16+$0x1A680] =	vst v5;
	v5 =	vadd.f32 v7, v4  }
0x441: {  	v26 =	vld [tilespmem:s16+$0xFE80];
	v25 =	vadd.f32 v8, v4;
	[tilespmem:s16+$0x1A700] =	vst v6  }
0x442: {  	v27 =	vld [tilespmem:s16+$0xFF00];
	[tilespmem:s16+$0x1A780] =	vst v5;
	v5 =	vadd.f32 v9, v4  }
0x443: {  	v29 =	vld [tilespmem:s16+$0xFF80];
	v28 =	vadd.f32 v10, v4;
	[tilespmem:s16+$0x1A800] =	vst v25  }
0x444: {  	v30 =	vld [tilespmem:s16+$0x10000];
	[tilespmem:s16+$0x1A880] =	vst v5;
	v5 =	vadd.f32 v11, v4  }
0x445: {  	v32 =	vld [tilespmem:s16+$0x10080];
	v31 =	vadd.f32 v24, v4;
	[tilespmem:s16+$0x1A900] =	vst v28  }
0x446: {  	v33 =	vld [tilespmem:s16+$0x10100];
	[tilespmem:s16+$0x1A980] =	vst v5;
	v5 =	vadd.f32 v26, v4  }
0x447: {  	v34 =	vadd.f32 v27, v4;
	[tilespmem:s16+$0x1AA00] =	vst v31  }
0x448: {  	[tilespmem:s16+$0x1BE80] =	vst v5;
	v5 =	vadd.f32 v29, v4  }
0x449: {  	v35 =	vadd.f32 v30, v4;
	[tilespmem:s16+$0x1BF00] =	vst v34  }
0x44a: {  	[tilespmem:s16+$0x1BF80] =	vst v5;
	v5 =	vadd.f32 v32, v4  }
0x44b: {  	v36 =	vadd.f32 v33, v4;
	[tilespmem:s16+$0x1C000] =	vst v35  }
0x44c: {  	[tilespmem:s16+$0x1C080] =	vst v5  }
0x44d: {  	[tilespmem:s16+$0x1C100] =	vst v36  }
0x44e: {  	v5 =	vld [tilespmem:s16+$0x10180]  }
0x44f: {  	v6 =	vld [tilespmem:s16+$0x10200]  }
0x450: {  	v37 =	vld.idx.msk [tilespmem:v3+s16+$0x10 ss:$0x1], $0xffff  }
0x451: {  	v38 =	vld [tilespmem:s16+$0xE690]  }
0x452: {  	v39 =	vld [tilespmem:s16+$0xE710]  }
0x453: {  	v40 =	vld [tilespmem:s16+$0xE790]  }
0x454: {  	v41 =	vld [tilespmem:s16+$0xE810]  }
0x455: {  	v12 =	vld [tilespmem:s16+$0xE890]  }
0x456: {  	v13 =	vld [tilespmem:s16+$0xE910]  }
0x457: {  	v14 =	vld [tilespmem:s16+$0xE990]  }
0x458: {  	v15 =	vld [tilespmem:s16+$0xEA10]  }
0x459: {  	v16 =	vld [tilespmem:s16+$0xFE90]  }
0x45a: {  	v17 =	vld [tilespmem:s16+$0xFF10]  }
0x45b: {  	v18 =	vld [tilespmem:s16+$0xFF90]  }
0x45c: {  	v19 =	vld [tilespmem:s16+$0x10010]  }
0x45d: {  	v20 =	vld [tilespmem:s16+$0x10090]  }
0x45e: {  	v21 =	vld [tilespmem:s16+$0x10110]  }
0x45f: {  	v22 =	vld [tilespmem:s16+$0x10190]  }
0x460: {  	v23 =	vld [tilespmem:s16+$0x10210]  }
0x461: {  	v24 =	vld.idx.msk [tilespmem:v3+s16+$0x20 ss:$0x1], $0xffff  }
0x462: {  	v25 =	vld [tilespmem:s16+$0xE6A0];
	v5 =	vadd.f32 v5, v4  }
0x463: {  	v42 =	vld [tilespmem:s16+$0xE720];
	v4 =	vadd.f32 v6, v4  }
0x464: {  	v43 =	vld [tilespmem:s16+$0xE7A0];
	[tilespmem:s16+$0x1C180] =	vst v5;
	v5 =	vadd.f32 v38, v37  }
0x465: {  	v44 =	vld [tilespmem:s16+$0xE820];
	[tilespmem:s16+$0x1C200] =	vst v4;
	v4 =	vadd.f32 v39, v37  }
0x466: {  	v45 =	vld [tilespmem:s16+$0xE8A0];
	[tilespmem:s16+$0x1A690] =	vst v5;
	v5 =	vadd.f32 v40, v37  }
0x467: {  	v46 =	vld [tilespmem:s16+$0xE920];
	[tilespmem:s16+$0x1A710] =	vst v4;
	v4 =	vadd.f32 v41, v37  }
0x468: {  	v47 =	vld [tilespmem:s16+$0xE9A0];
	[tilespmem:s16+$0x1A790] =	vst v5;
	v5 =	vadd.f32 v12, v37  }
0x469: {  	v48 =	vld [tilespmem:s16+$0xEA20];
	[tilespmem:s16+$0x1A810] =	vst v4;
	v4 =	vadd.f32 v13, v37  }
0x46a: {  	v49 =	vld [tilespmem:s16+$0xFEA0];
	[tilespmem:s16+$0x1A890] =	vst v5;
	v5 =	vadd.f32 v14, v37  }
0x46b: {  	v50 =	vld [tilespmem:s16+$0xFF20];
	[tilespmem:s16+$0x1A910] =	vst v4;
	v4 =	vadd.f32 v15, v37  }
0x46c: {  	v51 =	vld [tilespmem:s16+$0xFFA0];
	[tilespmem:s16+$0x1A990] =	vst v5;
	v5 =	vadd.f32 v16, v37  }
0x46d: {  	v52 =	vld [tilespmem:s16+$0x10020];
	[tilespmem:s16+$0x1AA10] =	vst v4;
	v4 =	vadd.f32 v17, v37  }
0x46e: {  	v53 =	vld [tilespmem:s16+$0x100A0];
	[tilespmem:s16+$0x1BE90] =	vst v5;
	v5 =	vadd.f32 v18, v37  }
0x46f: {  	v54 =	vld [tilespmem:s16+$0x10120];
	[tilespmem:s16+$0x1BF10] =	vst v4;
	v4 =	vadd.f32 v19, v37  }
0x470: {  	v55 =	vld [tilespmem:s16+$0x101A0];
	[tilespmem:s16+$0x1BF90] =	vst v5;
	v5 =	vadd.f32 v20, v37  }
0x471: {  	v56 =	vld [tilespmem:s16+$0x10220];
	[tilespmem:s16+$0x1C010] =	vst v4;
	v4 =	vadd.f32 v21, v37  }
0x472: {  	v57 =	vld.idx.msk [tilespmem:v3+s16+$0x30 ss:$0x1], $0xffff;
	[tilespmem:s16+$0x1C090] =	vst v5;
	v5 =	vadd.f32 v22, v37  }
0x473: {  	v58 =	vld [tilespmem:s16+$0xE6B0];
	[tilespmem:s16+$0x1C110] =	vst v4;
	v4 =	vadd.f32 v23, v37  }
0x474: {  	v59 =	vld [tilespmem:s16+$0xE730];
	[tilespmem:s16+$0x1C190] =	vst v5;
	v5 =	vadd.f32 v25, v24  }
0x475: {  	v60 =	vld [tilespmem:s16+$0xE7B0];
	[tilespmem:s16+$0x1C210] =	vst v4;
	v4 =	vadd.f32 v42, v24  }
0x476: {  	v61 =	vld [tilespmem:s16+$0xE830];
	[tilespmem:s16+$0x1A6A0] =	vst v5;
	v5 =	vadd.f32 v43, v24  }
0x477: {  	v62 =	vld [tilespmem:s16+$0xE8B0];
	[tilespmem:s16+$0x1A720] =	vst v4;
	v4 =	vadd.f32 v44, v24  }
0x478: {  	v63 =	vld [tilespmem:s16+$0xE930];
	[tilespmem:s16+$0x1A7A0] =	vst v5;
	v5 =	vadd.f32 v45, v24  }
0x479: {  	v26 =	vld [tilespmem:s16+$0xEA30];
	[tilespmem:s16+$0x1A820] =	vst v4;
	v4 =	vadd.f32 v46, v24  }
0x47a: {  	v27 =	vld [tilespmem:s16+$0xFEB0];
	[tilespmem:s16+$0x1A8A0] =	vst v5;
	v5 =	vadd.f32 v47, v24  }
0x47b: {  	v28 =	vld [tilespmem:s16+$0xFF30];
	[tilespmem:s16+$0x1A920] =	vst v4;
	v4 =	vadd.f32 v48, v24  }
0x47c: {  	v29 =	vld [tilespmem:s16+$0xFFB0];
	[tilespmem:s16+$0x1A9A0] =	vst v5;
	v5 =	vadd.f32 v49, v24  }
0x47d: {  	v30 =	vld [tilespmem:s16+$0x10030];
	[tilespmem:s16+$0x1AA20] =	vst v4;
	v4 =	vadd.f32 v50, v24  }
0x47e: {  	v31 =	vld [tilespmem:s16+$0x100B0];
	[tilespmem:s16+$0x1BEA0] =	vst v5;
	v5 =	vadd.f32 v51, v24  }
0x47f: {  	v32 =	vld [tilespmem:s16+$0x10130];
	[tilespmem:s16+$0x1BF20] =	vst v4;
	v4 =	vadd.f32 v52, v24  }
0x480: {  	v33 =	vld [tilespmem:s16+$0x101B0];
	[tilespmem:s16+$0x1BFA0] =	vst v5;
	v5 =	vadd.f32 v53, v24  }
0x481: {  	v34 =	vld [tilespmem:s16+$0x10230];
	[tilespmem:s16+$0x1C020] =	vst v4;
	v4 =	vadd.f32 v54, v24  }
0x482: {  	v35 =	vld.idx.msk [tilespmem:v3+s16+$0x40 ss:$0x1], $0xffff;
	[tilespmem:s16+$0x1C0A0] =	vst v5;
	v5 =	vadd.f32 v55, v24  }
0x483: {  	v36 =	vld [tilespmem:s16+$0xE6C0];
	[tilespmem:s16+$0x1C120] =	vst v4;
	v4 =	vadd.f32 v56, v24  }
0x484: {  	v38 =	vld [tilespmem:s16+$0xE7C0];
	[tilespmem:s16+$0x1C1A0] =	vst v5;
	v5 =	vadd.f32 v58, v57  }
0x485: {  	v25 =	vld [tilespmem:s16+$0xE9B0];
	[tilespmem:s16+$0x1C220] =	vst v4;
	v4 =	vadd.f32 v59, v57  }
0x486: {  	v39 =	vld [tilespmem:s16+$0xE840];
	[tilespmem:s16+$0x1A6B0] =	vst v5;
	v5 =	vadd.f32 v60, v57  }
0x487: {  	v40 =	vld [tilespmem:s16+$0xE8C0];
	[tilespmem:s16+$0x1A730] =	vst v4;
	v4 =	vadd.f32 v61, v57  }
0x488: {  	v41 =	vld [tilespmem:s16+$0xE940];
	[tilespmem:s16+$0x1A7B0] =	vst v5;
	v5 =	vadd.f32 v62, v57  }
0x489: {  	v16 =	vld [tilespmem:s16+$0xEBD0];
	[tilespmem:s16+$0x1A830] =	vst v4;
	v4 =	vadd.f32 v63, v57  }
0x48a: {  	v17 =	vld [tilespmem:s16+$0xEC50];
	[tilespmem:s16+$0x1A8B0] =	vst v5;
	v5 =	vadd.f32 v25, v57  }
0x48b: {  	v21 =	vld [tilespmem:s16+$0xEA80];
	[tilespmem:s16+$0x1A930] =	vst v4;
	v4 =	vadd.f32 v26, v57  }
0x48c: {  	v20 =	vld [tilespmem:s16+$0x10320];
	[tilespmem:s16+$0x1A9B0] =	vst v5;
	v5 =	vadd.f32 v27, v57  }
0x48d: {  	v37 =	vld [tilespmem:s16+$0xE740];
	[tilespmem:s16+$0x1AA30] =	vst v4;
	v4 =	vadd.f32 v28, v57  }
0x48e: {  	v22 =	vld [tilespmem:s16+$0xEB00];
	[tilespmem:s16+$0x1BEB0] =	vst v5;
	v5 =	vadd.f32 v29, v57  }
0x48f: {  	v23 =	vld [tilespmem:s16+$0xEB80];
	[tilespmem:s16+$0x1BF30] =	vst v4;
	v4 =	vadd.f32 v30, v57  }
0x490: {  	v42 =	vld [tilespmem:s16+$0xE9C0];
	[tilespmem:s16+$0x1BFB0] =	vst v5;
	v5 =	vadd.f32 v31, v57  }
0x491: {  	v43 =	vld [tilespmem:s16+$0xEA40];
	[tilespmem:s16+$0x1C030] =	vst v4;
	v4 =	vadd.f32 v32, v57  }
0x492: {  	v44 =	vld [tilespmem:s16+$0xFEC0];
	[tilespmem:s16+$0x1C0B0] =	vst v5;
	v5 =	vadd.f32 v33, v57  }
0x493: {  	v45 =	vld [tilespmem:s16+$0xFF40];
	[tilespmem:s16+$0x1C130] =	vst v4;
	v4 =	vadd.f32 v34, v57  }
0x494: {  	v46 =	vld [tilespmem:s16+$0xFFC0];
	[tilespmem:s16+$0x1C1B0] =	vst v5;
	v5 =	vadd.f32 v36, v35  }
0x495: {  	v47 =	vld [tilespmem:s16+$0x10040];
	[tilespmem:s16+$0x1C230] =	vst v4;
	v4 =	vadd.f32 v37, v35  }
0x496: {  	v48 =	vld [tilespmem:s16+$0x100C0];
	[tilespmem:s16+$0x1A6C0] =	vst v5;
	v5 =	vadd.f32 v38, v35  }
0x497: {  	v49 =	vld [tilespmem:s16+$0x10140];
	[tilespmem:s16+$0x1A740] =	vst v4;
	v4 =	vadd.f32 v39, v35  }
0x498: {  	v50 =	vld [tilespmem:s16+$0x101C0];
	[tilespmem:s16+$0x1A7C0] =	vst v5;
	v5 =	vadd.f32 v40, v35  }
0x499: {  	v51 =	vld [tilespmem:s16+$0x10240];
	[tilespmem:s16+$0x1A840] =	vst v4;
	v4 =	vadd.f32 v41, v35  }
0x49a: {  	v52 =	vld.idx.msk [tilespmem:v3+s16+$0x50 ss:$0x1], $0xffff;
	[tilespmem:s16+$0x1A8C0] =	vst v5;
	v5 =	vadd.f32 v42, v35  }
0x49b: {  	v53 =	vld [tilespmem:s16+$0xE6D0];
	[tilespmem:s16+$0x1A940] =	vst v4;
	v4 =	vadd.f32 v43, v35  }
0x49c: {  	v54 =	vld [tilespmem:s16+$0xE750];
	[tilespmem:s16+$0x1A9C0] =	vst v5;
	v5 =	vadd.f32 v44, v35  }
0x49d: {  	v55 =	vld [tilespmem:s16+$0xE7D0];
	[tilespmem:s16+$0x1AA40] =	vst v4;
	v4 =	vadd.f32 v45, v35  }
0x49e: {  	v56 =	vld [tilespmem:s16+$0xE850];
	[tilespmem:s16+$0x1BEC0] =	vst v5;
	v5 =	vadd.f32 v46, v35  }
0x49f: {  	v24 =	vld [tilespmem:s16+$0x10050];
	[tilespmem:s16+$0x1BF40] =	vst v4;
	v4 =	vadd.f32 v47, v35  }
0x4a0: {  	v58 =	vld [tilespmem:s16+$0xE950];
	[tilespmem:s16+$0x1BFC0] =	vst v5;
	v5 =	vadd.f32 v48, v35  }
0x4a1: {  	v59 =	vld [tilespmem:s16+$0xE9D0];
	[tilespmem:s16+$0x1C040] =	vst v4;
	v4 =	vadd.f32 v49, v35  }
0x4a2: {  	v60 =	vld [tilespmem:s16+$0xEA50];
	[tilespmem:s16+$0x1C0C0] =	vst v5;
	v5 =	vadd.f32 v50, v35  }
0x4a3: {  	v57 =	vld [tilespmem:s16+$0xE8D0];
	[tilespmem:s16+$0x1C140] =	vst v4;
	v4 =	vadd.f32 v51, v35  }
0x4a4: {  	v61 =	vld [tilespmem:s16+$0xFED0];
	[tilespmem:s16+$0x1C1C0] =	vst v5;
	v5 =	vadd.f32 v53, v52  }
0x4a5: {  	v62 =	vld [tilespmem:s16+$0xFF50];
	[tilespmem:s16+$0x1C240] =	vst v4;
	v4 =	vadd.f32 v54, v52  }
0x4a6: {  	v63 =	vld [tilespmem:s16+$0xFFD0];
	[tilespmem:s16+$0x1A6D0] =	vst v5;
	v5 =	vadd.f32 v55, v52  }
0x4a7: {  	v25 =	vld [tilespmem:s16+$0x100D0];
	[tilespmem:s16+$0x1A750] =	vst v4;
	v4 =	vadd.f32 v56, v52  }
0x4a8: {  	v26 =	vld [tilespmem:s16+$0x10150];
	[tilespmem:s16+$0x1A7D0] =	vst v5;
	v5 =	vadd.f32 v57, v52  }
0x4a9: {  	v27 =	vld [tilespmem:s16+$0x101D0];
	[tilespmem:s16+$0x1A850] =	vst v4;
	v4 =	vadd.f32 v58, v52  }
0x4aa: {  	v28 =	vld [tilespmem:s16+$0x10250];
	[tilespmem:s16+$0x1A8D0] =	vst v5;
	v5 =	vadd.f32 v59, v52  }
0x4ab: {  	v29 =	vld.idx.msk [tilespmem:v3+s16+$0x60 ss:$0x1], $0xffff;
	[tilespmem:s16+$0x1A950] =	vst v4;
	v4 =	vadd.f32 v60, v52  }
0x4ac: {  	v30 =	vld [tilespmem:s16+$0xE6E0];
	[tilespmem:s16+$0x1A9D0] =	vst v5;
	v5 =	vadd.f32 v61, v52  }
0x4ad: {  	v31 =	vld [tilespmem:s16+$0xE760];
	[tilespmem:s16+$0x1AA50] =	vst v4;
	v4 =	vadd.f32 v62, v52  }
0x4ae: {  	v32 =	vld [tilespmem:s16+$0xE7E0];
	[tilespmem:s16+$0x1BED0] =	vst v5;
	v5 =	vadd.f32 v63, v52  }
0x4af: {  	v33 =	vld [tilespmem:s16+$0xE860];
	[tilespmem:s16+$0x1BF50] =	vst v4;
	v4 =	vadd.f32 v24, v52  }
0x4b0: {  	v34 =	vld [tilespmem:s16+$0xE8E0];
	[tilespmem:s16+$0x1BFD0] =	vst v5;
	v5 =	vadd.f32 v25, v52  }
0x4b1: {  	v36 =	vld [tilespmem:s16+$0xE9E0];
	[tilespmem:s16+$0x1C050] =	vst v4;
	v4 =	vadd.f32 v26, v52  }
0x4b2: {  	v37 =	vld [tilespmem:s16+$0xEA60];
	[tilespmem:s16+$0x1C0D0] =	vst v5;
	v5 =	vadd.f32 v27, v52  }
0x4b3: {  	v38 =	vld [tilespmem:s16+$0xFEE0];
	[tilespmem:s16+$0x1C150] =	vst v4;
	v4 =	vadd.f32 v28, v52  }
0x4b4: {  	v35 =	vld [tilespmem:s16+$0xE960];
	[tilespmem:s16+$0x1C1D0] =	vst v5;
	v5 =	vadd.f32 v30, v29  }
0x4b5: {  	v39 =	vld [tilespmem:s16+$0xFF60];
	[tilespmem:s16+$0x1C250] =	vst v4;
	v4 =	vadd.f32 v31, v29  }
0x4b6: {  	v40 =	vld [tilespmem:s16+$0xFFE0];
	[tilespmem:s16+$0x1A6E0] =	vst v5;
	v5 =	vadd.f32 v32, v29  }
0x4b7: {  	v41 =	vld [tilespmem:s16+$0x10060];
	[tilespmem:s16+$0x1A760] =	vst v4;
	v4 =	vadd.f32 v33, v29  }
0x4b8: {  	v42 =	vld [tilespmem:s16+$0x100E0];
	[tilespmem:s16+$0x1A7E0] =	vst v5;
	v5 =	vadd.f32 v34, v29  }
0x4b9: {  	v43 =	vld [tilespmem:s16+$0x10160];
	[tilespmem:s16+$0x1A860] =	vst v4;
	v4 =	vadd.f32 v35, v29  }
0x4ba: {  	v44 =	vld [tilespmem:s16+$0x101E0];
	[tilespmem:s16+$0x1A8E0] =	vst v5;
	v5 =	vadd.f32 v36, v29  }
0x4bb: {  	v45 =	vld [tilespmem:s16+$0x10260];
	[tilespmem:s16+$0x1A960] =	vst v4;
	v4 =	vadd.f32 v37, v29  }
0x4bc: {  	v46 =	vld.idx.msk [tilespmem:v3+s16+$0x70 ss:$0x1], $0xffff;
	[tilespmem:s16+$0x1A9E0] =	vst v5;
	v5 =	vadd.f32 v38, v29  }
0x4bd: {  	v47 =	vld [tilespmem:s16+$0xE6F0];
	[tilespmem:s16+$0x1AA60] =	vst v4;
	v4 =	vadd.f32 v39, v29  }
0x4be: {  	v48 =	vld [tilespmem:s16+$0xE770];
	[tilespmem:s16+$0x1BEE0] =	vst v5;
	v5 =	vadd.f32 v40, v29  }
0x4bf: {  	v49 =	vld [tilespmem:s16+$0xE7F0];
	[tilespmem:s16+$0x1BF60] =	vst v4;
	v4 =	vadd.f32 v41, v29  }
0x4c0: {  	v50 =	vld [tilespmem:s16+$0xE870];
	[tilespmem:s16+$0x1BFE0] =	vst v5;
	v5 =	vadd.f32 v42, v29  }
0x4c1: {  	v51 =	vld [tilespmem:s16+$0xE8F0];
	[tilespmem:s16+$0x1C060] =	vst v4;
	v4 =	vadd.f32 v43, v29  }
0x4c2: {  	v53 =	vld [tilespmem:s16+$0xE9F0];
	[tilespmem:s16+$0x1C0E0] =	vst v5;
	v5 =	vadd.f32 v44, v29  }
0x4c3: {  	v54 =	vld [tilespmem:s16+$0xEA70];
	[tilespmem:s16+$0x1C160] =	vst v4;
	v4 =	vadd.f32 v45, v29  }
0x4c4: {  	v52 =	vld [tilespmem:s16+$0xE970];
	[tilespmem:s16+$0x1C1E0] =	vst v5;
	v5 =	vadd.f32 v47, v46  }
0x4c5: {  	v55 =	vld [tilespmem:s16+$0xFEF0];
	[tilespmem:s16+$0x1C260] =	vst v4;
	v4 =	vadd.f32 v48, v46  }
0x4c6: {  	v56 =	vld [tilespmem:s16+$0xFF70];
	[tilespmem:s16+$0x1A6F0] =	vst v5;
	v5 =	vadd.f32 v49, v46  }
0x4c7: {  	v57 =	vld [tilespmem:s16+$0xFFF0];
	[tilespmem:s16+$0x1A770] =	vst v4;
	v4 =	vadd.f32 v50, v46  }
0x4c8: {  	v58 =	vld [tilespmem:s16+$0x10070];
	[tilespmem:s16+$0x1A7F0] =	vst v5;
	v5 =	vadd.f32 v51, v46  }
0x4c9: {  	v59 =	vld [tilespmem:s16+$0x100F0];
	[tilespmem:s16+$0x1A870] =	vst v4;
	v4 =	vadd.f32 v52, v46  }
0x4ca: {  	v60 =	vld [tilespmem:s16+$0x10170];
	[tilespmem:s16+$0x1A8F0] =	vst v5;
	v5 =	vadd.f32 v53, v46  }
0x4cb: {  	v61 =	vld [tilespmem:s16+$0x101F0];
	[tilespmem:s16+$0x1A970] =	vst v4;
	v4 =	vadd.f32 v54, v46  }
0x4cc: {  	v62 =	vld [tilespmem:s16+$0x10270];
	[tilespmem:s16+$0x1A9F0] =	vst v5;
	v5 =	vadd.f32 v55, v46  }
0x4cd: {  	v63 =	vld.idx.msk [tilespmem:v3+s16+$0x400 ss:$0x1], $0xffff;
	[tilespmem:s16+$0x1AA70] =	vst v4;
	v4 =	vadd.f32 v56, v46  }
0x4ce: {  	v24 =	vld [tilespmem:s16+$0xEC00];
	[tilespmem:s16+$0x1BEF0] =	vst v5;
	v5 =	vadd.f32 v57, v46  }
0x4cf: {  	v25 =	vld [tilespmem:s16+$0xEC80];
	[tilespmem:s16+$0x1BF70] =	vst v4;
	v4 =	vadd.f32 v58, v46  }
0x4d0: {  	v26 =	vld [tilespmem:s16+$0xED00];
	[tilespmem:s16+$0x1BFF0] =	vst v5;
	v5 =	vadd.f32 v59, v46  }
0x4d1: {  	v27 =	vld [tilespmem:s16+$0xED80];
	[tilespmem:s16+$0x1C070] =	vst v4;
	v4 =	vadd.f32 v60, v46  }
0x4d2: {  	v28 =	vld [tilespmem:s16+$0xEE00];
	[tilespmem:s16+$0x1C0F0] =	vst v5;
	v5 =	vadd.f32 v61, v46  }
0x4d3: {  	v30 =	vld [tilespmem:s16+$0x10300];
	[tilespmem:s16+$0x1C170] =	vst v4;
	v4 =	vadd.f32 v62, v46  }
0x4d4: {  	v31 =	vld [tilespmem:s16+$0x10380];
	[tilespmem:s16+$0x1C1F0] =	vst v5;
	v5 =	vadd.f32 v21, v63  }
0x4d5: {  	v32 =	vld [tilespmem:s16+$0x10400];
	[tilespmem:s16+$0x1C270] =	vst v4;
	v4 =	vadd.f32 v22, v63  }
0x4d6: {  	v33 =	vld [tilespmem:s16+$0x10480];
	[tilespmem:s16+$0x1AA80] =	vst v5;
	v5 =	vadd.f32 v23, v63  }
0x4d7: {  	v29 =	vld [tilespmem:s16+$0x10280];
	[tilespmem:s16+$0x1AB00] =	vst v4;
	v4 =	vadd.f32 v24, v63  }
0x4d8: {  	v34 =	vld [tilespmem:s16+$0x10500];
	[tilespmem:s16+$0x1AB80] =	vst v5;
	v5 =	vadd.f32 v25, v63  }
0x4d9: {  	v35 =	vld [tilespmem:s16+$0x10580];
	[tilespmem:s16+$0x1AC00] =	vst v4;
	v4 =	vadd.f32 v26, v63  }
0x4da: {  	v36 =	vld [tilespmem:s16+$0x10600];
	[tilespmem:s16+$0x1AC80] =	vst v5;
	v5 =	vadd.f32 v27, v63  }
0x4db: {  	v37 =	vld.idx.msk [tilespmem:v3+s16+$0x410 ss:$0x1], $0xffff;
	[tilespmem:s16+$0x1AD00] =	vst v4;
	v4 =	vadd.f32 v28, v63  }
0x4dc: {  	v38 =	vld [tilespmem:s16+$0xEA90];
	[tilespmem:s16+$0x1AD80] =	vst v5;
	v5 =	vadd.f32 v29, v63  }
0x4dd: {  	v39 =	vld [tilespmem:s16+$0xEB10];
	[tilespmem:s16+$0x1AE00] =	vst v4;
	v4 =	vadd.f32 v30, v63  }
0x4de: {  	v40 =	vld [tilespmem:s16+$0xEB90];
	[tilespmem:s16+$0x1C280] =	vst v5;
	v5 =	vadd.f32 v31, v63  }
0x4df: {  	v41 =	vld [tilespmem:s16+$0xEC10];
	[tilespmem:s16+$0x1C300] =	vst v4;
	v4 =	vadd.f32 v32, v63  }
0x4e0: {  	v42 =	vld [tilespmem:s16+$0xEC90];
	[tilespmem:s16+$0x1C380] =	vst v5;
	v5 =	vadd.f32 v33, v63  }
0x4e1: {  	v43 =	vld [tilespmem:s16+$0xED10];
	[tilespmem:s16+$0x1C400] =	vst v4;
	v4 =	vadd.f32 v34, v63  }
0x4e2: {  	v44 =	vld [tilespmem:s16+$0xED90];
	[tilespmem:s16+$0x1C480] =	vst v5;
	v5 =	vadd.f32 v35, v63  }
0x4e3: {  	v45 =	vld [tilespmem:s16+$0xEE10];
	[tilespmem:s16+$0x1C500] =	vst v4;
	v4 =	vadd.f32 v36, v63  }
0x4e4: {  	v47 =	vld [tilespmem:s16+$0x10310];
	[tilespmem:s16+$0x1C580] =	vst v5;
	v5 =	vadd.f32 v38, v37  }
0x4e5: {  	v48 =	vld [tilespmem:s16+$0x10390];
	[tilespmem:s16+$0x1C600] =	vst v4;
	v4 =	vadd.f32 v39, v37  }
0x4e6: {  	v49 =	vld [tilespmem:s16+$0x10410];
	[tilespmem:s16+$0x1AA90] =	vst v5;
	v5 =	vadd.f32 v40, v37  }
0x4e7: {  	v46 =	vld [tilespmem:s16+$0x10290];
	[tilespmem:s16+$0x1AB10] =	vst v4;
	v4 =	vadd.f32 v41, v37  }
0x4e8: {  	v50 =	vld [tilespmem:s16+$0x10490];
	[tilespmem:s16+$0x1AB90] =	vst v5;
	v5 =	vadd.f32 v42, v37  }
0x4e9: {  	v51 =	vld [tilespmem:s16+$0x10510];
	[tilespmem:s16+$0x1AC10] =	vst v4;
	v4 =	vadd.f32 v43, v37  }
0x4ea: {  	v52 =	vld [tilespmem:s16+$0x10590];
	[tilespmem:s16+$0x1AC90] =	vst v5;
	v5 =	vadd.f32 v44, v37  }
0x4eb: {  	v53 =	vld [tilespmem:s16+$0x10610];
	[tilespmem:s16+$0x1AD10] =	vst v4;
	v4 =	vadd.f32 v45, v37  }
0x4ec: {  	v54 =	vld.idx.msk [tilespmem:v3+s16+$0x420 ss:$0x1], $0xffff;
	[tilespmem:s16+$0x1AD90] =	vst v5;
	v5 =	vadd.f32 v46, v37  }
0x4ed: {  	v55 =	vld [tilespmem:s16+$0xEAA0];
	[tilespmem:s16+$0x1AE10] =	vst v4;
	v4 =	vadd.f32 v47, v37  }
0x4ee: {  	v56 =	vld [tilespmem:s16+$0xEB20];
	[tilespmem:s16+$0x1C290] =	vst v5;
	v5 =	vadd.f32 v48, v37  }
0x4ef: {  	v57 =	vld [tilespmem:s16+$0xEBA0];
	[tilespmem:s16+$0x1C310] =	vst v4;
	v4 =	vadd.f32 v49, v37  }
0x4f0: {  	v58 =	vld [tilespmem:s16+$0xEC20];
	[tilespmem:s16+$0x1C390] =	vst v5;
	v5 =	vadd.f32 v50, v37  }
0x4f1: {  	v59 =	vld [tilespmem:s16+$0xECA0];
	[tilespmem:s16+$0x1C410] =	vst v4;
	v4 =	vadd.f32 v51, v37  }
0x4f2: {  	v60 =	vld [tilespmem:s16+$0xED20];
	[tilespmem:s16+$0x1C490] =	vst v5;
	v5 =	vadd.f32 v52, v37  }
0x4f3: {  	v61 =	vld [tilespmem:s16+$0xEDA0];
	[tilespmem:s16+$0x1C510] =	vst v4;
	v4 =	vadd.f32 v53, v37  }
0x4f4: {  	v62 =	vld [tilespmem:s16+$0xEE20];
	[tilespmem:s16+$0x1C590] =	vst v5;
	v5 =	vadd.f32 v55, v54  }
0x4f5: {  	v21 =	vld [tilespmem:s16+$0x103A0];
	[tilespmem:s16+$0x1C610] =	vst v4;
	v4 =	vadd.f32 v56, v54  }
0x4f6: {  	v22 =	vld [tilespmem:s16+$0x10420];
	[tilespmem:s16+$0x1AAA0] =	vst v5;
	v5 =	vadd.f32 v57, v54  }
0x4f7: {  	v63 =	vld [tilespmem:s16+$0x102A0];
	[tilespmem:s16+$0x1AB20] =	vst v4;
	v4 =	vadd.f32 v58, v54  }
0x4f8: {  	v23 =	vld [tilespmem:s16+$0x104A0];
	[tilespmem:s16+$0x1ABA0] =	vst v5;
	v5 =	vadd.f32 v59, v54  }
0x4f9: {  	v24 =	vld [tilespmem:s16+$0x10520];
	[tilespmem:s16+$0x1AC20] =	vst v4;
	v4 =	vadd.f32 v60, v54  }
0x4fa: {  	v25 =	vld [tilespmem:s16+$0x105A0];
	[tilespmem:s16+$0x1ACA0] =	vst v5;
	v5 =	vadd.f32 v61, v54  }
0x4fb: {  	v26 =	vld [tilespmem:s16+$0x10620];
	[tilespmem:s16+$0x1AD20] =	vst v4;
	v4 =	vadd.f32 v62, v54  }
0x4fc: {  	v27 =	vld.idx.msk [tilespmem:v3+s16+$0x430 ss:$0x1], $0xffff;
	[tilespmem:s16+$0x1ADA0] =	vst v5;
	v5 =	vadd.f32 v63, v54  }
0x4fd: {  	v28 =	vld [tilespmem:s16+$0xEAB0];
	[tilespmem:s16+$0x1AE20] =	vst v4;
	v4 =	vadd.f32 v20, v54  }
0x4fe: {  	v29 =	vld [tilespmem:s16+$0xEB30];
	[tilespmem:s16+$0x1C2A0] =	vst v5;
	v5 =	vadd.f32 v21, v54  }
0x4ff: {  	v30 =	vld [tilespmem:s16+$0xEBB0];
	[tilespmem:s16+$0x1C320] =	vst v4;
	v4 =	vadd.f32 v22, v54  }
0x500: {  	v31 =	vld [tilespmem:s16+$0xEC30];
	[tilespmem:s16+$0x1C3A0] =	vst v5;
	v5 =	vadd.f32 v23, v54  }
0x501: {  	v32 =	vld [tilespmem:s16+$0xECB0];
	[tilespmem:s16+$0x1C420] =	vst v4;
	v4 =	vadd.f32 v24, v54  }
0x502: {  	v33 =	vld [tilespmem:s16+$0xED30];
	[tilespmem:s16+$0x1C4A0] =	vst v5;
	v5 =	vadd.f32 v25, v54  }
0x503: {  	v34 =	vld [tilespmem:s16+$0xEDB0];
	[tilespmem:s16+$0x1C520] =	vst v4;
	v4 =	vadd.f32 v26, v54  }
0x504: {  	v35 =	vld [tilespmem:s16+$0xEE30];
	[tilespmem:s16+$0x1C5A0] =	vst v5;
	v5 =	vadd.f32 v28, v27  }
0x505: {  	v36 =	vld [tilespmem:s16+$0x102B0];
	[tilespmem:s16+$0x1C620] =	vst v4;
	v4 =	vadd.f32 v29, v27  }
0x506: {  	v38 =	vld [tilespmem:s16+$0x103B0];
	[tilespmem:s16+$0x1AAB0] =	vst v5;
	v5 =	vadd.f32 v30, v27  }
0x507: {  	v39 =	vld [tilespmem:s16+$0x10430];
	[tilespmem:s16+$0x1AB30] =	vst v4;
	v4 =	vadd.f32 v31, v27  }
0x508: {  	v37 =	vld [tilespmem:s16+$0x10330];
	[tilespmem:s16+$0x1ABB0] =	vst v5;
	v5 =	vadd.f32 v32, v27  }
0x509: {  	v40 =	vld [tilespmem:s16+$0x104B0];
	[tilespmem:s16+$0x1AC30] =	vst v4;
	v4 =	vadd.f32 v33, v27  }
0x50a: {  	v41 =	vld [tilespmem:s16+$0x10530];
	[tilespmem:s16+$0x1ACB0] =	vst v5;
	v5 =	vadd.f32 v34, v27  }
0x50b: {  	v42 =	vld [tilespmem:s16+$0x105B0];
	[tilespmem:s16+$0x1AD30] =	vst v4;
	v4 =	vadd.f32 v35, v27  }
0x50c: {  	v43 =	vld [tilespmem:s16+$0x10630];
	[tilespmem:s16+$0x1ADB0] =	vst v5;
	v5 =	vadd.f32 v36, v27  }
0x50d: {  	v44 =	vld.idx.msk [tilespmem:v3+s16+$0x440 ss:$0x1], $0xffff;
	[tilespmem:s16+$0x1AE30] =	vst v4;
	v4 =	vadd.f32 v37, v27  }
0x50e: {  	v45 =	vld [tilespmem:s16+$0xEAC0];
	[tilespmem:s16+$0x1C2B0] =	vst v5;
	v5 =	vadd.f32 v38, v27  }
0x50f: {  	v46 =	vld [tilespmem:s16+$0xEB40];
	[tilespmem:s16+$0x1C330] =	vst v4;
	v4 =	vadd.f32 v39, v27  }
0x510: {  	v47 =	vld [tilespmem:s16+$0xEBC0];
	[tilespmem:s16+$0x1C3B0] =	vst v5;
	v5 =	vadd.f32 v40, v27  }
0x511: {  	v48 =	vld [tilespmem:s16+$0xEC40];
	[tilespmem:s16+$0x1C430] =	vst v4;
	v4 =	vadd.f32 v41, v27  }
0x512: {  	v49 =	vld [tilespmem:s16+$0xECC0];
	[tilespmem:s16+$0x1C4B0] =	vst v5;
	v5 =	vadd.f32 v42, v27  }
0x513: {  	v50 =	vld [tilespmem:s16+$0xED40];
	[tilespmem:s16+$0x1C530] =	vst v4;
	v4 =	vadd.f32 v43, v27  }
0x514: {  	v51 =	vld [tilespmem:s16+$0xEDC0];
	[tilespmem:s16+$0x1C5B0] =	vst v5;
	v5 =	vadd.f32 v45, v44  }
0x515: {  	v52 =	vld [tilespmem:s16+$0xEE40];
	[tilespmem:s16+$0x1C630] =	vst v4;
	v4 =	vadd.f32 v46, v44  }
0x516: {  	v53 =	vld [tilespmem:s16+$0x102C0];
	[tilespmem:s16+$0x1AAC0] =	vst v5;
	v5 =	vadd.f32 v47, v44  }
0x517: {  	v55 =	vld [tilespmem:s16+$0x103C0];
	[tilespmem:s16+$0x1AB40] =	vst v4;
	v4 =	vadd.f32 v48, v44  }
0x518: {  	v54 =	vld [tilespmem:s16+$0x10340];
	[tilespmem:s16+$0x1ABC0] =	vst v5;
	v5 =	vadd.f32 v49, v44  }
0x519: {  	v56 =	vld [tilespmem:s16+$0x10440];
	[tilespmem:s16+$0x1AC40] =	vst v4;
	v4 =	vadd.f32 v50, v44  }
0x51a: {  	v57 =	vld [tilespmem:s16+$0x104C0];
	[tilespmem:s16+$0x1ACC0] =	vst v5;
	v5 =	vadd.f32 v51, v44  }
0x51b: {  	v58 =	vld [tilespmem:s16+$0x10540];
	[tilespmem:s16+$0x1AD40] =	vst v4;
	v4 =	vadd.f32 v52, v44  }
0x51c: {  	v59 =	vld [tilespmem:s16+$0x105C0];
	[tilespmem:s16+$0x1ADC0] =	vst v5;
	v5 =	vadd.f32 v53, v44  }
0x51d: {  	v60 =	vld [tilespmem:s16+$0x10640];
	[tilespmem:s16+$0x1AE40] =	vst v4;
	v4 =	vadd.f32 v54, v44  }
0x51e: {  	v61 =	vld.idx.msk [tilespmem:v3+s16+$0x450 ss:$0x1], $0xffff;
	[tilespmem:s16+$0x1C2C0] =	vst v5;
	v5 =	vadd.f32 v55, v44  }
0x51f: {  	v62 =	vld [tilespmem:s16+$0xEAD0];
	[tilespmem:s16+$0x1C340] =	vst v4;
	v4 =	vadd.f32 v56, v44  }
0x520: {  	v63 =	vld [tilespmem:s16+$0xEB50];
	[tilespmem:s16+$0x1C3C0] =	vst v5;
	v5 =	vadd.f32 v57, v44  }
0x521: {  	v18 =	vld [tilespmem:s16+$0xECD0];
	[tilespmem:s16+$0x1C440] =	vst v4;
	v4 =	vadd.f32 v58, v44  }
0x522: {  	v19 =	vld [tilespmem:s16+$0xED50];
	[tilespmem:s16+$0x1C4C0] =	vst v5;
	v5 =	vadd.f32 v59, v44  }
0x523: {  	v20 =	vld [tilespmem:s16+$0xEDD0];
	[tilespmem:s16+$0x1C540] =	vst v4;
	v4 =	vadd.f32 v60, v44  }
0x524: {  	v21 =	vld [tilespmem:s16+$0xEE50];
	[tilespmem:s16+$0x1C5C0] =	vst v5;
	v5 =	vadd.f32 v62, v61  }
0x525: {  	v22 =	vld [tilespmem:s16+$0x102D0];
	[tilespmem:s16+$0x1C640] =	vst v4;
	v4 =	vadd.f32 v63, v61  }
0x526: {  	v23 =	vld [tilespmem:s16+$0x10350];
	[tilespmem:s16+$0x1AAD0] =	vst v5;
	v5 =	vadd.f32 v16, v61  }
0x527: {  	v24 =	vld [tilespmem:s16+$0x103D0];
	[tilespmem:s16+$0x1AB50] =	vst v4;
	v4 =	vadd.f32 v17, v61  }
0x528: {  	v25 =	vld [tilespmem:s16+$0x10450];
	[tilespmem:s16+$0x1ABD0] =	vst v5;
	v5 =	vadd.f32 v18, v61  }
0x529: {  	v26 =	vld [tilespmem:s16+$0x104D0];
	[tilespmem:s16+$0x1AC50] =	vst v4;
	v4 =	vadd.f32 v19, v61  }
0x52a: {  	v28 =	vld [tilespmem:s16+$0x105D0];
	[tilespmem:s16+$0x1ACD0] =	vst v5;
	v5 =	vadd.f32 v20, v61  }
0x52b: {  	v29 =	vld [tilespmem:s16+$0x10650];
	[tilespmem:s16+$0x1AD50] =	vst v4;
	v4 =	vadd.f32 v21, v61  }
0x52c: {  	v27 =	vld [tilespmem:s16+$0x10550];
	[tilespmem:s16+$0x1ADD0] =	vst v5;
	v5 =	vadd.f32 v22, v61  }
0x52d: {  	v30 =	vld.idx.msk [tilespmem:v3+s16+$0x460 ss:$0x1], $0xffff;
	[tilespmem:s16+$0x1AE50] =	vst v4;
	v4 =	vadd.f32 v23, v61  }
0x52e: {  	v31 =	vld [tilespmem:s16+$0xEAE0];
	[tilespmem:s16+$0x1C2D0] =	vst v5;
	v5 =	vadd.f32 v24, v61  }
0x52f: {  	v32 =	vld [tilespmem:s16+$0xEB60];
	[tilespmem:s16+$0x1C350] =	vst v4;
	v4 =	vadd.f32 v25, v61  }
0x530: {  	v33 =	vld [tilespmem:s16+$0xEBE0];
	[tilespmem:s16+$0x1C3D0] =	vst v5;
	v5 =	vadd.f32 v26, v61  }
0x531: {  	v34 =	vld [tilespmem:s16+$0xEC60];
	[tilespmem:s16+$0x1C450] =	vst v4;
	v4 =	vadd.f32 v27, v61  }
0x532: {  	v35 =	vld [tilespmem:s16+$0xECE0];
	[tilespmem:s16+$0x1C4D0] =	vst v5;
	v5 =	vadd.f32 v28, v61  }
0x533: {  	v36 =	vld [tilespmem:s16+$0xED60];
	[tilespmem:s16+$0x1C550] =	vst v4;
	v4 =	vadd.f32 v29, v61  }
0x534: {  	v37 =	vld [tilespmem:s16+$0xEDE0];
	[tilespmem:s16+$0x1C5D0] =	vst v5;
	v5 =	vadd.f32 v31, v30  }
0x535: {  	v38 =	vld [tilespmem:s16+$0xEE60];
	[tilespmem:s16+$0x1C650] =	vst v4;
	v4 =	vadd.f32 v32, v30  }
0x536: {  	v39 =	vld [tilespmem:s16+$0x102E0];
	[tilespmem:s16+$0x1AAE0] =	vst v5;
	v5 =	vadd.f32 v33, v30  }
0x537: {  	v40 =	vld [tilespmem:s16+$0x10360];
	[tilespmem:s16+$0x1AB60] =	vst v4;
	v4 =	vadd.f32 v34, v30  }
0x538: {  	v41 =	vld [tilespmem:s16+$0x103E0];
	[tilespmem:s16+$0x1ABE0] =	vst v5;
	v5 =	vadd.f32 v35, v30  }
0x539: {  	v42 =	vld [tilespmem:s16+$0x10460];
	[tilespmem:s16+$0x1AC60] =	vst v4;
	v4 =	vadd.f32 v36, v30  }
0x53a: {  	v43 =	vld [tilespmem:s16+$0x104E0];
	[tilespmem:s16+$0x1ACE0] =	vst v5;
	v5 =	vadd.f32 v37, v30  }
0x53b: {  	v45 =	vld [tilespmem:s16+$0x105E0];
	[tilespmem:s16+$0x1AD60] =	vst v4;
	v4 =	vadd.f32 v38, v30  }
0x53c: {  	v44 =	vld [tilespmem:s16+$0x10560];
	[tilespmem:s16+$0x1ADE0] =	vst v5;
	v5 =	vadd.f32 v39, v30  }
0x53d: {  	v46 =	vld [tilespmem:s16+$0x10660];
	[tilespmem:s16+$0x1AE60] =	vst v4;
	v4 =	vadd.f32 v40, v30  }
0x53e: {  	v47 =	vld.idx.msk [tilespmem:v3+s16+$0x470 ss:$0x1], $0xffff;
	[tilespmem:s16+$0x1C2E0] =	vst v5;
	v5 =	vadd.f32 v41, v30  }
0x53f: {  	v48 =	vld [tilespmem:s16+$0xEAF0];
	[tilespmem:s16+$0x1C360] =	vst v4;
	v4 =	vadd.f32 v42, v30  }
0x540: {  	v49 =	vld [tilespmem:s16+$0xEB70];
	[tilespmem:s16+$0x1C3E0] =	vst v5;
	v5 =	vadd.f32 v43, v30  }
0x541: {  	v50 =	vld [tilespmem:s16+$0xEBF0];
	[tilespmem:s16+$0x1C460] =	vst v4;
	v4 =	vadd.f32 v44, v30  }
0x542: {  	v51 =	vld [tilespmem:s16+$0xEC70];
	[tilespmem:s16+$0x1C4E0] =	vst v5;
	v5 =	vadd.f32 v45, v30  }
0x543: {  	v52 =	vld [tilespmem:s16+$0xECF0];
	[tilespmem:s16+$0x1C560] =	vst v4;
	v4 =	vadd.f32 v46, v30  }
0x544: {  	v53 =	vld [tilespmem:s16+$0xED70];
	[tilespmem:s16+$0x1C5E0] =	vst v5;
	v5 =	vadd.f32 v48, v47  }
0x545: {  	v54 =	vld [tilespmem:s16+$0xEDF0];
	[tilespmem:s16+$0x1C660] =	vst v4;
	v4 =	vadd.f32 v49, v47  }
0x546: {  	v55 =	vld [tilespmem:s16+$0xEE70];
	[tilespmem:s16+$0x1AAF0] =	vst v5;
	v5 =	vadd.f32 v50, v47  }
0x547: {  	v56 =	vld [tilespmem:s16+$0x102F0];
	[tilespmem:s16+$0x1AB70] =	vst v4;
	v4 =	vadd.f32 v51, v47  }
0x548: {  	v57 =	vld [tilespmem:s16+$0x10370];
	[tilespmem:s16+$0x1ABF0] =	vst v5;
	v5 =	vadd.f32 v52, v47  }
0x549: {  	v58 =	vld [tilespmem:s16+$0x103F0];
	[tilespmem:s16+$0x1AC70] =	vst v4;
	v4 =	vadd.f32 v53, v47  }
0x54a: {  	v59 =	vld [tilespmem:s16+$0x10470];
	[tilespmem:s16+$0x1ACF0] =	vst v5;
	v5 =	vadd.f32 v54, v47  }
0x54b: {  	v60 =	vld [tilespmem:s16+$0x104F0];
	[tilespmem:s16+$0x1AD70] =	vst v4;
	v4 =	vadd.f32 v55, v47  }
0x54c: {  	v61 =	vld [tilespmem:s16+$0x10570];
	[tilespmem:s16+$0x1ADF0] =	vst v5;
	v5 =	vadd.f32 v56, v47  }
0x54d: {  	v62 =	vld [tilespmem:s16+$0x105F0];
	[tilespmem:s16+$0x1AE70] =	vst v4;
	v4 =	vadd.f32 v57, v47  }
0x54e: {  	v63 =	vld [tilespmem:s16+$0x10670];
	[tilespmem:s16+$0x1C2F0] =	vst v5;
	v5 =	vadd.f32 v58, v47  }
0x54f: {  	[tilespmem:s16+$0x1C370] =	vst v4;
	v4 =	vadd.f32 v59, v47  }
0x550: {  	p1 =	slt.u32 s15, $0x200;
	[tilespmem:s16+$0x1C3F0] =	vst v5;
	v5 =	vadd.f32 v60, v47  }
.Ltmp3:
0x551: {  	[tilespmem:s16+$0x1C470] =	vst v4;
	v4 =	vadd.f32 v61, v47;
	(pc) =	sbr.rel @p1 .LBB2_9-.Ltmp3, $4  }
0x552: {  	[tilespmem:s16+$0x1C4F0] =	vst v5;
	v5 =	vadd.f32 v62, v47  }
0x553: {  	[tilespmem:s16+$0x1C570] =	vst v4;
	v4 =	vadd.f32 v63, v47  }
0x554: {  	[tilespmem:s16+$0x1C5F0] =	vst v5  }
0x555: {  	s15 =	sadd.s32 $0x100, s15;
	[tilespmem:s16+$0x1C670] =	vst v4  }
0x556: {  	v3 =	vld @!p0 [tilespmem:s0+$0x70];
	_ =	sdelay $0x4  }
0x557: {  	v4 =	vshrl.u32 @!p0 v3, $0x3  }
0x558: {  	v4 =	vmul.u32 @!p0 $0x30, v4  }
0x559: {  	v5 =	vlaneseq.u32 @!p0;
	v3 =	vand.u32 @!p0 $0x7, v3  }
0x55a: {  	v6 =	vshrl.u32 @!p0 v5, $0x3;
	v3 =	vor.u32 @!p0 v3, v4;
	v4 =	vand.u32 @!p0 $0x7, v5  }
0x55b: {  	v6 =	vmul.u32 @!p0 $0x8, v6;
	v4 =	vperm.xlane @!p0 v3, v4;
	_ =	sdelay $0x1  }
0x55c: {  	v4 =	vadd.s32 @!p0 v6, v4;
	_ =	sdelay $0x2  }
0x55d: {  	v5 =	vor.u32 @!p0 $0x8, v5  }
0x55e: {  	s0 =	simm.s32 @!p0 $0x0;
	s7 =	simm.s32 @!p0 $0xE680;
	v3 =	vperm.xlane @!p0 v3, v5  }
0x55f: {  	[tilespmem:s7], [sflag:$0x4] =	stream.indirect_vreg.gather @!p0 [hbm4b:s2+s0], $0x80, v4, vm1, $0xb8;
	[tilespmem:$0x1D680] =	vst v63  }
0x560: {  	v3 =	vadd.s32 @!p0 v6, v3;
	s7 =	simm.s32 @!p0 $0xEE80  }
0x561: {  	[tilespmem:s7], [sflag:$0x4] =	stream.indirect_vreg.gather @!p0 [hbm4b:s9+s0], $0x80, v4, vm1, $0xb8;
	[tilespmem:$0x1D680] =	vst v63  }
0x562: {  	s7 =	simm.s32 @!p0 $0xF680  }
0x563: {  	[tilespmem:s7], [sflag:$0x4] =	stream.indirect_vreg.gather @!p0 [hbm4b:s10+s0], $0x80, v4, vm1, $0xb8;
	[tilespmem:$0x1D680] =	vst v63  }
0x564: {  	s7 =	simm.s32 @!p0 $0xFE80  }
0x565: {  	[tilespmem:s7], [sflag:$0x4] =	stream.indirect_vreg.gather @!p0 [hbm4b:s2+s0], $0x80, v3, vm1, $0xb8;
	[tilespmem:$0x1D680] =	vst v63  }
0x566: {  	s15 =	sshrl.u32 s13, $0x3;
	s16 =	smul.u32 $0x300000, s14;
	s7 =	simm.s32 @!p0 $0x10680  }
0x567: {  	[tilespmem:s7], [sflag:$0x4] =	stream.indirect_vreg.gather @!p0 [hbm4b:s9+s0], $0x80, v3, vm1, $0xb8;
	[tilespmem:$0x1D680] =	vst v63  }
0x568: {  	s14 =	simm.s32 @!p0 $0x10E80;
	s1 =	sadd.s32 $0x1, s1;
	s7 =	sand.u32 $0x1FE, s15  }
0x569: {  	[tilespmem:s14], [sflag:$0x4] =	stream.indirect_vreg.gather @!p0 [hbm4b:s10+s0], $0x80, v3, vm1, $0xb8;
	[tilespmem:$0x1D680] =	vst v63  }
0x56a: {  	s7 =	smul.u32 $0x1800, s7;
	p0 =	sne.s32 s1, $0x9A  }
.Ltmp4:
0x56b: {  	_ = 	snop;
	(pc) =	sbr.rel @p0 .LBB2_2-.Ltmp4, $4  }
0x56c: {  	s17 =	sadd.s32 s16, s7  }
0x56d: {  	s0 =	sshrl.u32 s17, $0x3  }
0x56e: {  	s0 =	sadd.s32 s4, s0  }
0x56f: {  	[hbm4b:s0+s5] =	stream.linear.scatter [tilespmem:s25], [sflag:$0x8], $0x3000, $0x38;
	[tilespmem:$0x1D680] =	vst v63  }
0x570: {  	_ =	swait.ge [sflag:s26], $0x3000  }
0x571: {  	[sflag:s26] =	ssyncset.done $0x0  }
0x572: {  	[sflag:s26] =	ssyncadd.s32 $0xFFFFD000  }
0x573: {  	_ =	swait.ge [sflag:s28], $0x3000  }
0x574: {  	[sflag:s28] =	ssyncset.done $0x0  }
0x575: {  	s31 =	sadd.s32 $0x1, s31;
	[sflag:s28] =	ssyncadd.s32 $0xFFFFD000  }
0x576: {  	p0 =	sne.s32 s31, s11;
	_ =	swait.ge [sflag:s29], $0x3000  }
.Ltmp5:
0x577: {  	[sflag:s29] =	ssyncset.done $0x0;
	(pc) =	sbr.rel @p0 .LBB2_1-.Ltmp5, $4  }
0x578: {  	[sflag:s29] =	ssyncadd.s32 $0xFFFFD000  }
0x579: {  	_ =	swait.ge [sflag:s30], $0x3000  }
0x57a: {  	[sflag:s30] =	ssyncset.done $0x0  }
0x57b: {  	[sflag:s30] =	ssyncadd.s32 $0xFFFFD000  }
0x57c: {  	_ =	sfence.sel $0x180000  }
0x57d: {  	[bflag:$0x0] =	sbarrier.arrive $0xFFFF  }
0x57e: {  	_ =	strace $0x90000047  }
0x57f: {  	s0 =	stileid.u32;
	[bflag:$0x2] =	sbarrier.arrive $0xFFFF  }
0x580: {  	p0 =	sne.s32 s0, $0x0;
	s0 =	rddreg [dreg:$0x3]  }
0x581: {  	s0 =	sadd.s32 @!p0 $0x100000, s0  }
0x582: {  	[sflag:s0] =	ssyncadd.tile.s32 @!p0 $0x1;
	_ =	shalt  }
.Lfunc_end2:
_tile_overlayer_lowered:
.L_overlay_start_2:
0x583: {  	(tag) =	ssettag $0x2  }
0x584: {  	s0 =	rddreg [dreg:$0x0];
	s2 =	stileid.u32  }
0x585: {  	s1 =	rddreg [dreg:$0x1];
	p0 =	sne.s32 s2, $0x0  }
0x586: {  	s3 =	rddreg [dreg:$0x2];
	[bflag:$0x3] =	sbarrier.arrive $0xFFFF;
	s2 =	simm.s32 @!p0 $0x1C09  }
0x587: {  	[timem:s3], [sflag:s2] =	dma.local @!p0 [hbm:s0], s1  }
0x588: {  	s0 =	simm.s32 @!p0 $0x9  }
0x589: {  	_ =	swait.ge @!p0 [sflag:s0], s1  }
0x58a: {  	s1 =	ssub.s32 @!p0 $0x0, s1;
	[sflag:s0] =	ssyncset.done @!p0 $0x0  }
0x58b: {  	[sflag:s0] =	ssyncadd.s32 @!p0 s1  }
0x58c: {  	[bflag:$0x3] =	sbarrier.arrive $0xFFFF  }
0x58d: {  	_ =	shalt  }

</sc_bundles>
